<compile_context>
chip_gen: v7x
topology: tpu7x:2x2x1
jax: 0.10.2.dev20260603
libtpu: 0.0.44.dev20260713+nightly
codegen_flags: <defaults>
</compile_context>

<pallas_src>
import jax
import jax.numpy as jnp
from jax import lax
from jax.experimental import pallas as pl
from jax.experimental.pallas import tpu as pltpu
from jax.experimental.pallas import tpu_sc as plsc

N = 10000
D = 128
HIDQ = 512
NPAD = 10240
E = 320000
NW = 32
B = 80
K = 126
PAD = NW * B * K - E
EPAD = NW * B * K
RPT = NPAD // 16
DROWS = NPAD // D
RB = 1280
G = NPAD // RB


def _set2d(ref, nrows, ncols, val):
    v = jnp.full((16,), val, jnp.float32)

    def body(i, carry):
        for q in range(ncols // 16):
            ref[i, pl.ds(q * 16, 16)] = v
        return carry

    lax.fori_loop(0, nrows, body, None)


_SC_MESH = plsc.VectorSubcoreMesh(core_axis_name="c", subcore_axis_name="s")


def _make_sc_agg(with_deg):
    out_type = [jax.ShapeDtypeStruct((2, NPAD, D), jnp.float32)]
    scratch = [
        pltpu.VMEM((6, B), jnp.int32),
        pltpu.VMEM((6, B), jnp.int32),
        pltpu.VMEM((B, D), jnp.float32),
        pltpu.VMEM((B, D), jnp.float32),
        pltpu.VMEM((B, D), jnp.float32),
        pltpu.VMEM_SHARED((NPAD, D), jnp.float32),
        pltpu.SemaphoreType.DMA((6,)),
        pltpu.SemaphoreType.DMA((2,)),
        pltpu.SemaphoreType.DMA((3,)),
    ]
    if with_deg:
        out_type.append(jax.ShapeDtypeStruct((2, DROWS, D), jnp.float32))
        scratch += [
            pltpu.VMEM((DROWS, D), jnp.float32),
            pltpu.VMEM((DROWS,), jnp.int32),
            pltpu.VMEM_SHARED((DROWS, D), jnp.float32),
            pltpu.SemaphoreType.DMA,
        ]

    def body(table, eis, eid, *rest):
        if with_deg:
            (out, dego, sidx, didx, rows0, rows1, rows2, acc,
             isems, gsems, ssems, dloc, ridx, dacc, rsem) = rest
        else:
            (out, sidx, didx, rows0, rows1, rows2, acc,
             isems, gsems, ssems) = rest
        c = lax.axis_index("c")
        s = lax.axis_index("s")
        wid = c * 16 + s
        rows = (rows0, rows1, rows2)
        _set2d(rows0, B, D, 0.0)
        for k in range(RPT // B):
            pltpu.sync_copy(rows0, acc.at[pl.ds(s * RPT + k * B, B)])
        if with_deg:
            _set2d(dloc, DROWS, D, 0.0)
            iota = lax.iota(jnp.int32, 16)
            for k in range(DROWS // 16):
                ridx[pl.ds(k * 16, 16)] = iota + (k * 16)
            @pl.when(s == 0)
            def _():
                pltpu.sync_copy(dloc, dacc)
        plsc.subcore_barrier()

        base = wid * (K * B)
        for u in range(3):
            pltpu.async_copy(eis.at[pl.ds(base + u * B, B)], sidx.at[u],
                             isems.at[u])
            pltpu.async_copy(eid.at[pl.ds(base + u * B, B)], didx.at[u],
                             isems.at[u])

        def outer(g, carry):
            for u in range(6):
                j = g * 6 + u
                b = u % 3
                b1 = (u + 2) % 3
                p1 = (u + 1) % 2
                u1 = (u + 5) % 6
                pltpu.make_async_copy(eis.at[pl.ds(base + j * B, B)],
                                      sidx.at[u], isems.at[u]).wait()
                pltpu.make_async_copy(eid.at[pl.ds(base + j * B, B)],
                                      didx.at[u], isems.at[u]).wait()
                @pl.when(j >= 3)
                def _():
                    pltpu.make_async_copy(table.at[pl.ds(0, B)], rows[b],
                                          ssems.at[b]).wait()
                pltpu.async_copy(table.at[sidx.at[u]], rows[b], gsems.at[u % 2])
                if with_deg:
                    for q in range(B // 16):
                        d16 = didx[u, pl.ds(q * 16, 16)]
                        cnt, last = plsc.scan_count(d16)
                        plsc.addupdate_scatter(
                            dloc,
                            [lax.shift_right_logical(d16, 7),
                             lax.bitwise_and(d16, 127)],
                            cnt.astype(jnp.float32), mask=last)
                @pl.when(j >= 1)
                def _():
                    pltpu.make_async_copy(table.at[pl.ds(0, B)], rows[b1],
                                          gsems.at[p1]).wait()
                    pltpu.async_copy(rows[b1], acc.at[didx.at[u1]],
                                     ssems.at[b1], add=True)
                @pl.when(j + 3 < K)
                def _():
                    u3 = (u + 3) % 6
                    off3 = base + (j + 3) * B
                    pltpu.async_copy(eis.at[pl.ds(off3, B)], sidx.at[u3],
                                     isems.at[u3])
                    pltpu.async_copy(eid.at[pl.ds(off3, B)], didx.at[u3],
                                     isems.at[u3])
            return carry

        lax.fori_loop(0, K // 6, outer, None)
        bl = (K - 1) % 3
        pltpu.make_async_copy(table.at[pl.ds(0, B)], rows[bl],
                              gsems.at[(K - 1) % 2]).wait()
        pltpu.async_copy(rows[bl], acc.at[didx.at[(K - 1) % 6]],
                         ssems.at[bl], add=True)
        for b in range(3):
            pltpu.make_async_copy(table.at[pl.ds(0, B)], rows[b],
                                  ssems.at[b]).wait()
        if with_deg:
            pltpu.async_copy(dloc, dacc.at[ridx], rsem, add=True).wait()
        plsc.subcore_barrier()
        r0 = s * RPT
        pltpu.sync_copy(acc.at[pl.ds(r0, RPT)], out.at[c, pl.ds(r0, RPT)])
        if with_deg:
            @pl.when(s < DROWS // 8)
            def _():
                d0 = s * 8
                pltpu.sync_copy(dacc.at[pl.ds(d0, 8)],
                                dego.at[c, pl.ds(d0, 8)])

    return pl.kernel(
        body,
        out_type=out_type,
        mesh=_SC_MESH,
        compiler_params=pltpu.CompilerParams(needs_layout_passes=False),
        scratch_types=scratch,
    )


_sc_agg_deg = _make_sc_agg(True)
_sc_agg = _make_sc_agg(False)


def _dense1_body(p, d, x_ref, wl0, wr0, bl0, wl1, wr1, bl1, h1l_o, h1r_o):
    deg = d[0] + d[1]
    invd = 1.0 / jnp.maximum(deg, 1.0)
    aggm = (p[0] + p[1]) * invd
    h1 = jnp.maximum(
        jnp.dot(aggm, wl0[...], preferred_element_type=jnp.float32)
        + jnp.dot(x_ref[...], wr0[...], preferred_element_type=jnp.float32)
        + bl0[...], 0.0)
    h1l_o[...] = jnp.dot(h1, wl1[...], preferred_element_type=jnp.float32)
    h1r_o[...] = jnp.dot(h1, wr1[...], preferred_element_type=jnp.float32) + bl1[...]


_dense1 = pl.pallas_call(
    _dense1_body,
    grid=(G,),
    in_specs=[
        pl.BlockSpec((2, RB, D), lambda i: (0, i, 0)),
        pl.BlockSpec((2, RB, 1), lambda i: (0, i, 0)),
        pl.BlockSpec((RB, D), lambda i: (i, 0)),
        pl.BlockSpec((D, D), lambda i: (0, 0)),
        pl.BlockSpec((D, D), lambda i: (0, 0)),
        pl.BlockSpec((1, D), lambda i: (0, 0)),
        pl.BlockSpec((D, D), lambda i: (0, 0)),
        pl.BlockSpec((D, D), lambda i: (0, 0)),
        pl.BlockSpec((1, D), lambda i: (0, 0)),
    ],
    out_specs=[pl.BlockSpec((RB, D), lambda i: (i, 0))] * 2,
    out_shape=[jax.ShapeDtypeStruct((N, D), jnp.float32)] * 2,
)


def _head_body(q, d, h1r, w1, b1, w2, b2, wc, bc, out):
    deg = d[0] + d[1]
    invd = 1.0 / jnp.maximum(deg, 1.0)
    h2 = jnp.maximum((q[0] + q[1]) * invd + h1r[...], 0.0)
    h3 = jax.nn.gelu(jnp.dot(h2, w1[...], preferred_element_type=jnp.float32) + b1[...])
    h4 = jax.nn.gelu(jnp.dot(h3, w2[...], preferred_element_type=jnp.float32) + b2[...])
    out[...] = jnp.dot(h4, wc[...], preferred_element_type=jnp.float32) + bc[...]


_head = pl.pallas_call(
    _head_body,
    grid=(G,),
    in_specs=[
        pl.BlockSpec((2, RB, D), lambda i: (0, i, 0)),
        pl.BlockSpec((2, RB, 1), lambda i: (0, i, 0)),
        pl.BlockSpec((RB, D), lambda i: (i, 0)),
        pl.BlockSpec((D, HIDQ), lambda i: (0, 0)),
        pl.BlockSpec((1, HIDQ), lambda i: (0, 0)),
        pl.BlockSpec((HIDQ, D), lambda i: (0, 0)),
        pl.BlockSpec((1, D), lambda i: (0, 0)),
        pl.BlockSpec((D, 1), lambda i: (0, 0)),
        pl.BlockSpec((1, 1), lambda i: (0, 0)),
    ],
    out_specs=pl.BlockSpec((RB, 1), lambda i: (i, 0)),
    out_shape=jax.ShapeDtypeStruct((N, 1), jnp.float32),
)


def _pad_edges_body(ei, outs, outd):
    outs[:E] = ei[0]
    outd[:E] = ei[1]
    it = jax.lax.iota(jnp.int32, PAD)
    outs[E:] = it
    outd[E:] = N + jnp.remainder(it, NPAD - N)


_pad_edges = pl.pallas_call(
    _pad_edges_body,
    in_specs=[pl.BlockSpec((2, E), lambda: (0, 0))],
    out_specs=[pl.BlockSpec((EPAD,), lambda: (0,))] * 2,
    out_shape=[jax.ShapeDtypeStruct((EPAD,), jnp.int32)] * 2,
)


def kernel(x, edge_index, conv0_Wl, conv0_bl, conv0_Wr,
           conv1_Wl, conv1_bl, conv1_Wr,
           kan_W1, kan_b1, kan_W2, kan_b2, cls_W, cls_b):
    eis, eid = _pad_edges(edge_index.astype(jnp.int32))

    agg0, degp = _sc_agg_deg(x, eis, eid)
    degp = degp.reshape(2, NPAD, 1)
    h1l, h1r = _dense1(agg0, degp, x,
                       conv0_Wl, conv0_Wr, conv0_bl.reshape(1, D),
                       conv1_Wl, conv1_Wr, conv1_bl.reshape(1, D))
    (agg1,) = _sc_agg(h1l, eis, eid)
    out = _head(agg1, degp, h1r,
                kan_W1, kan_b1.reshape(1, HIDQ), kan_W2, kan_b2.reshape(1, D),
                cls_W, cls_b.reshape(1, 1))
    return out.reshape(N)

# --- scband reference (transcript-rebuilt; emitter-appended) ---
"""Pipeline reference for scband-kanguard-11493332484324 (READ-ONLY COPY).

The authoritative reference and input builder live on the scoring server;
editing this copy changes nothing except your own understanding.
"""

import jax, jax.numpy as jnp
import numpy as np

N_NODES = 10000
N_EDGES = 320000
IN_DIM = 128
HID = 128
KAN_Q = 4


def setup_inputs(seed: int = 0) -> dict:
    key = jax.random.key(seed)
    ks = jax.random.split(key, 16)
    x = jax.random.normal(ks[0], (N_NODES, IN_DIM), dtype=jnp.float32)
    edge_index = jax.random.randint(ks[1], (2, N_EDGES), 0, N_NODES, dtype=jnp.int64)

    def glorot(k, shape):
        fan_in, fan_out = shape[0], shape[1]
        lim = (6.0 / (fan_in + fan_out)) ** 0.5
        return jax.random.uniform(k, shape, dtype=jnp.float32, minval=-lim, maxval=lim)

    inp = {
        "x": x,
        "edge_index": edge_index,
        # SAGEConv layer 0: in_dim -> hidden
        "conv0_Wl": glorot(ks[2], (IN_DIM, HID)),
        "conv0_bl": jnp.zeros((HID,), dtype=jnp.float32),
        "conv0_Wr": glorot(ks[3], (IN_DIM, HID)),
        # SAGEConv layer 1: hidden -> hidden
        "conv1_Wl": glorot(ks[4], (HID, HID)),
        "conv1_bl": jnp.zeros((HID,), dtype=jnp.float32),
        "conv1_Wr": glorot(ks[5], (HID, HID)),
        # KAN-style MLP
        "kan_W1": glorot(ks[6], (HID, HID * KAN_Q)),
        "kan_b1": jnp.zeros((HID * KAN_Q,), dtype=jnp.float32),
        "kan_W2": glorot(ks[7], (HID * KAN_Q, HID)),
        "kan_b2": jnp.zeros((HID,), dtype=jnp.float32),
        # classifier
        "cls_W": glorot(ks[8], (HID, 1)),
        "cls_b": jnp.zeros((1,), dtype=jnp.float32),
    }
    return inp


def _sage_conv(h, edge_index, Wl, bl, Wr):
    # PyG SAGEConv with mean aggregation:
    #   out = lin_l(mean_{j in N(i)} h_j) + lin_r(h_i)
    src = edge_index[0]
    dst = edge_index[1]
    msgs = jnp.take(h, src, axis=0)
    agg = jax.ops.segment_sum(msgs, dst, num_segments=N_NODES)
    deg = jax.ops.segment_sum(jnp.ones((msgs.shape[0],), dtype=h.dtype), dst, num_segments=N_NODES)
    agg = agg / jnp.maximum(deg, 1.0)[:, None]
    return agg @ Wl + bl + h @ Wr


def reference(x, edge_index,
              conv0_Wl, conv0_bl, conv0_Wr,
              conv1_Wl, conv1_bl, conv1_Wr,
              kan_W1, kan_b1, kan_W2, kan_b2,
              cls_W, cls_b):
    h = x
    h = _sage_conv(h, edge_index, conv0_Wl, conv0_bl, conv0_Wr)
    h = jax.nn.relu(h)
    # dropout is identity at inference
    h = _sage_conv(h, edge_index, conv1_Wl, conv1_bl, conv1_Wr)
    h = jax.nn.relu(h)
    # KAN-style tiny MLP
    h = jax.nn.gelu(h @ kan_W1 + kan_b1)
    h = jax.nn.gelu(h @ kan_W2 + kan_b2)
    logits = (h @ cls_W + cls_b).squeeze(-1)
    return logits

if __name__ == "__main__":
    import jax
    _d = setup_inputs()
    print(jax.jit(kernel)(*tuple(_d.values())))

</pallas_src>

<mosaic_0001>
#map = affine_map<(d0, d1) -> (0, 0)>
#map1 = affine_map<(d0, d1) -> (0)>
#map2 = affine_map<(d0, d1) -> (0, 0, 0)>
module attributes {stable_mosaic.version = 14 : i64} {
  func.func @body(%arg0: i32, %arg1: i32, %arg2: memref<10000x128xf32, #tpu.memory_space<hbm>>, %arg3: memref<322560xi32, #tpu.memory_space<hbm>>, %arg4: memref<322560xi32, #tpu.memory_space<hbm>>, %arg5: memref<2x10240x128xf32, #tpu.memory_space<hbm>>, %arg6: memref<2x80x128xf32, #tpu.memory_space<hbm>>, %arg7: memref<6x80xi32, #tpu.memory_space<vmem>>, %arg8: memref<6x80xi32, #tpu.memory_space<vmem>>, %arg9: memref<80x128xf32, #tpu.memory_space<vmem>>, %arg10: memref<80x128xf32, #tpu.memory_space<vmem>>, %arg11: memref<80x128xf32, #tpu.memory_space<vmem>>, %arg12: memref<10240x128xf32, #tpu.memory_space<vmem_shared>>, %arg13: memref<6x!tpu.dma_semaphore, #tpu.memory_space<semaphore_mem>>, %arg14: memref<2x!tpu.dma_semaphore, #tpu.memory_space<semaphore_mem>>, %arg15: memref<3x!tpu.dma_semaphore, #tpu.memory_space<semaphore_mem>>, %arg16: memref<80x128xf32, #tpu.memory_space<vmem>>, %arg17: memref<80xi32, #tpu.memory_space<vmem>>, %arg18: memref<80x128xf32, #tpu.memory_space<vmem_shared>>, %arg19: memref<!tpu.dma_semaphore, #tpu.memory_space<semaphore_mem>>) attributes {dimension_semantics = [#tpu.dimension_semantics<core_parallel>, #tpu.dimension_semantics<subcore_parallel>], iteration_bounds = array<i64: 2, 16>, scalar_prefetch = 0 : i64, scratch_operands = 13 : i64, tpu.core_type = #tpu.core_type<sc_vector_subcore>, window_params = [{transform_indices = #map}, {transform_indices = #map1}, {transform_indices = #map1}, {transform_indices = #map2}, {transform_indices = #map2}]} {
    %mul3A = arith.constant 16 : i32
    %mul3A_0 = arith.muli %arg0, %mul3A : i32
    %add3A = arith.addi %mul3A_0, %arg1 : i32
    %broadcast_in_dim3A = arith.constant 0.000000e+00 : f32
    %broadcast_in_dim3A_1 = vector.broadcast %broadcast_in_dim3A : f32 to vector<16xf32>
    %scan3A = arith.constant 0 : i32
    %scan3A_2 = arith.constant 80 : i32
    %scan3A_3 = arith.addi %scan3A, %scan3A_2 : i32
    %scan3A_4 = arith.constant 1 : i32
    scf.for %scan3A_219 = %scan3A to %scan3A_3 step %scan3A_4  : i32 {
      %swap3A_220 = arith.index_cast %scan3A_219 : i32 to index
      %swap3A_221 = arith.constant 0 : index
      %swap3A_222 = tpu.vector_load %arg9[%swap3A_220, %swap3A_221] {strides = array<i32>} : memref<80x128xf32, #tpu.memory_space<vmem>>, vector<16xf32>,
      tpu.vector_store %arg9[%swap3A_220, %swap3A_221], %broadcast_in_dim3A_1 {strides = array<i32>} : memref<80x128xf32, #tpu.memory_space<vmem>>, vector<16xf32>,
      %swap3A_223 = arith.index_cast %scan3A_219 : i32 to index
      %swap3A_224 = arith.constant 16 : index
      %swap3A_225 = tpu.vector_load %arg9[%swap3A_223, %swap3A_224] {strides = array<i32>} : memref<80x128xf32, #tpu.memory_space<vmem>>, vector<16xf32>,
      tpu.vector_store %arg9[%swap3A_223, %swap3A_224], %broadcast_in_dim3A_1 {strides = array<i32>} : memref<80x128xf32, #tpu.memory_space<vmem>>, vector<16xf32>,
      %swap3A_226 = arith.index_cast %scan3A_219 : i32 to index
      %swap3A_227 = arith.constant 32 : index
      %swap3A_228 = tpu.vector_load %arg9[%swap3A_226, %swap3A_227] {strides = array<i32>} : memref<80x128xf32, #tpu.memory_space<vmem>>, vector<16xf32>,
      tpu.vector_store %arg9[%swap3A_226, %swap3A_227], %broadcast_in_dim3A_1 {strides = array<i32>} : memref<80x128xf32, #tpu.memory_space<vmem>>, vector<16xf32>,
      %swap3A_229 = arith.index_cast %scan3A_219 : i32 to index
      %swap3A_230 = arith.constant 48 : index
      %swap3A_231 = tpu.vector_load %arg9[%swap3A_229, %swap3A_230] {strides = array<i32>} : memref<80x128xf32, #tpu.memory_space<vmem>>, vector<16xf32>,
      tpu.vector_store %arg9[%swap3A_229, %swap3A_230], %broadcast_in_dim3A_1 {strides = array<i32>} : memref<80x128xf32, #tpu.memory_space<vmem>>, vector<16xf32>,
      %swap3A_232 = arith.index_cast %scan3A_219 : i32 to index
      %swap3A_233 = arith.constant 64 : index
      %swap3A_234 = tpu.vector_load %arg9[%swap3A_232, %swap3A_233] {strides = array<i32>} : memref<80x128xf32, #tpu.memory_space<vmem>>, vector<16xf32>,
      tpu.vector_store %arg9[%swap3A_232, %swap3A_233], %broadcast_in_dim3A_1 {strides = array<i32>} : memref<80x128xf32, #tpu.memory_space<vmem>>, vector<16xf32>,
      %swap3A_235 = arith.index_cast %scan3A_219 : i32 to index
      %swap3A_236 = arith.constant 80 : index
      %swap3A_237 = tpu.vector_load %arg9[%swap3A_235, %swap3A_236] {strides = array<i32>} : memref<80x128xf32, #tpu.memory_space<vmem>>, vector<16xf32>,
      tpu.vector_store %arg9[%swap3A_235, %swap3A_236], %broadcast_in_dim3A_1 {strides = array<i32>} : memref<80x128xf32, #tpu.memory_space<vmem>>, vector<16xf32>,
      %swap3A_238 = arith.index_cast %scan3A_219 : i32 to index
      %swap3A_239 = arith.constant 96 : index
      %swap3A_240 = tpu.vector_load %arg9[%swap3A_238, %swap3A_239] {strides = array<i32>} : memref<80x128xf32, #tpu.memory_space<vmem>>, vector<16xf32>,
      tpu.vector_store %arg9[%swap3A_238, %swap3A_239], %broadcast_in_dim3A_1 {strides = array<i32>} : memref<80x128xf32, #tpu.memory_space<vmem>>, vector<16xf32>,
      %swap3A_241 = arith.index_cast %scan3A_219 : i32 to index
      %swap3A_242 = arith.constant 112 : index
      %swap3A_243 = tpu.vector_load %arg9[%swap3A_241, %swap3A_242] {strides = array<i32>} : memref<80x128xf32, #tpu.memory_space<vmem>>, vector<16xf32>,
      tpu.vector_store %arg9[%swap3A_241, %swap3A_242], %broadcast_in_dim3A_1 {strides = array<i32>} : memref<80x128xf32, #tpu.memory_space<vmem>>, vector<16xf32>,
    }
    %scan3A_5 = arith.constant 80 : i32
    %mul3A_6 = arith.constant 640 : i32
    %mul3A_7 = arith.muli %arg1, %mul3A_6 : i32
    %add3A_8 = arith.constant 0 : i32
    %add3A_9 = arith.addi %mul3A_7, %add3A_8 : i32
    "tpu.region"() ({
      %run_scoped3A = tpu.sem_alloc : memref<!tpu.dma_semaphore, #tpu.memory_space<semaphore_mem>>
      %dma_start3A_219 = arith.constant 0 : i32
      %dma_start3A_220 = tpu.memref_slice %arg12[%add3A_9, %dma_start3A_219] : memref<10240x128xf32, #tpu.memory_space<vmem_shared>> -> memref<80x128xf32, #tpu.memory_space<vmem_shared>>
      %dma_start3A_221 = arith.constant 0 : i32
      %dma_start3A_222 = tpu.memref_slice %arg12[%add3A_9, %dma_start3A_221] : memref<10240x128xf32, #tpu.memory_space<vmem_shared>> -> memref<80x128xf32, #tpu.memory_space<vmem_shared>>
      tpu.enqueue_dma source(%arg9 : memref<80x128xf32, #tpu.memory_space<vmem>>) target(%dma_start3A_222 : memref<80x128xf32, #tpu.memory_space<vmem_shared>>) target_semaphore(%run_scoped3A : memref<!tpu.dma_semaphore, #tpu.memory_space<semaphore_mem>>)
      %dma_wait3A_223 = arith.constant 0 : i32
      %dma_wait3A_224 = tpu.memref_slice %arg12[%add3A_9, %dma_wait3A_223] : memref<10240x128xf32, #tpu.memory_space<vmem_shared>> -> memref<80x128xf32, #tpu.memory_space<vmem_shared>>
      %dma_wait3A_225 = arith.constant 0 : i32
      %dma_wait3A_226 = tpu.memref_slice %arg12[%add3A_9, %dma_wait3A_225] : memref<10240x128xf32, #tpu.memory_space<vmem_shared>> -> memref<80x128xf32, #tpu.memory_space<vmem_shared>>
      tpu.wait_dma2 semaphore(%run_scoped3A : memref<!tpu.dma_semaphore, #tpu.memory_space<semaphore_mem>>) src(%arg9 : memref<80x128xf32, #tpu.memory_space<vmem>>) dst(%dma_wait3A_226 : memref<80x128xf32, #tpu.memory_space<vmem_shared>>)
      tpu.yield
    }) : () -> ()
    %mul3A_10 = arith.constant 640 : i32
    %mul3A_11 = arith.muli %arg1, %mul3A_10 : i32
    %add3A_12 = arith.constant 80 : i32
    %add3A_13 = arith.addi %mul3A_11, %add3A_12 : i32
    "tpu.region"() ({
      %run_scoped3A = tpu.sem_alloc : memref<!tpu.dma_semaphore, #tpu.memory_space<semaphore_mem>>
      %dma_start3A_219 = arith.constant 0 : i32
      %dma_start3A_220 = tpu.memref_slice %arg12[%add3A_13, %dma_start3A_219] : memref<10240x128xf32, #tpu.memory_space<vmem_shared>> -> memref<80x128xf32, #tpu.memory_space<vmem_shared>>
      %dma_start3A_221 = arith.constant 0 : i32
      %dma_start3A_222 = tpu.memref_slice %arg12[%add3A_13, %dma_start3A_221] : memref<10240x128xf32, #tpu.memory_space<vmem_shared>> -> memref<80x128xf32, #tpu.memory_space<vmem_shared>>
      tpu.enqueue_dma source(%arg9 : memref<80x128xf32, #tpu.memory_space<vmem>>) target(%dma_start3A_222 : memref<80x128xf32, #tpu.memory_space<vmem_shared>>) target_semaphore(%run_scoped3A : memref<!tpu.dma_semaphore, #tpu.memory_space<semaphore_mem>>)
      %dma_wait3A_223 = arith.constant 0 : i32
      %dma_wait3A_224 = tpu.memref_slice %arg12[%add3A_13, %dma_wait3A_223] : memref<10240x128xf32, #tpu.memory_space<vmem_shared>> -> memref<80x128xf32, #tpu.memory_space<vmem_shared>>
      %dma_wait3A_225 = arith.constant 0 : i32
      %dma_wait3A_226 = tpu.memref_slice %arg12[%add3A_13, %dma_wait3A_225] : memref<10240x128xf32, #tpu.memory_space<vmem_shared>> -> memref<80x128xf32, #tpu.memory_space<vmem_shared>>
      tpu.wait_dma2 semaphore(%run_scoped3A : memref<!tpu.dma_semaphore, #tpu.memory_space<semaphore_mem>>) src(%arg9 : memref<80x128xf32, #tpu.memory_space<vmem>>) dst(%dma_wait3A_226 : memref<80x128xf32, #tpu.memory_space<vmem_shared>>)
      tpu.yield
    }) : () -> ()
    %mul3A_14 = arith.constant 640 : i32
    %mul3A_15 = arith.muli %arg1, %mul3A_14 : i32
    %add3A_16 = arith.constant 160 : i32
    %add3A_17 = arith.addi %mul3A_15, %add3A_16 : i32
    "tpu.region"() ({
      %run_scoped3A = tpu.sem_alloc : memref<!tpu.dma_semaphore, #tpu.memory_space<semaphore_mem>>
      %dma_start3A_219 = arith.constant 0 : i32
      %dma_start3A_220 = tpu.memref_slice %arg12[%add3A_17, %dma_start3A_219] : memref<10240x128xf32, #tpu.memory_space<vmem_shared>> -> memref<80x128xf32, #tpu.memory_space<vmem_shared>>
      %dma_start3A_221 = arith.constant 0 : i32
      %dma_start3A_222 = tpu.memref_slice %arg12[%add3A_17, %dma_start3A_221] : memref<10240x128xf32, #tpu.memory_space<vmem_shared>> -> memref<80x128xf32, #tpu.memory_space<vmem_shared>>
      tpu.enqueue_dma source(%arg9 : memref<80x128xf32, #tpu.memory_space<vmem>>) target(%dma_start3A_222 : memref<80x128xf32, #tpu.memory_space<vmem_shared>>) target_semaphore(%run_scoped3A : memref<!tpu.dma_semaphore, #tpu.memory_space<semaphore_mem>>)
      %dma_wait3A_223 = arith.constant 0 : i32
      %dma_wait3A_224 = tpu.memref_slice %arg12[%add3A_17, %dma_wait3A_223] : memref<10240x128xf32, #tpu.memory_space<vmem_shared>> -> memref<80x128xf32, #tpu.memory_space<vmem_shared>>
      %dma_wait3A_225 = arith.constant 0 : i32
      %dma_wait3A_226 = tpu.memref_slice %arg12[%add3A_17, %dma_wait3A_225] : memref<10240x128xf32, #tpu.memory_space<vmem_shared>> -> memref<80x128xf32, #tpu.memory_space<vmem_shared>>
      tpu.wait_dma2 semaphore(%run_scoped3A : memref<!tpu.dma_semaphore, #tpu.memory_space<semaphore_mem>>) src(%arg9 : memref<80x128xf32, #tpu.memory_space<vmem>>) dst(%dma_wait3A_226 : memref<80x128xf32, #tpu.memory_space<vmem_shared>>)
      tpu.yield
    }) : () -> ()
    %mul3A_18 = arith.constant 640 : i32
    %mul3A_19 = arith.muli %arg1, %mul3A_18 : i32
    %add3A_20 = arith.constant 240 : i32
    %add3A_21 = arith.addi %mul3A_19, %add3A_20 : i32
    "tpu.region"() ({
      %run_scoped3A = tpu.sem_alloc : memref<!tpu.dma_semaphore, #tpu.memory_space<semaphore_mem>>
      %dma_start3A_219 = arith.constant 0 : i32
      %dma_start3A_220 = tpu.memref_slice %arg12[%add3A_21, %dma_start3A_219] : memref<10240x128xf32, #tpu.memory_space<vmem_shared>> -> memref<80x128xf32, #tpu.memory_space<vmem_shared>>
      %dma_start3A_221 = arith.constant 0 : i32
      %dma_start3A_222 = tpu.memref_slice %arg12[%add3A_21, %dma_start3A_221] : memref<10240x128xf32, #tpu.memory_space<vmem_shared>> -> memref<80x128xf32, #tpu.memory_space<vmem_shared>>
      tpu.enqueue_dma source(%arg9 : memref<80x128xf32, #tpu.memory_space<vmem>>) target(%dma_start3A_222 : memref<80x128xf32, #tpu.memory_space<vmem_shared>>) target_semaphore(%run_scoped3A : memref<!tpu.dma_semaphore, #tpu.memory_space<semaphore_mem>>)
      %dma_wait3A_223 = arith.constant 0 : i32
      %dma_wait3A_224 = tpu.memref_slice %arg12[%add3A_21, %dma_wait3A_223] : memref<10240x128xf32, #tpu.memory_space<vmem_shared>> -> memref<80x128xf32, #tpu.memory_space<vmem_shared>>
      %dma_wait3A_225 = arith.constant 0 : i32
      %dma_wait3A_226 = tpu.memref_slice %arg12[%add3A_21, %dma_wait3A_225] : memref<10240x128xf32, #tpu.memory_space<vmem_shared>> -> memref<80x128xf32, #tpu.memory_space<vmem_shared>>
      tpu.wait_dma2 semaphore(%run_scoped3A : memref<!tpu.dma_semaphore, #tpu.memory_space<semaphore_mem>>) src(%arg9 : memref<80x128xf32, #tpu.memory_space<vmem>>) dst(%dma_wait3A_226 : memref<80x128xf32, #tpu.memory_space<vmem_shared>>)
      tpu.yield
    }) : () -> ()
    %mul3A_22 = arith.constant 640 : i32
    %mul3A_23 = arith.muli %arg1, %mul3A_22 : i32
    %add3A_24 = arith.constant 320 : i32
    %add3A_25 = arith.addi %mul3A_23, %add3A_24 : i32
    "tpu.region"() ({
      %run_scoped3A = tpu.sem_alloc : memref<!tpu.dma_semaphore, #tpu.memory_space<semaphore_mem>>
      %dma_start3A_219 = arith.constant 0 : i32
      %dma_start3A_220 = tpu.memref_slice %arg12[%add3A_25, %dma_start3A_219] : memref<10240x128xf32, #tpu.memory_space<vmem_shared>> -> memref<80x128xf32, #tpu.memory_space<vmem_shared>>
      %dma_start3A_221 = arith.constant 0 : i32
      %dma_start3A_222 = tpu.memref_slice %arg12[%add3A_25, %dma_start3A_221] : memref<10240x128xf32, #tpu.memory_space<vmem_shared>> -> memref<80x128xf32, #tpu.memory_space<vmem_shared>>
      tpu.enqueue_dma source(%arg9 : memref<80x128xf32, #tpu.memory_space<vmem>>) target(%dma_start3A_222 : memref<80x128xf32, #tpu.memory_space<vmem_shared>>) target_semaphore(%run_scoped3A : memref<!tpu.dma_semaphore, #tpu.memory_space<semaphore_mem>>)
      %dma_wait3A_223 = arith.constant 0 : i32
      %dma_wait3A_224 = tpu.memref_slice %arg12[%add3A_25, %dma_wait3A_223] : memref<10240x128xf32, #tpu.memory_space<vmem_shared>> -> memref<80x128xf32, #tpu.memory_space<vmem_shared>>
      %dma_wait3A_225 = arith.constant 0 : i32
      %dma_wait3A_226 = tpu.memref_slice %arg12[%add3A_25, %dma_wait3A_225] : memref<10240x128xf32, #tpu.memory_space<vmem_shared>> -> memref<80x128xf32, #tpu.memory_space<vmem_shared>>
      tpu.wait_dma2 semaphore(%run_scoped3A : memref<!tpu.dma_semaphore, #tpu.memory_space<semaphore_mem>>) src(%arg9 : memref<80x128xf32, #tpu.memory_space<vmem>>) dst(%dma_wait3A_226 : memref<80x128xf32, #tpu.memory_space<vmem_shared>>)
      tpu.yield
    }) : () -> ()
    %mul3A_26 = arith.constant 640 : i32
    %mul3A_27 = arith.muli %arg1, %mul3A_26 : i32
    %add3A_28 = arith.constant 400 : i32
    %add3A_29 = arith.addi %mul3A_27, %add3A_28 : i32
    "tpu.region"() ({
      %run_scoped3A = tpu.sem_alloc : memref<!tpu.dma_semaphore, #tpu.memory_space<semaphore_mem>>
      %dma_start3A_219 = arith.constant 0 : i32
      %dma_start3A_220 = tpu.memref_slice %arg12[%add3A_29, %dma_start3A_219] : memref<10240x128xf32, #tpu.memory_space<vmem_shared>> -> memref<80x128xf32, #tpu.memory_space<vmem_shared>>
      %dma_start3A_221 = arith.constant 0 : i32
      %dma_start3A_222 = tpu.memref_slice %arg12[%add3A_29, %dma_start3A_221] : memref<10240x128xf32, #tpu.memory_space<vmem_shared>> -> memref<80x128xf32, #tpu.memory_space<vmem_shared>>
      tpu.enqueue_dma source(%arg9 : memref<80x128xf32, #tpu.memory_space<vmem>>) target(%dma_start3A_222 : memref<80x128xf32, #tpu.memory_space<vmem_shared>>) target_semaphore(%run_scoped3A : memref<!tpu.dma_semaphore, #tpu.memory_space<semaphore_mem>>)
      %dma_wait3A_223 = arith.constant 0 : i32
      %dma_wait3A_224 = tpu.memref_slice %arg12[%add3A_29, %dma_wait3A_223] : memref<10240x128xf32, #tpu.memory_space<vmem_shared>> -> memref<80x128xf32, #tpu.memory_space<vmem_shared>>
      %dma_wait3A_225 = arith.constant 0 : i32
      %dma_wait3A_226 = tpu.memref_slice %arg12[%add3A_29, %dma_wait3A_225] : memref<10240x128xf32, #tpu.memory_space<vmem_shared>> -> memref<80x128xf32, #tpu.memory_space<vmem_shared>>
      tpu.wait_dma2 semaphore(%run_scoped3A : memref<!tpu.dma_semaphore, #tpu.memory_space<semaphore_mem>>) src(%arg9 : memref<80x128xf32, #tpu.memory_space<vmem>>) dst(%dma_wait3A_226 : memref<80x128xf32, #tpu.memory_space<vmem_shared>>)
      tpu.yield
    }) : () -> ()
    %mul3A_30 = arith.constant 640 : i32
    %mul3A_31 = arith.muli %arg1, %mul3A_30 : i32
    %add3A_32 = arith.constant 480 : i32
    %add3A_33 = arith.addi %mul3A_31, %add3A_32 : i32
    "tpu.region"() ({
      %run_scoped3A = tpu.sem_alloc : memref<!tpu.dma_semaphore, #tpu.memory_space<semaphore_mem>>
      %dma_start3A_219 = arith.constant 0 : i32
      %dma_start3A_220 = tpu.memref_slice %arg12[%add3A_33, %dma_start3A_219] : memref<10240x128xf32, #tpu.memory_space<vmem_shared>> -> memref<80x128xf32, #tpu.memory_space<vmem_shared>>
      %dma_start3A_221 = arith.constant 0 : i32
      %dma_start3A_222 = tpu.memref_slice %arg12[%add3A_33, %dma_start3A_221] : memref<10240x128xf32, #tpu.memory_space<vmem_shared>> -> memref<80x128xf32, #tpu.memory_space<vmem_shared>>
      tpu.enqueue_dma source(%arg9 : memref<80x128xf32, #tpu.memory_space<vmem>>) target(%dma_start3A_222 : memref<80x128xf32, #tpu.memory_space<vmem_shared>>) target_semaphore(%run_scoped3A : memref<!tpu.dma_semaphore, #tpu.memory_space<semaphore_mem>>)
      %dma_wait3A_223 = arith.constant 0 : i32
      %dma_wait3A_224 = tpu.memref_slice %arg12[%add3A_33, %dma_wait3A_223] : memref<10240x128xf32, #tpu.memory_space<vmem_shared>> -> memref<80x128xf32, #tpu.memory_space<vmem_shared>>
      %dma_wait3A_225 = arith.constant 0 : i32
      %dma_wait3A_226 = tpu.memref_slice %arg12[%add3A_33, %dma_wait3A_225] : memref<10240x128xf32, #tpu.memory_space<vmem_shared>> -> memref<80x128xf32, #tpu.memory_space<vmem_shared>>
      tpu.wait_dma2 semaphore(%run_scoped3A : memref<!tpu.dma_semaphore, #tpu.memory_space<semaphore_mem>>) src(%arg9 : memref<80x128xf32, #tpu.memory_space<vmem>>) dst(%dma_wait3A_226 : memref<80x128xf32, #tpu.memory_space<vmem_shared>>)
      tpu.yield
    }) : () -> ()
    %mul3A_34 = arith.constant 640 : i32
    %mul3A_35 = arith.muli %arg1, %mul3A_34 : i32
    %add3A_36 = arith.constant 560 : i32
    %add3A_37 = arith.addi %mul3A_35, %add3A_36 : i32
    "tpu.region"() ({
      %run_scoped3A = tpu.sem_alloc : memref<!tpu.dma_semaphore, #tpu.memory_space<semaphore_mem>>
      %dma_start3A_219 = arith.constant 0 : i32
      %dma_start3A_220 = tpu.memref_slice %arg12[%add3A_37, %dma_start3A_219] : memref<10240x128xf32, #tpu.memory_space<vmem_shared>> -> memref<80x128xf32, #tpu.memory_space<vmem_shared>>
      %dma_start3A_221 = arith.constant 0 : i32
      %dma_start3A_222 = tpu.memref_slice %arg12[%add3A_37, %dma_start3A_221] : memref<10240x128xf32, #tpu.memory_space<vmem_shared>> -> memref<80x128xf32, #tpu.memory_space<vmem_shared>>
      tpu.enqueue_dma source(%arg9 : memref<80x128xf32, #tpu.memory_space<vmem>>) target(%dma_start3A_222 : memref<80x128xf32, #tpu.memory_space<vmem_shared>>) target_semaphore(%run_scoped3A : memref<!tpu.dma_semaphore, #tpu.memory_space<semaphore_mem>>)
      %dma_wait3A_223 = arith.constant 0 : i32
      %dma_wait3A_224 = tpu.memref_slice %arg12[%add3A_37, %dma_wait3A_223] : memref<10240x128xf32, #tpu.memory_space<vmem_shared>> -> memref<80x128xf32, #tpu.memory_space<vmem_shared>>
      %dma_wait3A_225 = arith.constant 0 : i32
      %dma_wait3A_226 = tpu.memref_slice %arg12[%add3A_37, %dma_wait3A_225] : memref<10240x128xf32, #tpu.memory_space<vmem_shared>> -> memref<80x128xf32, #tpu.memory_space<vmem_shared>>
      tpu.wait_dma2 semaphore(%run_scoped3A : memref<!tpu.dma_semaphore, #tpu.memory_space<semaphore_mem>>) src(%arg9 : memref<80x128xf32, #tpu.memory_space<vmem>>) dst(%dma_wait3A_226 : memref<80x128xf32, #tpu.memory_space<vmem_shared>>)
      tpu.yield
    }) : () -> ()
    %broadcast_in_dim3A_38 = arith.constant 0.000000e+00 : f32
    %broadcast_in_dim3A_39 = vector.broadcast %broadcast_in_dim3A_38 : f32 to vector<16xf32>
    %scan3A_40 = arith.constant 0 : i32
    %scan3A_41 = arith.constant 80 : i32
    %scan3A_42 = arith.addi %scan3A_40, %scan3A_41 : i32
    %scan3A_43 = arith.constant 1 : i32
    scf.for %scan3A_219 = %scan3A_40 to %scan3A_42 step %scan3A_43  : i32 {
      %swap3A_220 = arith.index_cast %scan3A_219 : i32 to index
      %swap3A_221 = arith.constant 0 : index
      %swap3A_222 = tpu.vector_load %arg16[%swap3A_220, %swap3A_221] {strides = array<i32>} : memref<80x128xf32, #tpu.memory_space<vmem>>, vector<16xf32>,
      tpu.vector_store %arg16[%swap3A_220, %swap3A_221], %broadcast_in_dim3A_39 {strides = array<i32>} : memref<80x128xf32, #tpu.memory_space<vmem>>, vector<16xf32>,
      %swap3A_223 = arith.index_cast %scan3A_219 : i32 to index
      %swap3A_224 = arith.constant 16 : index
      %swap3A_225 = tpu.vector_load %arg16[%swap3A_223, %swap3A_224] {strides = array<i32>} : memref<80x128xf32, #tpu.memory_space<vmem>>, vector<16xf32>,
      tpu.vector_store %arg16[%swap3A_223, %swap3A_224], %broadcast_in_dim3A_39 {strides = array<i32>} : memref<80x128xf32, #tpu.memory_space<vmem>>, vector<16xf32>,
      %swap3A_226 = arith.index_cast %scan3A_219 : i32 to index
      %swap3A_227 = arith.constant 32 : index
      %swap3A_228 = tpu.vector_load %arg16[%swap3A_226, %swap3A_227] {strides = array<i32>} : memref<80x128xf32, #tpu.memory_space<vmem>>, vector<16xf32>,
      tpu.vector_store %arg16[%swap3A_226, %swap3A_227], %broadcast_in_dim3A_39 {strides = array<i32>} : memref<80x128xf32, #tpu.memory_space<vmem>>, vector<16xf32>,
      %swap3A_229 = arith.index_cast %scan3A_219 : i32 to index
      %swap3A_230 = arith.constant 48 : index
      %swap3A_231 = tpu.vector_load %arg16[%swap3A_229, %swap3A_230] {strides = array<i32>} : memref<80x128xf32, #tpu.memory_space<vmem>>, vector<16xf32>,
      tpu.vector_store %arg16[%swap3A_229, %swap3A_230], %broadcast_in_dim3A_39 {strides = array<i32>} : memref<80x128xf32, #tpu.memory_space<vmem>>, vector<16xf32>,
      %swap3A_232 = arith.index_cast %scan3A_219 : i32 to index
      %swap3A_233 = arith.constant 64 : index
      %swap3A_234 = tpu.vector_load %arg16[%swap3A_232, %swap3A_233] {strides = array<i32>} : memref<80x128xf32, #tpu.memory_space<vmem>>, vector<16xf32>,
      tpu.vector_store %arg16[%swap3A_232, %swap3A_233], %broadcast_in_dim3A_39 {strides = array<i32>} : memref<80x128xf32, #tpu.memory_space<vmem>>, vector<16xf32>,
      %swap3A_235 = arith.index_cast %scan3A_219 : i32 to index
      %swap3A_236 = arith.constant 80 : index
      %swap3A_237 = tpu.vector_load %arg16[%swap3A_235, %swap3A_236] {strides = array<i32>} : memref<80x128xf32, #tpu.memory_space<vmem>>, vector<16xf32>,
      tpu.vector_store %arg16[%swap3A_235, %swap3A_236], %broadcast_in_dim3A_39 {strides = array<i32>} : memref<80x128xf32, #tpu.memory_space<vmem>>, vector<16xf32>,
      %swap3A_238 = arith.index_cast %scan3A_219 : i32 to index
      %swap3A_239 = arith.constant 96 : index
      %swap3A_240 = tpu.vector_load %arg16[%swap3A_238, %swap3A_239] {strides = array<i32>} : memref<80x128xf32, #tpu.memory_space<vmem>>, vector<16xf32>,
      tpu.vector_store %arg16[%swap3A_238, %swap3A_239], %broadcast_in_dim3A_39 {strides = array<i32>} : memref<80x128xf32, #tpu.memory_space<vmem>>, vector<16xf32>,
      %swap3A_241 = arith.index_cast %scan3A_219 : i32 to index
      %swap3A_242 = arith.constant 112 : index
      %swap3A_243 = tpu.vector_load %arg16[%swap3A_241, %swap3A_242] {strides = array<i32>} : memref<80x128xf32, #tpu.memory_space<vmem>>, vector<16xf32>,
      tpu.vector_store %arg16[%swap3A_241, %swap3A_242], %broadcast_in_dim3A_39 {strides = array<i32>} : memref<80x128xf32, #tpu.memory_space<vmem>>, vector<16xf32>,
    }
    %scan3A_44 = arith.constant 80 : i32
    %iota3A = tpu.iota {dimensions = array<i32: 0>} : vector<16xi32>
    %add3A_45 = arith.constant 0 : i32
    %add3A_46 = vector.broadcast %add3A_45 : i32 to vector<16xi32>
    %add3A_47 = arith.addi %iota3A, %add3A_46 : vector<16xi32>
    %swap3A = arith.constant 0 : index
    %swap3A_48 = tpu.vector_load %arg17[%swap3A] {strides = array<i32>} : memref<80xi32, #tpu.memory_space<vmem>>, vector<16xi32>,
    tpu.vector_store %arg17[%swap3A], %add3A_47 {strides = array<i32>} : memref<80xi32, #tpu.memory_space<vmem>>, vector<16xi32>,
    %add3A_49 = arith.constant 16 : i32
    %add3A_50 = vector.broadcast %add3A_49 : i32 to vector<16xi32>
    %add3A_51 = arith.addi %iota3A, %add3A_50 : vector<16xi32>
    %swap3A_52 = arith.constant 16 : index
    %swap3A_53 = tpu.vector_load %arg17[%swap3A_52] {strides = array<i32>} : memref<80xi32, #tpu.memory_space<vmem>>, vector<16xi32>,
    tpu.vector_store %arg17[%swap3A_52], %add3A_51 {strides = array<i32>} : memref<80xi32, #tpu.memory_space<vmem>>, vector<16xi32>,
    %add3A_54 = arith.constant 32 : i32
    %add3A_55 = vector.broadcast %add3A_54 : i32 to vector<16xi32>
    %add3A_56 = arith.addi %iota3A, %add3A_55 : vector<16xi32>
    %swap3A_57 = arith.constant 32 : index
    %swap3A_58 = tpu.vector_load %arg17[%swap3A_57] {strides = array<i32>} : memref<80xi32, #tpu.memory_space<vmem>>, vector<16xi32>,
    tpu.vector_store %arg17[%swap3A_57], %add3A_56 {strides = array<i32>} : memref<80xi32, #tpu.memory_space<vmem>>, vector<16xi32>,
    %add3A_59 = arith.constant 48 : i32
    %add3A_60 = vector.broadcast %add3A_59 : i32 to vector<16xi32>
    %add3A_61 = arith.addi %iota3A, %add3A_60 : vector<16xi32>
    %swap3A_62 = arith.constant 48 : index
    %swap3A_63 = tpu.vector_load %arg17[%swap3A_62] {strides = array<i32>} : memref<80xi32, #tpu.memory_space<vmem>>, vector<16xi32>,
    tpu.vector_store %arg17[%swap3A_62], %add3A_61 {strides = array<i32>} : memref<80xi32, #tpu.memory_space<vmem>>, vector<16xi32>,
    %add3A_64 = arith.constant 64 : i32
    %add3A_65 = vector.broadcast %add3A_64 : i32 to vector<16xi32>
    %add3A_66 = arith.addi %iota3A, %add3A_65 : vector<16xi32>
    %swap3A_67 = arith.constant 64 : index
    %swap3A_68 = tpu.vector_load %arg17[%swap3A_67] {strides = array<i32>} : memref<80xi32, #tpu.memory_space<vmem>>, vector<16xi32>,
    tpu.vector_store %arg17[%swap3A_67], %add3A_66 {strides = array<i32>} : memref<80xi32, #tpu.memory_space<vmem>>, vector<16xi32>,
    %eq3A = arith.constant 0 : i32
    %eq3A_69 = arith.cmpi eq, %arg1, %eq3A : i32
    %convert_element_type3A = arith.extui %eq3A_69 : i1 to i32
    %cond3A = arith.constant 0 : i32
    %cond3A_70 = arith.cmpi ne, %convert_element_type3A, %cond3A : i32
    scf.if %cond3A_70 {
      "tpu.region"() ({
        %run_scoped3A = tpu.sem_alloc : memref<!tpu.dma_semaphore, #tpu.memory_space<semaphore_mem>>
        tpu.enqueue_dma source(%arg16 : memref<80x128xf32, #tpu.memory_space<vmem>>) target(%arg18 : memref<80x128xf32, #tpu.memory_space<vmem_shared>>) target_semaphore(%run_scoped3A : memref<!tpu.dma_semaphore, #tpu.memory_space<semaphore_mem>>)
        tpu.wait_dma2 semaphore(%run_scoped3A : memref<!tpu.dma_semaphore, #tpu.memory_space<semaphore_mem>>) src(%arg16 : memref<80x128xf32, #tpu.memory_space<vmem>>) dst(%arg18 : memref<80x128xf32, #tpu.memory_space<vmem_shared>>)
        tpu.yield
      }) : () -> ()
    } else {
    }
    %barrier3A = arith.constant 0 : index
    tpu.barrier barrier_id(%barrier3A)
    %mul3A_71 = arith.constant 10080 : i32
    %mul3A_72 = arith.muli %add3A, %mul3A_71 : i32
    %add3A_73 = arith.constant 0 : i32
    %add3A_74 = arith.addi %mul3A_72, %add3A_73 : i32
    %dma_start3A = arith.constant 0 : i32
    %dma_start3A_75 = arith.constant 0 : i32
    %dma_start3A_76 = arith.constant 0 : i32
    %dma_start3A_77 = tpu.memref_slice %arg7[%dma_start3A, %dma_start3A_76] : memref<6x80xi32, #tpu.memory_space<vmem>> -> memref<1x80xi32, #tpu.memory_space<vmem>>
    %dma_start3A_78 = tpu.memref_squeeze %dma_start3A_77 : memref<1x80xi32, #tpu.memory_space<vmem>> -> memref<80xi32, #tpu.memory_space<vmem>>
    %dma_start3A_79 = tpu.memref_slice %arg3[%add3A_74] : memref<322560xi32, #tpu.memory_space<hbm>> -> memref<80xi32, #tpu.memory_space<hbm>>
    %dma_start3A_80 = tpu.memref_slice %arg13[%dma_start3A_75] : memref<6x!tpu.dma_semaphore, #tpu.memory_space<semaphore_mem>> -> memref<1x!tpu.dma_semaphore, #tpu.memory_space<semaphore_mem>>
    %dma_start3A_81 = tpu.memref_squeeze %dma_start3A_80 : memref<1x!tpu.dma_semaphore, #tpu.memory_space<semaphore_mem>> -> memref<!tpu.dma_semaphore, #tpu.memory_space<semaphore_mem>>
    %dma_start3A_82 = arith.constant 0 : i32
    %dma_start3A_83 = tpu.memref_slice %arg7[%dma_start3A, %dma_start3A_82] : memref<6x80xi32, #tpu.memory_space<vmem>> -> memref<1x80xi32, #tpu.memory_space<vmem>>
    %dma_start3A_84 = tpu.memref_squeeze %dma_start3A_83 : memref<1x80xi32, #tpu.memory_space<vmem>> -> memref<80xi32, #tpu.memory_space<vmem>>
    %dma_start3A_85 = tpu.memref_slice %arg3[%add3A_74] : memref<322560xi32, #tpu.memory_space<hbm>> -> memref<80xi32, #tpu.memory_space<hbm>>
    tpu.enqueue_dma source(%dma_start3A_85 : memref<80xi32, #tpu.memory_space<hbm>>) target(%dma_start3A_84 : memref<80xi32, #tpu.memory_space<vmem>>) target_semaphore(%dma_start3A_81 : memref<!tpu.dma_semaphore, #tpu.memory_space<semaphore_mem>>)
    %add3A_86 = arith.constant 0 : i32
    %add3A_87 = arith.addi %mul3A_72, %add3A_86 : i32
    %dma_start3A_88 = arith.constant 0 : i32
    %dma_start3A_89 = arith.constant 0 : i32
    %dma_start3A_90 = arith.constant 0 : i32
    %dma_start3A_91 = tpu.memref_slice %arg8[%dma_start3A_88, %dma_start3A_90] : memref<6x80xi32, #tpu.memory_space<vmem>> -> memref<1x80xi32, #tpu.memory_space<vmem>>
    %dma_start3A_92 = tpu.memref_squeeze %dma_start3A_91 : memref<1x80xi32, #tpu.memory_space<vmem>> -> memref<80xi32, #tpu.memory_space<vmem>>
    %dma_start3A_93 = tpu.memref_slice %arg4[%add3A_87] : memref<322560xi32, #tpu.memory_space<hbm>> -> memref<80xi32, #tpu.memory_space<hbm>>
    %dma_start3A_94 = tpu.memref_slice %arg13[%dma_start3A_89] : memref<6x!tpu.dma_semaphore, #tpu.memory_space<semaphore_mem>> -> memref<1x!tpu.dma_semaphore, #tpu.memory_space<semaphore_mem>>
    %dma_start3A_95 = tpu.memref_squeeze %dma_start3A_94 : memref<1x!tpu.dma_semaphore, #tpu.memory_space<semaphore_mem>> -> memref<!tpu.dma_semaphore, #tpu.memory_space<semaphore_mem>>
    %dma_start3A_96 = arith.constant 0 : i32
    %dma_start3A_97 = tpu.memref_slice %arg8[%dma_start3A_88, %dma_start3A_96] : memref<6x80xi32, #tpu.memory_space<vmem>> -> memref<1x80xi32, #tpu.memory_space<vmem>>
    %dma_start3A_98 = tpu.memref_squeeze %dma_start3A_97 : memref<1x80xi32, #tpu.memory_space<vmem>> -> memref<80xi32, #tpu.memory_space<vmem>>
    %dma_start3A_99 = tpu.memref_slice %arg4[%add3A_87] : memref<322560xi32, #tpu.memory_space<hbm>> -> memref<80xi32, #tpu.memory_space<hbm>>
    tpu.enqueue_dma source(%dma_start3A_99 : memref<80xi32, #tpu.memory_space<hbm>>) target(%dma_start3A_98 : memref<80xi32, #tpu.memory_space<vmem>>) target_semaphore(%dma_start3A_95 : memref<!tpu.dma_semaphore, #tpu.memory_space<semaphore_mem>>)
    %add3A_100 = arith.constant 80 : i32
    %add3A_101 = arith.addi %mul3A_72, %add3A_100 : i32
    %dma_start3A_102 = arith.constant 1 : i32
    %dma_start3A_103 = arith.constant 1 : i32
    %dma_start3A_104 = arith.constant 0 : i32
    %dma_start3A_105 = tpu.memref_slice %arg7[%dma_start3A_102, %dma_start3A_104] : memref<6x80xi32, #tpu.memory_space<vmem>> -> memref<1x80xi32, #tpu.memory_space<vmem>>
    %dma_start3A_106 = tpu.memref_squeeze %dma_start3A_105 : memref<1x80xi32, #tpu.memory_space<vmem>> -> memref<80xi32, #tpu.memory_space<vmem>>
    %dma_start3A_107 = tpu.memref_slice %arg3[%add3A_101] : memref<322560xi32, #tpu.memory_space<hbm>> -> memref<80xi32, #tpu.memory_space<hbm>>
    %dma_start3A_108 = tpu.memref_slice %arg13[%dma_start3A_103] : memref<6x!tpu.dma_semaphore, #tpu.memory_space<semaphore_mem>> -> memref<1x!tpu.dma_semaphore, #tpu.memory_space<semaphore_mem>>
    %dma_start3A_109 = tpu.memref_squeeze %dma_start3A_108 : memref<1x!tpu.dma_semaphore, #tpu.memory_space<semaphore_mem>> -> memref<!tpu.dma_semaphore, #tpu.memory_space<semaphore_mem>>
    %dma_start3A_110 = arith.constant 0 : i32
    %dma_start3A_111 = tpu.memref_slice %arg7[%dma_start3A_102, %dma_start3A_110] : memref<6x80xi32, #tpu.memory_space<vmem>> -> memref<1x80xi32, #tpu.memory_space<vmem>>
    %dma_start3A_112 = tpu.memref_squeeze %dma_start3A_111 : memref<1x80xi32, #tpu.memory_space<vmem>> -> memref<80xi32, #tpu.memory_space<vmem>>
    %dma_start3A_113 = tpu.memref_slice %arg3[%add3A_101] : memref<322560xi32, #tpu.memory_space<hbm>> -> memref<80xi32, #tpu.memory_space<hbm>>
    tpu.enqueue_dma source(%dma_start3A_113 : memref<80xi32, #tpu.memory_space<hbm>>) target(%dma_start3A_112 : memref<80xi32, #tpu.memory_space<vmem>>) target_semaphore(%dma_start3A_109 : memref<!tpu.dma_semaphore, #tpu.memory_space<semaphore_mem>>)
    %add3A_114 = arith.constant 80 : i32
    %add3A_115 = arith.addi %mul3A_72, %add3A_114 : i32
    %dma_start3A_116 = arith.constant 1 : i32
    %dma_start3A_117 = arith.constant 1 : i32
    %dma_start3A_118 = arith.constant 0 : i32
    %dma_start3A_119 = tpu.memref_slice %arg8[%dma_start3A_116, %dma_start3A_118] : memref<6x80xi32, #tpu.memory_space<vmem>> -> memref<1x80xi32, #tpu.memory_space<vmem>>
    %dma_start3A_120 = tpu.memref_squeeze %dma_start3A_119 : memref<1x80xi32, #tpu.memory_space<vmem>> -> memref<80xi32, #tpu.memory_space<vmem>>
    %dma_start3A_121 = tpu.memref_slice %arg4[%add3A_115] : memref<322560xi32, #tpu.memory_space<hbm>> -> memref<80xi32, #tpu.memory_space<hbm>>
    %dma_start3A_122 = tpu.memref_slice %arg13[%dma_start3A_117] : memref<6x!tpu.dma_semaphore, #tpu.memory_space<semaphore_mem>> -> memref<1x!tpu.dma_semaphore, #tpu.memory_space<semaphore_mem>>
    %dma_start3A_123 = tpu.memref_squeeze %dma_start3A_122 : memref<1x!tpu.dma_semaphore, #tpu.memory_space<semaphore_mem>> -> memref<!tpu.dma_semaphore, #tpu.memory_space<semaphore_mem>>
    %dma_start3A_124 = arith.constant 0 : i32
    %dma_start3A_125 = tpu.memref_slice %arg8[%dma_start3A_116, %dma_start3A_124] : memref<6x80xi32, #tpu.memory_space<vmem>> -> memref<1x80xi32, #tpu.memory_space<vmem>>
    %dma_start3A_126 = tpu.memref_squeeze %dma_start3A_125 : memref<1x80xi32, #tpu.memory_space<vmem>> -> memref<80xi32, #tpu.memory_space<vmem>>
    %dma_start3A_127 = tpu.memref_slice %arg4[%add3A_115] : memref<322560xi32, #tpu.memory_space<hbm>> -> memref<80xi32, #tpu.memory_space<hbm>>
    tpu.enqueue_dma source(%dma_start3A_127 : memref<80xi32, #tpu.memory_space<hbm>>) target(%dma_start3A_126 : memref<80xi32, #tpu.memory_space<vmem>>) target_semaphore(%dma_start3A_123 : memref<!tpu.dma_semaphore, #tpu.memory_space<semaphore_mem>>)
    %add3A_128 = arith.constant 160 : i32
    %add3A_129 = arith.addi %mul3A_72, %add3A_128 : i32
    %dma_start3A_130 = arith.constant 2 : i32
    %dma_start3A_131 = arith.constant 2 : i32
    %dma_start3A_132 = arith.constant 0 : i32
    %dma_start3A_133 = tpu.memref_slice %arg7[%dma_start3A_130, %dma_start3A_132] : memref<6x80xi32, #tpu.memory_space<vmem>> -> memref<1x80xi32, #tpu.memory_space<vmem>>
    %dma_start3A_134 = tpu.memref_squeeze %dma_start3A_133 : memref<1x80xi32, #tpu.memory_space<vmem>> -> memref<80xi32, #tpu.memory_space<vmem>>
    %dma_start3A_135 = tpu.memref_slice %arg3[%add3A_129] : memref<322560xi32, #tpu.memory_space<hbm>> -> memref<80xi32, #tpu.memory_space<hbm>>
    %dma_start3A_136 = tpu.memref_slice %arg13[%dma_start3A_131] : memref<6x!tpu.dma_semaphore, #tpu.memory_space<semaphore_mem>> -> memref<1x!tpu.dma_semaphore, #tpu.memory_space<semaphore_mem>>
    %dma_start3A_137 = tpu.memref_squeeze %dma_start3A_136 : memref<1x!tpu.dma_semaphore, #tpu.memory_space<semaphore_mem>> -> memref<!tpu.dma_semaphore, #tpu.memory_space<semaphore_mem>>
    %dma_start3A_138 = arith.constant 0 : i32
    %dma_start3A_139 = tpu.memref_slice %arg7[%dma_start3A_130, %dma_start3A_138] : memref<6x80xi32, #tpu.memory_space<vmem>> -> memref<1x80xi32, #tpu.memory_space<vmem>>
    %dma_start3A_140 = tpu.memref_squeeze %dma_start3A_139 : memref<1x80xi32, #tpu.memory_space<vmem>> -> memref<80xi32, #tpu.memory_space<vmem>>
    %dma_start3A_141 = tpu.memref_slice %arg3[%add3A_129] : memref<322560xi32, #tpu.memory_space<hbm>> -> memref<80xi32, #tpu.memory_space<hbm>>
    tpu.enqueue_dma source(%dma_start3A_141 : memref<80xi32, #tpu.memory_space<hbm>>) target(%dma_start3A_140 : memref<80xi32, #tpu.memory_space<vmem>>) target_semaphore(%dma_start3A_137 : memref<!tpu.dma_semaphore, #tpu.memory_space<semaphore_mem>>)
    %add3A_142 = arith.constant 160 : i32
    %add3A_143 = arith.addi %mul3A_72, %add3A_142 : i32
    %dma_start3A_144 = arith.constant 2 : i32
    %dma_start3A_145 = arith.constant 2 : i32
    %dma_start3A_146 = arith.constant 0 : i32
    %dma_start3A_147 = tpu.memref_slice %arg8[%dma_start3A_144, %dma_start3A_146] : memref<6x80xi32, #tpu.memory_space<vmem>> -> memref<1x80xi32, #tpu.memory_space<vmem>>
    %dma_start3A_148 = tpu.memref_squeeze %dma_start3A_147 : memref<1x80xi32, #tpu.memory_space<vmem>> -> memref<80xi32, #tpu.memory_space<vmem>>
    %dma_start3A_149 = tpu.memref_slice %arg4[%add3A_143] : memref<322560xi32, #tpu.memory_space<hbm>> -> memref<80xi32, #tpu.memory_space<hbm>>
    %dma_start3A_150 = tpu.memref_slice %arg13[%dma_start3A_145] : memref<6x!tpu.dma_semaphore, #tpu.memory_space<semaphore_mem>> -> memref<1x!tpu.dma_semaphore, #tpu.memory_space<semaphore_mem>>
    %dma_start3A_151 = tpu.memref_squeeze %dma_start3A_150 : memref<1x!tpu.dma_semaphore, #tpu.memory_space<semaphore_mem>> -> memref<!tpu.dma_semaphore, #tpu.memory_space<semaphore_mem>>
    %dma_start3A_152 = arith.constant 0 : i32
    %dma_start3A_153 = tpu.memref_slice %arg8[%dma_start3A_144, %dma_start3A_152] : memref<6x80xi32, #tpu.memory_space<vmem>> -> memref<1x80xi32, #tpu.memory_space<vmem>>
    %dma_start3A_154 = tpu.memref_squeeze %dma_start3A_153 : memref<1x80xi32, #tpu.memory_space<vmem>> -> memref<80xi32, #tpu.memory_space<vmem>>
    %dma_start3A_155 = tpu.memref_slice %arg4[%add3A_143] : memref<322560xi32, #tpu.memory_space<hbm>> -> memref<80xi32, #tpu.memory_space<hbm>>
    tpu.enqueue_dma source(%dma_start3A_155 : memref<80xi32, #tpu.memory_space<hbm>>) target(%dma_start3A_154 : memref<80xi32, #tpu.memory_space<vmem>>) target_semaphore(%dma_start3A_151 : memref<!tpu.dma_semaphore, #tpu.memory_space<semaphore_mem>>)
    %scan3A_156 = arith.constant 0 : i32
    %scan3A_157 = arith.constant 21 : i32
    %scan3A_158 = arith.addi %scan3A_156, %scan3A_157 : i32
    %scan3A_159 = arith.constant 1 : i32
    scf.for %scan3A_219 = %scan3A_156 to %scan3A_158 step %scan3A_159  : i32 {
      %mul3A_220 = arith.constant 6 : i32
      %mul3A_221 = arith.muli %scan3A_219, %mul3A_220 : i32
      %add3A_222 = arith.constant 0 : i32
      %add3A_223 = arith.addi %mul3A_221, %add3A_222 : i32
      %mul3A_224 = arith.constant 80 : i32
      %mul3A_225 = arith.muli %add3A_223, %mul3A_224 : i32
      %add3A_226 = arith.addi %mul3A_72, %mul3A_225 : i32
      %dma_wait3A_227 = arith.constant 0 : i32
      %dma_wait3A_228 = arith.constant 0 : i32
      %dma_wait3A_229 = arith.constant 0 : i32
      %dma_wait3A_230 = tpu.memref_slice %arg7[%dma_wait3A_227, %dma_wait3A_229] : memref<6x80xi32, #tpu.memory_space<vmem>> -> memref<1x80xi32, #tpu.memory_space<vmem>>
      %dma_wait3A_231 = tpu.memref_squeeze %dma_wait3A_230 : memref<1x80xi32, #tpu.memory_space<vmem>> -> memref<80xi32, #tpu.memory_space<vmem>>
      %dma_wait3A_232 = tpu.memref_slice %arg3[%add3A_226] : memref<322560xi32, #tpu.memory_space<hbm>> -> memref<80xi32, #tpu.memory_space<hbm>>
      %dma_wait3A_233 = tpu.memref_slice %arg13[%dma_wait3A_228] : memref<6x!tpu.dma_semaphore, #tpu.memory_space<semaphore_mem>> -> memref<1x!tpu.dma_semaphore, #tpu.memory_space<semaphore_mem>>
      %dma_wait3A_234 = tpu.memref_squeeze %dma_wait3A_233 : memref<1x!tpu.dma_semaphore, #tpu.memory_space<semaphore_mem>> -> memref<!tpu.dma_semaphore, #tpu.memory_space<semaphore_mem>>
      %dma_wait3A_235 = arith.constant 0 : i32
      %dma_wait3A_236 = tpu.memref_slice %arg7[%dma_wait3A_227, %dma_wait3A_235] : memref<6x80xi32, #tpu.memory_space<vmem>> -> memref<1x80xi32, #tpu.memory_space<vmem>>
      %dma_wait3A_237 = tpu.memref_squeeze %dma_wait3A_236 : memref<1x80xi32, #tpu.memory_space<vmem>> -> memref<80xi32, #tpu.memory_space<vmem>>
      %dma_wait3A_238 = tpu.memref_slice %arg3[%add3A_226] : memref<322560xi32, #tpu.memory_space<hbm>> -> memref<80xi32, #tpu.memory_space<hbm>>
      tpu.wait_dma2 semaphore(%dma_wait3A_234 : memref<!tpu.dma_semaphore, #tpu.memory_space<semaphore_mem>>) src(%dma_wait3A_238 : memref<80xi32, #tpu.memory_space<hbm>>) dst(%dma_wait3A_237 : memref<80xi32, #tpu.memory_space<vmem>>)
      %mul3A_239 = arith.constant 80 : i32
      %mul3A_240 = arith.muli %add3A_223, %mul3A_239 : i32
      %add3A_241 = arith.addi %mul3A_72, %mul3A_240 : i32
      %dma_wait3A_242 = arith.constant 0 : i32
      %dma_wait3A_243 = arith.constant 0 : i32
      %dma_wait3A_244 = arith.constant 0 : i32
      %dma_wait3A_245 = tpu.memref_slice %arg8[%dma_wait3A_242, %dma_wait3A_244] : memref<6x80xi32, #tpu.memory_space<vmem>> -> memref<1x80xi32, #tpu.memory_space<vmem>>
      %dma_wait3A_246 = tpu.memref_squeeze %dma_wait3A_245 : memref<1x80xi32, #tpu.memory_space<vmem>> -> memref<80xi32, #tpu.memory_space<vmem>>
      %dma_wait3A_247 = tpu.memref_slice %arg4[%add3A_241] : memref<322560xi32, #tpu.memory_space<hbm>> -> memref<80xi32, #tpu.memory_space<hbm>>
      %dma_wait3A_248 = tpu.memref_slice %arg13[%dma_wait3A_243] : memref<6x!tpu.dma_semaphore, #tpu.memory_space<semaphore_mem>> -> memref<1x!tpu.dma_semaphore, #tpu.memory_space<semaphore_mem>>
      %dma_wait3A_249 = tpu.memref_squeeze %dma_wait3A_248 : memref<1x!tpu.dma_semaphore, #tpu.memory_space<semaphore_mem>> -> memref<!tpu.dma_semaphore, #tpu.memory_space<semaphore_mem>>
      %dma_wait3A_250 = arith.constant 0 : i32
      %dma_wait3A_251 = tpu.memref_slice %arg8[%dma_wait3A_242, %dma_wait3A_250] : memref<6x80xi32, #tpu.memory_space<vmem>> -> memref<1x80xi32, #tpu.memory_space<vmem>>
      %dma_wait3A_252 = tpu.memref_squeeze %dma_wait3A_251 : memref<1x80xi32, #tpu.memory_space<vmem>> -> memref<80xi32, #tpu.memory_space<vmem>>
      %dma_wait3A_253 = tpu.memref_slice %arg4[%add3A_241] : memref<322560xi32, #tpu.memory_space<hbm>> -> memref<80xi32, #tpu.memory_space<hbm>>
      tpu.wait_dma2 semaphore(%dma_wait3A_249 : memref<!tpu.dma_semaphore, #tpu.memory_space<semaphore_mem>>) src(%dma_wait3A_253 : memref<80xi32, #tpu.memory_space<hbm>>) dst(%dma_wait3A_252 : memref<80xi32, #tpu.memory_space<vmem>>)
      %ge3A = arith.constant 3 : i32
      %ge3A_254 = arith.cmpi sge, %add3A_223, %ge3A : i32
      %convert_element_type3A_255 = arith.extui %ge3A_254 : i1 to i32
      %cond3A_256 = arith.constant 0 : i32
      %cond3A_257 = arith.cmpi ne, %convert_element_type3A_255, %cond3A_256 : i32
      scf.if %cond3A_257 {
        %dma_wait3A_1031 = arith.constant 0 : i32
        %dma_wait3A_1032 = arith.constant 0 : i32
        %dma_wait3A_1033 = arith.constant 0 : i32
        %dma_wait3A_1034 = tpu.memref_slice %arg2[%dma_wait3A_1032, %dma_wait3A_1033] : memref<10000x128xf32, #tpu.memory_space<hbm>> -> memref<80x128xf32, #tpu.memory_space<hbm>>
        %dma_wait3A_1035 = tpu.memref_slice %arg15[%dma_wait3A_1031] : memref<3x!tpu.dma_semaphore, #tpu.memory_space<semaphore_mem>> -> memref<1x!tpu.dma_semaphore, #tpu.memory_space<semaphore_mem>>
        %dma_wait3A_1036 = tpu.memref_squeeze %dma_wait3A_1035 : memref<1x!tpu.dma_semaphore, #tpu.memory_space<semaphore_mem>> -> memref<!tpu.dma_semaphore, #tpu.memory_space<semaphore_mem>>
        %dma_wait3A_1037 = arith.constant 0 : i32
        %dma_wait3A_1038 = arith.constant 0 : i32
        %dma_wait3A_1039 = tpu.memref_slice %arg2[%dma_wait3A_1037, %dma_wait3A_1038] : memref<10000x128xf32, #tpu.memory_space<hbm>> -> memref<80x128xf32, #tpu.memory_space<hbm>>
        tpu.wait_dma2 semaphore(%dma_wait3A_1036 : memref<!tpu.dma_semaphore, #tpu.memory_space<semaphore_mem>>) src(%dma_wait3A_1039 : memref<80x128xf32, #tpu.memory_space<hbm>>) dst(%arg9 : memref<80x128xf32, #tpu.memory_space<vmem>>)
      } else {
      }
      %dma_start3A_258 = arith.constant 0 : i32
      %dma_start3A_259 = arith.constant 0 : i32
      %dma_start3A_260 = arith.constant 0 : i32
      %dma_start3A_261 = tpu.memref_slice %arg7[%dma_start3A_258, %dma_start3A_260] : memref<6x80xi32, #tpu.memory_space<vmem>> -> memref<1x80xi32, #tpu.memory_space<vmem>>
      %dma_start3A_262 = tpu.memref_squeeze %dma_start3A_261 : memref<1x80xi32, #tpu.memory_space<vmem>> -> memref<80xi32, #tpu.memory_space<vmem>>
      %dma_start3A_263 = arith.constant 0 : i32
      %dma_start3A_264 = arith.constant 0 : i32
      %dma_start3A_265 = tpu.memref_slice %arg2[%dma_start3A_263, %dma_start3A_264] : memref<10000x128xf32, #tpu.memory_space<hbm>> -> memref<10000x128xf32, #tpu.memory_space<hbm>>
      %dma_start3A_266 = tpu.memref_slice %arg14[%dma_start3A_259] : memref<2x!tpu.dma_semaphore, #tpu.memory_space<semaphore_mem>> -> memref<1x!tpu.dma_semaphore, #tpu.memory_space<semaphore_mem>>
      %dma_start3A_267 = tpu.memref_squeeze %dma_start3A_266 : memref<1x!tpu.dma_semaphore, #tpu.memory_space<semaphore_mem>> -> memref<!tpu.dma_semaphore, #tpu.memory_space<semaphore_mem>>
      tpu.enqueue_indirect_dma source(%dma_start3A_265 : memref<10000x128xf32, #tpu.memory_space<hbm>>) target(%arg9 : memref<80x128xf32, #tpu.memory_space<vmem>>) offsets(%dma_start3A_262 : memref<80xi32, #tpu.memory_space<vmem>>) semaphore(%dma_start3A_267 : memref<!tpu.dma_semaphore, #tpu.memory_space<semaphore_mem>>)
      %get3A = arith.constant 0 : i32
      %get3A_268 = arith.index_cast %get3A : i32 to index
      %get3A_269 = arith.constant 0 : index
      %get3A_270 = tpu.vector_load %arg8[%get3A_268, %get3A_269] {strides = array<i32>} : memref<6x80xi32, #tpu.memory_space<vmem>>, vector<16xi32>,
      %broadcast_in_dim3A_271 = arith.constant true
      %broadcast_in_dim3A_272 = vector.broadcast %broadcast_in_dim3A_271 : i1 to vector<16xi1>
      %unique3A, %unique3A_273 = tpu.scan_count mask(%broadcast_in_dim3A_272 : vector<16xi1>) value(%get3A_270 : vector<16xi32>) : vector<16xi1>, vector<16xi32>
      %shift_right_logical3A = arith.constant 7 : i32
      %shift_right_logical3A_274 = vector.broadcast %shift_right_logical3A : i32 to vector<16xi32>
      %shift_right_logical3A_275 = arith.shrui %get3A_270, %shift_right_logical3A_274 : vector<16xi32>
      %and3A = arith.constant 127 : i32
      %and3A_276 = vector.broadcast %and3A : i32 to vector<16xi32>
      %and3A_277 = arith.andi %get3A_270, %and3A_276 : vector<16xi32>
      %convert_element_type3A_278 = arith.sitofp %unique3A_273 : vector<16xi32> to vector<16xf32>
      tpu.vector_store_idx %arg16[%shift_right_logical3A_275, %and3A_277], %convert_element_type3A_278 masked %unique3A {add = true} : memref<80x128xf32, #tpu.memory_space<vmem>>[vector<16xi32>, vector<16xi32>], vector<16xf32>, vector<16xi1>
      %get3A_279 = arith.constant 0 : i32
      %get3A_280 = arith.index_cast %get3A_279 : i32 to index
      %get3A_281 = arith.constant 16 : index
      %get3A_282 = tpu.vector_load %arg8[%get3A_280, %get3A_281] {strides = array<i32>} : memref<6x80xi32, #tpu.memory_space<vmem>>, vector<16xi32>,
      %broadcast_in_dim3A_283 = arith.constant true
      %broadcast_in_dim3A_284 = vector.broadcast %broadcast_in_dim3A_283 : i1 to vector<16xi1>
      %unique3A_285, %unique3A_286 = tpu.scan_count mask(%broadcast_in_dim3A_284 : vector<16xi1>) value(%get3A_282 : vector<16xi32>) : vector<16xi1>, vector<16xi32>
      %shift_right_logical3A_287 = arith.constant 7 : i32
      %shift_right_logical3A_288 = vector.broadcast %shift_right_logical3A_287 : i32 to vector<16xi32>
      %shift_right_logical3A_289 = arith.shrui %get3A_282, %shift_right_logical3A_288 : vector<16xi32>
      %and3A_290 = arith.constant 127 : i32
      %and3A_291 = vector.broadcast %and3A_290 : i32 to vector<16xi32>
      %and3A_292 = arith.andi %get3A_282, %and3A_291 : vector<16xi32>
      %convert_element_type3A_293 = arith.sitofp %unique3A_286 : vector<16xi32> to vector<16xf32>
      tpu.vector_store_idx %arg16[%shift_right_logical3A_289, %and3A_292], %convert_element_type3A_293 masked %unique3A_285 {add = true} : memref<80x128xf32, #tpu.memory_space<vmem>>[vector<16xi32>, vector<16xi32>], vector<16xf32>, vector<16xi1>
      %get3A_294 = arith.constant 0 : i32
      %get3A_295 = arith.index_cast %get3A_294 : i32 to index
      %get3A_296 = arith.constant 32 : index
      %get3A_297 = tpu.vector_load %arg8[%get3A_295, %get3A_296] {strides = array<i32>} : memref<6x80xi32, #tpu.memory_space<vmem>>, vector<16xi32>,
      %broadcast_in_dim3A_298 = arith.constant true
      %broadcast_in_dim3A_299 = vector.broadcast %broadcast_in_dim3A_298 : i1 to vector<16xi1>
      %unique3A_300, %unique3A_301 = tpu.scan_count mask(%broadcast_in_dim3A_299 : vector<16xi1>) value(%get3A_297 : vector<16xi32>) : vector<16xi1>, vector<16xi32>
      %shift_right_logical3A_302 = arith.constant 7 : i32
      %shift_right_logical3A_303 = vector.broadcast %shift_right_logical3A_302 : i32 to vector<16xi32>
      %shift_right_logical3A_304 = arith.shrui %get3A_297, %shift_right_logical3A_303 : vector<16xi32>
      %and3A_305 = arith.constant 127 : i32
      %and3A_306 = vector.broadcast %and3A_305 : i32 to vector<16xi32>
      %and3A_307 = arith.andi %get3A_297, %and3A_306 : vector<16xi32>
      %convert_element_type3A_308 = arith.sitofp %unique3A_301 : vector<16xi32> to vector<16xf32>
      tpu.vector_store_idx %arg16[%shift_right_logical3A_304, %and3A_307], %convert_element_type3A_308 masked %unique3A_300 {add = true} : memref<80x128xf32, #tpu.memory_space<vmem>>[vector<16xi32>, vector<16xi32>], vector<16xf32>, vector<16xi1>
      %get3A_309 = arith.constant 0 : i32
      %get3A_310 = arith.index_cast %get3A_309 : i32 to index
      %get3A_311 = arith.constant 48 : index
      %get3A_312 = tpu.vector_load %arg8[%get3A_310, %get3A_311] {strides = array<i32>} : memref<6x80xi32, #tpu.memory_space<vmem>>, vector<16xi32>,
      %broadcast_in_dim3A_313 = arith.constant true
      %broadcast_in_dim3A_314 = vector.broadcast %broadcast_in_dim3A_313 : i1 to vector<16xi1>
      %unique3A_315, %unique3A_316 = tpu.scan_count mask(%broadcast_in_dim3A_314 : vector<16xi1>) value(%get3A_312 : vector<16xi32>) : vector<16xi1>, vector<16xi32>
      %shift_right_logical3A_317 = arith.constant 7 : i32
      %shift_right_logical3A_318 = vector.broadcast %shift_right_logical3A_317 : i32 to vector<16xi32>
      %shift_right_logical3A_319 = arith.shrui %get3A_312, %shift_right_logical3A_318 : vector<16xi32>
      %and3A_320 = arith.constant 127 : i32
      %and3A_321 = vector.broadcast %and3A_320 : i32 to vector<16xi32>
      %and3A_322 = arith.andi %get3A_312, %and3A_321 : vector<16xi32>
      %convert_element_type3A_323 = arith.sitofp %unique3A_316 : vector<16xi32> to vector<16xf32>
      tpu.vector_store_idx %arg16[%shift_right_logical3A_319, %and3A_322], %convert_element_type3A_323 masked %unique3A_315 {add = true} : memref<80x128xf32, #tpu.memory_space<vmem>>[vector<16xi32>, vector<16xi32>], vector<16xf32>, vector<16xi1>
      %get3A_324 = arith.constant 0 : i32
      %get3A_325 = arith.index_cast %get3A_324 : i32 to index
      %get3A_326 = arith.constant 64 : index
      %get3A_327 = tpu.vector_load %arg8[%get3A_325, %get3A_326] {strides = array<i32>} : memref<6x80xi32, #tpu.memory_space<vmem>>, vector<16xi32>,
      %broadcast_in_dim3A_328 = arith.constant true
      %broadcast_in_dim3A_329 = vector.broadcast %broadcast_in_dim3A_328 : i1 to vector<16xi1>
      %unique3A_330, %unique3A_331 = tpu.scan_count mask(%broadcast_in_dim3A_329 : vector<16xi1>) value(%get3A_327 : vector<16xi32>) : vector<16xi1>, vector<16xi32>
      %shift_right_logical3A_332 = arith.constant 7 : i32
      %shift_right_logical3A_333 = vector.broadcast %shift_right_logical3A_332 : i32 to vector<16xi32>
      %shift_right_logical3A_334 = arith.shrui %get3A_327, %shift_right_logical3A_333 : vector<16xi32>
      %and3A_335 = arith.constant 127 : i32
      %and3A_336 = vector.broadcast %and3A_335 : i32 to vector<16xi32>
      %and3A_337 = arith.andi %get3A_327, %and3A_336 : vector<16xi32>
      %convert_element_type3A_338 = arith.sitofp %unique3A_331 : vector<16xi32> to vector<16xf32>
      tpu.vector_store_idx %arg16[%shift_right_logical3A_334, %and3A_337], %convert_element_type3A_338 masked %unique3A_330 {add = true} : memref<80x128xf32, #tpu.memory_space<vmem>>[vector<16xi32>, vector<16xi32>], vector<16xf32>, vector<16xi1>
      %ge3A_339 = arith.constant 1 : i32
      %ge3A_340 = arith.cmpi sge, %add3A_223, %ge3A_339 : i32
      %convert_element_type3A_341 = arith.extui %ge3A_340 : i1 to i32
      %cond3A_342 = arith.constant 0 : i32
      %cond3A_343 = arith.cmpi ne, %convert_element_type3A_341, %cond3A_342 : i32
      scf.if %cond3A_343 {
        %dma_wait3A_1031 = arith.constant 1 : i32
        %dma_wait3A_1032 = arith.constant 0 : i32
        %dma_wait3A_1033 = arith.constant 0 : i32
        %dma_wait3A_1034 = tpu.memref_slice %arg2[%dma_wait3A_1032, %dma_wait3A_1033] : memref<10000x128xf32, #tpu.memory_space<hbm>> -> memref<80x128xf32, #tpu.memory_space<hbm>>
        %dma_wait3A_1035 = tpu.memref_slice %arg14[%dma_wait3A_1031] : memref<2x!tpu.dma_semaphore, #tpu.memory_space<semaphore_mem>> -> memref<1x!tpu.dma_semaphore, #tpu.memory_space<semaphore_mem>>
        %dma_wait3A_1036 = tpu.memref_squeeze %dma_wait3A_1035 : memref<1x!tpu.dma_semaphore, #tpu.memory_space<semaphore_mem>> -> memref<!tpu.dma_semaphore, #tpu.memory_space<semaphore_mem>>
        %dma_wait3A_1037 = arith.constant 0 : i32
        %dma_wait3A_1038 = arith.constant 0 : i32
        %dma_wait3A_1039 = tpu.memref_slice %arg2[%dma_wait3A_1037, %dma_wait3A_1038] : memref<10000x128xf32, #tpu.memory_space<hbm>> -> memref<80x128xf32, #tpu.memory_space<hbm>>
        tpu.wait_dma2 semaphore(%dma_wait3A_1036 : memref<!tpu.dma_semaphore, #tpu.memory_space<semaphore_mem>>) src(%dma_wait3A_1039 : memref<80x128xf32, #tpu.memory_space<hbm>>) dst(%arg11 : memref<80x128xf32, #tpu.memory_space<vmem>>)
        %dma_start3A_1040 = arith.constant 5 : i32
        %dma_start3A_1041 = arith.constant 2 : i32
        %dma_start3A_1042 = arith.constant 0 : i32
        %dma_start3A_1043 = tpu.memref_slice %arg8[%dma_start3A_1040, %dma_start3A_1042] : memref<6x80xi32, #tpu.memory_space<vmem>> -> memref<1x80xi32, #tpu.memory_space<vmem>>
        %dma_start3A_1044 = tpu.memref_squeeze %dma_start3A_1043 : memref<1x80xi32, #tpu.memory_space<vmem>> -> memref<80xi32, #tpu.memory_space<vmem>>
        %dma_start3A_1045 = arith.constant 0 : i32
        %dma_start3A_1046 = arith.constant 0 : i32
        %dma_start3A_1047 = tpu.memref_slice %arg12[%dma_start3A_1045, %dma_start3A_1046] : memref<10240x128xf32, #tpu.memory_space<vmem_shared>> -> memref<10240x128xf32, #tpu.memory_space<vmem_shared>>
        %dma_start3A_1048 = tpu.memref_slice %arg15[%dma_start3A_1041] : memref<3x!tpu.dma_semaphore, #tpu.memory_space<semaphore_mem>> -> memref<1x!tpu.dma_semaphore, #tpu.memory_space<semaphore_mem>>
        %dma_start3A_1049 = tpu.memref_squeeze %dma_start3A_1048 : memref<1x!tpu.dma_semaphore, #tpu.memory_space<semaphore_mem>> -> memref<!tpu.dma_semaphore, #tpu.memory_space<semaphore_mem>>
        tpu.enqueue_indirect_dma source(%arg11 : memref<80x128xf32, #tpu.memory_space<vmem>>) target(%dma_start3A_1047 : memref<10240x128xf32, #tpu.memory_space<vmem_shared>>) offsets(%dma_start3A_1044 : memref<80xi32, #tpu.memory_space<vmem>>) semaphore(%dma_start3A_1049 : memref<!tpu.dma_semaphore, #tpu.memory_space<semaphore_mem>>) {add = true}
      } else {
      }
      %add3A_344 = arith.constant 3 : i32
      %add3A_345 = arith.addi %add3A_223, %add3A_344 : i32
      %lt3A_346 = arith.constant 126 : i32
      %lt3A_347 = arith.cmpi slt, %add3A_345, %lt3A_346 : i32
      %convert_element_type3A_348 = arith.extui %lt3A_347 : i1 to i32
      %cond3A_349 = arith.constant 0 : i32
      %cond3A_350 = arith.cmpi ne, %convert_element_type3A_348, %cond3A_349 : i32
      scf.if %cond3A_350 {
        %add3A_1031 = arith.constant 3 : i32
        %add3A_1032 = arith.addi %add3A_223, %add3A_1031 : i32
        %mul3A_1033 = arith.constant 80 : i32
        %mul3A_1034 = arith.muli %add3A_1032, %mul3A_1033 : i32
        %add3A_1035 = arith.addi %mul3A_72, %mul3A_1034 : i32
        %dma_start3A_1036 = arith.constant 3 : i32
        %dma_start3A_1037 = arith.constant 3 : i32
        %dma_start3A_1038 = arith.constant 0 : i32
        %dma_start3A_1039 = tpu.memref_slice %arg7[%dma_start3A_1036, %dma_start3A_1038] : memref<6x80xi32, #tpu.memory_space<vmem>> -> memref<1x80xi32, #tpu.memory_space<vmem>>
        %dma_start3A_1040 = tpu.memref_squeeze %dma_start3A_1039 : memref<1x80xi32, #tpu.memory_space<vmem>> -> memref<80xi32, #tpu.memory_space<vmem>>
        %dma_start3A_1041 = tpu.memref_slice %arg3[%add3A_1035] : memref<322560xi32, #tpu.memory_space<hbm>> -> memref<80xi32, #tpu.memory_space<hbm>>
        %dma_start3A_1042 = tpu.memref_slice %arg13[%dma_start3A_1037] : memref<6x!tpu.dma_semaphore, #tpu.memory_space<semaphore_mem>> -> memref<1x!tpu.dma_semaphore, #tpu.memory_space<semaphore_mem>>
        %dma_start3A_1043 = tpu.memref_squeeze %dma_start3A_1042 : memref<1x!tpu.dma_semaphore, #tpu.memory_space<semaphore_mem>> -> memref<!tpu.dma_semaphore, #tpu.memory_space<semaphore_mem>>
        %dma_start3A_1044 = arith.constant 0 : i32
        %dma_start3A_1045 = tpu.memref_slice %arg7[%dma_start3A_1036, %dma_start3A_1044] : memref<6x80xi32, #tpu.memory_space<vmem>> -> memref<1x80xi32, #tpu.memory_space<vmem>>
        %dma_start3A_1046 = tpu.memref_squeeze %dma_start3A_1045 : memref<1x80xi32, #tpu.memory_space<vmem>> -> memref<80xi32, #tpu.memory_space<vmem>>
        %dma_start3A_1047 = tpu.memref_slice %arg3[%add3A_1035] : memref<322560xi32, #tpu.memory_space<hbm>> -> memref<80xi32, #tpu.memory_space<hbm>>
        tpu.enqueue_dma source(%dma_start3A_1047 : memref<80xi32, #tpu.memory_space<hbm>>) target(%dma_start3A_1046 : memref<80xi32, #tpu.memory_space<vmem>>) target_semaphore(%dma_start3A_1043 : memref<!tpu.dma_semaphore, #tpu.memory_space<semaphore_mem>>)
        %dma_start3A_1048 = arith.constant 3 : i32
        %dma_start3A_1049 = arith.constant 3 : i32
        %dma_start3A_1050 = arith.constant 0 : i32
        %dma_start3A_1051 = tpu.memref_slice %arg8[%dma_start3A_1048, %dma_start3A_1050] : memref<6x80xi32, #tpu.memory_space<vmem>> -> memref<1x80xi32, #tpu.memory_space<vmem>>
        %dma_start3A_1052 = tpu.memref_squeeze %dma_start3A_1051 : memref<1x80xi32, #tpu.memory_space<vmem>> -> memref<80xi32, #tpu.memory_space<vmem>>
        %dma_start3A_1053 = tpu.memref_slice %arg4[%add3A_1035] : memref<322560xi32, #tpu.memory_space<hbm>> -> memref<80xi32, #tpu.memory_space<hbm>>
        %dma_start3A_1054 = tpu.memref_slice %arg13[%dma_start3A_1049] : memref<6x!tpu.dma_semaphore, #tpu.memory_space<semaphore_mem>> -> memref<1x!tpu.dma_semaphore, #tpu.memory_space<semaphore_mem>>
        %dma_start3A_1055 = tpu.memref_squeeze %dma_start3A_1054 : memref<1x!tpu.dma_semaphore, #tpu.memory_space<semaphore_mem>> -> memref<!tpu.dma_semaphore, #tpu.memory_space<semaphore_mem>>
        %dma_start3A_1056 = arith.constant 0 : i32
        %dma_start3A_1057 = tpu.memref_slice %arg8[%dma_start3A_1048, %dma_start3A_1056] : memref<6x80xi32, #tpu.memory_space<vmem>> -> memref<1x80xi32, #tpu.memory_space<vmem>>
        %dma_start3A_1058 = tpu.memref_squeeze %dma_start3A_1057 : memref<1x80xi32, #tpu.memory_space<vmem>> -> memref<80xi32, #tpu.memory_space<vmem>>
        %dma_start3A_1059 = tpu.memref_slice %arg4[%add3A_1035] : memref<322560xi32, #tpu.memory_space<hbm>> -> memref<80xi32, #tpu.memory_space<hbm>>
        tpu.enqueue_dma source(%dma_start3A_1059 : memref<80xi32, #tpu.memory_space<hbm>>) target(%dma_start3A_1058 : memref<80xi32, #tpu.memory_space<vmem>>) target_semaphore(%dma_start3A_1055 : memref<!tpu.dma_semaphore, #tpu.memory_space<semaphore_mem>>)
      } else {
      }
      %mul3A_351 = arith.constant 6 : i32
      %mul3A_352 = arith.muli %scan3A_219, %mul3A_351 : i32
      %add3A_353 = arith.constant 1 : i32
      %add3A_354 = arith.addi %mul3A_352, %add3A_353 : i32
      %mul3A_355 = arith.constant 80 : i32
      %mul3A_356 = arith.muli %add3A_354, %mul3A_355 : i32
      %add3A_357 = arith.addi %mul3A_72, %mul3A_356 : i32
      %dma_wait3A_358 = arith.constant 1 : i32
      %dma_wait3A_359 = arith.constant 1 : i32
      %dma_wait3A_360 = arith.constant 0 : i32
      %dma_wait3A_361 = tpu.memref_slice %arg7[%dma_wait3A_358, %dma_wait3A_360] : memref<6x80xi32, #tpu.memory_space<vmem>> -> memref<1x80xi32, #tpu.memory_space<vmem>>
      %dma_wait3A_362 = tpu.memref_squeeze %dma_wait3A_361 : memref<1x80xi32, #tpu.memory_space<vmem>> -> memref<80xi32, #tpu.memory_space<vmem>>
      %dma_wait3A_363 = tpu.memref_slice %arg3[%add3A_357] : memref<322560xi32, #tpu.memory_space<hbm>> -> memref<80xi32, #tpu.memory_space<hbm>>
      %dma_wait3A_364 = tpu.memref_slice %arg13[%dma_wait3A_359] : memref<6x!tpu.dma_semaphore, #tpu.memory_space<semaphore_mem>> -> memref<1x!tpu.dma_semaphore, #tpu.memory_space<semaphore_mem>>
      %dma_wait3A_365 = tpu.memref_squeeze %dma_wait3A_364 : memref<1x!tpu.dma_semaphore, #tpu.memory_space<semaphore_mem>> -> memref<!tpu.dma_semaphore, #tpu.memory_space<semaphore_mem>>
      %dma_wait3A_366 = arith.constant 0 : i32
      %dma_wait3A_367 = tpu.memref_slice %arg7[%dma_wait3A_358, %dma_wait3A_366] : memref<6x80xi32, #tpu.memory_space<vmem>> -> memref<1x80xi32, #tpu.memory_space<vmem>>
      %dma_wait3A_368 = tpu.memref_squeeze %dma_wait3A_367 : memref<1x80xi32, #tpu.memory_space<vmem>> -> memref<80xi32, #tpu.memory_space<vmem>>
      %dma_wait3A_369 = tpu.memref_slice %arg3[%add3A_357] : memref<322560xi32, #tpu.memory_space<hbm>> -> memref<80xi32, #tpu.memory_space<hbm>>
      tpu.wait_dma2 semaphore(%dma_wait3A_365 : memref<!tpu.dma_semaphore, #tpu.memory_space<semaphore_mem>>) src(%dma_wait3A_369 : memref<80xi32, #tpu.memory_space<hbm>>) dst(%dma_wait3A_368 : memref<80xi32, #tpu.memory_space<vmem>>)
      %mul3A_370 = arith.constant 80 : i32
      %mul3A_371 = arith.muli %add3A_354, %mul3A_370 : i32
      %add3A_372 = arith.addi %mul3A_72, %mul3A_371 : i32
      %dma_wait3A_373 = arith.constant 1 : i32
      %dma_wait3A_374 = arith.constant 1 : i32
      %dma_wait3A_375 = arith.constant 0 : i32
      %dma_wait3A_376 = tpu.memref_slice %arg8[%dma_wait3A_373, %dma_wait3A_375] : memref<6x80xi32, #tpu.memory_space<vmem>> -> memref<1x80xi32, #tpu.memory_space<vmem>>
      %dma_wait3A_377 = tpu.memref_squeeze %dma_wait3A_376 : memref<1x80xi32, #tpu.memory_space<vmem>> -> memref<80xi32, #tpu.memory_space<vmem>>
      %dma_wait3A_378 = tpu.memref_slice %arg4[%add3A_372] : memref<322560xi32, #tpu.memory_space<hbm>> -> memref<80xi32, #tpu.memory_space<hbm>>
      %dma_wait3A_379 = tpu.memref_slice %arg13[%dma_wait3A_374] : memref<6x!tpu.dma_semaphore, #tpu.memory_space<semaphore_mem>> -> memref<1x!tpu.dma_semaphore, #tpu.memory_space<semaphore_mem>>
      %dma_wait3A_380 = tpu.memref_squeeze %dma_wait3A_379 : memref<1x!tpu.dma_semaphore, #tpu.memory_space<semaphore_mem>> -> memref<!tpu.dma_semaphore, #tpu.memory_space<semaphore_mem>>
      %dma_wait3A_381 = arith.constant 0 : i32
      %dma_wait3A_382 = tpu.memref_slice %arg8[%dma_wait3A_373, %dma_wait3A_381] : memref<6x80xi32, #tpu.memory_space<vmem>> -> memref<1x80xi32, #tpu.memory_space<vmem>>
      %dma_wait3A_383 = tpu.memref_squeeze %dma_wait3A_382 : memref<1x80xi32, #tpu.memory_space<vmem>> -> memref<80xi32, #tpu.memory_space<vmem>>
      %dma_wait3A_384 = tpu.memref_slice %arg4[%add3A_372] : memref<322560xi32, #tpu.memory_space<hbm>> -> memref<80xi32, #tpu.memory_space<hbm>>
      tpu.wait_dma2 semaphore(%dma_wait3A_380 : memref<!tpu.dma_semaphore, #tpu.memory_space<semaphore_mem>>) src(%dma_wait3A_384 : memref<80xi32, #tpu.memory_space<hbm>>) dst(%dma_wait3A_383 : memref<80xi32, #tpu.memory_space<vmem>>)
      %ge3A_385 = arith.constant 3 : i32
      %ge3A_386 = arith.cmpi sge, %add3A_354, %ge3A_385 : i32
      %convert_element_type3A_387 = arith.extui %ge3A_386 : i1 to i32
      %cond3A_388 = arith.constant 0 : i32
      %cond3A_389 = arith.cmpi ne, %convert_element_type3A_387, %cond3A_388 : i32
      scf.if %cond3A_389 {
        %dma_wait3A_1031 = arith.constant 1 : i32
        %dma_wait3A_1032 = arith.constant 0 : i32
        %dma_wait3A_1033 = arith.constant 0 : i32
        %dma_wait3A_1034 = tpu.memref_slice %arg2[%dma_wait3A_1032, %dma_wait3A_1033] : memref<10000x128xf32, #tpu.memory_space<hbm>> -> memref<80x128xf32, #tpu.memory_space<hbm>>
        %dma_wait3A_1035 = tpu.memref_slice %arg15[%dma_wait3A_1031] : memref<3x!tpu.dma_semaphore, #tpu.memory_space<semaphore_mem>> -> memref<1x!tpu.dma_semaphore, #tpu.memory_space<semaphore_mem>>
        %dma_wait3A_1036 = tpu.memref_squeeze %dma_wait3A_1035 : memref<1x!tpu.dma_semaphore, #tpu.memory_space<semaphore_mem>> -> memref<!tpu.dma_semaphore, #tpu.memory_space<semaphore_mem>>
        %dma_wait3A_1037 = arith.constant 0 : i32
        %dma_wait3A_1038 = arith.constant 0 : i32
        %dma_wait3A_1039 = tpu.memref_slice %arg2[%dma_wait3A_1037, %dma_wait3A_1038] : memref<10000x128xf32, #tpu.memory_space<hbm>> -> memref<80x128xf32, #tpu.memory_space<hbm>>
        tpu.wait_dma2 semaphore(%dma_wait3A_1036 : memref<!tpu.dma_semaphore, #tpu.memory_space<semaphore_mem>>) src(%dma_wait3A_1039 : memref<80x128xf32, #tpu.memory_space<hbm>>) dst(%arg10 : memref<80x128xf32, #tpu.memory_space<vmem>>)
      } else {
      }
      %dma_start3A_390 = arith.constant 1 : i32
      %dma_start3A_391 = arith.constant 1 : i32
      %dma_start3A_392 = arith.constant 0 : i32
      %dma_start3A_393 = tpu.memref_slice %arg7[%dma_start3A_390, %dma_start3A_392] : memref<6x80xi32, #tpu.memory_space<vmem>> -> memref<1x80xi32, #tpu.memory_space<vmem>>
      %dma_start3A_394 = tpu.memref_squeeze %dma_start3A_393 : memref<1x80xi32, #tpu.memory_space<vmem>> -> memref<80xi32, #tpu.memory_space<vmem>>
      %dma_start3A_395 = arith.constant 0 : i32
      %dma_start3A_396 = arith.constant 0 : i32
      %dma_start3A_397 = tpu.memref_slice %arg2[%dma_start3A_395, %dma_start3A_396] : memref<10000x128xf32, #tpu.memory_space<hbm>> -> memref<10000x128xf32, #tpu.memory_space<hbm>>
      %dma_start3A_398 = tpu.memref_slice %arg14[%dma_start3A_391] : memref<2x!tpu.dma_semaphore, #tpu.memory_space<semaphore_mem>> -> memref<1x!tpu.dma_semaphore, #tpu.memory_space<semaphore_mem>>
      %dma_start3A_399 = tpu.memref_squeeze %dma_start3A_398 : memref<1x!tpu.dma_semaphore, #tpu.memory_space<semaphore_mem>> -> memref<!tpu.dma_semaphore, #tpu.memory_space<semaphore_mem>>
      tpu.enqueue_indirect_dma source(%dma_start3A_397 : memref<10000x128xf32, #tpu.memory_space<hbm>>) target(%arg10 : memref<80x128xf32, #tpu.memory_space<vmem>>) offsets(%dma_start3A_394 : memref<80xi32, #tpu.memory_space<vmem>>) semaphore(%dma_start3A_399 : memref<!tpu.dma_semaphore, #tpu.memory_space<semaphore_mem>>)
      %get3A_400 = arith.constant 1 : i32
      %get3A_401 = arith.index_cast %get3A_400 : i32 to index
      %get3A_402 = arith.constant 0 : index
      %get3A_403 = tpu.vector_load %arg8[%get3A_401, %get3A_402] {strides = array<i32>} : memref<6x80xi32, #tpu.memory_space<vmem>>, vector<16xi32>,
      %broadcast_in_dim3A_404 = arith.constant true
      %broadcast_in_dim3A_405 = vector.broadcast %broadcast_in_dim3A_404 : i1 to vector<16xi1>
      %unique3A_406, %unique3A_407 = tpu.scan_count mask(%broadcast_in_dim3A_405 : vector<16xi1>) value(%get3A_403 : vector<16xi32>) : vector<16xi1>, vector<16xi32>
      %shift_right_logical3A_408 = arith.constant 7 : i32
      %shift_right_logical3A_409 = vector.broadcast %shift_right_logical3A_408 : i32 to vector<16xi32>
      %shift_right_logical3A_410 = arith.shrui %get3A_403, %shift_right_logical3A_409 : vector<16xi32>
      %and3A_411 = arith.constant 127 : i32
      %and3A_412 = vector.broadcast %and3A_411 : i32 to vector<16xi32>
      %and3A_413 = arith.andi %get3A_403, %and3A_412 : vector<16xi32>
      %convert_element_type3A_414 = arith.sitofp %unique3A_407 : vector<16xi32> to vector<16xf32>
      tpu.vector_store_idx %arg16[%shift_right_logical3A_410, %and3A_413], %convert_element_type3A_414 masked %unique3A_406 {add = true} : memref<80x128xf32, #tpu.memory_space<vmem>>[vector<16xi32>, vector<16xi32>], vector<16xf32>, vector<16xi1>
      %get3A_415 = arith.constant 1 : i32
      %get3A_416 = arith.index_cast %get3A_415 : i32 to index
      %get3A_417 = arith.constant 16 : index
      %get3A_418 = tpu.vector_load %arg8[%get3A_416, %get3A_417] {strides = array<i32>} : memref<6x80xi32, #tpu.memory_space<vmem>>, vector<16xi32>,
      %broadcast_in_dim3A_419 = arith.constant true
      %broadcast_in_dim3A_420 = vector.broadcast %broadcast_in_dim3A_419 : i1 to vector<16xi1>
      %unique3A_421, %unique3A_422 = tpu.scan_count mask(%broadcast_in_dim3A_420 : vector<16xi1>) value(%get3A_418 : vector<16xi32>) : vector<16xi1>, vector<16xi32>
      %shift_right_logical3A_423 = arith.constant 7 : i32
      %shift_right_logical3A_424 = vector.broadcast %shift_right_logical3A_423 : i32 to vector<16xi32>
      %shift_right_logical3A_425 = arith.shrui %get3A_418, %shift_right_logical3A_424 : vector<16xi32>
      %and3A_426 = arith.constant 127 : i32
      %and3A_427 = vector.broadcast %and3A_426 : i32 to vector<16xi32>
      %and3A_428 = arith.andi %get3A_418, %and3A_427 : vector<16xi32>
      %convert_element_type3A_429 = arith.sitofp %unique3A_422 : vector<16xi32> to vector<16xf32>
      tpu.vector_store_idx %arg16[%shift_right_logical3A_425, %and3A_428], %convert_element_type3A_429 masked %unique3A_421 {add = true} : memref<80x128xf32, #tpu.memory_space<vmem>>[vector<16xi32>, vector<16xi32>], vector<16xf32>, vector<16xi1>
      %get3A_430 = arith.constant 1 : i32
      %get3A_431 = arith.index_cast %get3A_430 : i32 to index
      %get3A_432 = arith.constant 32 : index
      %get3A_433 = tpu.vector_load %arg8[%get3A_431, %get3A_432] {strides = array<i32>} : memref<6x80xi32, #tpu.memory_space<vmem>>, vector<16xi32>,
      %broadcast_in_dim3A_434 = arith.constant true
      %broadcast_in_dim3A_435 = vector.broadcast %broadcast_in_dim3A_434 : i1 to vector<16xi1>
      %unique3A_436, %unique3A_437 = tpu.scan_count mask(%broadcast_in_dim3A_435 : vector<16xi1>) value(%get3A_433 : vector<16xi32>) : vector<16xi1>, vector<16xi32>
      %shift_right_logical3A_438 = arith.constant 7 : i32
      %shift_right_logical3A_439 = vector.broadcast %shift_right_logical3A_438 : i32 to vector<16xi32>
      %shift_right_logical3A_440 = arith.shrui %get3A_433, %shift_right_logical3A_439 : vector<16xi32>
      %and3A_441 = arith.constant 127 : i32
      %and3A_442 = vector.broadcast %and3A_441 : i32 to vector<16xi32>
      %and3A_443 = arith.andi %get3A_433, %and3A_442 : vector<16xi32>
      %convert_element_type3A_444 = arith.sitofp %unique3A_437 : vector<16xi32> to vector<16xf32>
      tpu.vector_store_idx %arg16[%shift_right_logical3A_440, %and3A_443], %convert_element_type3A_444 masked %unique3A_436 {add = true} : memref<80x128xf32, #tpu.memory_space<vmem>>[vector<16xi32>, vector<16xi32>], vector<16xf32>, vector<16xi1>
      %get3A_445 = arith.constant 1 : i32
      %get3A_446 = arith.index_cast %get3A_445 : i32 to index
      %get3A_447 = arith.constant 48 : index
      %get3A_448 = tpu.vector_load %arg8[%get3A_446, %get3A_447] {strides = array<i32>} : memref<6x80xi32, #tpu.memory_space<vmem>>, vector<16xi32>,
      %broadcast_in_dim3A_449 = arith.constant true
      %broadcast_in_dim3A_450 = vector.broadcast %broadcast_in_dim3A_449 : i1 to vector<16xi1>
      %unique3A_451, %unique3A_452 = tpu.scan_count mask(%broadcast_in_dim3A_450 : vector<16xi1>) value(%get3A_448 : vector<16xi32>) : vector<16xi1>, vector<16xi32>
      %shift_right_logical3A_453 = arith.constant 7 : i32
      %shift_right_logical3A_454 = vector.broadcast %shift_right_logical3A_453 : i32 to vector<16xi32>
      %shift_right_logical3A_455 = arith.shrui %get3A_448, %shift_right_logical3A_454 : vector<16xi32>
      %and3A_456 = arith.constant 127 : i32
      %and3A_457 = vector.broadcast %and3A_456 : i32 to vector<16xi32>
      %and3A_458 = arith.andi %get3A_448, %and3A_457 : vector<16xi32>
      %convert_element_type3A_459 = arith.sitofp %unique3A_452 : vector<16xi32> to vector<16xf32>
      tpu.vector_store_idx %arg16[%shift_right_logical3A_455, %and3A_458], %convert_element_type3A_459 masked %unique3A_451 {add = true} : memref<80x128xf32, #tpu.memory_space<vmem>>[vector<16xi32>, vector<16xi32>], vector<16xf32>, vector<16xi1>
      %get3A_460 = arith.constant 1 : i32
      %get3A_461 = arith.index_cast %get3A_460 : i32 to index
      %get3A_462 = arith.constant 64 : index
      %get3A_463 = tpu.vector_load %arg8[%get3A_461, %get3A_462] {strides = array<i32>} : memref<6x80xi32, #tpu.memory_space<vmem>>, vector<16xi32>,
      %broadcast_in_dim3A_464 = arith.constant true
      %broadcast_in_dim3A_465 = vector.broadcast %broadcast_in_dim3A_464 : i1 to vector<16xi1>
      %unique3A_466, %unique3A_467 = tpu.scan_count mask(%broadcast_in_dim3A_465 : vector<16xi1>) value(%get3A_463 : vector<16xi32>) : vector<16xi1>, vector<16xi32>
      %shift_right_logical3A_468 = arith.constant 7 : i32
      %shift_right_logical3A_469 = vector.broadcast %shift_right_logical3A_468 : i32 to vector<16xi32>
      %shift_right_logical3A_470 = arith.shrui %get3A_463, %shift_right_logical3A_469 : vector<16xi32>
      %and3A_471 = arith.constant 127 : i32
      %and3A_472 = vector.broadcast %and3A_471 : i32 to vector<16xi32>
      %and3A_473 = arith.andi %get3A_463, %and3A_472 : vector<16xi32>
      %convert_element_type3A_474 = arith.sitofp %unique3A_467 : vector<16xi32> to vector<16xf32>
      tpu.vector_store_idx %arg16[%shift_right_logical3A_470, %and3A_473], %convert_element_type3A_474 masked %unique3A_466 {add = true} : memref<80x128xf32, #tpu.memory_space<vmem>>[vector<16xi32>, vector<16xi32>], vector<16xf32>, vector<16xi1>
      %ge3A_475 = arith.constant 1 : i32
      %ge3A_476 = arith.cmpi sge, %add3A_354, %ge3A_475 : i32
      %convert_element_type3A_477 = arith.extui %ge3A_476 : i1 to i32
      %cond3A_478 = arith.constant 0 : i32
      %cond3A_479 = arith.cmpi ne, %convert_element_type3A_477, %cond3A_478 : i32
      scf.if %cond3A_479 {
        %dma_wait3A_1031 = arith.constant 0 : i32
        %dma_wait3A_1032 = arith.constant 0 : i32
        %dma_wait3A_1033 = arith.constant 0 : i32
        %dma_wait3A_1034 = tpu.memref_slice %arg2[%dma_wait3A_1032, %dma_wait3A_1033] : memref<10000x128xf32, #tpu.memory_space<hbm>> -> memref<80x128xf32, #tpu.memory_space<hbm>>
        %dma_wait3A_1035 = tpu.memref_slice %arg14[%dma_wait3A_1031] : memref<2x!tpu.dma_semaphore, #tpu.memory_space<semaphore_mem>> -> memref<1x!tpu.dma_semaphore, #tpu.memory_space<semaphore_mem>>
        %dma_wait3A_1036 = tpu.memref_squeeze %dma_wait3A_1035 : memref<1x!tpu.dma_semaphore, #tpu.memory_space<semaphore_mem>> -> memref<!tpu.dma_semaphore, #tpu.memory_space<semaphore_mem>>
        %dma_wait3A_1037 = arith.constant 0 : i32
        %dma_wait3A_1038 = arith.constant 0 : i32
        %dma_wait3A_1039 = tpu.memref_slice %arg2[%dma_wait3A_1037, %dma_wait3A_1038] : memref<10000x128xf32, #tpu.memory_space<hbm>> -> memref<80x128xf32, #tpu.memory_space<hbm>>
        tpu.wait_dma2 semaphore(%dma_wait3A_1036 : memref<!tpu.dma_semaphore, #tpu.memory_space<semaphore_mem>>) src(%dma_wait3A_1039 : memref<80x128xf32, #tpu.memory_space<hbm>>) dst(%arg9 : memref<80x128xf32, #tpu.memory_space<vmem>>)
        %dma_start3A_1040 = arith.constant 0 : i32
        %dma_start3A_1041 = arith.constant 0 : i32
        %dma_start3A_1042 = arith.constant 0 : i32
        %dma_start3A_1043 = tpu.memref_slice %arg8[%dma_start3A_1040, %dma_start3A_1042] : memref<6x80xi32, #tpu.memory_space<vmem>> -> memref<1x80xi32, #tpu.memory_space<vmem>>
        %dma_start3A_1044 = tpu.memref_squeeze %dma_start3A_1043 : memref<1x80xi32, #tpu.memory_space<vmem>> -> memref<80xi32, #tpu.memory_space<vmem>>
        %dma_start3A_1045 = arith.constant 0 : i32
        %dma_start3A_1046 = arith.constant 0 : i32
        %dma_start3A_1047 = tpu.memref_slice %arg12[%dma_start3A_1045, %dma_start3A_1046] : memref<10240x128xf32, #tpu.memory_space<vmem_shared>> -> memref<10240x128xf32, #tpu.memory_space<vmem_shared>>
        %dma_start3A_1048 = tpu.memref_slice %arg15[%dma_start3A_1041] : memref<3x!tpu.dma_semaphore, #tpu.memory_space<semaphore_mem>> -> memref<1x!tpu.dma_semaphore, #tpu.memory_space<semaphore_mem>>
        %dma_start3A_1049 = tpu.memref_squeeze %dma_start3A_1048 : memref<1x!tpu.dma_semaphore, #tpu.memory_space<semaphore_mem>> -> memref<!tpu.dma_semaphore, #tpu.memory_space<semaphore_mem>>
        tpu.enqueue_indirect_dma source(%arg9 : memref<80x128xf32, #tpu.memory_space<vmem>>) target(%dma_start3A_1047 : memref<10240x128xf32, #tpu.memory_space<vmem_shared>>) offsets(%dma_start3A_1044 : memref<80xi32, #tpu.memory_space<vmem>>) semaphore(%dma_start3A_1049 : memref<!tpu.dma_semaphore, #tpu.memory_space<semaphore_mem>>) {add = true}
      } else {
      }
      %add3A_480 = arith.constant 3 : i32
      %add3A_481 = arith.addi %add3A_354, %add3A_480 : i32
      %lt3A_482 = arith.constant 126 : i32
      %lt3A_483 = arith.cmpi slt, %add3A_481, %lt3A_482 : i32
      %convert_element_type3A_484 = arith.extui %lt3A_483 : i1 to i32
      %cond3A_485 = arith.constant 0 : i32
      %cond3A_486 = arith.cmpi ne, %convert_element_type3A_484, %cond3A_485 : i32
      scf.if %cond3A_486 {
        %add3A_1031 = arith.constant 3 : i32
        %add3A_1032 = arith.addi %add3A_354, %add3A_1031 : i32
        %mul3A_1033 = arith.constant 80 : i32
        %mul3A_1034 = arith.muli %add3A_1032, %mul3A_1033 : i32
        %add3A_1035 = arith.addi %mul3A_72, %mul3A_1034 : i32
        %dma_start3A_1036 = arith.constant 4 : i32
        %dma_start3A_1037 = arith.constant 4 : i32
        %dma_start3A_1038 = arith.constant 0 : i32
        %dma_start3A_1039 = tpu.memref_slice %arg7[%dma_start3A_1036, %dma_start3A_1038] : memref<6x80xi32, #tpu.memory_space<vmem>> -> memref<1x80xi32, #tpu.memory_space<vmem>>
        %dma_start3A_1040 = tpu.memref_squeeze %dma_start3A_1039 : memref<1x80xi32, #tpu.memory_space<vmem>> -> memref<80xi32, #tpu.memory_space<vmem>>
        %dma_start3A_1041 = tpu.memref_slice %arg3[%add3A_1035] : memref<322560xi32, #tpu.memory_space<hbm>> -> memref<80xi32, #tpu.memory_space<hbm>>
        %dma_start3A_1042 = tpu.memref_slice %arg13[%dma_start3A_1037] : memref<6x!tpu.dma_semaphore, #tpu.memory_space<semaphore_mem>> -> memref<1x!tpu.dma_semaphore, #tpu.memory_space<semaphore_mem>>
        %dma_start3A_1043 = tpu.memref_squeeze %dma_start3A_1042 : memref<1x!tpu.dma_semaphore, #tpu.memory_space<semaphore_mem>> -> memref<!tpu.dma_semaphore, #tpu.memory_space<semaphore_mem>>
        %dma_start3A_1044 = arith.constant 0 : i32
        %dma_start3A_1045 = tpu.memref_slice %arg7[%dma_start3A_1036, %dma_start3A_1044] : memref<6x80xi32, #tpu.memory_space<vmem>> -> memref<1x80xi32, #tpu.memory_space<vmem>>
        %dma_start3A_1046 = tpu.memref_squeeze %dma_start3A_1045 : memref<1x80xi32, #tpu.memory_space<vmem>> -> memref<80xi32, #tpu.memory_space<vmem>>
        %dma_start3A_1047 = tpu.memref_slice %arg3[%add3A_1035] : memref<322560xi32, #tpu.memory_space<hbm>> -> memref<80xi32, #tpu.memory_space<hbm>>
        tpu.enqueue_dma source(%dma_start3A_1047 : memref<80xi32, #tpu.memory_space<hbm>>) target(%dma_start3A_1046 : memref<80xi32, #tpu.memory_space<vmem>>) target_semaphore(%dma_start3A_1043 : memref<!tpu.dma_semaphore, #tpu.memory_space<semaphore_mem>>)
        %dma_start3A_1048 = arith.constant 4 : i32
        %dma_start3A_1049 = arith.constant 4 : i32
        %dma_start3A_1050 = arith.constant 0 : i32
        %dma_start3A_1051 = tpu.memref_slice %arg8[%dma_start3A_1048, %dma_start3A_1050] : memref<6x80xi32, #tpu.memory_space<vmem>> -> memref<1x80xi32, #tpu.memory_space<vmem>>
        %dma_start3A_1052 = tpu.memref_squeeze %dma_start3A_1051 : memref<1x80xi32, #tpu.memory_space<vmem>> -> memref<80xi32, #tpu.memory_space<vmem>>
        %dma_start3A_1053 = tpu.memref_slice %arg4[%add3A_1035] : memref<322560xi32, #tpu.memory_space<hbm>> -> memref<80xi32, #tpu.memory_space<hbm>>
        %dma_start3A_1054 = tpu.memref_slice %arg13[%dma_start3A_1049] : memref<6x!tpu.dma_semaphore, #tpu.memory_space<semaphore_mem>> -> memref<1x!tpu.dma_semaphore, #tpu.memory_space<semaphore_mem>>
        %dma_start3A_1055 = tpu.memref_squeeze %dma_start3A_1054 : memref<1x!tpu.dma_semaphore, #tpu.memory_space<semaphore_mem>> -> memref<!tpu.dma_semaphore, #tpu.memory_space<semaphore_mem>>
        %dma_start3A_1056 = arith.constant 0 : i32
        %dma_start3A_1057 = tpu.memref_slice %arg8[%dma_start3A_1048, %dma_start3A_1056] : memref<6x80xi32, #tpu.memory_space<vmem>> -> memref<1x80xi32, #tpu.memory_space<vmem>>
        %dma_start3A_1058 = tpu.memref_squeeze %dma_start3A_1057 : memref<1x80xi32, #tpu.memory_space<vmem>> -> memref<80xi32, #tpu.memory_space<vmem>>
        %dma_start3A_1059 = tpu.memref_slice %arg4[%add3A_1035] : memref<322560xi32, #tpu.memory_space<hbm>> -> memref<80xi32, #tpu.memory_space<hbm>>
        tpu.enqueue_dma source(%dma_start3A_1059 : memref<80xi32, #tpu.memory_space<hbm>>) target(%dma_start3A_1058 : memref<80xi32, #tpu.memory_space<vmem>>) target_semaphore(%dma_start3A_1055 : memref<!tpu.dma_semaphore, #tpu.memory_space<semaphore_mem>>)
      } else {
      }
      %mul3A_487 = arith.constant 6 : i32
      %mul3A_488 = arith.muli %scan3A_219, %mul3A_487 : i32
      %add3A_489 = arith.constant 2 : i32
      %add3A_490 = arith.addi %mul3A_488, %add3A_489 : i32
      %mul3A_491 = arith.constant 80 : i32
      %mul3A_492 = arith.muli %add3A_490, %mul3A_491 : i32
      %add3A_493 = arith.addi %mul3A_72, %mul3A_492 : i32
      %dma_wait3A_494 = arith.constant 2 : i32
      %dma_wait3A_495 = arith.constant 2 : i32
      %dma_wait3A_496 = arith.constant 0 : i32
      %dma_wait3A_497 = tpu.memref_slice %arg7[%dma_wait3A_494, %dma_wait3A_496] : memref<6x80xi32, #tpu.memory_space<vmem>> -> memref<1x80xi32, #tpu.memory_space<vmem>>
      %dma_wait3A_498 = tpu.memref_squeeze %dma_wait3A_497 : memref<1x80xi32, #tpu.memory_space<vmem>> -> memref<80xi32, #tpu.memory_space<vmem>>
      %dma_wait3A_499 = tpu.memref_slice %arg3[%add3A_493] : memref<322560xi32, #tpu.memory_space<hbm>> -> memref<80xi32, #tpu.memory_space<hbm>>
      %dma_wait3A_500 = tpu.memref_slice %arg13[%dma_wait3A_495] : memref<6x!tpu.dma_semaphore, #tpu.memory_space<semaphore_mem>> -> memref<1x!tpu.dma_semaphore, #tpu.memory_space<semaphore_mem>>
      %dma_wait3A_501 = tpu.memref_squeeze %dma_wait3A_500 : memref<1x!tpu.dma_semaphore, #tpu.memory_space<semaphore_mem>> -> memref<!tpu.dma_semaphore, #tpu.memory_space<semaphore_mem>>
      %dma_wait3A_502 = arith.constant 0 : i32
      %dma_wait3A_503 = tpu.memref_slice %arg7[%dma_wait3A_494, %dma_wait3A_502] : memref<6x80xi32, #tpu.memory_space<vmem>> -> memref<1x80xi32, #tpu.memory_space<vmem>>
      %dma_wait3A_504 = tpu.memref_squeeze %dma_wait3A_503 : memref<1x80xi32, #tpu.memory_space<vmem>> -> memref<80xi32, #tpu.memory_space<vmem>>
      %dma_wait3A_505 = tpu.memref_slice %arg3[%add3A_493] : memref<322560xi32, #tpu.memory_space<hbm>> -> memref<80xi32, #tpu.memory_space<hbm>>
      tpu.wait_dma2 semaphore(%dma_wait3A_501 : memref<!tpu.dma_semaphore, #tpu.memory_space<semaphore_mem>>) src(%dma_wait3A_505 : memref<80xi32, #tpu.memory_space<hbm>>) dst(%dma_wait3A_504 : memref<80xi32, #tpu.memory_space<vmem>>)
      %mul3A_506 = arith.constant 80 : i32
      %mul3A_507 = arith.muli %add3A_490, %mul3A_506 : i32
      %add3A_508 = arith.addi %mul3A_72, %mul3A_507 : i32
      %dma_wait3A_509 = arith.constant 2 : i32
      %dma_wait3A_510 = arith.constant 2 : i32
      %dma_wait3A_511 = arith.constant 0 : i32
      %dma_wait3A_512 = tpu.memref_slice %arg8[%dma_wait3A_509, %dma_wait3A_511] : memref<6x80xi32, #tpu.memory_space<vmem>> -> memref<1x80xi32, #tpu.memory_space<vmem>>
      %dma_wait3A_513 = tpu.memref_squeeze %dma_wait3A_512 : memref<1x80xi32, #tpu.memory_space<vmem>> -> memref<80xi32, #tpu.memory_space<vmem>>
      %dma_wait3A_514 = tpu.memref_slice %arg4[%add3A_508] : memref<322560xi32, #tpu.memory_space<hbm>> -> memref<80xi32, #tpu.memory_space<hbm>>
      %dma_wait3A_515 = tpu.memref_slice %arg13[%dma_wait3A_510] : memref<6x!tpu.dma_semaphore, #tpu.memory_space<semaphore_mem>> -> memref<1x!tpu.dma_semaphore, #tpu.memory_space<semaphore_mem>>
      %dma_wait3A_516 = tpu.memref_squeeze %dma_wait3A_515 : memref<1x!tpu.dma_semaphore, #tpu.memory_space<semaphore_mem>> -> memref<!tpu.dma_semaphore, #tpu.memory_space<semaphore_mem>>
      %dma_wait3A_517 = arith.constant 0 : i32
      %dma_wait3A_518 = tpu.memref_slice %arg8[%dma_wait3A_509, %dma_wait3A_517] : memref<6x80xi32, #tpu.memory_space<vmem>> -> memref<1x80xi32, #tpu.memory_space<vmem>>
      %dma_wait3A_519 = tpu.memref_squeeze %dma_wait3A_518 : memref<1x80xi32, #tpu.memory_space<vmem>> -> memref<80xi32, #tpu.memory_space<vmem>>
      %dma_wait3A_520 = tpu.memref_slice %arg4[%add3A_508] : memref<322560xi32, #tpu.memory_space<hbm>> -> memref<80xi32, #tpu.memory_space<hbm>>
      tpu.wait_dma2 semaphore(%dma_wait3A_516 : memref<!tpu.dma_semaphore, #tpu.memory_space<semaphore_mem>>) src(%dma_wait3A_520 : memref<80xi32, #tpu.memory_space<hbm>>) dst(%dma_wait3A_519 : memref<80xi32, #tpu.memory_space<vmem>>)
      %ge3A_521 = arith.constant 3 : i32
      %ge3A_522 = arith.cmpi sge, %add3A_490, %ge3A_521 : i32
      %convert_element_type3A_523 = arith.extui %ge3A_522 : i1 to i32
      %cond3A_524 = arith.constant 0 : i32
      %cond3A_525 = arith.cmpi ne, %convert_element_type3A_523, %cond3A_524 : i32
      scf.if %cond3A_525 {
        %dma_wait3A_1031 = arith.constant 2 : i32
        %dma_wait3A_1032 = arith.constant 0 : i32
        %dma_wait3A_1033 = arith.constant 0 : i32
        %dma_wait3A_1034 = tpu.memref_slice %arg2[%dma_wait3A_1032, %dma_wait3A_1033] : memref<10000x128xf32, #tpu.memory_space<hbm>> -> memref<80x128xf32, #tpu.memory_space<hbm>>
        %dma_wait3A_1035 = tpu.memref_slice %arg15[%dma_wait3A_1031] : memref<3x!tpu.dma_semaphore, #tpu.memory_space<semaphore_mem>> -> memref<1x!tpu.dma_semaphore, #tpu.memory_space<semaphore_mem>>
        %dma_wait3A_1036 = tpu.memref_squeeze %dma_wait3A_1035 : memref<1x!tpu.dma_semaphore, #tpu.memory_space<semaphore_mem>> -> memref<!tpu.dma_semaphore, #tpu.memory_space<semaphore_mem>>
        %dma_wait3A_1037 = arith.constant 0 : i32
        %dma_wait3A_1038 = arith.constant 0 : i32
        %dma_wait3A_1039 = tpu.memref_slice %arg2[%dma_wait3A_1037, %dma_wait3A_1038] : memref<10000x128xf32, #tpu.memory_space<hbm>> -> memref<80x128xf32, #tpu.memory_space<hbm>>
        tpu.wait_dma2 semaphore(%dma_wait3A_1036 : memref<!tpu.dma_semaphore, #tpu.memory_space<semaphore_mem>>) src(%dma_wait3A_1039 : memref<80x128xf32, #tpu.memory_space<hbm>>) dst(%arg11 : memref<80x128xf32, #tpu.memory_space<vmem>>)
      } else {
      }
      %dma_start3A_526 = arith.constant 2 : i32
      %dma_start3A_527 = arith.constant 0 : i32
      %dma_start3A_528 = arith.constant 0 : i32
      %dma_start3A_529 = tpu.memref_slice %arg7[%dma_start3A_526, %dma_start3A_528] : memref<6x80xi32, #tpu.memory_space<vmem>> -> memref<1x80xi32, #tpu.memory_space<vmem>>
      %dma_start3A_530 = tpu.memref_squeeze %dma_start3A_529 : memref<1x80xi32, #tpu.memory_space<vmem>> -> memref<80xi32, #tpu.memory_space<vmem>>
      %dma_start3A_531 = arith.constant 0 : i32
      %dma_start3A_532 = arith.constant 0 : i32
      %dma_start3A_533 = tpu.memref_slice %arg2[%dma_start3A_531, %dma_start3A_532] : memref<10000x128xf32, #tpu.memory_space<hbm>> -> memref<10000x128xf32, #tpu.memory_space<hbm>>
      %dma_start3A_534 = tpu.memref_slice %arg14[%dma_start3A_527] : memref<2x!tpu.dma_semaphore, #tpu.memory_space<semaphore_mem>> -> memref<1x!tpu.dma_semaphore, #tpu.memory_space<semaphore_mem>>
      %dma_start3A_535 = tpu.memref_squeeze %dma_start3A_534 : memref<1x!tpu.dma_semaphore, #tpu.memory_space<semaphore_mem>> -> memref<!tpu.dma_semaphore, #tpu.memory_space<semaphore_mem>>
      tpu.enqueue_indirect_dma source(%dma_start3A_533 : memref<10000x128xf32, #tpu.memory_space<hbm>>) target(%arg11 : memref<80x128xf32, #tpu.memory_space<vmem>>) offsets(%dma_start3A_530 : memref<80xi32, #tpu.memory_space<vmem>>) semaphore(%dma_start3A_535 : memref<!tpu.dma_semaphore, #tpu.memory_space<semaphore_mem>>)
      %get3A_536 = arith.constant 2 : i32
      %get3A_537 = arith.index_cast %get3A_536 : i32 to index
      %get3A_538 = arith.constant 0 : index
      %get3A_539 = tpu.vector_load %arg8[%get3A_537, %get3A_538] {strides = array<i32>} : memref<6x80xi32, #tpu.memory_space<vmem>>, vector<16xi32>,
      %broadcast_in_dim3A_540 = arith.constant true
      %broadcast_in_dim3A_541 = vector.broadcast %broadcast_in_dim3A_540 : i1 to vector<16xi1>
      %unique3A_542, %unique3A_543 = tpu.scan_count mask(%broadcast_in_dim3A_541 : vector<16xi1>) value(%get3A_539 : vector<16xi32>) : vector<16xi1>, vector<16xi32>
      %shift_right_logical3A_544 = arith.constant 7 : i32
      %shift_right_logical3A_545 = vector.broadcast %shift_right_logical3A_544 : i32 to vector<16xi32>
      %shift_right_logical3A_546 = arith.shrui %get3A_539, %shift_right_logical3A_545 : vector<16xi32>
      %and3A_547 = arith.constant 127 : i32
      %and3A_548 = vector.broadcast %and3A_547 : i32 to vector<16xi32>
      %and3A_549 = arith.andi %get3A_539, %and3A_548 : vector<16xi32>
      %convert_element_type3A_550 = arith.sitofp %unique3A_543 : vector<16xi32> to vector<16xf32>
      tpu.vector_store_idx %arg16[%shift_right_logical3A_546, %and3A_549], %convert_element_type3A_550 masked %unique3A_542 {add = true} : memref<80x128xf32, #tpu.memory_space<vmem>>[vector<16xi32>, vector<16xi32>], vector<16xf32>, vector<16xi1>
      %get3A_551 = arith.constant 2 : i32
      %get3A_552 = arith.index_cast %get3A_551 : i32 to index
      %get3A_553 = arith.constant 16 : index
      %get3A_554 = tpu.vector_load %arg8[%get3A_552, %get3A_553] {strides = array<i32>} : memref<6x80xi32, #tpu.memory_space<vmem>>, vector<16xi32>,
      %broadcast_in_dim3A_555 = arith.constant true
      %broadcast_in_dim3A_556 = vector.broadcast %broadcast_in_dim3A_555 : i1 to vector<16xi1>
      %unique3A_557, %unique3A_558 = tpu.scan_count mask(%broadcast_in_dim3A_556 : vector<16xi1>) value(%get3A_554 : vector<16xi32>) : vector<16xi1>, vector<16xi32>
      %shift_right_logical3A_559 = arith.constant 7 : i32
      %shift_right_logical3A_560 = vector.broadcast %shift_right_logical3A_559 : i32 to vector<16xi32>
      %shift_right_logical3A_561 = arith.shrui %get3A_554, %shift_right_logical3A_560 : vector<16xi32>
      %and3A_562 = arith.constant 127 : i32
      %and3A_563 = vector.broadcast %and3A_562 : i32 to vector<16xi32>
      %and3A_564 = arith.andi %get3A_554, %and3A_563 : vector<16xi32>
      %convert_element_type3A_565 = arith.sitofp %unique3A_558 : vector<16xi32> to vector<16xf32>
      tpu.vector_store_idx %arg16[%shift_right_logical3A_561, %and3A_564], %convert_element_type3A_565 masked %unique3A_557 {add = true} : memref<80x128xf32, #tpu.memory_space<vmem>>[vector<16xi32>, vector<16xi32>], vector<16xf32>, vector<16xi1>
      %get3A_566 = arith.constant 2 : i32
      %get3A_567 = arith.index_cast %get3A_566 : i32 to index
      %get3A_568 = arith.constant 32 : index
      %get3A_569 = tpu.vector_load %arg8[%get3A_567, %get3A_568] {strides = array<i32>} : memref<6x80xi32, #tpu.memory_space<vmem>>, vector<16xi32>,
      %broadcast_in_dim3A_570 = arith.constant true
      %broadcast_in_dim3A_571 = vector.broadcast %broadcast_in_dim3A_570 : i1 to vector<16xi1>
      %unique3A_572, %unique3A_573 = tpu.scan_count mask(%broadcast_in_dim3A_571 : vector<16xi1>) value(%get3A_569 : vector<16xi32>) : vector<16xi1>, vector<16xi32>
      %shift_right_logical3A_574 = arith.constant 7 : i32
      %shift_right_logical3A_575 = vector.broadcast %shift_right_logical3A_574 : i32 to vector<16xi32>
      %shift_right_logical3A_576 = arith.shrui %get3A_569, %shift_right_logical3A_575 : vector<16xi32>
      %and3A_577 = arith.constant 127 : i32
      %and3A_578 = vector.broadcast %and3A_577 : i32 to vector<16xi32>
      %and3A_579 = arith.andi %get3A_569, %and3A_578 : vector<16xi32>
      %convert_element_type3A_580 = arith.sitofp %unique3A_573 : vector<16xi32> to vector<16xf32>
      tpu.vector_store_idx %arg16[%shift_right_logical3A_576, %and3A_579], %convert_element_type3A_580 masked %unique3A_572 {add = true} : memref<80x128xf32, #tpu.memory_space<vmem>>[vector<16xi32>, vector<16xi32>], vector<16xf32>, vector<16xi1>
      %get3A_581 = arith.constant 2 : i32
      %get3A_582 = arith.index_cast %get3A_581 : i32 to index
      %get3A_583 = arith.constant 48 : index
      %get3A_584 = tpu.vector_load %arg8[%get3A_582, %get3A_583] {strides = array<i32>} : memref<6x80xi32, #tpu.memory_space<vmem>>, vector<16xi32>,
      %broadcast_in_dim3A_585 = arith.constant true
      %broadcast_in_dim3A_586 = vector.broadcast %broadcast_in_dim3A_585 : i1 to vector<16xi1>
      %unique3A_587, %unique3A_588 = tpu.scan_count mask(%broadcast_in_dim3A_586 : vector<16xi1>) value(%get3A_584 : vector<16xi32>) : vector<16xi1>, vector<16xi32>
      %shift_right_logical3A_589 = arith.constant 7 : i32
      %shift_right_logical3A_590 = vector.broadcast %shift_right_logical3A_589 : i32 to vector<16xi32>
      %shift_right_logical3A_591 = arith.shrui %get3A_584, %shift_right_logical3A_590 : vector<16xi32>
      %and3A_592 = arith.constant 127 : i32
      %and3A_593 = vector.broadcast %and3A_592 : i32 to vector<16xi32>
      %and3A_594 = arith.andi %get3A_584, %and3A_593 : vector<16xi32>
      %convert_element_type3A_595 = arith.sitofp %unique3A_588 : vector<16xi32> to vector<16xf32>
      tpu.vector_store_idx %arg16[%shift_right_logical3A_591, %and3A_594], %convert_element_type3A_595 masked %unique3A_587 {add = true} : memref<80x128xf32, #tpu.memory_space<vmem>>[vector<16xi32>, vector<16xi32>], vector<16xf32>, vector<16xi1>
      %get3A_596 = arith.constant 2 : i32
      %get3A_597 = arith.index_cast %get3A_596 : i32 to index
      %get3A_598 = arith.constant 64 : index
      %get3A_599 = tpu.vector_load %arg8[%get3A_597, %get3A_598] {strides = array<i32>} : memref<6x80xi32, #tpu.memory_space<vmem>>, vector<16xi32>,
      %broadcast_in_dim3A_600 = arith.constant true
      %broadcast_in_dim3A_601 = vector.broadcast %broadcast_in_dim3A_600 : i1 to vector<16xi1>
      %unique3A_602, %unique3A_603 = tpu.scan_count mask(%broadcast_in_dim3A_601 : vector<16xi1>) value(%get3A_599 : vector<16xi32>) : vector<16xi1>, vector<16xi32>
      %shift_right_logical3A_604 = arith.constant 7 : i32
      %shift_right_logical3A_605 = vector.broadcast %shift_right_logical3A_604 : i32 to vector<16xi32>
      %shift_right_logical3A_606 = arith.shrui %get3A_599, %shift_right_logical3A_605 : vector<16xi32>
      %and3A_607 = arith.constant 127 : i32
      %and3A_608 = vector.broadcast %and3A_607 : i32 to vector<16xi32>
      %and3A_609 = arith.andi %get3A_599, %and3A_608 : vector<16xi32>
      %convert_element_type3A_610 = arith.sitofp %unique3A_603 : vector<16xi32> to vector<16xf32>
      tpu.vector_store_idx %arg16[%shift_right_logical3A_606, %and3A_609], %convert_element_type3A_610 masked %unique3A_602 {add = true} : memref<80x128xf32, #tpu.memory_space<vmem>>[vector<16xi32>, vector<16xi32>], vector<16xf32>, vector<16xi1>
      %ge3A_611 = arith.constant 1 : i32
      %ge3A_612 = arith.cmpi sge, %add3A_490, %ge3A_611 : i32
      %convert_element_type3A_613 = arith.extui %ge3A_612 : i1 to i32
      %cond3A_614 = arith.constant 0 : i32
      %cond3A_615 = arith.cmpi ne, %convert_element_type3A_613, %cond3A_614 : i32
      scf.if %cond3A_615 {
        %dma_wait3A_1031 = arith.constant 1 : i32
        %dma_wait3A_1032 = arith.constant 0 : i32
        %dma_wait3A_1033 = arith.constant 0 : i32
        %dma_wait3A_1034 = tpu.memref_slice %arg2[%dma_wait3A_1032, %dma_wait3A_1033] : memref<10000x128xf32, #tpu.memory_space<hbm>> -> memref<80x128xf32, #tpu.memory_space<hbm>>
        %dma_wait3A_1035 = tpu.memref_slice %arg14[%dma_wait3A_1031] : memref<2x!tpu.dma_semaphore, #tpu.memory_space<semaphore_mem>> -> memref<1x!tpu.dma_semaphore, #tpu.memory_space<semaphore_mem>>
        %dma_wait3A_1036 = tpu.memref_squeeze %dma_wait3A_1035 : memref<1x!tpu.dma_semaphore, #tpu.memory_space<semaphore_mem>> -> memref<!tpu.dma_semaphore, #tpu.memory_space<semaphore_mem>>
        %dma_wait3A_1037 = arith.constant 0 : i32
        %dma_wait3A_1038 = arith.constant 0 : i32
        %dma_wait3A_1039 = tpu.memref_slice %arg2[%dma_wait3A_1037, %dma_wait3A_1038] : memref<10000x128xf32, #tpu.memory_space<hbm>> -> memref<80x128xf32, #tpu.memory_space<hbm>>
        tpu.wait_dma2 semaphore(%dma_wait3A_1036 : memref<!tpu.dma_semaphore, #tpu.memory_space<semaphore_mem>>) src(%dma_wait3A_1039 : memref<80x128xf32, #tpu.memory_space<hbm>>) dst(%arg10 : memref<80x128xf32, #tpu.memory_space<vmem>>)
        %dma_start3A_1040 = arith.constant 1 : i32
        %dma_start3A_1041 = arith.constant 1 : i32
        %dma_start3A_1042 = arith.constant 0 : i32
        %dma_start3A_1043 = tpu.memref_slice %arg8[%dma_start3A_1040, %dma_start3A_1042] : memref<6x80xi32, #tpu.memory_space<vmem>> -> memref<1x80xi32, #tpu.memory_space<vmem>>
        %dma_start3A_1044 = tpu.memref_squeeze %dma_start3A_1043 : memref<1x80xi32, #tpu.memory_space<vmem>> -> memref<80xi32, #tpu.memory_space<vmem>>
        %dma_start3A_1045 = arith.constant 0 : i32
        %dma_start3A_1046 = arith.constant 0 : i32
        %dma_start3A_1047 = tpu.memref_slice %arg12[%dma_start3A_1045, %dma_start3A_1046] : memref<10240x128xf32, #tpu.memory_space<vmem_shared>> -> memref<10240x128xf32, #tpu.memory_space<vmem_shared>>
        %dma_start3A_1048 = tpu.memref_slice %arg15[%dma_start3A_1041] : memref<3x!tpu.dma_semaphore, #tpu.memory_space<semaphore_mem>> -> memref<1x!tpu.dma_semaphore, #tpu.memory_space<semaphore_mem>>
        %dma_start3A_1049 = tpu.memref_squeeze %dma_start3A_1048 : memref<1x!tpu.dma_semaphore, #tpu.memory_space<semaphore_mem>> -> memref<!tpu.dma_semaphore, #tpu.memory_space<semaphore_mem>>
        tpu.enqueue_indirect_dma source(%arg10 : memref<80x128xf32, #tpu.memory_space<vmem>>) target(%dma_start3A_1047 : memref<10240x128xf32, #tpu.memory_space<vmem_shared>>) offsets(%dma_start3A_1044 : memref<80xi32, #tpu.memory_space<vmem>>) semaphore(%dma_start3A_1049 : memref<!tpu.dma_semaphore, #tpu.memory_space<semaphore_mem>>) {add = true}
      } else {
      }
      %add3A_616 = arith.constant 3 : i32
      %add3A_617 = arith.addi %add3A_490, %add3A_616 : i32
      %lt3A_618 = arith.constant 126 : i32
      %lt3A_619 = arith.cmpi slt, %add3A_617, %lt3A_618 : i32
      %convert_element_type3A_620 = arith.extui %lt3A_619 : i1 to i32
      %cond3A_621 = arith.constant 0 : i32
      %cond3A_622 = arith.cmpi ne, %convert_element_type3A_620, %cond3A_621 : i32
      scf.if %cond3A_622 {
        %add3A_1031 = arith.constant 3 : i32
        %add3A_1032 = arith.addi %add3A_490, %add3A_1031 : i32
        %mul3A_1033 = arith.constant 80 : i32
        %mul3A_1034 = arith.muli %add3A_1032, %mul3A_1033 : i32
        %add3A_1035 = arith.addi %mul3A_72, %mul3A_1034 : i32
        %dma_start3A_1036 = arith.constant 5 : i32
        %dma_start3A_1037 = arith.constant 5 : i32
        %dma_start3A_1038 = arith.constant 0 : i32
        %dma_start3A_1039 = tpu.memref_slice %arg7[%dma_start3A_1036, %dma_start3A_1038] : memref<6x80xi32, #tpu.memory_space<vmem>> -> memref<1x80xi32, #tpu.memory_space<vmem>>
        %dma_start3A_1040 = tpu.memref_squeeze %dma_start3A_1039 : memref<1x80xi32, #tpu.memory_space<vmem>> -> memref<80xi32, #tpu.memory_space<vmem>>
        %dma_start3A_1041 = tpu.memref_slice %arg3[%add3A_1035] : memref<322560xi32, #tpu.memory_space<hbm>> -> memref<80xi32, #tpu.memory_space<hbm>>
        %dma_start3A_1042 = tpu.memref_slice %arg13[%dma_start3A_1037] : memref<6x!tpu.dma_semaphore, #tpu.memory_space<semaphore_mem>> -> memref<1x!tpu.dma_semaphore, #tpu.memory_space<semaphore_mem>>
        %dma_start3A_1043 = tpu.memref_squeeze %dma_start3A_1042 : memref<1x!tpu.dma_semaphore, #tpu.memory_space<semaphore_mem>> -> memref<!tpu.dma_semaphore, #tpu.memory_space<semaphore_mem>>
        %dma_start3A_1044 = arith.constant 0 : i32
        %dma_start3A_1045 = tpu.memref_slice %arg7[%dma_start3A_1036, %dma_start3A_1044] : memref<6x80xi32, #tpu.memory_space<vmem>> -> memref<1x80xi32, #tpu.memory_space<vmem>>
        %dma_start3A_1046 = tpu.memref_squeeze %dma_start3A_1045 : memref<1x80xi32, #tpu.memory_space<vmem>> -> memref<80xi32, #tpu.memory_space<vmem>>
        %dma_start3A_1047 = tpu.memref_slice %arg3[%add3A_1035] : memref<322560xi32, #tpu.memory_space<hbm>> -> memref<80xi32, #tpu.memory_space<hbm>>
        tpu.enqueue_dma source(%dma_start3A_1047 : memref<80xi32, #tpu.memory_space<hbm>>) target(%dma_start3A_1046 : memref<80xi32, #tpu.memory_space<vmem>>) target_semaphore(%dma_start3A_1043 : memref<!tpu.dma_semaphore, #tpu.memory_space<semaphore_mem>>)
        %dma_start3A_1048 = arith.constant 5 : i32
        %dma_start3A_1049 = arith.constant 5 : i32
        %dma_start3A_1050 = arith.constant 0 : i32
        %dma_start3A_1051 = tpu.memref_slice %arg8[%dma_start3A_1048, %dma_start3A_1050] : memref<6x80xi32, #tpu.memory_space<vmem>> -> memref<1x80xi32, #tpu.memory_space<vmem>>
        %dma_start3A_1052 = tpu.memref_squeeze %dma_start3A_1051 : memref<1x80xi32, #tpu.memory_space<vmem>> -> memref<80xi32, #tpu.memory_space<vmem>>
        %dma_start3A_1053 = tpu.memref_slice %arg4[%add3A_1035] : memref<322560xi32, #tpu.memory_space<hbm>> -> memref<80xi32, #tpu.memory_space<hbm>>
        %dma_start3A_1054 = tpu.memref_slice %arg13[%dma_start3A_1049] : memref<6x!tpu.dma_semaphore, #tpu.memory_space<semaphore_mem>> -> memref<1x!tpu.dma_semaphore, #tpu.memory_space<semaphore_mem>>
        %dma_start3A_1055 = tpu.memref_squeeze %dma_start3A_1054 : memref<1x!tpu.dma_semaphore, #tpu.memory_space<semaphore_mem>> -> memref<!tpu.dma_semaphore, #tpu.memory_space<semaphore_mem>>
        %dma_start3A_1056 = arith.constant 0 : i32
        %dma_start3A_1057 = tpu.memref_slice %arg8[%dma_start3A_1048, %dma_start3A_1056] : memref<6x80xi32, #tpu.memory_space<vmem>> -> memref<1x80xi32, #tpu.memory_space<vmem>>
        %dma_start3A_1058 = tpu.memref_squeeze %dma_start3A_1057 : memref<1x80xi32, #tpu.memory_space<vmem>> -> memref<80xi32, #tpu.memory_space<vmem>>
        %dma_start3A_1059 = tpu.memref_slice %arg4[%add3A_1035] : memref<322560xi32, #tpu.memory_space<hbm>> -> memref<80xi32, #tpu.memory_space<hbm>>
        tpu.enqueue_dma source(%dma_start3A_1059 : memref<80xi32, #tpu.memory_space<hbm>>) target(%dma_start3A_1058 : memref<80xi32, #tpu.memory_space<vmem>>) target_semaphore(%dma_start3A_1055 : memref<!tpu.dma_semaphore, #tpu.memory_space<semaphore_mem>>)
      } else {
      }
      %mul3A_623 = arith.constant 6 : i32
      %mul3A_624 = arith.muli %scan3A_219, %mul3A_623 : i32
      %add3A_625 = arith.constant 3 : i32
      %add3A_626 = arith.addi %mul3A_624, %add3A_625 : i32
      %mul3A_627 = arith.constant 80 : i32
      %mul3A_628 = arith.muli %add3A_626, %mul3A_627 : i32
      %add3A_629 = arith.addi %mul3A_72, %mul3A_628 : i32
      %dma_wait3A_630 = arith.constant 3 : i32
      %dma_wait3A_631 = arith.constant 3 : i32
      %dma_wait3A_632 = arith.constant 0 : i32
      %dma_wait3A_633 = tpu.memref_slice %arg7[%dma_wait3A_630, %dma_wait3A_632] : memref<6x80xi32, #tpu.memory_space<vmem>> -> memref<1x80xi32, #tpu.memory_space<vmem>>
      %dma_wait3A_634 = tpu.memref_squeeze %dma_wait3A_633 : memref<1x80xi32, #tpu.memory_space<vmem>> -> memref<80xi32, #tpu.memory_space<vmem>>
      %dma_wait3A_635 = tpu.memref_slice %arg3[%add3A_629] : memref<322560xi32, #tpu.memory_space<hbm>> -> memref<80xi32, #tpu.memory_space<hbm>>
      %dma_wait3A_636 = tpu.memref_slice %arg13[%dma_wait3A_631] : memref<6x!tpu.dma_semaphore, #tpu.memory_space<semaphore_mem>> -> memref<1x!tpu.dma_semaphore, #tpu.memory_space<semaphore_mem>>
      %dma_wait3A_637 = tpu.memref_squeeze %dma_wait3A_636 : memref<1x!tpu.dma_semaphore, #tpu.memory_space<semaphore_mem>> -> memref<!tpu.dma_semaphore, #tpu.memory_space<semaphore_mem>>
      %dma_wait3A_638 = arith.constant 0 : i32
      %dma_wait3A_639 = tpu.memref_slice %arg7[%dma_wait3A_630, %dma_wait3A_638] : memref<6x80xi32, #tpu.memory_space<vmem>> -> memref<1x80xi32, #tpu.memory_space<vmem>>
      %dma_wait3A_640 = tpu.memref_squeeze %dma_wait3A_639 : memref<1x80xi32, #tpu.memory_space<vmem>> -> memref<80xi32, #tpu.memory_space<vmem>>
      %dma_wait3A_641 = tpu.memref_slice %arg3[%add3A_629] : memref<322560xi32, #tpu.memory_space<hbm>> -> memref<80xi32, #tpu.memory_space<hbm>>
      tpu.wait_dma2 semaphore(%dma_wait3A_637 : memref<!tpu.dma_semaphore, #tpu.memory_space<semaphore_mem>>) src(%dma_wait3A_641 : memref<80xi32, #tpu.memory_space<hbm>>) dst(%dma_wait3A_640 : memref<80xi32, #tpu.memory_space<vmem>>)
      %mul3A_642 = arith.constant 80 : i32
      %mul3A_643 = arith.muli %add3A_626, %mul3A_642 : i32
      %add3A_644 = arith.addi %mul3A_72, %mul3A_643 : i32
      %dma_wait3A_645 = arith.constant 3 : i32
      %dma_wait3A_646 = arith.constant 3 : i32
      %dma_wait3A_647 = arith.constant 0 : i32
      %dma_wait3A_648 = tpu.memref_slice %arg8[%dma_wait3A_645, %dma_wait3A_647] : memref<6x80xi32, #tpu.memory_space<vmem>> -> memref<1x80xi32, #tpu.memory_space<vmem>>
      %dma_wait3A_649 = tpu.memref_squeeze %dma_wait3A_648 : memref<1x80xi32, #tpu.memory_space<vmem>> -> memref<80xi32, #tpu.memory_space<vmem>>
      %dma_wait3A_650 = tpu.memref_slice %arg4[%add3A_644] : memref<322560xi32, #tpu.memory_space<hbm>> -> memref<80xi32, #tpu.memory_space<hbm>>
      %dma_wait3A_651 = tpu.memref_slice %arg13[%dma_wait3A_646] : memref<6x!tpu.dma_semaphore, #tpu.memory_space<semaphore_mem>> -> memref<1x!tpu.dma_semaphore, #tpu.memory_space<semaphore_mem>>
      %dma_wait3A_652 = tpu.memref_squeeze %dma_wait3A_651 : memref<1x!tpu.dma_semaphore, #tpu.memory_space<semaphore_mem>> -> memref<!tpu.dma_semaphore, #tpu.memory_space<semaphore_mem>>
      %dma_wait3A_653 = arith.constant 0 : i32
      %dma_wait3A_654 = tpu.memref_slice %arg8[%dma_wait3A_645, %dma_wait3A_653] : memref<6x80xi32, #tpu.memory_space<vmem>> -> memref<1x80xi32, #tpu.memory_space<vmem>>
      %dma_wait3A_655 = tpu.memref_squeeze %dma_wait3A_654 : memref<1x80xi32, #tpu.memory_space<vmem>> -> memref<80xi32, #tpu.memory_space<vmem>>
      %dma_wait3A_656 = tpu.memref_slice %arg4[%add3A_644] : memref<322560xi32, #tpu.memory_space<hbm>> -> memref<80xi32, #tpu.memory_space<hbm>>
      tpu.wait_dma2 semaphore(%dma_wait3A_652 : memref<!tpu.dma_semaphore, #tpu.memory_space<semaphore_mem>>) src(%dma_wait3A_656 : memref<80xi32, #tpu.memory_space<hbm>>) dst(%dma_wait3A_655 : memref<80xi32, #tpu.memory_space<vmem>>)
      %ge3A_657 = arith.constant 3 : i32
      %ge3A_658 = arith.cmpi sge, %add3A_626, %ge3A_657 : i32
      %convert_element_type3A_659 = arith.extui %ge3A_658 : i1 to i32
      %cond3A_660 = arith.constant 0 : i32
      %cond3A_661 = arith.cmpi ne, %convert_element_type3A_659, %cond3A_660 : i32
      scf.if %cond3A_661 {
        %dma_wait3A_1031 = arith.constant 0 : i32
        %dma_wait3A_1032 = arith.constant 0 : i32
        %dma_wait3A_1033 = arith.constant 0 : i32
        %dma_wait3A_1034 = tpu.memref_slice %arg2[%dma_wait3A_1032, %dma_wait3A_1033] : memref<10000x128xf32, #tpu.memory_space<hbm>> -> memref<80x128xf32, #tpu.memory_space<hbm>>
        %dma_wait3A_1035 = tpu.memref_slice %arg15[%dma_wait3A_1031] : memref<3x!tpu.dma_semaphore, #tpu.memory_space<semaphore_mem>> -> memref<1x!tpu.dma_semaphore, #tpu.memory_space<semaphore_mem>>
        %dma_wait3A_1036 = tpu.memref_squeeze %dma_wait3A_1035 : memref<1x!tpu.dma_semaphore, #tpu.memory_space<semaphore_mem>> -> memref<!tpu.dma_semaphore, #tpu.memory_space<semaphore_mem>>
        %dma_wait3A_1037 = arith.constant 0 : i32
        %dma_wait3A_1038 = arith.constant 0 : i32
        %dma_wait3A_1039 = tpu.memref_slice %arg2[%dma_wait3A_1037, %dma_wait3A_1038] : memref<10000x128xf32, #tpu.memory_space<hbm>> -> memref<80x128xf32, #tpu.memory_space<hbm>>
        tpu.wait_dma2 semaphore(%dma_wait3A_1036 : memref<!tpu.dma_semaphore, #tpu.memory_space<semaphore_mem>>) src(%dma_wait3A_1039 : memref<80x128xf32, #tpu.memory_space<hbm>>) dst(%arg9 : memref<80x128xf32, #tpu.memory_space<vmem>>)
      } else {
      }
      %dma_start3A_662 = arith.constant 3 : i32
      %dma_start3A_663 = arith.constant 1 : i32
      %dma_start3A_664 = arith.constant 0 : i32
      %dma_start3A_665 = tpu.memref_slice %arg7[%dma_start3A_662, %dma_start3A_664] : memref<6x80xi32, #tpu.memory_space<vmem>> -> memref<1x80xi32, #tpu.memory_space<vmem>>
      %dma_start3A_666 = tpu.memref_squeeze %dma_start3A_665 : memref<1x80xi32, #tpu.memory_space<vmem>> -> memref<80xi32, #tpu.memory_space<vmem>>
      %dma_start3A_667 = arith.constant 0 : i32
      %dma_start3A_668 = arith.constant 0 : i32
      %dma_start3A_669 = tpu.memref_slice %arg2[%dma_start3A_667, %dma_start3A_668] : memref<10000x128xf32, #tpu.memory_space<hbm>> -> memref<10000x128xf32, #tpu.memory_space<hbm>>
      %dma_start3A_670 = tpu.memref_slice %arg14[%dma_start3A_663] : memref<2x!tpu.dma_semaphore, #tpu.memory_space<semaphore_mem>> -> memref<1x!tpu.dma_semaphore, #tpu.memory_space<semaphore_mem>>
      %dma_start3A_671 = tpu.memref_squeeze %dma_start3A_670 : memref<1x!tpu.dma_semaphore, #tpu.memory_space<semaphore_mem>> -> memref<!tpu.dma_semaphore, #tpu.memory_space<semaphore_mem>>
      tpu.enqueue_indirect_dma source(%dma_start3A_669 : memref<10000x128xf32, #tpu.memory_space<hbm>>) target(%arg9 : memref<80x128xf32, #tpu.memory_space<vmem>>) offsets(%dma_start3A_666 : memref<80xi32, #tpu.memory_space<vmem>>) semaphore(%dma_start3A_671 : memref<!tpu.dma_semaphore, #tpu.memory_space<semaphore_mem>>)
      %get3A_672 = arith.constant 3 : i32
      %get3A_673 = arith.index_cast %get3A_672 : i32 to index
      %get3A_674 = arith.constant 0 : index
      %get3A_675 = tpu.vector_load %arg8[%get3A_673, %get3A_674] {strides = array<i32>} : memref<6x80xi32, #tpu.memory_space<vmem>>, vector<16xi32>,
      %broadcast_in_dim3A_676 = arith.constant true
      %broadcast_in_dim3A_677 = vector.broadcast %broadcast_in_dim3A_676 : i1 to vector<16xi1>
      %unique3A_678, %unique3A_679 = tpu.scan_count mask(%broadcast_in_dim3A_677 : vector<16xi1>) value(%get3A_675 : vector<16xi32>) : vector<16xi1>, vector<16xi32>
      %shift_right_logical3A_680 = arith.constant 7 : i32
      %shift_right_logical3A_681 = vector.broadcast %shift_right_logical3A_680 : i32 to vector<16xi32>
      %shift_right_logical3A_682 = arith.shrui %get3A_675, %shift_right_logical3A_681 : vector<16xi32>
      %and3A_683 = arith.constant 127 : i32
      %and3A_684 = vector.broadcast %and3A_683 : i32 to vector<16xi32>
      %and3A_685 = arith.andi %get3A_675, %and3A_684 : vector<16xi32>
      %convert_element_type3A_686 = arith.sitofp %unique3A_679 : vector<16xi32> to vector<16xf32>
      tpu.vector_store_idx %arg16[%shift_right_logical3A_682, %and3A_685], %convert_element_type3A_686 masked %unique3A_678 {add = true} : memref<80x128xf32, #tpu.memory_space<vmem>>[vector<16xi32>, vector<16xi32>], vector<16xf32>, vector<16xi1>
      %get3A_687 = arith.constant 3 : i32
      %get3A_688 = arith.index_cast %get3A_687 : i32 to index
      %get3A_689 = arith.constant 16 : index
      %get3A_690 = tpu.vector_load %arg8[%get3A_688, %get3A_689] {strides = array<i32>} : memref<6x80xi32, #tpu.memory_space<vmem>>, vector<16xi32>,
      %broadcast_in_dim3A_691 = arith.constant true
      %broadcast_in_dim3A_692 = vector.broadcast %broadcast_in_dim3A_691 : i1 to vector<16xi1>
      %unique3A_693, %unique3A_694 = tpu.scan_count mask(%broadcast_in_dim3A_692 : vector<16xi1>) value(%get3A_690 : vector<16xi32>) : vector<16xi1>, vector<16xi32>
      %shift_right_logical3A_695 = arith.constant 7 : i32
      %shift_right_logical3A_696 = vector.broadcast %shift_right_logical3A_695 : i32 to vector<16xi32>
      %shift_right_logical3A_697 = arith.shrui %get3A_690, %shift_right_logical3A_696 : vector<16xi32>
      %and3A_698 = arith.constant 127 : i32
      %and3A_699 = vector.broadcast %and3A_698 : i32 to vector<16xi32>
      %and3A_700 = arith.andi %get3A_690, %and3A_699 : vector<16xi32>
      %convert_element_type3A_701 = arith.sitofp %unique3A_694 : vector<16xi32> to vector<16xf32>
      tpu.vector_store_idx %arg16[%shift_right_logical3A_697, %and3A_700], %convert_element_type3A_701 masked %unique3A_693 {add = true} : memref<80x128xf32, #tpu.memory_space<vmem>>[vector<16xi32>, vector<16xi32>], vector<16xf32>, vector<16xi1>
      %get3A_702 = arith.constant 3 : i32
      %get3A_703 = arith.index_cast %get3A_702 : i32 to index
      %get3A_704 = arith.constant 32 : index
      %get3A_705 = tpu.vector_load %arg8[%get3A_703, %get3A_704] {strides = array<i32>} : memref<6x80xi32, #tpu.memory_space<vmem>>, vector<16xi32>,
      %broadcast_in_dim3A_706 = arith.constant true
      %broadcast_in_dim3A_707 = vector.broadcast %broadcast_in_dim3A_706 : i1 to vector<16xi1>
      %unique3A_708, %unique3A_709 = tpu.scan_count mask(%broadcast_in_dim3A_707 : vector<16xi1>) value(%get3A_705 : vector<16xi32>) : vector<16xi1>, vector<16xi32>
      %shift_right_logical3A_710 = arith.constant 7 : i32
      %shift_right_logical3A_711 = vector.broadcast %shift_right_logical3A_710 : i32 to vector<16xi32>
      %shift_right_logical3A_712 = arith.shrui %get3A_705, %shift_right_logical3A_711 : vector<16xi32>
      %and3A_713 = arith.constant 127 : i32
      %and3A_714 = vector.broadcast %and3A_713 : i32 to vector<16xi32>
      %and3A_715 = arith.andi %get3A_705, %and3A_714 : vector<16xi32>
      %convert_element_type3A_716 = arith.sitofp %unique3A_709 : vector<16xi32> to vector<16xf32>
      tpu.vector_store_idx %arg16[%shift_right_logical3A_712, %and3A_715], %convert_element_type3A_716 masked %unique3A_708 {add = true} : memref<80x128xf32, #tpu.memory_space<vmem>>[vector<16xi32>, vector<16xi32>], vector<16xf32>, vector<16xi1>
      %get3A_717 = arith.constant 3 : i32
      %get3A_718 = arith.index_cast %get3A_717 : i32 to index
      %get3A_719 = arith.constant 48 : index
      %get3A_720 = tpu.vector_load %arg8[%get3A_718, %get3A_719] {strides = array<i32>} : memref<6x80xi32, #tpu.memory_space<vmem>>, vector<16xi32>,
      %broadcast_in_dim3A_721 = arith.constant true
      %broadcast_in_dim3A_722 = vector.broadcast %broadcast_in_dim3A_721 : i1 to vector<16xi1>
      %unique3A_723, %unique3A_724 = tpu.scan_count mask(%broadcast_in_dim3A_722 : vector<16xi1>) value(%get3A_720 : vector<16xi32>) : vector<16xi1>, vector<16xi32>
      %shift_right_logical3A_725 = arith.constant 7 : i32
      %shift_right_logical3A_726 = vector.broadcast %shift_right_logical3A_725 : i32 to vector<16xi32>
      %shift_right_logical3A_727 = arith.shrui %get3A_720, %shift_right_logical3A_726 : vector<16xi32>
      %and3A_728 = arith.constant 127 : i32
      %and3A_729 = vector.broadcast %and3A_728 : i32 to vector<16xi32>
      %and3A_730 = arith.andi %get3A_720, %and3A_729 : vector<16xi32>
      %convert_element_type3A_731 = arith.sitofp %unique3A_724 : vector<16xi32> to vector<16xf32>
      tpu.vector_store_idx %arg16[%shift_right_logical3A_727, %and3A_730], %convert_element_type3A_731 masked %unique3A_723 {add = true} : memref<80x128xf32, #tpu.memory_space<vmem>>[vector<16xi32>, vector<16xi32>], vector<16xf32>, vector<16xi1>
      %get3A_732 = arith.constant 3 : i32
      %get3A_733 = arith.index_cast %get3A_732 : i32 to index
      %get3A_734 = arith.constant 64 : index
      %get3A_735 = tpu.vector_load %arg8[%get3A_733, %get3A_734] {strides = array<i32>} : memref<6x80xi32, #tpu.memory_space<vmem>>, vector<16xi32>,
      %broadcast_in_dim3A_736 = arith.constant true
      %broadcast_in_dim3A_737 = vector.broadcast %broadcast_in_dim3A_736 : i1 to vector<16xi1>
      %unique3A_738, %unique3A_739 = tpu.scan_count mask(%broadcast_in_dim3A_737 : vector<16xi1>) value(%get3A_735 : vector<16xi32>) : vector<16xi1>, vector<16xi32>
      %shift_right_logical3A_740 = arith.constant 7 : i32
      %shift_right_logical3A_741 = vector.broadcast %shift_right_logical3A_740 : i32 to vector<16xi32>
      %shift_right_logical3A_742 = arith.shrui %get3A_735, %shift_right_logical3A_741 : vector<16xi32>
      %and3A_743 = arith.constant 127 : i32
      %and3A_744 = vector.broadcast %and3A_743 : i32 to vector<16xi32>
      %and3A_745 = arith.andi %get3A_735, %and3A_744 : vector<16xi32>
      %convert_element_type3A_746 = arith.sitofp %unique3A_739 : vector<16xi32> to vector<16xf32>
      tpu.vector_store_idx %arg16[%shift_right_logical3A_742, %and3A_745], %convert_element_type3A_746 masked %unique3A_738 {add = true} : memref<80x128xf32, #tpu.memory_space<vmem>>[vector<16xi32>, vector<16xi32>], vector<16xf32>, vector<16xi1>
      %ge3A_747 = arith.constant 1 : i32
      %ge3A_748 = arith.cmpi sge, %add3A_626, %ge3A_747 : i32
      %convert_element_type3A_749 = arith.extui %ge3A_748 : i1 to i32
      %cond3A_750 = arith.constant 0 : i32
      %cond3A_751 = arith.cmpi ne, %convert_element_type3A_749, %cond3A_750 : i32
      scf.if %cond3A_751 {
        %dma_wait3A_1031 = arith.constant 0 : i32
        %dma_wait3A_1032 = arith.constant 0 : i32
        %dma_wait3A_1033 = arith.constant 0 : i32
        %dma_wait3A_1034 = tpu.memref_slice %arg2[%dma_wait3A_1032, %dma_wait3A_1033] : memref<10000x128xf32, #tpu.memory_space<hbm>> -> memref<80x128xf32, #tpu.memory_space<hbm>>
        %dma_wait3A_1035 = tpu.memref_slice %arg14[%dma_wait3A_1031] : memref<2x!tpu.dma_semaphore, #tpu.memory_space<semaphore_mem>> -> memref<1x!tpu.dma_semaphore, #tpu.memory_space<semaphore_mem>>
        %dma_wait3A_1036 = tpu.memref_squeeze %dma_wait3A_1035 : memref<1x!tpu.dma_semaphore, #tpu.memory_space<semaphore_mem>> -> memref<!tpu.dma_semaphore, #tpu.memory_space<semaphore_mem>>
        %dma_wait3A_1037 = arith.constant 0 : i32
        %dma_wait3A_1038 = arith.constant 0 : i32
        %dma_wait3A_1039 = tpu.memref_slice %arg2[%dma_wait3A_1037, %dma_wait3A_1038] : memref<10000x128xf32, #tpu.memory_space<hbm>> -> memref<80x128xf32, #tpu.memory_space<hbm>>
        tpu.wait_dma2 semaphore(%dma_wait3A_1036 : memref<!tpu.dma_semaphore, #tpu.memory_space<semaphore_mem>>) src(%dma_wait3A_1039 : memref<80x128xf32, #tpu.memory_space<hbm>>) dst(%arg11 : memref<80x128xf32, #tpu.memory_space<vmem>>)
        %dma_start3A_1040 = arith.constant 2 : i32
        %dma_start3A_1041 = arith.constant 2 : i32
        %dma_start3A_1042 = arith.constant 0 : i32
        %dma_start3A_1043 = tpu.memref_slice %arg8[%dma_start3A_1040, %dma_start3A_1042] : memref<6x80xi32, #tpu.memory_space<vmem>> -> memref<1x80xi32, #tpu.memory_space<vmem>>
        %dma_start3A_1044 = tpu.memref_squeeze %dma_start3A_1043 : memref<1x80xi32, #tpu.memory_space<vmem>> -> memref<80xi32, #tpu.memory_space<vmem>>
        %dma_start3A_1045 = arith.constant 0 : i32
        %dma_start3A_1046 = arith.constant 0 : i32
        %dma_start3A_1047 = tpu.memref_slice %arg12[%dma_start3A_1045, %dma_start3A_1046] : memref<10240x128xf32, #tpu.memory_space<vmem_shared>> -> memref<10240x128xf32, #tpu.memory_space<vmem_shared>>
        %dma_start3A_1048 = tpu.memref_slice %arg15[%dma_start3A_1041] : memref<3x!tpu.dma_semaphore, #tpu.memory_space<semaphore_mem>> -> memref<1x!tpu.dma_semaphore, #tpu.memory_space<semaphore_mem>>
        %dma_start3A_1049 = tpu.memref_squeeze %dma_start3A_1048 : memref<1x!tpu.dma_semaphore, #tpu.memory_space<semaphore_mem>> -> memref<!tpu.dma_semaphore, #tpu.memory_space<semaphore_mem>>
        tpu.enqueue_indirect_dma source(%arg11 : memref<80x128xf32, #tpu.memory_space<vmem>>) target(%dma_start3A_1047 : memref<10240x128xf32, #tpu.memory_space<vmem_shared>>) offsets(%dma_start3A_1044 : memref<80xi32, #tpu.memory_space<vmem>>) semaphore(%dma_start3A_1049 : memref<!tpu.dma_semaphore, #tpu.memory_space<semaphore_mem>>) {add = true}
      } else {
      }
      %add3A_752 = arith.constant 3 : i32
      %add3A_753 = arith.addi %add3A_626, %add3A_752 : i32
      %lt3A_754 = arith.constant 126 : i32
      %lt3A_755 = arith.cmpi slt, %add3A_753, %lt3A_754 : i32
      %convert_element_type3A_756 = arith.extui %lt3A_755 : i1 to i32
      %cond3A_757 = arith.constant 0 : i32
      %cond3A_758 = arith.cmpi ne, %convert_element_type3A_756, %cond3A_757 : i32
      scf.if %cond3A_758 {
        %add3A_1031 = arith.constant 3 : i32
        %add3A_1032 = arith.addi %add3A_626, %add3A_1031 : i32
        %mul3A_1033 = arith.constant 80 : i32
        %mul3A_1034 = arith.muli %add3A_1032, %mul3A_1033 : i32
        %add3A_1035 = arith.addi %mul3A_72, %mul3A_1034 : i32
        %dma_start3A_1036 = arith.constant 0 : i32
        %dma_start3A_1037 = arith.constant 0 : i32
        %dma_start3A_1038 = arith.constant 0 : i32
        %dma_start3A_1039 = tpu.memref_slice %arg7[%dma_start3A_1036, %dma_start3A_1038] : memref<6x80xi32, #tpu.memory_space<vmem>> -> memref<1x80xi32, #tpu.memory_space<vmem>>
        %dma_start3A_1040 = tpu.memref_squeeze %dma_start3A_1039 : memref<1x80xi32, #tpu.memory_space<vmem>> -> memref<80xi32, #tpu.memory_space<vmem>>
        %dma_start3A_1041 = tpu.memref_slice %arg3[%add3A_1035] : memref<322560xi32, #tpu.memory_space<hbm>> -> memref<80xi32, #tpu.memory_space<hbm>>
        %dma_start3A_1042 = tpu.memref_slice %arg13[%dma_start3A_1037] : memref<6x!tpu.dma_semaphore, #tpu.memory_space<semaphore_mem>> -> memref<1x!tpu.dma_semaphore, #tpu.memory_space<semaphore_mem>>
        %dma_start3A_1043 = tpu.memref_squeeze %dma_start3A_1042 : memref<1x!tpu.dma_semaphore, #tpu.memory_space<semaphore_mem>> -> memref<!tpu.dma_semaphore, #tpu.memory_space<semaphore_mem>>
        %dma_start3A_1044 = arith.constant 0 : i32
        %dma_start3A_1045 = tpu.memref_slice %arg7[%dma_start3A_1036, %dma_start3A_1044] : memref<6x80xi32, #tpu.memory_space<vmem>> -> memref<1x80xi32, #tpu.memory_space<vmem>>
        %dma_start3A_1046 = tpu.memref_squeeze %dma_start3A_1045 : memref<1x80xi32, #tpu.memory_space<vmem>> -> memref<80xi32, #tpu.memory_space<vmem>>
        %dma_start3A_1047 = tpu.memref_slice %arg3[%add3A_1035] : memref<322560xi32, #tpu.memory_space<hbm>> -> memref<80xi32, #tpu.memory_space<hbm>>
        tpu.enqueue_dma source(%dma_start3A_1047 : memref<80xi32, #tpu.memory_space<hbm>>) target(%dma_start3A_1046 : memref<80xi32, #tpu.memory_space<vmem>>) target_semaphore(%dma_start3A_1043 : memref<!tpu.dma_semaphore, #tpu.memory_space<semaphore_mem>>)
        %dma_start3A_1048 = arith.constant 0 : i32
        %dma_start3A_1049 = arith.constant 0 : i32
        %dma_start3A_1050 = arith.constant 0 : i32
        %dma_start3A_1051 = tpu.memref_slice %arg8[%dma_start3A_1048, %dma_start3A_1050] : memref<6x80xi32, #tpu.memory_space<vmem>> -> memref<1x80xi32, #tpu.memory_space<vmem>>
        %dma_start3A_1052 = tpu.memref_squeeze %dma_start3A_1051 : memref<1x80xi32, #tpu.memory_space<vmem>> -> memref<80xi32, #tpu.memory_space<vmem>>
        %dma_start3A_1053 = tpu.memref_slice %arg4[%add3A_1035] : memref<322560xi32, #tpu.memory_space<hbm>> -> memref<80xi32, #tpu.memory_space<hbm>>
        %dma_start3A_1054 = tpu.memref_slice %arg13[%dma_start3A_1049] : memref<6x!tpu.dma_semaphore, #tpu.memory_space<semaphore_mem>> -> memref<1x!tpu.dma_semaphore, #tpu.memory_space<semaphore_mem>>
        %dma_start3A_1055 = tpu.memref_squeeze %dma_start3A_1054 : memref<1x!tpu.dma_semaphore, #tpu.memory_space<semaphore_mem>> -> memref<!tpu.dma_semaphore, #tpu.memory_space<semaphore_mem>>
        %dma_start3A_1056 = arith.constant 0 : i32
        %dma_start3A_1057 = tpu.memref_slice %arg8[%dma_start3A_1048, %dma_start3A_1056] : memref<6x80xi32, #tpu.memory_space<vmem>> -> memref<1x80xi32, #tpu.memory_space<vmem>>
        %dma_start3A_1058 = tpu.memref_squeeze %dma_start3A_1057 : memref<1x80xi32, #tpu.memory_space<vmem>> -> memref<80xi32, #tpu.memory_space<vmem>>
        %dma_start3A_1059 = tpu.memref_slice %arg4[%add3A_1035] : memref<322560xi32, #tpu.memory_space<hbm>> -> memref<80xi32, #tpu.memory_space<hbm>>
        tpu.enqueue_dma source(%dma_start3A_1059 : memref<80xi32, #tpu.memory_space<hbm>>) target(%dma_start3A_1058 : memref<80xi32, #tpu.memory_space<vmem>>) target_semaphore(%dma_start3A_1055 : memref<!tpu.dma_semaphore, #tpu.memory_space<semaphore_mem>>)
      } else {
      }
      %mul3A_759 = arith.constant 6 : i32
      %mul3A_760 = arith.muli %scan3A_219, %mul3A_759 : i32
      %add3A_761 = arith.constant 4 : i32
      %add3A_762 = arith.addi %mul3A_760, %add3A_761 : i32
      %mul3A_763 = arith.constant 80 : i32
      %mul3A_764 = arith.muli %add3A_762, %mul3A_763 : i32
      %add3A_765 = arith.addi %mul3A_72, %mul3A_764 : i32
      %dma_wait3A_766 = arith.constant 4 : i32
      %dma_wait3A_767 = arith.constant 4 : i32
      %dma_wait3A_768 = arith.constant 0 : i32
      %dma_wait3A_769 = tpu.memref_slice %arg7[%dma_wait3A_766, %dma_wait3A_768] : memref<6x80xi32, #tpu.memory_space<vmem>> -> memref<1x80xi32, #tpu.memory_space<vmem>>
      %dma_wait3A_770 = tpu.memref_squeeze %dma_wait3A_769 : memref<1x80xi32, #tpu.memory_space<vmem>> -> memref<80xi32, #tpu.memory_space<vmem>>
      %dma_wait3A_771 = tpu.memref_slice %arg3[%add3A_765] : memref<322560xi32, #tpu.memory_space<hbm>> -> memref<80xi32, #tpu.memory_space<hbm>>
      %dma_wait3A_772 = tpu.memref_slice %arg13[%dma_wait3A_767] : memref<6x!tpu.dma_semaphore, #tpu.memory_space<semaphore_mem>> -> memref<1x!tpu.dma_semaphore, #tpu.memory_space<semaphore_mem>>
      %dma_wait3A_773 = tpu.memref_squeeze %dma_wait3A_772 : memref<1x!tpu.dma_semaphore, #tpu.memory_space<semaphore_mem>> -> memref<!tpu.dma_semaphore, #tpu.memory_space<semaphore_mem>>
      %dma_wait3A_774 = arith.constant 0 : i32
      %dma_wait3A_775 = tpu.memref_slice %arg7[%dma_wait3A_766, %dma_wait3A_774] : memref<6x80xi32, #tpu.memory_space<vmem>> -> memref<1x80xi32, #tpu.memory_space<vmem>>
      %dma_wait3A_776 = tpu.memref_squeeze %dma_wait3A_775 : memref<1x80xi32, #tpu.memory_space<vmem>> -> memref<80xi32, #tpu.memory_space<vmem>>
      %dma_wait3A_777 = tpu.memref_slice %arg3[%add3A_765] : memref<322560xi32, #tpu.memory_space<hbm>> -> memref<80xi32, #tpu.memory_space<hbm>>
      tpu.wait_dma2 semaphore(%dma_wait3A_773 : memref<!tpu.dma_semaphore, #tpu.memory_space<semaphore_mem>>) src(%dma_wait3A_777 : memref<80xi32, #tpu.memory_space<hbm>>) dst(%dma_wait3A_776 : memref<80xi32, #tpu.memory_space<vmem>>)
      %mul3A_778 = arith.constant 80 : i32
      %mul3A_779 = arith.muli %add3A_762, %mul3A_778 : i32
      %add3A_780 = arith.addi %mul3A_72, %mul3A_779 : i32
      %dma_wait3A_781 = arith.constant 4 : i32
      %dma_wait3A_782 = arith.constant 4 : i32
      %dma_wait3A_783 = arith.constant 0 : i32
      %dma_wait3A_784 = tpu.memref_slice %arg8[%dma_wait3A_781, %dma_wait3A_783] : memref<6x80xi32, #tpu.memory_space<vmem>> -> memref<1x80xi32, #tpu.memory_space<vmem>>
      %dma_wait3A_785 = tpu.memref_squeeze %dma_wait3A_784 : memref<1x80xi32, #tpu.memory_space<vmem>> -> memref<80xi32, #tpu.memory_space<vmem>>
      %dma_wait3A_786 = tpu.memref_slice %arg4[%add3A_780] : memref<322560xi32, #tpu.memory_space<hbm>> -> memref<80xi32, #tpu.memory_space<hbm>>
      %dma_wait3A_787 = tpu.memref_slice %arg13[%dma_wait3A_782] : memref<6x!tpu.dma_semaphore, #tpu.memory_space<semaphore_mem>> -> memref<1x!tpu.dma_semaphore, #tpu.memory_space<semaphore_mem>>
      %dma_wait3A_788 = tpu.memref_squeeze %dma_wait3A_787 : memref<1x!tpu.dma_semaphore, #tpu.memory_space<semaphore_mem>> -> memref<!tpu.dma_semaphore, #tpu.memory_space<semaphore_mem>>
      %dma_wait3A_789 = arith.constant 0 : i32
      %dma_wait3A_790 = tpu.memref_slice %arg8[%dma_wait3A_781, %dma_wait3A_789] : memref<6x80xi32, #tpu.memory_space<vmem>> -> memref<1x80xi32, #tpu.memory_space<vmem>>
      %dma_wait3A_791 = tpu.memref_squeeze %dma_wait3A_790 : memref<1x80xi32, #tpu.memory_space<vmem>> -> memref<80xi32, #tpu.memory_space<vmem>>
      %dma_wait3A_792 = tpu.memref_slice %arg4[%add3A_780] : memref<322560xi32, #tpu.memory_space<hbm>> -> memref<80xi32, #tpu.memory_space<hbm>>
      tpu.wait_dma2 semaphore(%dma_wait3A_788 : memref<!tpu.dma_semaphore, #tpu.memory_space<semaphore_mem>>) src(%dma_wait3A_792 : memref<80xi32, #tpu.memory_space<hbm>>) dst(%dma_wait3A_791 : memref<80xi32, #tpu.memory_space<vmem>>)
      %ge3A_793 = arith.constant 3 : i32
      %ge3A_794 = arith.cmpi sge, %add3A_762, %ge3A_793 : i32
      %convert_element_type3A_795 = arith.extui %ge3A_794 : i1 to i32
      %cond3A_796 = arith.constant 0 : i32
      %cond3A_797 = arith.cmpi ne, %convert_element_type3A_795, %cond3A_796 : i32
      scf.if %cond3A_797 {
        %dma_wait3A_1031 = arith.constant 1 : i32
        %dma_wait3A_1032 = arith.constant 0 : i32
        %dma_wait3A_1033 = arith.constant 0 : i32
        %dma_wait3A_1034 = tpu.memref_slice %arg2[%dma_wait3A_1032, %dma_wait3A_1033] : memref<10000x128xf32, #tpu.memory_space<hbm>> -> memref<80x128xf32, #tpu.memory_space<hbm>>
        %dma_wait3A_1035 = tpu.memref_slice %arg15[%dma_wait3A_1031] : memref<3x!tpu.dma_semaphore, #tpu.memory_space<semaphore_mem>> -> memref<1x!tpu.dma_semaphore, #tpu.memory_space<semaphore_mem>>
        %dma_wait3A_1036 = tpu.memref_squeeze %dma_wait3A_1035 : memref<1x!tpu.dma_semaphore, #tpu.memory_space<semaphore_mem>> -> memref<!tpu.dma_semaphore, #tpu.memory_space<semaphore_mem>>
        %dma_wait3A_1037 = arith.constant 0 : i32
        %dma_wait3A_1038 = arith.constant 0 : i32
        %dma_wait3A_1039 = tpu.memref_slice %arg2[%dma_wait3A_1037, %dma_wait3A_1038] : memref<10000x128xf32, #tpu.memory_space<hbm>> -> memref<80x128xf32, #tpu.memory_space<hbm>>
        tpu.wait_dma2 semaphore(%dma_wait3A_1036 : memref<!tpu.dma_semaphore, #tpu.memory_space<semaphore_mem>>) src(%dma_wait3A_1039 : memref<80x128xf32, #tpu.memory_space<hbm>>) dst(%arg10 : memref<80x128xf32, #tpu.memory_space<vmem>>)
      } else {
      }
      %dma_start3A_798 = arith.constant 4 : i32
      %dma_start3A_799 = arith.constant 0 : i32
      %dma_start3A_800 = arith.constant 0 : i32
      %dma_start3A_801 = tpu.memref_slice %arg7[%dma_start3A_798, %dma_start3A_800] : memref<6x80xi32, #tpu.memory_space<vmem>> -> memref<1x80xi32, #tpu.memory_space<vmem>>
      %dma_start3A_802 = tpu.memref_squeeze %dma_start3A_801 : memref<1x80xi32, #tpu.memory_space<vmem>> -> memref<80xi32, #tpu.memory_space<vmem>>
      %dma_start3A_803 = arith.constant 0 : i32
      %dma_start3A_804 = arith.constant 0 : i32
      %dma_start3A_805 = tpu.memref_slice %arg2[%dma_start3A_803, %dma_start3A_804] : memref<10000x128xf32, #tpu.memory_space<hbm>> -> memref<10000x128xf32, #tpu.memory_space<hbm>>
      %dma_start3A_806 = tpu.memref_slice %arg14[%dma_start3A_799] : memref<2x!tpu.dma_semaphore, #tpu.memory_space<semaphore_mem>> -> memref<1x!tpu.dma_semaphore, #tpu.memory_space<semaphore_mem>>
      %dma_start3A_807 = tpu.memref_squeeze %dma_start3A_806 : memref<1x!tpu.dma_semaphore, #tpu.memory_space<semaphore_mem>> -> memref<!tpu.dma_semaphore, #tpu.memory_space<semaphore_mem>>
      tpu.enqueue_indirect_dma source(%dma_start3A_805 : memref<10000x128xf32, #tpu.memory_space<hbm>>) target(%arg10 : memref<80x128xf32, #tpu.memory_space<vmem>>) offsets(%dma_start3A_802 : memref<80xi32, #tpu.memory_space<vmem>>) semaphore(%dma_start3A_807 : memref<!tpu.dma_semaphore, #tpu.memory_space<semaphore_mem>>)
      %get3A_808 = arith.constant 4 : i32
      %get3A_809 = arith.index_cast %get3A_808 : i32 to index
      %get3A_810 = arith.constant 0 : index
      %get3A_811 = tpu.vector_load %arg8[%get3A_809, %get3A_810] {strides = array<i32>} : memref<6x80xi32, #tpu.memory_space<vmem>>, vector<16xi32>,
      %broadcast_in_dim3A_812 = arith.constant true
      %broadcast_in_dim3A_813 = vector.broadcast %broadcast_in_dim3A_812 : i1 to vector<16xi1>
      %unique3A_814, %unique3A_815 = tpu.scan_count mask(%broadcast_in_dim3A_813 : vector<16xi1>) value(%get3A_811 : vector<16xi32>) : vector<16xi1>, vector<16xi32>
      %shift_right_logical3A_816 = arith.constant 7 : i32
      %shift_right_logical3A_817 = vector.broadcast %shift_right_logical3A_816 : i32 to vector<16xi32>
      %shift_right_logical3A_818 = arith.shrui %get3A_811, %shift_right_logical3A_817 : vector<16xi32>
      %and3A_819 = arith.constant 127 : i32
      %and3A_820 = vector.broadcast %and3A_819 : i32 to vector<16xi32>
      %and3A_821 = arith.andi %get3A_811, %and3A_820 : vector<16xi32>
      %convert_element_type3A_822 = arith.sitofp %unique3A_815 : vector<16xi32> to vector<16xf32>
      tpu.vector_store_idx %arg16[%shift_right_logical3A_818, %and3A_821], %convert_element_type3A_822 masked %unique3A_814 {add = true} : memref<80x128xf32, #tpu.memory_space<vmem>>[vector<16xi32>, vector<16xi32>], vector<16xf32>, vector<16xi1>
      %get3A_823 = arith.constant 4 : i32
      %get3A_824 = arith.index_cast %get3A_823 : i32 to index
      %get3A_825 = arith.constant 16 : index
      %get3A_826 = tpu.vector_load %arg8[%get3A_824, %get3A_825] {strides = array<i32>} : memref<6x80xi32, #tpu.memory_space<vmem>>, vector<16xi32>,
      %broadcast_in_dim3A_827 = arith.constant true
      %broadcast_in_dim3A_828 = vector.broadcast %broadcast_in_dim3A_827 : i1 to vector<16xi1>
      %unique3A_829, %unique3A_830 = tpu.scan_count mask(%broadcast_in_dim3A_828 : vector<16xi1>) value(%get3A_826 : vector<16xi32>) : vector<16xi1>, vector<16xi32>
      %shift_right_logical3A_831 = arith.constant 7 : i32
      %shift_right_logical3A_832 = vector.broadcast %shift_right_logical3A_831 : i32 to vector<16xi32>
      %shift_right_logical3A_833 = arith.shrui %get3A_826, %shift_right_logical3A_832 : vector<16xi32>
      %and3A_834 = arith.constant 127 : i32
      %and3A_835 = vector.broadcast %and3A_834 : i32 to vector<16xi32>
      %and3A_836 = arith.andi %get3A_826, %and3A_835 : vector<16xi32>
      %convert_element_type3A_837 = arith.sitofp %unique3A_830 : vector<16xi32> to vector<16xf32>
      tpu.vector_store_idx %arg16[%shift_right_logical3A_833, %and3A_836], %convert_element_type3A_837 masked %unique3A_829 {add = true} : memref<80x128xf32, #tpu.memory_space<vmem>>[vector<16xi32>, vector<16xi32>], vector<16xf32>, vector<16xi1>
      %get3A_838 = arith.constant 4 : i32
      %get3A_839 = arith.index_cast %get3A_838 : i32 to index
      %get3A_840 = arith.constant 32 : index
      %get3A_841 = tpu.vector_load %arg8[%get3A_839, %get3A_840] {strides = array<i32>} : memref<6x80xi32, #tpu.memory_space<vmem>>, vector<16xi32>,
      %broadcast_in_dim3A_842 = arith.constant true
      %broadcast_in_dim3A_843 = vector.broadcast %broadcast_in_dim3A_842 : i1 to vector<16xi1>
      %unique3A_844, %unique3A_845 = tpu.scan_count mask(%broadcast_in_dim3A_843 : vector<16xi1>) value(%get3A_841 : vector<16xi32>) : vector<16xi1>, vector<16xi32>
      %shift_right_logical3A_846 = arith.constant 7 : i32
      %shift_right_logical3A_847 = vector.broadcast %shift_right_logical3A_846 : i32 to vector<16xi32>
      %shift_right_logical3A_848 = arith.shrui %get3A_841, %shift_right_logical3A_847 : vector<16xi32>
      %and3A_849 = arith.constant 127 : i32
      %and3A_850 = vector.broadcast %and3A_849 : i32 to vector<16xi32>
      %and3A_851 = arith.andi %get3A_841, %and3A_850 : vector<16xi32>
      %convert_element_type3A_852 = arith.sitofp %unique3A_845 : vector<16xi32> to vector<16xf32>
      tpu.vector_store_idx %arg16[%shift_right_logical3A_848, %and3A_851], %convert_element_type3A_852 masked %unique3A_844 {add = true} : memref<80x128xf32, #tpu.memory_space<vmem>>[vector<16xi32>, vector<16xi32>], vector<16xf32>, vector<16xi1>
      %get3A_853 = arith.constant 4 : i32
      %get3A_854 = arith.index_cast %get3A_853 : i32 to index
      %get3A_855 = arith.constant 48 : index
      %get3A_856 = tpu.vector_load %arg8[%get3A_854, %get3A_855] {strides = array<i32>} : memref<6x80xi32, #tpu.memory_space<vmem>>, vector<16xi32>,
      %broadcast_in_dim3A_857 = arith.constant true
      %broadcast_in_dim3A_858 = vector.broadcast %broadcast_in_dim3A_857 : i1 to vector<16xi1>
      %unique3A_859, %unique3A_860 = tpu.scan_count mask(%broadcast_in_dim3A_858 : vector<16xi1>) value(%get3A_856 : vector<16xi32>) : vector<16xi1>, vector<16xi32>
      %shift_right_logical3A_861 = arith.constant 7 : i32
      %shift_right_logical3A_862 = vector.broadcast %shift_right_logical3A_861 : i32 to vector<16xi32>
      %shift_right_logical3A_863 = arith.shrui %get3A_856, %shift_right_logical3A_862 : vector<16xi32>
      %and3A_864 = arith.constant 127 : i32
      %and3A_865 = vector.broadcast %and3A_864 : i32 to vector<16xi32>
      %and3A_866 = arith.andi %get3A_856, %and3A_865 : vector<16xi32>
      %convert_element_type3A_867 = arith.sitofp %unique3A_860 : vector<16xi32> to vector<16xf32>
      tpu.vector_store_idx %arg16[%shift_right_logical3A_863, %and3A_866], %convert_element_type3A_867 masked %unique3A_859 {add = true} : memref<80x128xf32, #tpu.memory_space<vmem>>[vector<16xi32>, vector<16xi32>], vector<16xf32>, vector<16xi1>
      %get3A_868 = arith.constant 4 : i32
      %get3A_869 = arith.index_cast %get3A_868 : i32 to index
      %get3A_870 = arith.constant 64 : index
      %get3A_871 = tpu.vector_load %arg8[%get3A_869, %get3A_870] {strides = array<i32>} : memref<6x80xi32, #tpu.memory_space<vmem>>, vector<16xi32>,
      %broadcast_in_dim3A_872 = arith.constant true
      %broadcast_in_dim3A_873 = vector.broadcast %broadcast_in_dim3A_872 : i1 to vector<16xi1>
      %unique3A_874, %unique3A_875 = tpu.scan_count mask(%broadcast_in_dim3A_873 : vector<16xi1>) value(%get3A_871 : vector<16xi32>) : vector<16xi1>, vector<16xi32>
      %shift_right_logical3A_876 = arith.constant 7 : i32
      %shift_right_logical3A_877 = vector.broadcast %shift_right_logical3A_876 : i32 to vector<16xi32>
      %shift_right_logical3A_878 = arith.shrui %get3A_871, %shift_right_logical3A_877 : vector<16xi32>
      %and3A_879 = arith.constant 127 : i32
      %and3A_880 = vector.broadcast %and3A_879 : i32 to vector<16xi32>
      %and3A_881 = arith.andi %get3A_871, %and3A_880 : vector<16xi32>
      %convert_element_type3A_882 = arith.sitofp %unique3A_875 : vector<16xi32> to vector<16xf32>
      tpu.vector_store_idx %arg16[%shift_right_logical3A_878, %and3A_881], %convert_element_type3A_882 masked %unique3A_874 {add = true} : memref<80x128xf32, #tpu.memory_space<vmem>>[vector<16xi32>, vector<16xi32>], vector<16xf32>, vector<16xi1>
      %ge3A_883 = arith.constant 1 : i32
      %ge3A_884 = arith.cmpi sge, %add3A_762, %ge3A_883 : i32
      %convert_element_type3A_885 = arith.extui %ge3A_884 : i1 to i32
      %cond3A_886 = arith.constant 0 : i32
      %cond3A_887 = arith.cmpi ne, %convert_element_type3A_885, %cond3A_886 : i32
      scf.if %cond3A_887 {
        %dma_wait3A_1031 = arith.constant 1 : i32
        %dma_wait3A_1032 = arith.constant 0 : i32
        %dma_wait3A_1033 = arith.constant 0 : i32
        %dma_wait3A_1034 = tpu.memref_slice %arg2[%dma_wait3A_1032, %dma_wait3A_1033] : memref<10000x128xf32, #tpu.memory_space<hbm>> -> memref<80x128xf32, #tpu.memory_space<hbm>>
        %dma_wait3A_1035 = tpu.memref_slice %arg14[%dma_wait3A_1031] : memref<2x!tpu.dma_semaphore, #tpu.memory_space<semaphore_mem>> -> memref<1x!tpu.dma_semaphore, #tpu.memory_space<semaphore_mem>>
        %dma_wait3A_1036 = tpu.memref_squeeze %dma_wait3A_1035 : memref<1x!tpu.dma_semaphore, #tpu.memory_space<semaphore_mem>> -> memref<!tpu.dma_semaphore, #tpu.memory_space<semaphore_mem>>
        %dma_wait3A_1037 = arith.constant 0 : i32
        %dma_wait3A_1038 = arith.constant 0 : i32
        %dma_wait3A_1039 = tpu.memref_slice %arg2[%dma_wait3A_1037, %dma_wait3A_1038] : memref<10000x128xf32, #tpu.memory_space<hbm>> -> memref<80x128xf32, #tpu.memory_space<hbm>>
        tpu.wait_dma2 semaphore(%dma_wait3A_1036 : memref<!tpu.dma_semaphore, #tpu.memory_space<semaphore_mem>>) src(%dma_wait3A_1039 : memref<80x128xf32, #tpu.memory_space<hbm>>) dst(%arg9 : memref<80x128xf32, #tpu.memory_space<vmem>>)
        %dma_start3A_1040 = arith.constant 3 : i32
        %dma_start3A_1041 = arith.constant 0 : i32
        %dma_start3A_1042 = arith.constant 0 : i32
        %dma_start3A_1043 = tpu.memref_slice %arg8[%dma_start3A_1040, %dma_start3A_1042] : memref<6x80xi32, #tpu.memory_space<vmem>> -> memref<1x80xi32, #tpu.memory_space<vmem>>
        %dma_start3A_1044 = tpu.memref_squeeze %dma_start3A_1043 : memref<1x80xi32, #tpu.memory_space<vmem>> -> memref<80xi32, #tpu.memory_space<vmem>>
        %dma_start3A_1045 = arith.constant 0 : i32
        %dma_start3A_1046 = arith.constant 0 : i32
        %dma_start3A_1047 = tpu.memref_slice %arg12[%dma_start3A_1045, %dma_start3A_1046] : memref<10240x128xf32, #tpu.memory_space<vmem_shared>> -> memref<10240x128xf32, #tpu.memory_space<vmem_shared>>
        %dma_start3A_1048 = tpu.memref_slice %arg15[%dma_start3A_1041] : memref<3x!tpu.dma_semaphore, #tpu.memory_space<semaphore_mem>> -> memref<1x!tpu.dma_semaphore, #tpu.memory_space<semaphore_mem>>
        %dma_start3A_1049 = tpu.memref_squeeze %dma_start3A_1048 : memref<1x!tpu.dma_semaphore, #tpu.memory_space<semaphore_mem>> -> memref<!tpu.dma_semaphore, #tpu.memory_space<semaphore_mem>>
        tpu.enqueue_indirect_dma source(%arg9 : memref<80x128xf32, #tpu.memory_space<vmem>>) target(%dma_start3A_1047 : memref<10240x128xf32, #tpu.memory_space<vmem_shared>>) offsets(%dma_start3A_1044 : memref<80xi32, #tpu.memory_space<vmem>>) semaphore(%dma_start3A_1049 : memref<!tpu.dma_semaphore, #tpu.memory_space<semaphore_mem>>) {add = true}
      } else {
      }
      %add3A_888 = arith.constant 3 : i32
      %add3A_889 = arith.addi %add3A_762, %add3A_888 : i32
      %lt3A_890 = arith.constant 126 : i32
      %lt3A_891 = arith.cmpi slt, %add3A_889, %lt3A_890 : i32
      %convert_element_type3A_892 = arith.extui %lt3A_891 : i1 to i32
      %cond3A_893 = arith.constant 0 : i32
      %cond3A_894 = arith.cmpi ne, %convert_element_type3A_892, %cond3A_893 : i32
      scf.if %cond3A_894 {
        %add3A_1031 = arith.constant 3 : i32
        %add3A_1032 = arith.addi %add3A_762, %add3A_1031 : i32
        %mul3A_1033 = arith.constant 80 : i32
        %mul3A_1034 = arith.muli %add3A_1032, %mul3A_1033 : i32
        %add3A_1035 = arith.addi %mul3A_72, %mul3A_1034 : i32
        %dma_start3A_1036 = arith.constant 1 : i32
        %dma_start3A_1037 = arith.constant 1 : i32
        %dma_start3A_1038 = arith.constant 0 : i32
        %dma_start3A_1039 = tpu.memref_slice %arg7[%dma_start3A_1036, %dma_start3A_1038] : memref<6x80xi32, #tpu.memory_space<vmem>> -> memref<1x80xi32, #tpu.memory_space<vmem>>
        %dma_start3A_1040 = tpu.memref_squeeze %dma_start3A_1039 : memref<1x80xi32, #tpu.memory_space<vmem>> -> memref<80xi32, #tpu.memory_space<vmem>>
        %dma_start3A_1041 = tpu.memref_slice %arg3[%add3A_1035] : memref<322560xi32, #tpu.memory_space<hbm>> -> memref<80xi32, #tpu.memory_space<hbm>>
        %dma_start3A_1042 = tpu.memref_slice %arg13[%dma_start3A_1037] : memref<6x!tpu.dma_semaphore, #tpu.memory_space<semaphore_mem>> -> memref<1x!tpu.dma_semaphore, #tpu.memory_space<semaphore_mem>>
        %dma_start3A_1043 = tpu.memref_squeeze %dma_start3A_1042 : memref<1x!tpu.dma_semaphore, #tpu.memory_space<semaphore_mem>> -> memref<!tpu.dma_semaphore, #tpu.memory_space<semaphore_mem>>
        %dma_start3A_1044 = arith.constant 0 : i32
        %dma_start3A_1045 = tpu.memref_slice %arg7[%dma_start3A_1036, %dma_start3A_1044] : memref<6x80xi32, #tpu.memory_space<vmem>> -> memref<1x80xi32, #tpu.memory_space<vmem>>
        %dma_start3A_1046 = tpu.memref_squeeze %dma_start3A_1045 : memref<1x80xi32, #tpu.memory_space<vmem>> -> memref<80xi32, #tpu.memory_space<vmem>>
        %dma_start3A_1047 = tpu.memref_slice %arg3[%add3A_1035] : memref<322560xi32, #tpu.memory_space<hbm>> -> memref<80xi32, #tpu.memory_space<hbm>>
        tpu.enqueue_dma source(%dma_start3A_1047 : memref<80xi32, #tpu.memory_space<hbm>>) target(%dma_start3A_1046 : memref<80xi32, #tpu.memory_space<vmem>>) target_semaphore(%dma_start3A_1043 : memref<!tpu.dma_semaphore, #tpu.memory_space<semaphore_mem>>)
        %dma_start3A_1048 = arith.constant 1 : i32
        %dma_start3A_1049 = arith.constant 1 : i32
        %dma_start3A_1050 = arith.constant 0 : i32
        %dma_start3A_1051 = tpu.memref_slice %arg8[%dma_start3A_1048, %dma_start3A_1050] : memref<6x80xi32, #tpu.memory_space<vmem>> -> memref<1x80xi32, #tpu.memory_space<vmem>>
        %dma_start3A_1052 = tpu.memref_squeeze %dma_start3A_1051 : memref<1x80xi32, #tpu.memory_space<vmem>> -> memref<80xi32, #tpu.memory_space<vmem>>
        %dma_start3A_1053 = tpu.memref_slice %arg4[%add3A_1035] : memref<322560xi32, #tpu.memory_space<hbm>> -> memref<80xi32, #tpu.memory_space<hbm>>
        %dma_start3A_1054 = tpu.memref_slice %arg13[%dma_start3A_1049] : memref<6x!tpu.dma_semaphore, #tpu.memory_space<semaphore_mem>> -> memref<1x!tpu.dma_semaphore, #tpu.memory_space<semaphore_mem>>
        %dma_start3A_1055 = tpu.memref_squeeze %dma_start3A_1054 : memref<1x!tpu.dma_semaphore, #tpu.memory_space<semaphore_mem>> -> memref<!tpu.dma_semaphore, #tpu.memory_space<semaphore_mem>>
        %dma_start3A_1056 = arith.constant 0 : i32
        %dma_start3A_1057 = tpu.memref_slice %arg8[%dma_start3A_1048, %dma_start3A_1056] : memref<6x80xi32, #tpu.memory_space<vmem>> -> memref<1x80xi32, #tpu.memory_space<vmem>>
        %dma_start3A_1058 = tpu.memref_squeeze %dma_start3A_1057 : memref<1x80xi32, #tpu.memory_space<vmem>> -> memref<80xi32, #tpu.memory_space<vmem>>
        %dma_start3A_1059 = tpu.memref_slice %arg4[%add3A_1035] : memref<322560xi32, #tpu.memory_space<hbm>> -> memref<80xi32, #tpu.memory_space<hbm>>
        tpu.enqueue_dma source(%dma_start3A_1059 : memref<80xi32, #tpu.memory_space<hbm>>) target(%dma_start3A_1058 : memref<80xi32, #tpu.memory_space<vmem>>) target_semaphore(%dma_start3A_1055 : memref<!tpu.dma_semaphore, #tpu.memory_space<semaphore_mem>>)
      } else {
      }
      %mul3A_895 = arith.constant 6 : i32
      %mul3A_896 = arith.muli %scan3A_219, %mul3A_895 : i32
      %add3A_897 = arith.constant 5 : i32
      %add3A_898 = arith.addi %mul3A_896, %add3A_897 : i32
      %mul3A_899 = arith.constant 80 : i32
      %mul3A_900 = arith.muli %add3A_898, %mul3A_899 : i32
      %add3A_901 = arith.addi %mul3A_72, %mul3A_900 : i32
      %dma_wait3A_902 = arith.constant 5 : i32
      %dma_wait3A_903 = arith.constant 5 : i32
      %dma_wait3A_904 = arith.constant 0 : i32
      %dma_wait3A_905 = tpu.memref_slice %arg7[%dma_wait3A_902, %dma_wait3A_904] : memref<6x80xi32, #tpu.memory_space<vmem>> -> memref<1x80xi32, #tpu.memory_space<vmem>>
      %dma_wait3A_906 = tpu.memref_squeeze %dma_wait3A_905 : memref<1x80xi32, #tpu.memory_space<vmem>> -> memref<80xi32, #tpu.memory_space<vmem>>
      %dma_wait3A_907 = tpu.memref_slice %arg3[%add3A_901] : memref<322560xi32, #tpu.memory_space<hbm>> -> memref<80xi32, #tpu.memory_space<hbm>>
      %dma_wait3A_908 = tpu.memref_slice %arg13[%dma_wait3A_903] : memref<6x!tpu.dma_semaphore, #tpu.memory_space<semaphore_mem>> -> memref<1x!tpu.dma_semaphore, #tpu.memory_space<semaphore_mem>>
      %dma_wait3A_909 = tpu.memref_squeeze %dma_wait3A_908 : memref<1x!tpu.dma_semaphore, #tpu.memory_space<semaphore_mem>> -> memref<!tpu.dma_semaphore, #tpu.memory_space<semaphore_mem>>
      %dma_wait3A_910 = arith.constant 0 : i32
      %dma_wait3A_911 = tpu.memref_slice %arg7[%dma_wait3A_902, %dma_wait3A_910] : memref<6x80xi32, #tpu.memory_space<vmem>> -> memref<1x80xi32, #tpu.memory_space<vmem>>
      %dma_wait3A_912 = tpu.memref_squeeze %dma_wait3A_911 : memref<1x80xi32, #tpu.memory_space<vmem>> -> memref<80xi32, #tpu.memory_space<vmem>>
      %dma_wait3A_913 = tpu.memref_slice %arg3[%add3A_901] : memref<322560xi32, #tpu.memory_space<hbm>> -> memref<80xi32, #tpu.memory_space<hbm>>
      tpu.wait_dma2 semaphore(%dma_wait3A_909 : memref<!tpu.dma_semaphore, #tpu.memory_space<semaphore_mem>>) src(%dma_wait3A_913 : memref<80xi32, #tpu.memory_space<hbm>>) dst(%dma_wait3A_912 : memref<80xi32, #tpu.memory_space<vmem>>)
      %mul3A_914 = arith.constant 80 : i32
      %mul3A_915 = arith.muli %add3A_898, %mul3A_914 : i32
      %add3A_916 = arith.addi %mul3A_72, %mul3A_915 : i32
      %dma_wait3A_917 = arith.constant 5 : i32
      %dma_wait3A_918 = arith.constant 5 : i32
      %dma_wait3A_919 = arith.constant 0 : i32
      %dma_wait3A_920 = tpu.memref_slice %arg8[%dma_wait3A_917, %dma_wait3A_919] : memref<6x80xi32, #tpu.memory_space<vmem>> -> memref<1x80xi32, #tpu.memory_space<vmem>>
      %dma_wait3A_921 = tpu.memref_squeeze %dma_wait3A_920 : memref<1x80xi32, #tpu.memory_space<vmem>> -> memref<80xi32, #tpu.memory_space<vmem>>
      %dma_wait3A_922 = tpu.memref_slice %arg4[%add3A_916] : memref<322560xi32, #tpu.memory_space<hbm>> -> memref<80xi32, #tpu.memory_space<hbm>>
      %dma_wait3A_923 = tpu.memref_slice %arg13[%dma_wait3A_918] : memref<6x!tpu.dma_semaphore, #tpu.memory_space<semaphore_mem>> -> memref<1x!tpu.dma_semaphore, #tpu.memory_space<semaphore_mem>>
      %dma_wait3A_924 = tpu.memref_squeeze %dma_wait3A_923 : memref<1x!tpu.dma_semaphore, #tpu.memory_space<semaphore_mem>> -> memref<!tpu.dma_semaphore, #tpu.memory_space<semaphore_mem>>
      %dma_wait3A_925 = arith.constant 0 : i32
      %dma_wait3A_926 = tpu.memref_slice %arg8[%dma_wait3A_917, %dma_wait3A_925] : memref<6x80xi32, #tpu.memory_space<vmem>> -> memref<1x80xi32, #tpu.memory_space<vmem>>
      %dma_wait3A_927 = tpu.memref_squeeze %dma_wait3A_926 : memref<1x80xi32, #tpu.memory_space<vmem>> -> memref<80xi32, #tpu.memory_space<vmem>>
      %dma_wait3A_928 = tpu.memref_slice %arg4[%add3A_916] : memref<322560xi32, #tpu.memory_space<hbm>> -> memref<80xi32, #tpu.memory_space<hbm>>
      tpu.wait_dma2 semaphore(%dma_wait3A_924 : memref<!tpu.dma_semaphore, #tpu.memory_space<semaphore_mem>>) src(%dma_wait3A_928 : memref<80xi32, #tpu.memory_space<hbm>>) dst(%dma_wait3A_927 : memref<80xi32, #tpu.memory_space<vmem>>)
      %ge3A_929 = arith.constant 3 : i32
      %ge3A_930 = arith.cmpi sge, %add3A_898, %ge3A_929 : i32
      %convert_element_type3A_931 = arith.extui %ge3A_930 : i1 to i32
      %cond3A_932 = arith.constant 0 : i32
      %cond3A_933 = arith.cmpi ne, %convert_element_type3A_931, %cond3A_932 : i32
      scf.if %cond3A_933 {
        %dma_wait3A_1031 = arith.constant 2 : i32
        %dma_wait3A_1032 = arith.constant 0 : i32
        %dma_wait3A_1033 = arith.constant 0 : i32
        %dma_wait3A_1034 = tpu.memref_slice %arg2[%dma_wait3A_1032, %dma_wait3A_1033] : memref<10000x128xf32, #tpu.memory_space<hbm>> -> memref<80x128xf32, #tpu.memory_space<hbm>>
        %dma_wait3A_1035 = tpu.memref_slice %arg15[%dma_wait3A_1031] : memref<3x!tpu.dma_semaphore, #tpu.memory_space<semaphore_mem>> -> memref<1x!tpu.dma_semaphore, #tpu.memory_space<semaphore_mem>>
        %dma_wait3A_1036 = tpu.memref_squeeze %dma_wait3A_1035 : memref<1x!tpu.dma_semaphore, #tpu.memory_space<semaphore_mem>> -> memref<!tpu.dma_semaphore, #tpu.memory_space<semaphore_mem>>
        %dma_wait3A_1037 = arith.constant 0 : i32
        %dma_wait3A_1038 = arith.constant 0 : i32
        %dma_wait3A_1039 = tpu.memref_slice %arg2[%dma_wait3A_1037, %dma_wait3A_1038] : memref<10000x128xf32, #tpu.memory_space<hbm>> -> memref<80x128xf32, #tpu.memory_space<hbm>>
        tpu.wait_dma2 semaphore(%dma_wait3A_1036 : memref<!tpu.dma_semaphore, #tpu.memory_space<semaphore_mem>>) src(%dma_wait3A_1039 : memref<80x128xf32, #tpu.memory_space<hbm>>) dst(%arg11 : memref<80x128xf32, #tpu.memory_space<vmem>>)
      } else {
      }
      %dma_start3A_934 = arith.constant 5 : i32
      %dma_start3A_935 = arith.constant 1 : i32
      %dma_start3A_936 = arith.constant 0 : i32
      %dma_start3A_937 = tpu.memref_slice %arg7[%dma_start3A_934, %dma_start3A_936] : memref<6x80xi32, #tpu.memory_space<vmem>> -> memref<1x80xi32, #tpu.memory_space<vmem>>
      %dma_start3A_938 = tpu.memref_squeeze %dma_start3A_937 : memref<1x80xi32, #tpu.memory_space<vmem>> -> memref<80xi32, #tpu.memory_space<vmem>>
      %dma_start3A_939 = arith.constant 0 : i32
      %dma_start3A_940 = arith.constant 0 : i32
      %dma_start3A_941 = tpu.memref_slice %arg2[%dma_start3A_939, %dma_start3A_940] : memref<10000x128xf32, #tpu.memory_space<hbm>> -> memref<10000x128xf32, #tpu.memory_space<hbm>>
      %dma_start3A_942 = tpu.memref_slice %arg14[%dma_start3A_935] : memref<2x!tpu.dma_semaphore, #tpu.memory_space<semaphore_mem>> -> memref<1x!tpu.dma_semaphore, #tpu.memory_space<semaphore_mem>>
      %dma_start3A_943 = tpu.memref_squeeze %dma_start3A_942 : memref<1x!tpu.dma_semaphore, #tpu.memory_space<semaphore_mem>> -> memref<!tpu.dma_semaphore, #tpu.memory_space<semaphore_mem>>
      tpu.enqueue_indirect_dma source(%dma_start3A_941 : memref<10000x128xf32, #tpu.memory_space<hbm>>) target(%arg11 : memref<80x128xf32, #tpu.memory_space<vmem>>) offsets(%dma_start3A_938 : memref<80xi32, #tpu.memory_space<vmem>>) semaphore(%dma_start3A_943 : memref<!tpu.dma_semaphore, #tpu.memory_space<semaphore_mem>>)
      %get3A_944 = arith.constant 5 : i32
      %get3A_945 = arith.index_cast %get3A_944 : i32 to index
      %get3A_946 = arith.constant 0 : index
      %get3A_947 = tpu.vector_load %arg8[%get3A_945, %get3A_946] {strides = array<i32>} : memref<6x80xi32, #tpu.memory_space<vmem>>, vector<16xi32>,
      %broadcast_in_dim3A_948 = arith.constant true
      %broadcast_in_dim3A_949 = vector.broadcast %broadcast_in_dim3A_948 : i1 to vector<16xi1>
      %unique3A_950, %unique3A_951 = tpu.scan_count mask(%broadcast_in_dim3A_949 : vector<16xi1>) value(%get3A_947 : vector<16xi32>) : vector<16xi1>, vector<16xi32>
      %shift_right_logical3A_952 = arith.constant 7 : i32
      %shift_right_logical3A_953 = vector.broadcast %shift_right_logical3A_952 : i32 to vector<16xi32>
      %shift_right_logical3A_954 = arith.shrui %get3A_947, %shift_right_logical3A_953 : vector<16xi32>
      %and3A_955 = arith.constant 127 : i32
      %and3A_956 = vector.broadcast %and3A_955 : i32 to vector<16xi32>
      %and3A_957 = arith.andi %get3A_947, %and3A_956 : vector<16xi32>
      %convert_element_type3A_958 = arith.sitofp %unique3A_951 : vector<16xi32> to vector<16xf32>
      tpu.vector_store_idx %arg16[%shift_right_logical3A_954, %and3A_957], %convert_element_type3A_958 masked %unique3A_950 {add = true} : memref<80x128xf32, #tpu.memory_space<vmem>>[vector<16xi32>, vector<16xi32>], vector<16xf32>, vector<16xi1>
      %get3A_959 = arith.constant 5 : i32
      %get3A_960 = arith.index_cast %get3A_959 : i32 to index
      %get3A_961 = arith.constant 16 : index
      %get3A_962 = tpu.vector_load %arg8[%get3A_960, %get3A_961] {strides = array<i32>} : memref<6x80xi32, #tpu.memory_space<vmem>>, vector<16xi32>,
      %broadcast_in_dim3A_963 = arith.constant true
      %broadcast_in_dim3A_964 = vector.broadcast %broadcast_in_dim3A_963 : i1 to vector<16xi1>
      %unique3A_965, %unique3A_966 = tpu.scan_count mask(%broadcast_in_dim3A_964 : vector<16xi1>) value(%get3A_962 : vector<16xi32>) : vector<16xi1>, vector<16xi32>
      %shift_right_logical3A_967 = arith.constant 7 : i32
      %shift_right_logical3A_968 = vector.broadcast %shift_right_logical3A_967 : i32 to vector<16xi32>
      %shift_right_logical3A_969 = arith.shrui %get3A_962, %shift_right_logical3A_968 : vector<16xi32>
      %and3A_970 = arith.constant 127 : i32
      %and3A_971 = vector.broadcast %and3A_970 : i32 to vector<16xi32>
      %and3A_972 = arith.andi %get3A_962, %and3A_971 : vector<16xi32>
      %convert_element_type3A_973 = arith.sitofp %unique3A_966 : vector<16xi32> to vector<16xf32>
      tpu.vector_store_idx %arg16[%shift_right_logical3A_969, %and3A_972], %convert_element_type3A_973 masked %unique3A_965 {add = true} : memref<80x128xf32, #tpu.memory_space<vmem>>[vector<16xi32>, vector<16xi32>], vector<16xf32>, vector<16xi1>
      %get3A_974 = arith.constant 5 : i32
      %get3A_975 = arith.index_cast %get3A_974 : i32 to index
      %get3A_976 = arith.constant 32 : index
      %get3A_977 = tpu.vector_load %arg8[%get3A_975, %get3A_976] {strides = array<i32>} : memref<6x80xi32, #tpu.memory_space<vmem>>, vector<16xi32>,
      %broadcast_in_dim3A_978 = arith.constant true
      %broadcast_in_dim3A_979 = vector.broadcast %broadcast_in_dim3A_978 : i1 to vector<16xi1>
      %unique3A_980, %unique3A_981 = tpu.scan_count mask(%broadcast_in_dim3A_979 : vector<16xi1>) value(%get3A_977 : vector<16xi32>) : vector<16xi1>, vector<16xi32>
      %shift_right_logical3A_982 = arith.constant 7 : i32
      %shift_right_logical3A_983 = vector.broadcast %shift_right_logical3A_982 : i32 to vector<16xi32>
      %shift_right_logical3A_984 = arith.shrui %get3A_977, %shift_right_logical3A_983 : vector<16xi32>
      %and3A_985 = arith.constant 127 : i32
      %and3A_986 = vector.broadcast %and3A_985 : i32 to vector<16xi32>
      %and3A_987 = arith.andi %get3A_977, %and3A_986 : vector<16xi32>
      %convert_element_type3A_988 = arith.sitofp %unique3A_981 : vector<16xi32> to vector<16xf32>
      tpu.vector_store_idx %arg16[%shift_right_logical3A_984, %and3A_987], %convert_element_type3A_988 masked %unique3A_980 {add = true} : memref<80x128xf32, #tpu.memory_space<vmem>>[vector<16xi32>, vector<16xi32>], vector<16xf32>, vector<16xi1>
      %get3A_989 = arith.constant 5 : i32
      %get3A_990 = arith.index_cast %get3A_989 : i32 to index
      %get3A_991 = arith.constant 48 : index
      %get3A_992 = tpu.vector_load %arg8[%get3A_990, %get3A_991] {strides = array<i32>} : memref<6x80xi32, #tpu.memory_space<vmem>>, vector<16xi32>,
      %broadcast_in_dim3A_993 = arith.constant true
      %broadcast_in_dim3A_994 = vector.broadcast %broadcast_in_dim3A_993 : i1 to vector<16xi1>
      %unique3A_995, %unique3A_996 = tpu.scan_count mask(%broadcast_in_dim3A_994 : vector<16xi1>) value(%get3A_992 : vector<16xi32>) : vector<16xi1>, vector<16xi32>
      %shift_right_logical3A_997 = arith.constant 7 : i32
      %shift_right_logical3A_998 = vector.broadcast %shift_right_logical3A_997 : i32 to vector<16xi32>
      %shift_right_logical3A_999 = arith.shrui %get3A_992, %shift_right_logical3A_998 : vector<16xi32>
      %and3A_1000 = arith.constant 127 : i32
      %and3A_1001 = vector.broadcast %and3A_1000 : i32 to vector<16xi32>
      %and3A_1002 = arith.andi %get3A_992, %and3A_1001 : vector<16xi32>
      %convert_element_type3A_1003 = arith.sitofp %unique3A_996 : vector<16xi32> to vector<16xf32>
      tpu.vector_store_idx %arg16[%shift_right_logical3A_999, %and3A_1002], %convert_element_type3A_1003 masked %unique3A_995 {add = true} : memref<80x128xf32, #tpu.memory_space<vmem>>[vector<16xi32>, vector<16xi32>], vector<16xf32>, vector<16xi1>
      %get3A_1004 = arith.constant 5 : i32
      %get3A_1005 = arith.index_cast %get3A_1004 : i32 to index
      %get3A_1006 = arith.constant 64 : index
      %get3A_1007 = tpu.vector_load %arg8[%get3A_1005, %get3A_1006] {strides = array<i32>} : memref<6x80xi32, #tpu.memory_space<vmem>>, vector<16xi32>,
      %broadcast_in_dim3A_1008 = arith.constant true
      %broadcast_in_dim3A_1009 = vector.broadcast %broadcast_in_dim3A_1008 : i1 to vector<16xi1>
      %unique3A_1010, %unique3A_1011 = tpu.scan_count mask(%broadcast_in_dim3A_1009 : vector<16xi1>) value(%get3A_1007 : vector<16xi32>) : vector<16xi1>, vector<16xi32>
      %shift_right_logical3A_1012 = arith.constant 7 : i32
      %shift_right_logical3A_1013 = vector.broadcast %shift_right_logical3A_1012 : i32 to vector<16xi32>
      %shift_right_logical3A_1014 = arith.shrui %get3A_1007, %shift_right_logical3A_1013 : vector<16xi32>
      %and3A_1015 = arith.constant 127 : i32
      %and3A_1016 = vector.broadcast %and3A_1015 : i32 to vector<16xi32>
      %and3A_1017 = arith.andi %get3A_1007, %and3A_1016 : vector<16xi32>
      %convert_element_type3A_1018 = arith.sitofp %unique3A_1011 : vector<16xi32> to vector<16xf32>
      tpu.vector_store_idx %arg16[%shift_right_logical3A_1014, %and3A_1017], %convert_element_type3A_1018 masked %unique3A_1010 {add = true} : memref<80x128xf32, #tpu.memory_space<vmem>>[vector<16xi32>, vector<16xi32>], vector<16xf32>, vector<16xi1>
      %ge3A_1019 = arith.constant 1 : i32
      %ge3A_1020 = arith.cmpi sge, %add3A_898, %ge3A_1019 : i32
      %convert_element_type3A_1021 = arith.extui %ge3A_1020 : i1 to i32
      %cond3A_1022 = arith.constant 0 : i32
      %cond3A_1023 = arith.cmpi ne, %convert_element_type3A_1021, %cond3A_1022 : i32
      scf.if %cond3A_1023 {
        %dma_wait3A_1031 = arith.constant 0 : i32
        %dma_wait3A_1032 = arith.constant 0 : i32
        %dma_wait3A_1033 = arith.constant 0 : i32
        %dma_wait3A_1034 = tpu.memref_slice %arg2[%dma_wait3A_1032, %dma_wait3A_1033] : memref<10000x128xf32, #tpu.memory_space<hbm>> -> memref<80x128xf32, #tpu.memory_space<hbm>>
        %dma_wait3A_1035 = tpu.memref_slice %arg14[%dma_wait3A_1031] : memref<2x!tpu.dma_semaphore, #tpu.memory_space<semaphore_mem>> -> memref<1x!tpu.dma_semaphore, #tpu.memory_space<semaphore_mem>>
        %dma_wait3A_1036 = tpu.memref_squeeze %dma_wait3A_1035 : memref<1x!tpu.dma_semaphore, #tpu.memory_space<semaphore_mem>> -> memref<!tpu.dma_semaphore, #tpu.memory_space<semaphore_mem>>
        %dma_wait3A_1037 = arith.constant 0 : i32
        %dma_wait3A_1038 = arith.constant 0 : i32
        %dma_wait3A_1039 = tpu.memref_slice %arg2[%dma_wait3A_1037, %dma_wait3A_1038] : memref<10000x128xf32, #tpu.memory_space<hbm>> -> memref<80x128xf32, #tpu.memory_space<hbm>>
        tpu.wait_dma2 semaphore(%dma_wait3A_1036 : memref<!tpu.dma_semaphore, #tpu.memory_space<semaphore_mem>>) src(%dma_wait3A_1039 : memref<80x128xf32, #tpu.memory_space<hbm>>) dst(%arg10 : memref<80x128xf32, #tpu.memory_space<vmem>>)
        %dma_start3A_1040 = arith.constant 4 : i32
        %dma_start3A_1041 = arith.constant 1 : i32
        %dma_start3A_1042 = arith.constant 0 : i32
        %dma_start3A_1043 = tpu.memref_slice %arg8[%dma_start3A_1040, %dma_start3A_1042] : memref<6x80xi32, #tpu.memory_space<vmem>> -> memref<1x80xi32, #tpu.memory_space<vmem>>
        %dma_start3A_1044 = tpu.memref_squeeze %dma_start3A_1043 : memref<1x80xi32, #tpu.memory_space<vmem>> -> memref<80xi32, #tpu.memory_space<vmem>>
        %dma_start3A_1045 = arith.constant 0 : i32
        %dma_start3A_1046 = arith.constant 0 : i32
        %dma_start3A_1047 = tpu.memref_slice %arg12[%dma_start3A_1045, %dma_start3A_1046] : memref<10240x128xf32, #tpu.memory_space<vmem_shared>> -> memref<10240x128xf32, #tpu.memory_space<vmem_shared>>
        %dma_start3A_1048 = tpu.memref_slice %arg15[%dma_start3A_1041] : memref<3x!tpu.dma_semaphore, #tpu.memory_space<semaphore_mem>> -> memref<1x!tpu.dma_semaphore, #tpu.memory_space<semaphore_mem>>
        %dma_start3A_1049 = tpu.memref_squeeze %dma_start3A_1048 : memref<1x!tpu.dma_semaphore, #tpu.memory_space<semaphore_mem>> -> memref<!tpu.dma_semaphore, #tpu.memory_space<semaphore_mem>>
        tpu.enqueue_indirect_dma source(%arg10 : memref<80x128xf32, #tpu.memory_space<vmem>>) target(%dma_start3A_1047 : memref<10240x128xf32, #tpu.memory_space<vmem_shared>>) offsets(%dma_start3A_1044 : memref<80xi32, #tpu.memory_space<vmem>>) semaphore(%dma_start3A_1049 : memref<!tpu.dma_semaphore, #tpu.memory_space<semaphore_mem>>) {add = true}
      } else {
      }
      %add3A_1024 = arith.constant 3 : i32
      %add3A_1025 = arith.addi %add3A_898, %add3A_1024 : i32
      %lt3A_1026 = arith.constant 126 : i32
      %lt3A_1027 = arith.cmpi slt, %add3A_1025, %lt3A_1026 : i32
      %convert_element_type3A_1028 = arith.extui %lt3A_1027 : i1 to i32
      %cond3A_1029 = arith.constant 0 : i32
      %cond3A_1030 = arith.cmpi ne, %convert_element_type3A_1028, %cond3A_1029 : i32
      scf.if %cond3A_1030 {
        %add3A_1031 = arith.constant 3 : i32
        %add3A_1032 = arith.addi %add3A_898, %add3A_1031 : i32
        %mul3A_1033 = arith.constant 80 : i32
        %mul3A_1034 = arith.muli %add3A_1032, %mul3A_1033 : i32
        %add3A_1035 = arith.addi %mul3A_72, %mul3A_1034 : i32
        %dma_start3A_1036 = arith.constant 2 : i32
        %dma_start3A_1037 = arith.constant 2 : i32
        %dma_start3A_1038 = arith.constant 0 : i32
        %dma_start3A_1039 = tpu.memref_slice %arg7[%dma_start3A_1036, %dma_start3A_1038] : memref<6x80xi32, #tpu.memory_space<vmem>> -> memref<1x80xi32, #tpu.memory_space<vmem>>
        %dma_start3A_1040 = tpu.memref_squeeze %dma_start3A_1039 : memref<1x80xi32, #tpu.memory_space<vmem>> -> memref<80xi32, #tpu.memory_space<vmem>>
        %dma_start3A_1041 = tpu.memref_slice %arg3[%add3A_1035] : memref<322560xi32, #tpu.memory_space<hbm>> -> memref<80xi32, #tpu.memory_space<hbm>>
        %dma_start3A_1042 = tpu.memref_slice %arg13[%dma_start3A_1037] : memref<6x!tpu.dma_semaphore, #tpu.memory_space<semaphore_mem>> -> memref<1x!tpu.dma_semaphore, #tpu.memory_space<semaphore_mem>>
        %dma_start3A_1043 = tpu.memref_squeeze %dma_start3A_1042 : memref<1x!tpu.dma_semaphore, #tpu.memory_space<semaphore_mem>> -> memref<!tpu.dma_semaphore, #tpu.memory_space<semaphore_mem>>
        %dma_start3A_1044 = arith.constant 0 : i32
        %dma_start3A_1045 = tpu.memref_slice %arg7[%dma_start3A_1036, %dma_start3A_1044] : memref<6x80xi32, #tpu.memory_space<vmem>> -> memref<1x80xi32, #tpu.memory_space<vmem>>
        %dma_start3A_1046 = tpu.memref_squeeze %dma_start3A_1045 : memref<1x80xi32, #tpu.memory_space<vmem>> -> memref<80xi32, #tpu.memory_space<vmem>>
        %dma_start3A_1047 = tpu.memref_slice %arg3[%add3A_1035] : memref<322560xi32, #tpu.memory_space<hbm>> -> memref<80xi32, #tpu.memory_space<hbm>>
        tpu.enqueue_dma source(%dma_start3A_1047 : memref<80xi32, #tpu.memory_space<hbm>>) target(%dma_start3A_1046 : memref<80xi32, #tpu.memory_space<vmem>>) target_semaphore(%dma_start3A_1043 : memref<!tpu.dma_semaphore, #tpu.memory_space<semaphore_mem>>)
        %dma_start3A_1048 = arith.constant 2 : i32
        %dma_start3A_1049 = arith.constant 2 : i32
        %dma_start3A_1050 = arith.constant 0 : i32
        %dma_start3A_1051 = tpu.memref_slice %arg8[%dma_start3A_1048, %dma_start3A_1050] : memref<6x80xi32, #tpu.memory_space<vmem>> -> memref<1x80xi32, #tpu.memory_space<vmem>>
        %dma_start3A_1052 = tpu.memref_squeeze %dma_start3A_1051 : memref<1x80xi32, #tpu.memory_space<vmem>> -> memref<80xi32, #tpu.memory_space<vmem>>
        %dma_start3A_1053 = tpu.memref_slice %arg4[%add3A_1035] : memref<322560xi32, #tpu.memory_space<hbm>> -> memref<80xi32, #tpu.memory_space<hbm>>
        %dma_start3A_1054 = tpu.memref_slice %arg13[%dma_start3A_1049] : memref<6x!tpu.dma_semaphore, #tpu.memory_space<semaphore_mem>> -> memref<1x!tpu.dma_semaphore, #tpu.memory_space<semaphore_mem>>
        %dma_start3A_1055 = tpu.memref_squeeze %dma_start3A_1054 : memref<1x!tpu.dma_semaphore, #tpu.memory_space<semaphore_mem>> -> memref<!tpu.dma_semaphore, #tpu.memory_space<semaphore_mem>>
        %dma_start3A_1056 = arith.constant 0 : i32
        %dma_start3A_1057 = tpu.memref_slice %arg8[%dma_start3A_1048, %dma_start3A_1056] : memref<6x80xi32, #tpu.memory_space<vmem>> -> memref<1x80xi32, #tpu.memory_space<vmem>>
        %dma_start3A_1058 = tpu.memref_squeeze %dma_start3A_1057 : memref<1x80xi32, #tpu.memory_space<vmem>> -> memref<80xi32, #tpu.memory_space<vmem>>
        %dma_start3A_1059 = tpu.memref_slice %arg4[%add3A_1035] : memref<322560xi32, #tpu.memory_space<hbm>> -> memref<80xi32, #tpu.memory_space<hbm>>
        tpu.enqueue_dma source(%dma_start3A_1059 : memref<80xi32, #tpu.memory_space<hbm>>) target(%dma_start3A_1058 : memref<80xi32, #tpu.memory_space<vmem>>) target_semaphore(%dma_start3A_1055 : memref<!tpu.dma_semaphore, #tpu.memory_space<semaphore_mem>>)
      } else {
      }
    }
    %scan3A_160 = arith.constant 21 : i32
    %dma_wait3A = arith.constant 1 : i32
    %dma_wait3A_161 = arith.constant 0 : i32
    %dma_wait3A_162 = arith.constant 0 : i32
    %dma_wait3A_163 = tpu.memref_slice %arg2[%dma_wait3A_161, %dma_wait3A_162] : memref<10000x128xf32, #tpu.memory_space<hbm>> -> memref<80x128xf32, #tpu.memory_space<hbm>>
    %dma_wait3A_164 = tpu.memref_slice %arg14[%dma_wait3A] : memref<2x!tpu.dma_semaphore, #tpu.memory_space<semaphore_mem>> -> memref<1x!tpu.dma_semaphore, #tpu.memory_space<semaphore_mem>>
    %dma_wait3A_165 = tpu.memref_squeeze %dma_wait3A_164 : memref<1x!tpu.dma_semaphore, #tpu.memory_space<semaphore_mem>> -> memref<!tpu.dma_semaphore, #tpu.memory_space<semaphore_mem>>
    %dma_wait3A_166 = arith.constant 0 : i32
    %dma_wait3A_167 = arith.constant 0 : i32
    %dma_wait3A_168 = tpu.memref_slice %arg2[%dma_wait3A_166, %dma_wait3A_167] : memref<10000x128xf32, #tpu.memory_space<hbm>> -> memref<80x128xf32, #tpu.memory_space<hbm>>
    tpu.wait_dma2 semaphore(%dma_wait3A_165 : memref<!tpu.dma_semaphore, #tpu.memory_space<semaphore_mem>>) src(%dma_wait3A_168 : memref<80x128xf32, #tpu.memory_space<hbm>>) dst(%arg11 : memref<80x128xf32, #tpu.memory_space<vmem>>)
    %dma_start3A_169 = arith.constant 5 : i32
    %dma_start3A_170 = arith.constant 2 : i32
    %dma_start3A_171 = arith.constant 0 : i32
    %dma_start3A_172 = tpu.memref_slice %arg8[%dma_start3A_169, %dma_start3A_171] : memref<6x80xi32, #tpu.memory_space<vmem>> -> memref<1x80xi32, #tpu.memory_space<vmem>>
    %dma_start3A_173 = tpu.memref_squeeze %dma_start3A_172 : memref<1x80xi32, #tpu.memory_space<vmem>> -> memref<80xi32, #tpu.memory_space<vmem>>
    %dma_start3A_174 = arith.constant 0 : i32
    %dma_start3A_175 = arith.constant 0 : i32
    %dma_start3A_176 = tpu.memref_slice %arg12[%dma_start3A_174, %dma_start3A_175] : memref<10240x128xf32, #tpu.memory_space<vmem_shared>> -> memref<10240x128xf32, #tpu.memory_space<vmem_shared>>
    %dma_start3A_177 = tpu.memref_slice %arg15[%dma_start3A_170] : memref<3x!tpu.dma_semaphore, #tpu.memory_space<semaphore_mem>> -> memref<1x!tpu.dma_semaphore, #tpu.memory_space<semaphore_mem>>
    %dma_start3A_178 = tpu.memref_squeeze %dma_start3A_177 : memref<1x!tpu.dma_semaphore, #tpu.memory_space<semaphore_mem>> -> memref<!tpu.dma_semaphore, #tpu.memory_space<semaphore_mem>>
    tpu.enqueue_indirect_dma source(%arg11 : memref<80x128xf32, #tpu.memory_space<vmem>>) target(%dma_start3A_176 : memref<10240x128xf32, #tpu.memory_space<vmem_shared>>) offsets(%dma_start3A_173 : memref<80xi32, #tpu.memory_space<vmem>>) semaphore(%dma_start3A_178 : memref<!tpu.dma_semaphore, #tpu.memory_space<semaphore_mem>>) {add = true}
    %dma_wait3A_179 = arith.constant 0 : i32
    %dma_wait3A_180 = arith.constant 0 : i32
    %dma_wait3A_181 = arith.constant 0 : i32
    %dma_wait3A_182 = tpu.memref_slice %arg2[%dma_wait3A_180, %dma_wait3A_181] : memref<10000x128xf32, #tpu.memory_space<hbm>> -> memref<80x128xf32, #tpu.memory_space<hbm>>
    %dma_wait3A_183 = tpu.memref_slice %arg15[%dma_wait3A_179] : memref<3x!tpu.dma_semaphore, #tpu.memory_space<semaphore_mem>> -> memref<1x!tpu.dma_semaphore, #tpu.memory_space<semaphore_mem>>
    %dma_wait3A_184 = tpu.memref_squeeze %dma_wait3A_183 : memref<1x!tpu.dma_semaphore, #tpu.memory_space<semaphore_mem>> -> memref<!tpu.dma_semaphore, #tpu.memory_space<semaphore_mem>>
    %dma_wait3A_185 = arith.constant 0 : i32
    %dma_wait3A_186 = arith.constant 0 : i32
    %dma_wait3A_187 = tpu.memref_slice %arg2[%dma_wait3A_185, %dma_wait3A_186] : memref<10000x128xf32, #tpu.memory_space<hbm>> -> memref<80x128xf32, #tpu.memory_space<hbm>>
    tpu.wait_dma2 semaphore(%dma_wait3A_184 : memref<!tpu.dma_semaphore, #tpu.memory_space<semaphore_mem>>) src(%dma_wait3A_187 : memref<80x128xf32, #tpu.memory_space<hbm>>) dst(%arg9 : memref<80x128xf32, #tpu.memory_space<vmem>>)
    %dma_wait3A_188 = arith.constant 1 : i32
    %dma_wait3A_189 = arith.constant 0 : i32
    %dma_wait3A_190 = arith.constant 0 : i32
    %dma_wait3A_191 = tpu.memref_slice %arg2[%dma_wait3A_189, %dma_wait3A_190] : memref<10000x128xf32, #tpu.memory_space<hbm>> -> memref<80x128xf32, #tpu.memory_space<hbm>>
    %dma_wait3A_192 = tpu.memref_slice %arg15[%dma_wait3A_188] : memref<3x!tpu.dma_semaphore, #tpu.memory_space<semaphore_mem>> -> memref<1x!tpu.dma_semaphore, #tpu.memory_space<semaphore_mem>>
    %dma_wait3A_193 = tpu.memref_squeeze %dma_wait3A_192 : memref<1x!tpu.dma_semaphore, #tpu.memory_space<semaphore_mem>> -> memref<!tpu.dma_semaphore, #tpu.memory_space<semaphore_mem>>
    %dma_wait3A_194 = arith.constant 0 : i32
    %dma_wait3A_195 = arith.constant 0 : i32
    %dma_wait3A_196 = tpu.memref_slice %arg2[%dma_wait3A_194, %dma_wait3A_195] : memref<10000x128xf32, #tpu.memory_space<hbm>> -> memref<80x128xf32, #tpu.memory_space<hbm>>
    tpu.wait_dma2 semaphore(%dma_wait3A_193 : memref<!tpu.dma_semaphore, #tpu.memory_space<semaphore_mem>>) src(%dma_wait3A_196 : memref<80x128xf32, #tpu.memory_space<hbm>>) dst(%arg10 : memref<80x128xf32, #tpu.memory_space<vmem>>)
    %dma_wait3A_197 = arith.constant 2 : i32
    %dma_wait3A_198 = arith.constant 0 : i32
    %dma_wait3A_199 = arith.constant 0 : i32
    %dma_wait3A_200 = tpu.memref_slice %arg2[%dma_wait3A_198, %dma_wait3A_199] : memref<10000x128xf32, #tpu.memory_space<hbm>> -> memref<80x128xf32, #tpu.memory_space<hbm>>
    %dma_wait3A_201 = tpu.memref_slice %arg15[%dma_wait3A_197] : memref<3x!tpu.dma_semaphore, #tpu.memory_space<semaphore_mem>> -> memref<1x!tpu.dma_semaphore, #tpu.memory_space<semaphore_mem>>
    %dma_wait3A_202 = tpu.memref_squeeze %dma_wait3A_201 : memref<1x!tpu.dma_semaphore, #tpu.memory_space<semaphore_mem>> -> memref<!tpu.dma_semaphore, #tpu.memory_space<semaphore_mem>>
    %dma_wait3A_203 = arith.constant 0 : i32
    %dma_wait3A_204 = arith.constant 0 : i32
    %dma_wait3A_205 = tpu.memref_slice %arg2[%dma_wait3A_203, %dma_wait3A_204] : memref<10000x128xf32, #tpu.memory_space<hbm>> -> memref<80x128xf32, #tpu.memory_space<hbm>>
    tpu.wait_dma2 semaphore(%dma_wait3A_202 : memref<!tpu.dma_semaphore, #tpu.memory_space<semaphore_mem>>) src(%dma_wait3A_205 : memref<80x128xf32, #tpu.memory_space<hbm>>) dst(%arg11 : memref<80x128xf32, #tpu.memory_space<vmem>>)
    %dma_start3A_206 = arith.constant 0 : i32
    %dma_start3A_207 = arith.constant 0 : i32
    %dma_start3A_208 = tpu.memref_slice %arg18[%dma_start3A_206, %dma_start3A_207] : memref<80x128xf32, #tpu.memory_space<vmem_shared>> -> memref<80x128xf32, #tpu.memory_space<vmem_shared>>
    tpu.enqueue_indirect_dma source(%arg16 : memref<80x128xf32, #tpu.memory_space<vmem>>) target(%dma_start3A_208 : memref<80x128xf32, #tpu.memory_space<vmem_shared>>) offsets(%arg17 : memref<80xi32, #tpu.memory_space<vmem>>) semaphore(%arg19 : memref<!tpu.dma_semaphore, #tpu.memory_space<semaphore_mem>>) {add = true}
    %dma_wait3A_209 = arith.constant 0 : i32
    %dma_wait3A_210 = arith.constant 0 : i32
    %dma_wait3A_211 = tpu.memref_slice %arg18[%dma_wait3A_209, %dma_wait3A_210] : memref<80x128xf32, #tpu.memory_space<vmem_shared>> -> memref<80x128xf32, #tpu.memory_space<vmem_shared>>
    tpu.wait_indirect_dma semaphore(%arg19 : memref<!tpu.dma_semaphore, #tpu.memory_space<semaphore_mem>>) src(%arg16 : memref<80x128xf32, #tpu.memory_space<vmem>>) dst(%dma_wait3A_211 : memref<80x128xf32, #tpu.memory_space<vmem_shared>>)
    %barrier3A_212 = arith.constant 0 : index
    tpu.barrier barrier_id(%barrier3A_212)
    %mul3A_213 = arith.constant 640 : i32
    %mul3A_214 = arith.muli %arg1, %mul3A_213 : i32
    "tpu.region"() ({
      %run_scoped3A = tpu.sem_alloc : memref<!tpu.dma_semaphore, #tpu.memory_space<semaphore_mem>>
      %dma_start3A_219 = arith.constant 0 : i32
      %dma_start3A_220 = tpu.memref_slice %arg5[%arg0, %mul3A_214, %dma_start3A_219] : memref<2x10240x128xf32, #tpu.memory_space<hbm>> -> memref<1x640x128xf32, #tpu.memory_space<hbm>>
      %dma_start3A_221 = tpu.memref_squeeze %dma_start3A_220 : memref<1x640x128xf32, #tpu.memory_space<hbm>> -> memref<640x128xf32, #tpu.memory_space<hbm>>
      %dma_start3A_222 = arith.constant 0 : i32
      %dma_start3A_223 = tpu.memref_slice %arg12[%mul3A_214, %dma_start3A_222] : memref<10240x128xf32, #tpu.memory_space<vmem_shared>> -> memref<640x128xf32, #tpu.memory_space<vmem_shared>>
      tpu.enqueue_dma source(%dma_start3A_223 : memref<640x128xf32, #tpu.memory_space<vmem_shared>>) target(%dma_start3A_221 : memref<640x128xf32, #tpu.memory_space<hbm>>) target_semaphore(%run_scoped3A : memref<!tpu.dma_semaphore, #tpu.memory_space<semaphore_mem>>)
      %dma_wait3A_224 = arith.constant 0 : i32
      %dma_wait3A_225 = tpu.memref_slice %arg5[%arg0, %mul3A_214, %dma_wait3A_224] : memref<2x10240x128xf32, #tpu.memory_space<hbm>> -> memref<1x640x128xf32, #tpu.memory_space<hbm>>
      %dma_wait3A_226 = tpu.memref_squeeze %dma_wait3A_225 : memref<1x640x128xf32, #tpu.memory_space<hbm>> -> memref<640x128xf32, #tpu.memory_space<hbm>>
      %dma_wait3A_227 = arith.constant 0 : i32
      %dma_wait3A_228 = tpu.memref_slice %arg12[%mul3A_214, %dma_wait3A_227] : memref<10240x128xf32, #tpu.memory_space<vmem_shared>> -> memref<640x128xf32, #tpu.memory_space<vmem_shared>>
      tpu.wait_dma2 semaphore(%run_scoped3A : memref<!tpu.dma_semaphore, #tpu.memory_space<semaphore_mem>>) src(%dma_wait3A_228 : memref<640x128xf32, #tpu.memory_space<vmem_shared>>) dst(%dma_wait3A_226 : memref<640x128xf32, #tpu.memory_space<hbm>>)
      tpu.yield
    }) : () -> ()
    %lt3A = arith.constant 10 : i32
    %lt3A_215 = arith.cmpi slt, %arg1, %lt3A : i32
    %convert_element_type3A_216 = arith.extui %lt3A_215 : i1 to i32
    %cond3A_217 = arith.constant 0 : i32
    %cond3A_218 = arith.cmpi ne, %convert_element_type3A_216, %cond3A_217 : i32
    scf.if %cond3A_218 {
      %mul3A_219 = arith.constant 8 : i32
      %mul3A_220 = arith.muli %arg1, %mul3A_219 : i32
      "tpu.region"() ({
        %run_scoped3A = tpu.sem_alloc : memref<!tpu.dma_semaphore, #tpu.memory_space<semaphore_mem>>
        %dma_start3A_221 = arith.constant 0 : i32
        %dma_start3A_222 = tpu.memref_slice %arg6[%arg0, %mul3A_220, %dma_start3A_221] : memref<2x80x128xf32, #tpu.memory_space<hbm>> -> memref<1x8x128xf32, #tpu.memory_space<hbm>>
        %dma_start3A_223 = tpu.memref_squeeze %dma_start3A_222 : memref<1x8x128xf32, #tpu.memory_space<hbm>> -> memref<8x128xf32, #tpu.memory_space<hbm>>
        %dma_start3A_224 = arith.constant 0 : i32
        %dma_start3A_225 = tpu.memref_slice %arg18[%mul3A_220, %dma_start3A_224] : memref<80x128xf32, #tpu.memory_space<vmem_shared>> -> memref<8x128xf32, #tpu.memory_space<vmem_shared>>
        tpu.enqueue_dma source(%dma_start3A_225 : memref<8x128xf32, #tpu.memory_space<vmem_shared>>) target(%dma_start3A_223 : memref<8x128xf32, #tpu.memory_space<hbm>>) target_semaphore(%run_scoped3A : memref<!tpu.dma_semaphore, #tpu.memory_space<semaphore_mem>>)
        %dma_wait3A_226 = arith.constant 0 : i32
        %dma_wait3A_227 = tpu.memref_slice %arg6[%arg0, %mul3A_220, %dma_wait3A_226] : memref<2x80x128xf32, #tpu.memory_space<hbm>> -> memref<1x8x128xf32, #tpu.memory_space<hbm>>
        %dma_wait3A_228 = tpu.memref_squeeze %dma_wait3A_227 : memref<1x8x128xf32, #tpu.memory_space<hbm>> -> memref<8x128xf32, #tpu.memory_space<hbm>>
        %dma_wait3A_229 = arith.constant 0 : i32
        %dma_wait3A_230 = tpu.memref_slice %arg18[%mul3A_220, %dma_wait3A_229] : memref<80x128xf32, #tpu.memory_space<vmem_shared>> -> memref<8x128xf32, #tpu.memory_space<vmem_shared>>
        tpu.wait_dma2 semaphore(%run_scoped3A : memref<!tpu.dma_semaphore, #tpu.memory_space<semaphore_mem>>) src(%dma_wait3A_230 : memref<8x128xf32, #tpu.memory_space<vmem_shared>>) dst(%dma_wait3A_228 : memref<8x128xf32, #tpu.memory_space<hbm>>)
        tpu.yield
      }) : () -> ()
    } else {
    }
    return
  }
}

#map = affine_map<(d0, d1) -> (0, 0)>
#map1 = affine_map<(d0, d1) -> (0)>
#map2 = affine_map<(d0, d1) -> (0, 0, 0)>
module attributes {stable_mosaic.version = 14 : i64} {
  func.func @body(%arg0: i32, %arg1: i32, %arg2: memref<10000x128xf32, #tpu.memory_space<hbm>>, %arg3: memref<322560xi32, #tpu.memory_space<hbm>>, %arg4: memref<322560xi32, #tpu.memory_space<hbm>>, %arg5: memref<2x10240x128xf32, #tpu.memory_space<hbm>>, %arg6: memref<6x80xi32, #tpu.memory_space<vmem>>, %arg7: memref<6x80xi32, #tpu.memory_space<vmem>>, %arg8: memref<80x128xf32, #tpu.memory_space<vmem>>, %arg9: memref<80x128xf32, #tpu.memory_space<vmem>>, %arg10: memref<80x128xf32, #tpu.memory_space<vmem>>, %arg11: memref<10240x128xf32, #tpu.memory_space<vmem_shared>>, %arg12: memref<6x!tpu.dma_semaphore, #tpu.memory_space<semaphore_mem>>, %arg13: memref<2x!tpu.dma_semaphore, #tpu.memory_space<semaphore_mem>>, %arg14: memref<3x!tpu.dma_semaphore, #tpu.memory_space<semaphore_mem>>) attributes {dimension_semantics = [#tpu.dimension_semantics<core_parallel>, #tpu.dimension_semantics<subcore_parallel>], iteration_bounds = array<i64: 2, 16>, scalar_prefetch = 0 : i64, scratch_operands = 9 : i64, tpu.core_type = #tpu.core_type<sc_vector_subcore>, window_params = [{transform_indices = #map}, {transform_indices = #map1}, {transform_indices = #map1}, {transform_indices = #map2}]} {
    %mul3A = arith.constant 16 : i32
    %mul3A_0 = arith.muli %arg0, %mul3A : i32
    %add3A = arith.addi %mul3A_0, %arg1 : i32
    %broadcast_in_dim3A = arith.constant 0.000000e+00 : f32
    %broadcast_in_dim3A_1 = vector.broadcast %broadcast_in_dim3A : f32 to vector<16xf32>
    %scan3A = arith.constant 0 : i32
    %scan3A_2 = arith.constant 80 : i32
    %scan3A_3 = arith.addi %scan3A, %scan3A_2 : i32
    %scan3A_4 = arith.constant 1 : i32
    scf.for %scan3A_176 = %scan3A to %scan3A_3 step %scan3A_4  : i32 {
      %swap3A = arith.index_cast %scan3A_176 : i32 to index
      %swap3A_177 = arith.constant 0 : index
      %swap3A_178 = tpu.vector_load %arg8[%swap3A, %swap3A_177] {strides = array<i32>} : memref<80x128xf32, #tpu.memory_space<vmem>>, vector<16xf32>,
      tpu.vector_store %arg8[%swap3A, %swap3A_177], %broadcast_in_dim3A_1 {strides = array<i32>} : memref<80x128xf32, #tpu.memory_space<vmem>>, vector<16xf32>,
      %swap3A_179 = arith.index_cast %scan3A_176 : i32 to index
      %swap3A_180 = arith.constant 16 : index
      %swap3A_181 = tpu.vector_load %arg8[%swap3A_179, %swap3A_180] {strides = array<i32>} : memref<80x128xf32, #tpu.memory_space<vmem>>, vector<16xf32>,
      tpu.vector_store %arg8[%swap3A_179, %swap3A_180], %broadcast_in_dim3A_1 {strides = array<i32>} : memref<80x128xf32, #tpu.memory_space<vmem>>, vector<16xf32>,
      %swap3A_182 = arith.index_cast %scan3A_176 : i32 to index
      %swap3A_183 = arith.constant 32 : index
      %swap3A_184 = tpu.vector_load %arg8[%swap3A_182, %swap3A_183] {strides = array<i32>} : memref<80x128xf32, #tpu.memory_space<vmem>>, vector<16xf32>,
      tpu.vector_store %arg8[%swap3A_182, %swap3A_183], %broadcast_in_dim3A_1 {strides = array<i32>} : memref<80x128xf32, #tpu.memory_space<vmem>>, vector<16xf32>,
      %swap3A_185 = arith.index_cast %scan3A_176 : i32 to index
      %swap3A_186 = arith.constant 48 : index
      %swap3A_187 = tpu.vector_load %arg8[%swap3A_185, %swap3A_186] {strides = array<i32>} : memref<80x128xf32, #tpu.memory_space<vmem>>, vector<16xf32>,
      tpu.vector_store %arg8[%swap3A_185, %swap3A_186], %broadcast_in_dim3A_1 {strides = array<i32>} : memref<80x128xf32, #tpu.memory_space<vmem>>, vector<16xf32>,
      %swap3A_188 = arith.index_cast %scan3A_176 : i32 to index
      %swap3A_189 = arith.constant 64 : index
      %swap3A_190 = tpu.vector_load %arg8[%swap3A_188, %swap3A_189] {strides = array<i32>} : memref<80x128xf32, #tpu.memory_space<vmem>>, vector<16xf32>,
      tpu.vector_store %arg8[%swap3A_188, %swap3A_189], %broadcast_in_dim3A_1 {strides = array<i32>} : memref<80x128xf32, #tpu.memory_space<vmem>>, vector<16xf32>,
      %swap3A_191 = arith.index_cast %scan3A_176 : i32 to index
      %swap3A_192 = arith.constant 80 : index
      %swap3A_193 = tpu.vector_load %arg8[%swap3A_191, %swap3A_192] {strides = array<i32>} : memref<80x128xf32, #tpu.memory_space<vmem>>, vector<16xf32>,
      tpu.vector_store %arg8[%swap3A_191, %swap3A_192], %broadcast_in_dim3A_1 {strides = array<i32>} : memref<80x128xf32, #tpu.memory_space<vmem>>, vector<16xf32>,
      %swap3A_194 = arith.index_cast %scan3A_176 : i32 to index
      %swap3A_195 = arith.constant 96 : index
      %swap3A_196 = tpu.vector_load %arg8[%swap3A_194, %swap3A_195] {strides = array<i32>} : memref<80x128xf32, #tpu.memory_space<vmem>>, vector<16xf32>,
      tpu.vector_store %arg8[%swap3A_194, %swap3A_195], %broadcast_in_dim3A_1 {strides = array<i32>} : memref<80x128xf32, #tpu.memory_space<vmem>>, vector<16xf32>,
      %swap3A_197 = arith.index_cast %scan3A_176 : i32 to index
      %swap3A_198 = arith.constant 112 : index
      %swap3A_199 = tpu.vector_load %arg8[%swap3A_197, %swap3A_198] {strides = array<i32>} : memref<80x128xf32, #tpu.memory_space<vmem>>, vector<16xf32>,
      tpu.vector_store %arg8[%swap3A_197, %swap3A_198], %broadcast_in_dim3A_1 {strides = array<i32>} : memref<80x128xf32, #tpu.memory_space<vmem>>, vector<16xf32>,
    }
    %scan3A_5 = arith.constant 80 : i32
    %mul3A_6 = arith.constant 640 : i32
    %mul3A_7 = arith.muli %arg1, %mul3A_6 : i32
    %add3A_8 = arith.constant 0 : i32
    %add3A_9 = arith.addi %mul3A_7, %add3A_8 : i32
    "tpu.region"() ({
      %run_scoped3A = tpu.sem_alloc : memref<!tpu.dma_semaphore, #tpu.memory_space<semaphore_mem>>
      %dma_start3A_176 = arith.constant 0 : i32
      %dma_start3A_177 = tpu.memref_slice %arg11[%add3A_9, %dma_start3A_176] : memref<10240x128xf32, #tpu.memory_space<vmem_shared>> -> memref<80x128xf32, #tpu.memory_space<vmem_shared>>
      %dma_start3A_178 = arith.constant 0 : i32
      %dma_start3A_179 = tpu.memref_slice %arg11[%add3A_9, %dma_start3A_178] : memref<10240x128xf32, #tpu.memory_space<vmem_shared>> -> memref<80x128xf32, #tpu.memory_space<vmem_shared>>
      tpu.enqueue_dma source(%arg8 : memref<80x128xf32, #tpu.memory_space<vmem>>) target(%dma_start3A_179 : memref<80x128xf32, #tpu.memory_space<vmem_shared>>) target_semaphore(%run_scoped3A : memref<!tpu.dma_semaphore, #tpu.memory_space<semaphore_mem>>)
      %dma_wait3A_180 = arith.constant 0 : i32
      %dma_wait3A_181 = tpu.memref_slice %arg11[%add3A_9, %dma_wait3A_180] : memref<10240x128xf32, #tpu.memory_space<vmem_shared>> -> memref<80x128xf32, #tpu.memory_space<vmem_shared>>
      %dma_wait3A_182 = arith.constant 0 : i32
      %dma_wait3A_183 = tpu.memref_slice %arg11[%add3A_9, %dma_wait3A_182] : memref<10240x128xf32, #tpu.memory_space<vmem_shared>> -> memref<80x128xf32, #tpu.memory_space<vmem_shared>>
      tpu.wait_dma2 semaphore(%run_scoped3A : memref<!tpu.dma_semaphore, #tpu.memory_space<semaphore_mem>>) src(%arg8 : memref<80x128xf32, #tpu.memory_space<vmem>>) dst(%dma_wait3A_183 : memref<80x128xf32, #tpu.memory_space<vmem_shared>>)
      tpu.yield
    }) : () -> ()
    %mul3A_10 = arith.constant 640 : i32
    %mul3A_11 = arith.muli %arg1, %mul3A_10 : i32
    %add3A_12 = arith.constant 80 : i32
    %add3A_13 = arith.addi %mul3A_11, %add3A_12 : i32
    "tpu.region"() ({
      %run_scoped3A = tpu.sem_alloc : memref<!tpu.dma_semaphore, #tpu.memory_space<semaphore_mem>>
      %dma_start3A_176 = arith.constant 0 : i32
      %dma_start3A_177 = tpu.memref_slice %arg11[%add3A_13, %dma_start3A_176] : memref<10240x128xf32, #tpu.memory_space<vmem_shared>> -> memref<80x128xf32, #tpu.memory_space<vmem_shared>>
      %dma_start3A_178 = arith.constant 0 : i32
      %dma_start3A_179 = tpu.memref_slice %arg11[%add3A_13, %dma_start3A_178] : memref<10240x128xf32, #tpu.memory_space<vmem_shared>> -> memref<80x128xf32, #tpu.memory_space<vmem_shared>>
      tpu.enqueue_dma source(%arg8 : memref<80x128xf32, #tpu.memory_space<vmem>>) target(%dma_start3A_179 : memref<80x128xf32, #tpu.memory_space<vmem_shared>>) target_semaphore(%run_scoped3A : memref<!tpu.dma_semaphore, #tpu.memory_space<semaphore_mem>>)
      %dma_wait3A_180 = arith.constant 0 : i32
      %dma_wait3A_181 = tpu.memref_slice %arg11[%add3A_13, %dma_wait3A_180] : memref<10240x128xf32, #tpu.memory_space<vmem_shared>> -> memref<80x128xf32, #tpu.memory_space<vmem_shared>>
      %dma_wait3A_182 = arith.constant 0 : i32
      %dma_wait3A_183 = tpu.memref_slice %arg11[%add3A_13, %dma_wait3A_182] : memref<10240x128xf32, #tpu.memory_space<vmem_shared>> -> memref<80x128xf32, #tpu.memory_space<vmem_shared>>
      tpu.wait_dma2 semaphore(%run_scoped3A : memref<!tpu.dma_semaphore, #tpu.memory_space<semaphore_mem>>) src(%arg8 : memref<80x128xf32, #tpu.memory_space<vmem>>) dst(%dma_wait3A_183 : memref<80x128xf32, #tpu.memory_space<vmem_shared>>)
      tpu.yield
    }) : () -> ()
    %mul3A_14 = arith.constant 640 : i32
    %mul3A_15 = arith.muli %arg1, %mul3A_14 : i32
    %add3A_16 = arith.constant 160 : i32
    %add3A_17 = arith.addi %mul3A_15, %add3A_16 : i32
    "tpu.region"() ({
      %run_scoped3A = tpu.sem_alloc : memref<!tpu.dma_semaphore, #tpu.memory_space<semaphore_mem>>
      %dma_start3A_176 = arith.constant 0 : i32
      %dma_start3A_177 = tpu.memref_slice %arg11[%add3A_17, %dma_start3A_176] : memref<10240x128xf32, #tpu.memory_space<vmem_shared>> -> memref<80x128xf32, #tpu.memory_space<vmem_shared>>
      %dma_start3A_178 = arith.constant 0 : i32
      %dma_start3A_179 = tpu.memref_slice %arg11[%add3A_17, %dma_start3A_178] : memref<10240x128xf32, #tpu.memory_space<vmem_shared>> -> memref<80x128xf32, #tpu.memory_space<vmem_shared>>
      tpu.enqueue_dma source(%arg8 : memref<80x128xf32, #tpu.memory_space<vmem>>) target(%dma_start3A_179 : memref<80x128xf32, #tpu.memory_space<vmem_shared>>) target_semaphore(%run_scoped3A : memref<!tpu.dma_semaphore, #tpu.memory_space<semaphore_mem>>)
      %dma_wait3A_180 = arith.constant 0 : i32
      %dma_wait3A_181 = tpu.memref_slice %arg11[%add3A_17, %dma_wait3A_180] : memref<10240x128xf32, #tpu.memory_space<vmem_shared>> -> memref<80x128xf32, #tpu.memory_space<vmem_shared>>
      %dma_wait3A_182 = arith.constant 0 : i32
      %dma_wait3A_183 = tpu.memref_slice %arg11[%add3A_17, %dma_wait3A_182] : memref<10240x128xf32, #tpu.memory_space<vmem_shared>> -> memref<80x128xf32, #tpu.memory_space<vmem_shared>>
      tpu.wait_dma2 semaphore(%run_scoped3A : memref<!tpu.dma_semaphore, #tpu.memory_space<semaphore_mem>>) src(%arg8 : memref<80x128xf32, #tpu.memory_space<vmem>>) dst(%dma_wait3A_183 : memref<80x128xf32, #tpu.memory_space<vmem_shared>>)
      tpu.yield
    }) : () -> ()
    %mul3A_18 = arith.constant 640 : i32
    %mul3A_19 = arith.muli %arg1, %mul3A_18 : i32
    %add3A_20 = arith.constant 240 : i32
    %add3A_21 = arith.addi %mul3A_19, %add3A_20 : i32
    "tpu.region"() ({
      %run_scoped3A = tpu.sem_alloc : memref<!tpu.dma_semaphore, #tpu.memory_space<semaphore_mem>>
      %dma_start3A_176 = arith.constant 0 : i32
      %dma_start3A_177 = tpu.memref_slice %arg11[%add3A_21, %dma_start3A_176] : memref<10240x128xf32, #tpu.memory_space<vmem_shared>> -> memref<80x128xf32, #tpu.memory_space<vmem_shared>>
      %dma_start3A_178 = arith.constant 0 : i32
      %dma_start3A_179 = tpu.memref_slice %arg11[%add3A_21, %dma_start3A_178] : memref<10240x128xf32, #tpu.memory_space<vmem_shared>> -> memref<80x128xf32, #tpu.memory_space<vmem_shared>>
      tpu.enqueue_dma source(%arg8 : memref<80x128xf32, #tpu.memory_space<vmem>>) target(%dma_start3A_179 : memref<80x128xf32, #tpu.memory_space<vmem_shared>>) target_semaphore(%run_scoped3A : memref<!tpu.dma_semaphore, #tpu.memory_space<semaphore_mem>>)
      %dma_wait3A_180 = arith.constant 0 : i32
      %dma_wait3A_181 = tpu.memref_slice %arg11[%add3A_21, %dma_wait3A_180] : memref<10240x128xf32, #tpu.memory_space<vmem_shared>> -> memref<80x128xf32, #tpu.memory_space<vmem_shared>>
      %dma_wait3A_182 = arith.constant 0 : i32
      %dma_wait3A_183 = tpu.memref_slice %arg11[%add3A_21, %dma_wait3A_182] : memref<10240x128xf32, #tpu.memory_space<vmem_shared>> -> memref<80x128xf32, #tpu.memory_space<vmem_shared>>
      tpu.wait_dma2 semaphore(%run_scoped3A : memref<!tpu.dma_semaphore, #tpu.memory_space<semaphore_mem>>) src(%arg8 : memref<80x128xf32, #tpu.memory_space<vmem>>) dst(%dma_wait3A_183 : memref<80x128xf32, #tpu.memory_space<vmem_shared>>)
      tpu.yield
    }) : () -> ()
    %mul3A_22 = arith.constant 640 : i32
    %mul3A_23 = arith.muli %arg1, %mul3A_22 : i32
    %add3A_24 = arith.constant 320 : i32
    %add3A_25 = arith.addi %mul3A_23, %add3A_24 : i32
    "tpu.region"() ({
      %run_scoped3A = tpu.sem_alloc : memref<!tpu.dma_semaphore, #tpu.memory_space<semaphore_mem>>
      %dma_start3A_176 = arith.constant 0 : i32
      %dma_start3A_177 = tpu.memref_slice %arg11[%add3A_25, %dma_start3A_176] : memref<10240x128xf32, #tpu.memory_space<vmem_shared>> -> memref<80x128xf32, #tpu.memory_space<vmem_shared>>
      %dma_start3A_178 = arith.constant 0 : i32
      %dma_start3A_179 = tpu.memref_slice %arg11[%add3A_25, %dma_start3A_178] : memref<10240x128xf32, #tpu.memory_space<vmem_shared>> -> memref<80x128xf32, #tpu.memory_space<vmem_shared>>
      tpu.enqueue_dma source(%arg8 : memref<80x128xf32, #tpu.memory_space<vmem>>) target(%dma_start3A_179 : memref<80x128xf32, #tpu.memory_space<vmem_shared>>) target_semaphore(%run_scoped3A : memref<!tpu.dma_semaphore, #tpu.memory_space<semaphore_mem>>)
      %dma_wait3A_180 = arith.constant 0 : i32
      %dma_wait3A_181 = tpu.memref_slice %arg11[%add3A_25, %dma_wait3A_180] : memref<10240x128xf32, #tpu.memory_space<vmem_shared>> -> memref<80x128xf32, #tpu.memory_space<vmem_shared>>
      %dma_wait3A_182 = arith.constant 0 : i32
      %dma_wait3A_183 = tpu.memref_slice %arg11[%add3A_25, %dma_wait3A_182] : memref<10240x128xf32, #tpu.memory_space<vmem_shared>> -> memref<80x128xf32, #tpu.memory_space<vmem_shared>>
      tpu.wait_dma2 semaphore(%run_scoped3A : memref<!tpu.dma_semaphore, #tpu.memory_space<semaphore_mem>>) src(%arg8 : memref<80x128xf32, #tpu.memory_space<vmem>>) dst(%dma_wait3A_183 : memref<80x128xf32, #tpu.memory_space<vmem_shared>>)
      tpu.yield
    }) : () -> ()
    %mul3A_26 = arith.constant 640 : i32
    %mul3A_27 = arith.muli %arg1, %mul3A_26 : i32
    %add3A_28 = arith.constant 400 : i32
    %add3A_29 = arith.addi %mul3A_27, %add3A_28 : i32
    "tpu.region"() ({
      %run_scoped3A = tpu.sem_alloc : memref<!tpu.dma_semaphore, #tpu.memory_space<semaphore_mem>>
      %dma_start3A_176 = arith.constant 0 : i32
      %dma_start3A_177 = tpu.memref_slice %arg11[%add3A_29, %dma_start3A_176] : memref<10240x128xf32, #tpu.memory_space<vmem_shared>> -> memref<80x128xf32, #tpu.memory_space<vmem_shared>>
      %dma_start3A_178 = arith.constant 0 : i32
      %dma_start3A_179 = tpu.memref_slice %arg11[%add3A_29, %dma_start3A_178] : memref<10240x128xf32, #tpu.memory_space<vmem_shared>> -> memref<80x128xf32, #tpu.memory_space<vmem_shared>>
      tpu.enqueue_dma source(%arg8 : memref<80x128xf32, #tpu.memory_space<vmem>>) target(%dma_start3A_179 : memref<80x128xf32, #tpu.memory_space<vmem_shared>>) target_semaphore(%run_scoped3A : memref<!tpu.dma_semaphore, #tpu.memory_space<semaphore_mem>>)
      %dma_wait3A_180 = arith.constant 0 : i32
      %dma_wait3A_181 = tpu.memref_slice %arg11[%add3A_29, %dma_wait3A_180] : memref<10240x128xf32, #tpu.memory_space<vmem_shared>> -> memref<80x128xf32, #tpu.memory_space<vmem_shared>>
      %dma_wait3A_182 = arith.constant 0 : i32
      %dma_wait3A_183 = tpu.memref_slice %arg11[%add3A_29, %dma_wait3A_182] : memref<10240x128xf32, #tpu.memory_space<vmem_shared>> -> memref<80x128xf32, #tpu.memory_space<vmem_shared>>
      tpu.wait_dma2 semaphore(%run_scoped3A : memref<!tpu.dma_semaphore, #tpu.memory_space<semaphore_mem>>) src(%arg8 : memref<80x128xf32, #tpu.memory_space<vmem>>) dst(%dma_wait3A_183 : memref<80x128xf32, #tpu.memory_space<vmem_shared>>)
      tpu.yield
    }) : () -> ()
    %mul3A_30 = arith.constant 640 : i32
    %mul3A_31 = arith.muli %arg1, %mul3A_30 : i32
    %add3A_32 = arith.constant 480 : i32
    %add3A_33 = arith.addi %mul3A_31, %add3A_32 : i32
    "tpu.region"() ({
      %run_scoped3A = tpu.sem_alloc : memref<!tpu.dma_semaphore, #tpu.memory_space<semaphore_mem>>
      %dma_start3A_176 = arith.constant 0 : i32
      %dma_start3A_177 = tpu.memref_slice %arg11[%add3A_33, %dma_start3A_176] : memref<10240x128xf32, #tpu.memory_space<vmem_shared>> -> memref<80x128xf32, #tpu.memory_space<vmem_shared>>
      %dma_start3A_178 = arith.constant 0 : i32
      %dma_start3A_179 = tpu.memref_slice %arg11[%add3A_33, %dma_start3A_178] : memref<10240x128xf32, #tpu.memory_space<vmem_shared>> -> memref<80x128xf32, #tpu.memory_space<vmem_shared>>
      tpu.enqueue_dma source(%arg8 : memref<80x128xf32, #tpu.memory_space<vmem>>) target(%dma_start3A_179 : memref<80x128xf32, #tpu.memory_space<vmem_shared>>) target_semaphore(%run_scoped3A : memref<!tpu.dma_semaphore, #tpu.memory_space<semaphore_mem>>)
      %dma_wait3A_180 = arith.constant 0 : i32
      %dma_wait3A_181 = tpu.memref_slice %arg11[%add3A_33, %dma_wait3A_180] : memref<10240x128xf32, #tpu.memory_space<vmem_shared>> -> memref<80x128xf32, #tpu.memory_space<vmem_shared>>
      %dma_wait3A_182 = arith.constant 0 : i32
      %dma_wait3A_183 = tpu.memref_slice %arg11[%add3A_33, %dma_wait3A_182] : memref<10240x128xf32, #tpu.memory_space<vmem_shared>> -> memref<80x128xf32, #tpu.memory_space<vmem_shared>>
      tpu.wait_dma2 semaphore(%run_scoped3A : memref<!tpu.dma_semaphore, #tpu.memory_space<semaphore_mem>>) src(%arg8 : memref<80x128xf32, #tpu.memory_space<vmem>>) dst(%dma_wait3A_183 : memref<80x128xf32, #tpu.memory_space<vmem_shared>>)
      tpu.yield
    }) : () -> ()
    %mul3A_34 = arith.constant 640 : i32
    %mul3A_35 = arith.muli %arg1, %mul3A_34 : i32
    %add3A_36 = arith.constant 560 : i32
    %add3A_37 = arith.addi %mul3A_35, %add3A_36 : i32
    "tpu.region"() ({
      %run_scoped3A = tpu.sem_alloc : memref<!tpu.dma_semaphore, #tpu.memory_space<semaphore_mem>>
      %dma_start3A_176 = arith.constant 0 : i32
      %dma_start3A_177 = tpu.memref_slice %arg11[%add3A_37, %dma_start3A_176] : memref<10240x128xf32, #tpu.memory_space<vmem_shared>> -> memref<80x128xf32, #tpu.memory_space<vmem_shared>>
      %dma_start3A_178 = arith.constant 0 : i32
      %dma_start3A_179 = tpu.memref_slice %arg11[%add3A_37, %dma_start3A_178] : memref<10240x128xf32, #tpu.memory_space<vmem_shared>> -> memref<80x128xf32, #tpu.memory_space<vmem_shared>>
      tpu.enqueue_dma source(%arg8 : memref<80x128xf32, #tpu.memory_space<vmem>>) target(%dma_start3A_179 : memref<80x128xf32, #tpu.memory_space<vmem_shared>>) target_semaphore(%run_scoped3A : memref<!tpu.dma_semaphore, #tpu.memory_space<semaphore_mem>>)
      %dma_wait3A_180 = arith.constant 0 : i32
      %dma_wait3A_181 = tpu.memref_slice %arg11[%add3A_37, %dma_wait3A_180] : memref<10240x128xf32, #tpu.memory_space<vmem_shared>> -> memref<80x128xf32, #tpu.memory_space<vmem_shared>>
      %dma_wait3A_182 = arith.constant 0 : i32
      %dma_wait3A_183 = tpu.memref_slice %arg11[%add3A_37, %dma_wait3A_182] : memref<10240x128xf32, #tpu.memory_space<vmem_shared>> -> memref<80x128xf32, #tpu.memory_space<vmem_shared>>
      tpu.wait_dma2 semaphore(%run_scoped3A : memref<!tpu.dma_semaphore, #tpu.memory_space<semaphore_mem>>) src(%arg8 : memref<80x128xf32, #tpu.memory_space<vmem>>) dst(%dma_wait3A_183 : memref<80x128xf32, #tpu.memory_space<vmem_shared>>)
      tpu.yield
    }) : () -> ()
    %barrier3A = arith.constant 0 : index
    tpu.barrier barrier_id(%barrier3A)
    %mul3A_38 = arith.constant 10080 : i32
    %mul3A_39 = arith.muli %add3A, %mul3A_38 : i32
    %add3A_40 = arith.constant 0 : i32
    %add3A_41 = arith.addi %mul3A_39, %add3A_40 : i32
    %dma_start3A = arith.constant 0 : i32
    %dma_start3A_42 = arith.constant 0 : i32
    %dma_start3A_43 = arith.constant 0 : i32
    %dma_start3A_44 = tpu.memref_slice %arg6[%dma_start3A, %dma_start3A_43] : memref<6x80xi32, #tpu.memory_space<vmem>> -> memref<1x80xi32, #tpu.memory_space<vmem>>
    %dma_start3A_45 = tpu.memref_squeeze %dma_start3A_44 : memref<1x80xi32, #tpu.memory_space<vmem>> -> memref<80xi32, #tpu.memory_space<vmem>>
    %dma_start3A_46 = tpu.memref_slice %arg3[%add3A_41] : memref<322560xi32, #tpu.memory_space<hbm>> -> memref<80xi32, #tpu.memory_space<hbm>>
    %dma_start3A_47 = tpu.memref_slice %arg12[%dma_start3A_42] : memref<6x!tpu.dma_semaphore, #tpu.memory_space<semaphore_mem>> -> memref<1x!tpu.dma_semaphore, #tpu.memory_space<semaphore_mem>>
    %dma_start3A_48 = tpu.memref_squeeze %dma_start3A_47 : memref<1x!tpu.dma_semaphore, #tpu.memory_space<semaphore_mem>> -> memref<!tpu.dma_semaphore, #tpu.memory_space<semaphore_mem>>
    %dma_start3A_49 = arith.constant 0 : i32
    %dma_start3A_50 = tpu.memref_slice %arg6[%dma_start3A, %dma_start3A_49] : memref<6x80xi32, #tpu.memory_space<vmem>> -> memref<1x80xi32, #tpu.memory_space<vmem>>
    %dma_start3A_51 = tpu.memref_squeeze %dma_start3A_50 : memref<1x80xi32, #tpu.memory_space<vmem>> -> memref<80xi32, #tpu.memory_space<vmem>>
    %dma_start3A_52 = tpu.memref_slice %arg3[%add3A_41] : memref<322560xi32, #tpu.memory_space<hbm>> -> memref<80xi32, #tpu.memory_space<hbm>>
    tpu.enqueue_dma source(%dma_start3A_52 : memref<80xi32, #tpu.memory_space<hbm>>) target(%dma_start3A_51 : memref<80xi32, #tpu.memory_space<vmem>>) target_semaphore(%dma_start3A_48 : memref<!tpu.dma_semaphore, #tpu.memory_space<semaphore_mem>>)
    %add3A_53 = arith.constant 0 : i32
    %add3A_54 = arith.addi %mul3A_39, %add3A_53 : i32
    %dma_start3A_55 = arith.constant 0 : i32
    %dma_start3A_56 = arith.constant 0 : i32
    %dma_start3A_57 = arith.constant 0 : i32
    %dma_start3A_58 = tpu.memref_slice %arg7[%dma_start3A_55, %dma_start3A_57] : memref<6x80xi32, #tpu.memory_space<vmem>> -> memref<1x80xi32, #tpu.memory_space<vmem>>
    %dma_start3A_59 = tpu.memref_squeeze %dma_start3A_58 : memref<1x80xi32, #tpu.memory_space<vmem>> -> memref<80xi32, #tpu.memory_space<vmem>>
    %dma_start3A_60 = tpu.memref_slice %arg4[%add3A_54] : memref<322560xi32, #tpu.memory_space<hbm>> -> memref<80xi32, #tpu.memory_space<hbm>>
    %dma_start3A_61 = tpu.memref_slice %arg12[%dma_start3A_56] : memref<6x!tpu.dma_semaphore, #tpu.memory_space<semaphore_mem>> -> memref<1x!tpu.dma_semaphore, #tpu.memory_space<semaphore_mem>>
    %dma_start3A_62 = tpu.memref_squeeze %dma_start3A_61 : memref<1x!tpu.dma_semaphore, #tpu.memory_space<semaphore_mem>> -> memref<!tpu.dma_semaphore, #tpu.memory_space<semaphore_mem>>
    %dma_start3A_63 = arith.constant 0 : i32
    %dma_start3A_64 = tpu.memref_slice %arg7[%dma_start3A_55, %dma_start3A_63] : memref<6x80xi32, #tpu.memory_space<vmem>> -> memref<1x80xi32, #tpu.memory_space<vmem>>
    %dma_start3A_65 = tpu.memref_squeeze %dma_start3A_64 : memref<1x80xi32, #tpu.memory_space<vmem>> -> memref<80xi32, #tpu.memory_space<vmem>>
    %dma_start3A_66 = tpu.memref_slice %arg4[%add3A_54] : memref<322560xi32, #tpu.memory_space<hbm>> -> memref<80xi32, #tpu.memory_space<hbm>>
    tpu.enqueue_dma source(%dma_start3A_66 : memref<80xi32, #tpu.memory_space<hbm>>) target(%dma_start3A_65 : memref<80xi32, #tpu.memory_space<vmem>>) target_semaphore(%dma_start3A_62 : memref<!tpu.dma_semaphore, #tpu.memory_space<semaphore_mem>>)
    %add3A_67 = arith.constant 80 : i32
    %add3A_68 = arith.addi %mul3A_39, %add3A_67 : i32
    %dma_start3A_69 = arith.constant 1 : i32
    %dma_start3A_70 = arith.constant 1 : i32
    %dma_start3A_71 = arith.constant 0 : i32
    %dma_start3A_72 = tpu.memref_slice %arg6[%dma_start3A_69, %dma_start3A_71] : memref<6x80xi32, #tpu.memory_space<vmem>> -> memref<1x80xi32, #tpu.memory_space<vmem>>
    %dma_start3A_73 = tpu.memref_squeeze %dma_start3A_72 : memref<1x80xi32, #tpu.memory_space<vmem>> -> memref<80xi32, #tpu.memory_space<vmem>>
    %dma_start3A_74 = tpu.memref_slice %arg3[%add3A_68] : memref<322560xi32, #tpu.memory_space<hbm>> -> memref<80xi32, #tpu.memory_space<hbm>>
    %dma_start3A_75 = tpu.memref_slice %arg12[%dma_start3A_70] : memref<6x!tpu.dma_semaphore, #tpu.memory_space<semaphore_mem>> -> memref<1x!tpu.dma_semaphore, #tpu.memory_space<semaphore_mem>>
    %dma_start3A_76 = tpu.memref_squeeze %dma_start3A_75 : memref<1x!tpu.dma_semaphore, #tpu.memory_space<semaphore_mem>> -> memref<!tpu.dma_semaphore, #tpu.memory_space<semaphore_mem>>
    %dma_start3A_77 = arith.constant 0 : i32
    %dma_start3A_78 = tpu.memref_slice %arg6[%dma_start3A_69, %dma_start3A_77] : memref<6x80xi32, #tpu.memory_space<vmem>> -> memref<1x80xi32, #tpu.memory_space<vmem>>
    %dma_start3A_79 = tpu.memref_squeeze %dma_start3A_78 : memref<1x80xi32, #tpu.memory_space<vmem>> -> memref<80xi32, #tpu.memory_space<vmem>>
    %dma_start3A_80 = tpu.memref_slice %arg3[%add3A_68] : memref<322560xi32, #tpu.memory_space<hbm>> -> memref<80xi32, #tpu.memory_space<hbm>>
    tpu.enqueue_dma source(%dma_start3A_80 : memref<80xi32, #tpu.memory_space<hbm>>) target(%dma_start3A_79 : memref<80xi32, #tpu.memory_space<vmem>>) target_semaphore(%dma_start3A_76 : memref<!tpu.dma_semaphore, #tpu.memory_space<semaphore_mem>>)
    %add3A_81 = arith.constant 80 : i32
    %add3A_82 = arith.addi %mul3A_39, %add3A_81 : i32
    %dma_start3A_83 = arith.constant 1 : i32
    %dma_start3A_84 = arith.constant 1 : i32
    %dma_start3A_85 = arith.constant 0 : i32
    %dma_start3A_86 = tpu.memref_slice %arg7[%dma_start3A_83, %dma_start3A_85] : memref<6x80xi32, #tpu.memory_space<vmem>> -> memref<1x80xi32, #tpu.memory_space<vmem>>
    %dma_start3A_87 = tpu.memref_squeeze %dma_start3A_86 : memref<1x80xi32, #tpu.memory_space<vmem>> -> memref<80xi32, #tpu.memory_space<vmem>>
    %dma_start3A_88 = tpu.memref_slice %arg4[%add3A_82] : memref<322560xi32, #tpu.memory_space<hbm>> -> memref<80xi32, #tpu.memory_space<hbm>>
    %dma_start3A_89 = tpu.memref_slice %arg12[%dma_start3A_84] : memref<6x!tpu.dma_semaphore, #tpu.memory_space<semaphore_mem>> -> memref<1x!tpu.dma_semaphore, #tpu.memory_space<semaphore_mem>>
    %dma_start3A_90 = tpu.memref_squeeze %dma_start3A_89 : memref<1x!tpu.dma_semaphore, #tpu.memory_space<semaphore_mem>> -> memref<!tpu.dma_semaphore, #tpu.memory_space<semaphore_mem>>
    %dma_start3A_91 = arith.constant 0 : i32
    %dma_start3A_92 = tpu.memref_slice %arg7[%dma_start3A_83, %dma_start3A_91] : memref<6x80xi32, #tpu.memory_space<vmem>> -> memref<1x80xi32, #tpu.memory_space<vmem>>
    %dma_start3A_93 = tpu.memref_squeeze %dma_start3A_92 : memref<1x80xi32, #tpu.memory_space<vmem>> -> memref<80xi32, #tpu.memory_space<vmem>>
    %dma_start3A_94 = tpu.memref_slice %arg4[%add3A_82] : memref<322560xi32, #tpu.memory_space<hbm>> -> memref<80xi32, #tpu.memory_space<hbm>>
    tpu.enqueue_dma source(%dma_start3A_94 : memref<80xi32, #tpu.memory_space<hbm>>) target(%dma_start3A_93 : memref<80xi32, #tpu.memory_space<vmem>>) target_semaphore(%dma_start3A_90 : memref<!tpu.dma_semaphore, #tpu.memory_space<semaphore_mem>>)
    %add3A_95 = arith.constant 160 : i32
    %add3A_96 = arith.addi %mul3A_39, %add3A_95 : i32
    %dma_start3A_97 = arith.constant 2 : i32
    %dma_start3A_98 = arith.constant 2 : i32
    %dma_start3A_99 = arith.constant 0 : i32
    %dma_start3A_100 = tpu.memref_slice %arg6[%dma_start3A_97, %dma_start3A_99] : memref<6x80xi32, #tpu.memory_space<vmem>> -> memref<1x80xi32, #tpu.memory_space<vmem>>
    %dma_start3A_101 = tpu.memref_squeeze %dma_start3A_100 : memref<1x80xi32, #tpu.memory_space<vmem>> -> memref<80xi32, #tpu.memory_space<vmem>>
    %dma_start3A_102 = tpu.memref_slice %arg3[%add3A_96] : memref<322560xi32, #tpu.memory_space<hbm>> -> memref<80xi32, #tpu.memory_space<hbm>>
    %dma_start3A_103 = tpu.memref_slice %arg12[%dma_start3A_98] : memref<6x!tpu.dma_semaphore, #tpu.memory_space<semaphore_mem>> -> memref<1x!tpu.dma_semaphore, #tpu.memory_space<semaphore_mem>>
    %dma_start3A_104 = tpu.memref_squeeze %dma_start3A_103 : memref<1x!tpu.dma_semaphore, #tpu.memory_space<semaphore_mem>> -> memref<!tpu.dma_semaphore, #tpu.memory_space<semaphore_mem>>
    %dma_start3A_105 = arith.constant 0 : i32
    %dma_start3A_106 = tpu.memref_slice %arg6[%dma_start3A_97, %dma_start3A_105] : memref<6x80xi32, #tpu.memory_space<vmem>> -> memref<1x80xi32, #tpu.memory_space<vmem>>
    %dma_start3A_107 = tpu.memref_squeeze %dma_start3A_106 : memref<1x80xi32, #tpu.memory_space<vmem>> -> memref<80xi32, #tpu.memory_space<vmem>>
    %dma_start3A_108 = tpu.memref_slice %arg3[%add3A_96] : memref<322560xi32, #tpu.memory_space<hbm>> -> memref<80xi32, #tpu.memory_space<hbm>>
    tpu.enqueue_dma source(%dma_start3A_108 : memref<80xi32, #tpu.memory_space<hbm>>) target(%dma_start3A_107 : memref<80xi32, #tpu.memory_space<vmem>>) target_semaphore(%dma_start3A_104 : memref<!tpu.dma_semaphore, #tpu.memory_space<semaphore_mem>>)
    %add3A_109 = arith.constant 160 : i32
    %add3A_110 = arith.addi %mul3A_39, %add3A_109 : i32
    %dma_start3A_111 = arith.constant 2 : i32
    %dma_start3A_112 = arith.constant 2 : i32
    %dma_start3A_113 = arith.constant 0 : i32
    %dma_start3A_114 = tpu.memref_slice %arg7[%dma_start3A_111, %dma_start3A_113] : memref<6x80xi32, #tpu.memory_space<vmem>> -> memref<1x80xi32, #tpu.memory_space<vmem>>
    %dma_start3A_115 = tpu.memref_squeeze %dma_start3A_114 : memref<1x80xi32, #tpu.memory_space<vmem>> -> memref<80xi32, #tpu.memory_space<vmem>>
    %dma_start3A_116 = tpu.memref_slice %arg4[%add3A_110] : memref<322560xi32, #tpu.memory_space<hbm>> -> memref<80xi32, #tpu.memory_space<hbm>>
    %dma_start3A_117 = tpu.memref_slice %arg12[%dma_start3A_112] : memref<6x!tpu.dma_semaphore, #tpu.memory_space<semaphore_mem>> -> memref<1x!tpu.dma_semaphore, #tpu.memory_space<semaphore_mem>>
    %dma_start3A_118 = tpu.memref_squeeze %dma_start3A_117 : memref<1x!tpu.dma_semaphore, #tpu.memory_space<semaphore_mem>> -> memref<!tpu.dma_semaphore, #tpu.memory_space<semaphore_mem>>
    %dma_start3A_119 = arith.constant 0 : i32
    %dma_start3A_120 = tpu.memref_slice %arg7[%dma_start3A_111, %dma_start3A_119] : memref<6x80xi32, #tpu.memory_space<vmem>> -> memref<1x80xi32, #tpu.memory_space<vmem>>
    %dma_start3A_121 = tpu.memref_squeeze %dma_start3A_120 : memref<1x80xi32, #tpu.memory_space<vmem>> -> memref<80xi32, #tpu.memory_space<vmem>>
    %dma_start3A_122 = tpu.memref_slice %arg4[%add3A_110] : memref<322560xi32, #tpu.memory_space<hbm>> -> memref<80xi32, #tpu.memory_space<hbm>>
    tpu.enqueue_dma source(%dma_start3A_122 : memref<80xi32, #tpu.memory_space<hbm>>) target(%dma_start3A_121 : memref<80xi32, #tpu.memory_space<vmem>>) target_semaphore(%dma_start3A_118 : memref<!tpu.dma_semaphore, #tpu.memory_space<semaphore_mem>>)
    %scan3A_123 = arith.constant 0 : i32
    %scan3A_124 = arith.constant 21 : i32
    %scan3A_125 = arith.addi %scan3A_123, %scan3A_124 : i32
    %scan3A_126 = arith.constant 1 : i32
    scf.for %scan3A_176 = %scan3A_123 to %scan3A_125 step %scan3A_126  : i32 {
      %mul3A_177 = arith.constant 6 : i32
      %mul3A_178 = arith.muli %scan3A_176, %mul3A_177 : i32
      %add3A_179 = arith.constant 0 : i32
      %add3A_180 = arith.addi %mul3A_178, %add3A_179 : i32
      %mul3A_181 = arith.constant 80 : i32
      %mul3A_182 = arith.muli %add3A_180, %mul3A_181 : i32
      %add3A_183 = arith.addi %mul3A_39, %mul3A_182 : i32
      %dma_wait3A_184 = arith.constant 0 : i32
      %dma_wait3A_185 = arith.constant 0 : i32
      %dma_wait3A_186 = arith.constant 0 : i32
      %dma_wait3A_187 = tpu.memref_slice %arg6[%dma_wait3A_184, %dma_wait3A_186] : memref<6x80xi32, #tpu.memory_space<vmem>> -> memref<1x80xi32, #tpu.memory_space<vmem>>
      %dma_wait3A_188 = tpu.memref_squeeze %dma_wait3A_187 : memref<1x80xi32, #tpu.memory_space<vmem>> -> memref<80xi32, #tpu.memory_space<vmem>>
      %dma_wait3A_189 = tpu.memref_slice %arg3[%add3A_183] : memref<322560xi32, #tpu.memory_space<hbm>> -> memref<80xi32, #tpu.memory_space<hbm>>
      %dma_wait3A_190 = tpu.memref_slice %arg12[%dma_wait3A_185] : memref<6x!tpu.dma_semaphore, #tpu.memory_space<semaphore_mem>> -> memref<1x!tpu.dma_semaphore, #tpu.memory_space<semaphore_mem>>
      %dma_wait3A_191 = tpu.memref_squeeze %dma_wait3A_190 : memref<1x!tpu.dma_semaphore, #tpu.memory_space<semaphore_mem>> -> memref<!tpu.dma_semaphore, #tpu.memory_space<semaphore_mem>>
      %dma_wait3A_192 = arith.constant 0 : i32
      %dma_wait3A_193 = tpu.memref_slice %arg6[%dma_wait3A_184, %dma_wait3A_192] : memref<6x80xi32, #tpu.memory_space<vmem>> -> memref<1x80xi32, #tpu.memory_space<vmem>>
      %dma_wait3A_194 = tpu.memref_squeeze %dma_wait3A_193 : memref<1x80xi32, #tpu.memory_space<vmem>> -> memref<80xi32, #tpu.memory_space<vmem>>
      %dma_wait3A_195 = tpu.memref_slice %arg3[%add3A_183] : memref<322560xi32, #tpu.memory_space<hbm>> -> memref<80xi32, #tpu.memory_space<hbm>>
      tpu.wait_dma2 semaphore(%dma_wait3A_191 : memref<!tpu.dma_semaphore, #tpu.memory_space<semaphore_mem>>) src(%dma_wait3A_195 : memref<80xi32, #tpu.memory_space<hbm>>) dst(%dma_wait3A_194 : memref<80xi32, #tpu.memory_space<vmem>>)
      %mul3A_196 = arith.constant 80 : i32
      %mul3A_197 = arith.muli %add3A_180, %mul3A_196 : i32
      %add3A_198 = arith.addi %mul3A_39, %mul3A_197 : i32
      %dma_wait3A_199 = arith.constant 0 : i32
      %dma_wait3A_200 = arith.constant 0 : i32
      %dma_wait3A_201 = arith.constant 0 : i32
      %dma_wait3A_202 = tpu.memref_slice %arg7[%dma_wait3A_199, %dma_wait3A_201] : memref<6x80xi32, #tpu.memory_space<vmem>> -> memref<1x80xi32, #tpu.memory_space<vmem>>
      %dma_wait3A_203 = tpu.memref_squeeze %dma_wait3A_202 : memref<1x80xi32, #tpu.memory_space<vmem>> -> memref<80xi32, #tpu.memory_space<vmem>>
      %dma_wait3A_204 = tpu.memref_slice %arg4[%add3A_198] : memref<322560xi32, #tpu.memory_space<hbm>> -> memref<80xi32, #tpu.memory_space<hbm>>
      %dma_wait3A_205 = tpu.memref_slice %arg12[%dma_wait3A_200] : memref<6x!tpu.dma_semaphore, #tpu.memory_space<semaphore_mem>> -> memref<1x!tpu.dma_semaphore, #tpu.memory_space<semaphore_mem>>
      %dma_wait3A_206 = tpu.memref_squeeze %dma_wait3A_205 : memref<1x!tpu.dma_semaphore, #tpu.memory_space<semaphore_mem>> -> memref<!tpu.dma_semaphore, #tpu.memory_space<semaphore_mem>>
      %dma_wait3A_207 = arith.constant 0 : i32
      %dma_wait3A_208 = tpu.memref_slice %arg7[%dma_wait3A_199, %dma_wait3A_207] : memref<6x80xi32, #tpu.memory_space<vmem>> -> memref<1x80xi32, #tpu.memory_space<vmem>>
      %dma_wait3A_209 = tpu.memref_squeeze %dma_wait3A_208 : memref<1x80xi32, #tpu.memory_space<vmem>> -> memref<80xi32, #tpu.memory_space<vmem>>
      %dma_wait3A_210 = tpu.memref_slice %arg4[%add3A_198] : memref<322560xi32, #tpu.memory_space<hbm>> -> memref<80xi32, #tpu.memory_space<hbm>>
      tpu.wait_dma2 semaphore(%dma_wait3A_206 : memref<!tpu.dma_semaphore, #tpu.memory_space<semaphore_mem>>) src(%dma_wait3A_210 : memref<80xi32, #tpu.memory_space<hbm>>) dst(%dma_wait3A_209 : memref<80xi32, #tpu.memory_space<vmem>>)
      %ge3A = arith.constant 3 : i32
      %ge3A_211 = arith.cmpi sge, %add3A_180, %ge3A : i32
      %convert_element_type3A = arith.extui %ge3A_211 : i1 to i32
      %cond3A = arith.constant 0 : i32
      %cond3A_212 = arith.cmpi ne, %convert_element_type3A, %cond3A : i32
      scf.if %cond3A_212 {
        %dma_wait3A_539 = arith.constant 0 : i32
        %dma_wait3A_540 = arith.constant 0 : i32
        %dma_wait3A_541 = arith.constant 0 : i32
        %dma_wait3A_542 = tpu.memref_slice %arg2[%dma_wait3A_540, %dma_wait3A_541] : memref<10000x128xf32, #tpu.memory_space<hbm>> -> memref<80x128xf32, #tpu.memory_space<hbm>>
        %dma_wait3A_543 = tpu.memref_slice %arg14[%dma_wait3A_539] : memref<3x!tpu.dma_semaphore, #tpu.memory_space<semaphore_mem>> -> memref<1x!tpu.dma_semaphore, #tpu.memory_space<semaphore_mem>>
        %dma_wait3A_544 = tpu.memref_squeeze %dma_wait3A_543 : memref<1x!tpu.dma_semaphore, #tpu.memory_space<semaphore_mem>> -> memref<!tpu.dma_semaphore, #tpu.memory_space<semaphore_mem>>
        %dma_wait3A_545 = arith.constant 0 : i32
        %dma_wait3A_546 = arith.constant 0 : i32
        %dma_wait3A_547 = tpu.memref_slice %arg2[%dma_wait3A_545, %dma_wait3A_546] : memref<10000x128xf32, #tpu.memory_space<hbm>> -> memref<80x128xf32, #tpu.memory_space<hbm>>
        tpu.wait_dma2 semaphore(%dma_wait3A_544 : memref<!tpu.dma_semaphore, #tpu.memory_space<semaphore_mem>>) src(%dma_wait3A_547 : memref<80x128xf32, #tpu.memory_space<hbm>>) dst(%arg8 : memref<80x128xf32, #tpu.memory_space<vmem>>)
      } else {
      }
      %dma_start3A_213 = arith.constant 0 : i32
      %dma_start3A_214 = arith.constant 0 : i32
      %dma_start3A_215 = arith.constant 0 : i32
      %dma_start3A_216 = tpu.memref_slice %arg6[%dma_start3A_213, %dma_start3A_215] : memref<6x80xi32, #tpu.memory_space<vmem>> -> memref<1x80xi32, #tpu.memory_space<vmem>>
      %dma_start3A_217 = tpu.memref_squeeze %dma_start3A_216 : memref<1x80xi32, #tpu.memory_space<vmem>> -> memref<80xi32, #tpu.memory_space<vmem>>
      %dma_start3A_218 = arith.constant 0 : i32
      %dma_start3A_219 = arith.constant 0 : i32
      %dma_start3A_220 = tpu.memref_slice %arg2[%dma_start3A_218, %dma_start3A_219] : memref<10000x128xf32, #tpu.memory_space<hbm>> -> memref<10000x128xf32, #tpu.memory_space<hbm>>
      %dma_start3A_221 = tpu.memref_slice %arg13[%dma_start3A_214] : memref<2x!tpu.dma_semaphore, #tpu.memory_space<semaphore_mem>> -> memref<1x!tpu.dma_semaphore, #tpu.memory_space<semaphore_mem>>
      %dma_start3A_222 = tpu.memref_squeeze %dma_start3A_221 : memref<1x!tpu.dma_semaphore, #tpu.memory_space<semaphore_mem>> -> memref<!tpu.dma_semaphore, #tpu.memory_space<semaphore_mem>>
      tpu.enqueue_indirect_dma source(%dma_start3A_220 : memref<10000x128xf32, #tpu.memory_space<hbm>>) target(%arg8 : memref<80x128xf32, #tpu.memory_space<vmem>>) offsets(%dma_start3A_217 : memref<80xi32, #tpu.memory_space<vmem>>) semaphore(%dma_start3A_222 : memref<!tpu.dma_semaphore, #tpu.memory_space<semaphore_mem>>)
      %ge3A_223 = arith.constant 1 : i32
      %ge3A_224 = arith.cmpi sge, %add3A_180, %ge3A_223 : i32
      %convert_element_type3A_225 = arith.extui %ge3A_224 : i1 to i32
      %cond3A_226 = arith.constant 0 : i32
      %cond3A_227 = arith.cmpi ne, %convert_element_type3A_225, %cond3A_226 : i32
      scf.if %cond3A_227 {
        %dma_wait3A_539 = arith.constant 1 : i32
        %dma_wait3A_540 = arith.constant 0 : i32
        %dma_wait3A_541 = arith.constant 0 : i32
        %dma_wait3A_542 = tpu.memref_slice %arg2[%dma_wait3A_540, %dma_wait3A_541] : memref<10000x128xf32, #tpu.memory_space<hbm>> -> memref<80x128xf32, #tpu.memory_space<hbm>>
        %dma_wait3A_543 = tpu.memref_slice %arg13[%dma_wait3A_539] : memref<2x!tpu.dma_semaphore, #tpu.memory_space<semaphore_mem>> -> memref<1x!tpu.dma_semaphore, #tpu.memory_space<semaphore_mem>>
        %dma_wait3A_544 = tpu.memref_squeeze %dma_wait3A_543 : memref<1x!tpu.dma_semaphore, #tpu.memory_space<semaphore_mem>> -> memref<!tpu.dma_semaphore, #tpu.memory_space<semaphore_mem>>
        %dma_wait3A_545 = arith.constant 0 : i32
        %dma_wait3A_546 = arith.constant 0 : i32
        %dma_wait3A_547 = tpu.memref_slice %arg2[%dma_wait3A_545, %dma_wait3A_546] : memref<10000x128xf32, #tpu.memory_space<hbm>> -> memref<80x128xf32, #tpu.memory_space<hbm>>
        tpu.wait_dma2 semaphore(%dma_wait3A_544 : memref<!tpu.dma_semaphore, #tpu.memory_space<semaphore_mem>>) src(%dma_wait3A_547 : memref<80x128xf32, #tpu.memory_space<hbm>>) dst(%arg10 : memref<80x128xf32, #tpu.memory_space<vmem>>)
        %dma_start3A_548 = arith.constant 5 : i32
        %dma_start3A_549 = arith.constant 2 : i32
        %dma_start3A_550 = arith.constant 0 : i32
        %dma_start3A_551 = tpu.memref_slice %arg7[%dma_start3A_548, %dma_start3A_550] : memref<6x80xi32, #tpu.memory_space<vmem>> -> memref<1x80xi32, #tpu.memory_space<vmem>>
        %dma_start3A_552 = tpu.memref_squeeze %dma_start3A_551 : memref<1x80xi32, #tpu.memory_space<vmem>> -> memref<80xi32, #tpu.memory_space<vmem>>
        %dma_start3A_553 = arith.constant 0 : i32
        %dma_start3A_554 = arith.constant 0 : i32
        %dma_start3A_555 = tpu.memref_slice %arg11[%dma_start3A_553, %dma_start3A_554] : memref<10240x128xf32, #tpu.memory_space<vmem_shared>> -> memref<10240x128xf32, #tpu.memory_space<vmem_shared>>
        %dma_start3A_556 = tpu.memref_slice %arg14[%dma_start3A_549] : memref<3x!tpu.dma_semaphore, #tpu.memory_space<semaphore_mem>> -> memref<1x!tpu.dma_semaphore, #tpu.memory_space<semaphore_mem>>
        %dma_start3A_557 = tpu.memref_squeeze %dma_start3A_556 : memref<1x!tpu.dma_semaphore, #tpu.memory_space<semaphore_mem>> -> memref<!tpu.dma_semaphore, #tpu.memory_space<semaphore_mem>>
        tpu.enqueue_indirect_dma source(%arg10 : memref<80x128xf32, #tpu.memory_space<vmem>>) target(%dma_start3A_555 : memref<10240x128xf32, #tpu.memory_space<vmem_shared>>) offsets(%dma_start3A_552 : memref<80xi32, #tpu.memory_space<vmem>>) semaphore(%dma_start3A_557 : memref<!tpu.dma_semaphore, #tpu.memory_space<semaphore_mem>>) {add = true}
      } else {
      }
      %add3A_228 = arith.constant 3 : i32
      %add3A_229 = arith.addi %add3A_180, %add3A_228 : i32
      %lt3A = arith.constant 126 : i32
      %lt3A_230 = arith.cmpi slt, %add3A_229, %lt3A : i32
      %convert_element_type3A_231 = arith.extui %lt3A_230 : i1 to i32
      %cond3A_232 = arith.constant 0 : i32
      %cond3A_233 = arith.cmpi ne, %convert_element_type3A_231, %cond3A_232 : i32
      scf.if %cond3A_233 {
        %add3A_539 = arith.constant 3 : i32
        %add3A_540 = arith.addi %add3A_180, %add3A_539 : i32
        %mul3A_541 = arith.constant 80 : i32
        %mul3A_542 = arith.muli %add3A_540, %mul3A_541 : i32
        %add3A_543 = arith.addi %mul3A_39, %mul3A_542 : i32
        %dma_start3A_544 = arith.constant 3 : i32
        %dma_start3A_545 = arith.constant 3 : i32
        %dma_start3A_546 = arith.constant 0 : i32
        %dma_start3A_547 = tpu.memref_slice %arg6[%dma_start3A_544, %dma_start3A_546] : memref<6x80xi32, #tpu.memory_space<vmem>> -> memref<1x80xi32, #tpu.memory_space<vmem>>
        %dma_start3A_548 = tpu.memref_squeeze %dma_start3A_547 : memref<1x80xi32, #tpu.memory_space<vmem>> -> memref<80xi32, #tpu.memory_space<vmem>>
        %dma_start3A_549 = tpu.memref_slice %arg3[%add3A_543] : memref<322560xi32, #tpu.memory_space<hbm>> -> memref<80xi32, #tpu.memory_space<hbm>>
        %dma_start3A_550 = tpu.memref_slice %arg12[%dma_start3A_545] : memref<6x!tpu.dma_semaphore, #tpu.memory_space<semaphore_mem>> -> memref<1x!tpu.dma_semaphore, #tpu.memory_space<semaphore_mem>>
        %dma_start3A_551 = tpu.memref_squeeze %dma_start3A_550 : memref<1x!tpu.dma_semaphore, #tpu.memory_space<semaphore_mem>> -> memref<!tpu.dma_semaphore, #tpu.memory_space<semaphore_mem>>
        %dma_start3A_552 = arith.constant 0 : i32
        %dma_start3A_553 = tpu.memref_slice %arg6[%dma_start3A_544, %dma_start3A_552] : memref<6x80xi32, #tpu.memory_space<vmem>> -> memref<1x80xi32, #tpu.memory_space<vmem>>
        %dma_start3A_554 = tpu.memref_squeeze %dma_start3A_553 : memref<1x80xi32, #tpu.memory_space<vmem>> -> memref<80xi32, #tpu.memory_space<vmem>>
        %dma_start3A_555 = tpu.memref_slice %arg3[%add3A_543] : memref<322560xi32, #tpu.memory_space<hbm>> -> memref<80xi32, #tpu.memory_space<hbm>>
        tpu.enqueue_dma source(%dma_start3A_555 : memref<80xi32, #tpu.memory_space<hbm>>) target(%dma_start3A_554 : memref<80xi32, #tpu.memory_space<vmem>>) target_semaphore(%dma_start3A_551 : memref<!tpu.dma_semaphore, #tpu.memory_space<semaphore_mem>>)
        %dma_start3A_556 = arith.constant 3 : i32
        %dma_start3A_557 = arith.constant 3 : i32
        %dma_start3A_558 = arith.constant 0 : i32
        %dma_start3A_559 = tpu.memref_slice %arg7[%dma_start3A_556, %dma_start3A_558] : memref<6x80xi32, #tpu.memory_space<vmem>> -> memref<1x80xi32, #tpu.memory_space<vmem>>
        %dma_start3A_560 = tpu.memref_squeeze %dma_start3A_559 : memref<1x80xi32, #tpu.memory_space<vmem>> -> memref<80xi32, #tpu.memory_space<vmem>>
        %dma_start3A_561 = tpu.memref_slice %arg4[%add3A_543] : memref<322560xi32, #tpu.memory_space<hbm>> -> memref<80xi32, #tpu.memory_space<hbm>>
        %dma_start3A_562 = tpu.memref_slice %arg12[%dma_start3A_557] : memref<6x!tpu.dma_semaphore, #tpu.memory_space<semaphore_mem>> -> memref<1x!tpu.dma_semaphore, #tpu.memory_space<semaphore_mem>>
        %dma_start3A_563 = tpu.memref_squeeze %dma_start3A_562 : memref<1x!tpu.dma_semaphore, #tpu.memory_space<semaphore_mem>> -> memref<!tpu.dma_semaphore, #tpu.memory_space<semaphore_mem>>
        %dma_start3A_564 = arith.constant 0 : i32
        %dma_start3A_565 = tpu.memref_slice %arg7[%dma_start3A_556, %dma_start3A_564] : memref<6x80xi32, #tpu.memory_space<vmem>> -> memref<1x80xi32, #tpu.memory_space<vmem>>
        %dma_start3A_566 = tpu.memref_squeeze %dma_start3A_565 : memref<1x80xi32, #tpu.memory_space<vmem>> -> memref<80xi32, #tpu.memory_space<vmem>>
        %dma_start3A_567 = tpu.memref_slice %arg4[%add3A_543] : memref<322560xi32, #tpu.memory_space<hbm>> -> memref<80xi32, #tpu.memory_space<hbm>>
        tpu.enqueue_dma source(%dma_start3A_567 : memref<80xi32, #tpu.memory_space<hbm>>) target(%dma_start3A_566 : memref<80xi32, #tpu.memory_space<vmem>>) target_semaphore(%dma_start3A_563 : memref<!tpu.dma_semaphore, #tpu.memory_space<semaphore_mem>>)
      } else {
      }
      %mul3A_234 = arith.constant 6 : i32
      %mul3A_235 = arith.muli %scan3A_176, %mul3A_234 : i32
      %add3A_236 = arith.constant 1 : i32
      %add3A_237 = arith.addi %mul3A_235, %add3A_236 : i32
      %mul3A_238 = arith.constant 80 : i32
      %mul3A_239 = arith.muli %add3A_237, %mul3A_238 : i32
      %add3A_240 = arith.addi %mul3A_39, %mul3A_239 : i32
      %dma_wait3A_241 = arith.constant 1 : i32
      %dma_wait3A_242 = arith.constant 1 : i32
      %dma_wait3A_243 = arith.constant 0 : i32
      %dma_wait3A_244 = tpu.memref_slice %arg6[%dma_wait3A_241, %dma_wait3A_243] : memref<6x80xi32, #tpu.memory_space<vmem>> -> memref<1x80xi32, #tpu.memory_space<vmem>>
      %dma_wait3A_245 = tpu.memref_squeeze %dma_wait3A_244 : memref<1x80xi32, #tpu.memory_space<vmem>> -> memref<80xi32, #tpu.memory_space<vmem>>
      %dma_wait3A_246 = tpu.memref_slice %arg3[%add3A_240] : memref<322560xi32, #tpu.memory_space<hbm>> -> memref<80xi32, #tpu.memory_space<hbm>>
      %dma_wait3A_247 = tpu.memref_slice %arg12[%dma_wait3A_242] : memref<6x!tpu.dma_semaphore, #tpu.memory_space<semaphore_mem>> -> memref<1x!tpu.dma_semaphore, #tpu.memory_space<semaphore_mem>>
      %dma_wait3A_248 = tpu.memref_squeeze %dma_wait3A_247 : memref<1x!tpu.dma_semaphore, #tpu.memory_space<semaphore_mem>> -> memref<!tpu.dma_semaphore, #tpu.memory_space<semaphore_mem>>
      %dma_wait3A_249 = arith.constant 0 : i32
      %dma_wait3A_250 = tpu.memref_slice %arg6[%dma_wait3A_241, %dma_wait3A_249] : memref<6x80xi32, #tpu.memory_space<vmem>> -> memref<1x80xi32, #tpu.memory_space<vmem>>
      %dma_wait3A_251 = tpu.memref_squeeze %dma_wait3A_250 : memref<1x80xi32, #tpu.memory_space<vmem>> -> memref<80xi32, #tpu.memory_space<vmem>>
      %dma_wait3A_252 = tpu.memref_slice %arg3[%add3A_240] : memref<322560xi32, #tpu.memory_space<hbm>> -> memref<80xi32, #tpu.memory_space<hbm>>
      tpu.wait_dma2 semaphore(%dma_wait3A_248 : memref<!tpu.dma_semaphore, #tpu.memory_space<semaphore_mem>>) src(%dma_wait3A_252 : memref<80xi32, #tpu.memory_space<hbm>>) dst(%dma_wait3A_251 : memref<80xi32, #tpu.memory_space<vmem>>)
      %mul3A_253 = arith.constant 80 : i32
      %mul3A_254 = arith.muli %add3A_237, %mul3A_253 : i32
      %add3A_255 = arith.addi %mul3A_39, %mul3A_254 : i32
      %dma_wait3A_256 = arith.constant 1 : i32
      %dma_wait3A_257 = arith.constant 1 : i32
      %dma_wait3A_258 = arith.constant 0 : i32
      %dma_wait3A_259 = tpu.memref_slice %arg7[%dma_wait3A_256, %dma_wait3A_258] : memref<6x80xi32, #tpu.memory_space<vmem>> -> memref<1x80xi32, #tpu.memory_space<vmem>>
      %dma_wait3A_260 = tpu.memref_squeeze %dma_wait3A_259 : memref<1x80xi32, #tpu.memory_space<vmem>> -> memref<80xi32, #tpu.memory_space<vmem>>
      %dma_wait3A_261 = tpu.memref_slice %arg4[%add3A_255] : memref<322560xi32, #tpu.memory_space<hbm>> -> memref<80xi32, #tpu.memory_space<hbm>>
      %dma_wait3A_262 = tpu.memref_slice %arg12[%dma_wait3A_257] : memref<6x!tpu.dma_semaphore, #tpu.memory_space<semaphore_mem>> -> memref<1x!tpu.dma_semaphore, #tpu.memory_space<semaphore_mem>>
      %dma_wait3A_263 = tpu.memref_squeeze %dma_wait3A_262 : memref<1x!tpu.dma_semaphore, #tpu.memory_space<semaphore_mem>> -> memref<!tpu.dma_semaphore, #tpu.memory_space<semaphore_mem>>
      %dma_wait3A_264 = arith.constant 0 : i32
      %dma_wait3A_265 = tpu.memref_slice %arg7[%dma_wait3A_256, %dma_wait3A_264] : memref<6x80xi32, #tpu.memory_space<vmem>> -> memref<1x80xi32, #tpu.memory_space<vmem>>
      %dma_wait3A_266 = tpu.memref_squeeze %dma_wait3A_265 : memref<1x80xi32, #tpu.memory_space<vmem>> -> memref<80xi32, #tpu.memory_space<vmem>>
      %dma_wait3A_267 = tpu.memref_slice %arg4[%add3A_255] : memref<322560xi32, #tpu.memory_space<hbm>> -> memref<80xi32, #tpu.memory_space<hbm>>
      tpu.wait_dma2 semaphore(%dma_wait3A_263 : memref<!tpu.dma_semaphore, #tpu.memory_space<semaphore_mem>>) src(%dma_wait3A_267 : memref<80xi32, #tpu.memory_space<hbm>>) dst(%dma_wait3A_266 : memref<80xi32, #tpu.memory_space<vmem>>)
      %ge3A_268 = arith.constant 3 : i32
      %ge3A_269 = arith.cmpi sge, %add3A_237, %ge3A_268 : i32
      %convert_element_type3A_270 = arith.extui %ge3A_269 : i1 to i32
      %cond3A_271 = arith.constant 0 : i32
      %cond3A_272 = arith.cmpi ne, %convert_element_type3A_270, %cond3A_271 : i32
      scf.if %cond3A_272 {
        %dma_wait3A_539 = arith.constant 1 : i32
        %dma_wait3A_540 = arith.constant 0 : i32
        %dma_wait3A_541 = arith.constant 0 : i32
        %dma_wait3A_542 = tpu.memref_slice %arg2[%dma_wait3A_540, %dma_wait3A_541] : memref<10000x128xf32, #tpu.memory_space<hbm>> -> memref<80x128xf32, #tpu.memory_space<hbm>>
        %dma_wait3A_543 = tpu.memref_slice %arg14[%dma_wait3A_539] : memref<3x!tpu.dma_semaphore, #tpu.memory_space<semaphore_mem>> -> memref<1x!tpu.dma_semaphore, #tpu.memory_space<semaphore_mem>>
        %dma_wait3A_544 = tpu.memref_squeeze %dma_wait3A_543 : memref<1x!tpu.dma_semaphore, #tpu.memory_space<semaphore_mem>> -> memref<!tpu.dma_semaphore, #tpu.memory_space<semaphore_mem>>
        %dma_wait3A_545 = arith.constant 0 : i32
        %dma_wait3A_546 = arith.constant 0 : i32
        %dma_wait3A_547 = tpu.memref_slice %arg2[%dma_wait3A_545, %dma_wait3A_546] : memref<10000x128xf32, #tpu.memory_space<hbm>> -> memref<80x128xf32, #tpu.memory_space<hbm>>
        tpu.wait_dma2 semaphore(%dma_wait3A_544 : memref<!tpu.dma_semaphore, #tpu.memory_space<semaphore_mem>>) src(%dma_wait3A_547 : memref<80x128xf32, #tpu.memory_space<hbm>>) dst(%arg9 : memref<80x128xf32, #tpu.memory_space<vmem>>)
      } else {
      }
      %dma_start3A_273 = arith.constant 1 : i32
      %dma_start3A_274 = arith.constant 1 : i32
      %dma_start3A_275 = arith.constant 0 : i32
      %dma_start3A_276 = tpu.memref_slice %arg6[%dma_start3A_273, %dma_start3A_275] : memref<6x80xi32, #tpu.memory_space<vmem>> -> memref<1x80xi32, #tpu.memory_space<vmem>>
      %dma_start3A_277 = tpu.memref_squeeze %dma_start3A_276 : memref<1x80xi32, #tpu.memory_space<vmem>> -> memref<80xi32, #tpu.memory_space<vmem>>
      %dma_start3A_278 = arith.constant 0 : i32
      %dma_start3A_279 = arith.constant 0 : i32
      %dma_start3A_280 = tpu.memref_slice %arg2[%dma_start3A_278, %dma_start3A_279] : memref<10000x128xf32, #tpu.memory_space<hbm>> -> memref<10000x128xf32, #tpu.memory_space<hbm>>
      %dma_start3A_281 = tpu.memref_slice %arg13[%dma_start3A_274] : memref<2x!tpu.dma_semaphore, #tpu.memory_space<semaphore_mem>> -> memref<1x!tpu.dma_semaphore, #tpu.memory_space<semaphore_mem>>
      %dma_start3A_282 = tpu.memref_squeeze %dma_start3A_281 : memref<1x!tpu.dma_semaphore, #tpu.memory_space<semaphore_mem>> -> memref<!tpu.dma_semaphore, #tpu.memory_space<semaphore_mem>>
      tpu.enqueue_indirect_dma source(%dma_start3A_280 : memref<10000x128xf32, #tpu.memory_space<hbm>>) target(%arg9 : memref<80x128xf32, #tpu.memory_space<vmem>>) offsets(%dma_start3A_277 : memref<80xi32, #tpu.memory_space<vmem>>) semaphore(%dma_start3A_282 : memref<!tpu.dma_semaphore, #tpu.memory_space<semaphore_mem>>)
      %ge3A_283 = arith.constant 1 : i32
      %ge3A_284 = arith.cmpi sge, %add3A_237, %ge3A_283 : i32
      %convert_element_type3A_285 = arith.extui %ge3A_284 : i1 to i32
      %cond3A_286 = arith.constant 0 : i32
      %cond3A_287 = arith.cmpi ne, %convert_element_type3A_285, %cond3A_286 : i32
      scf.if %cond3A_287 {
        %dma_wait3A_539 = arith.constant 0 : i32
        %dma_wait3A_540 = arith.constant 0 : i32
        %dma_wait3A_541 = arith.constant 0 : i32
        %dma_wait3A_542 = tpu.memref_slice %arg2[%dma_wait3A_540, %dma_wait3A_541] : memref<10000x128xf32, #tpu.memory_space<hbm>> -> memref<80x128xf32, #tpu.memory_space<hbm>>
        %dma_wait3A_543 = tpu.memref_slice %arg13[%dma_wait3A_539] : memref<2x!tpu.dma_semaphore, #tpu.memory_space<semaphore_mem>> -> memref<1x!tpu.dma_semaphore, #tpu.memory_space<semaphore_mem>>
        %dma_wait3A_544 = tpu.memref_squeeze %dma_wait3A_543 : memref<1x!tpu.dma_semaphore, #tpu.memory_space<semaphore_mem>> -> memref<!tpu.dma_semaphore, #tpu.memory_space<semaphore_mem>>
        %dma_wait3A_545 = arith.constant 0 : i32
        %dma_wait3A_546 = arith.constant 0 : i32
        %dma_wait3A_547 = tpu.memref_slice %arg2[%dma_wait3A_545, %dma_wait3A_546] : memref<10000x128xf32, #tpu.memory_space<hbm>> -> memref<80x128xf32, #tpu.memory_space<hbm>>
        tpu.wait_dma2 semaphore(%dma_wait3A_544 : memref<!tpu.dma_semaphore, #tpu.memory_space<semaphore_mem>>) src(%dma_wait3A_547 : memref<80x128xf32, #tpu.memory_space<hbm>>) dst(%arg8 : memref<80x128xf32, #tpu.memory_space<vmem>>)
        %dma_start3A_548 = arith.constant 0 : i32
        %dma_start3A_549 = arith.constant 0 : i32
        %dma_start3A_550 = arith.constant 0 : i32
        %dma_start3A_551 = tpu.memref_slice %arg7[%dma_start3A_548, %dma_start3A_550] : memref<6x80xi32, #tpu.memory_space<vmem>> -> memref<1x80xi32, #tpu.memory_space<vmem>>
        %dma_start3A_552 = tpu.memref_squeeze %dma_start3A_551 : memref<1x80xi32, #tpu.memory_space<vmem>> -> memref<80xi32, #tpu.memory_space<vmem>>
        %dma_start3A_553 = arith.constant 0 : i32
        %dma_start3A_554 = arith.constant 0 : i32
        %dma_start3A_555 = tpu.memref_slice %arg11[%dma_start3A_553, %dma_start3A_554] : memref<10240x128xf32, #tpu.memory_space<vmem_shared>> -> memref<10240x128xf32, #tpu.memory_space<vmem_shared>>
        %dma_start3A_556 = tpu.memref_slice %arg14[%dma_start3A_549] : memref<3x!tpu.dma_semaphore, #tpu.memory_space<semaphore_mem>> -> memref<1x!tpu.dma_semaphore, #tpu.memory_space<semaphore_mem>>
        %dma_start3A_557 = tpu.memref_squeeze %dma_start3A_556 : memref<1x!tpu.dma_semaphore, #tpu.memory_space<semaphore_mem>> -> memref<!tpu.dma_semaphore, #tpu.memory_space<semaphore_mem>>
        tpu.enqueue_indirect_dma source(%arg8 : memref<80x128xf32, #tpu.memory_space<vmem>>) target(%dma_start3A_555 : memref<10240x128xf32, #tpu.memory_space<vmem_shared>>) offsets(%dma_start3A_552 : memref<80xi32, #tpu.memory_space<vmem>>) semaphore(%dma_start3A_557 : memref<!tpu.dma_semaphore, #tpu.memory_space<semaphore_mem>>) {add = true}
      } else {
      }
      %add3A_288 = arith.constant 3 : i32
      %add3A_289 = arith.addi %add3A_237, %add3A_288 : i32
      %lt3A_290 = arith.constant 126 : i32
      %lt3A_291 = arith.cmpi slt, %add3A_289, %lt3A_290 : i32
      %convert_element_type3A_292 = arith.extui %lt3A_291 : i1 to i32
      %cond3A_293 = arith.constant 0 : i32
      %cond3A_294 = arith.cmpi ne, %convert_element_type3A_292, %cond3A_293 : i32
      scf.if %cond3A_294 {
        %add3A_539 = arith.constant 3 : i32
        %add3A_540 = arith.addi %add3A_237, %add3A_539 : i32
        %mul3A_541 = arith.constant 80 : i32
        %mul3A_542 = arith.muli %add3A_540, %mul3A_541 : i32
        %add3A_543 = arith.addi %mul3A_39, %mul3A_542 : i32
        %dma_start3A_544 = arith.constant 4 : i32
        %dma_start3A_545 = arith.constant 4 : i32
        %dma_start3A_546 = arith.constant 0 : i32
        %dma_start3A_547 = tpu.memref_slice %arg6[%dma_start3A_544, %dma_start3A_546] : memref<6x80xi32, #tpu.memory_space<vmem>> -> memref<1x80xi32, #tpu.memory_space<vmem>>
        %dma_start3A_548 = tpu.memref_squeeze %dma_start3A_547 : memref<1x80xi32, #tpu.memory_space<vmem>> -> memref<80xi32, #tpu.memory_space<vmem>>
        %dma_start3A_549 = tpu.memref_slice %arg3[%add3A_543] : memref<322560xi32, #tpu.memory_space<hbm>> -> memref<80xi32, #tpu.memory_space<hbm>>
        %dma_start3A_550 = tpu.memref_slice %arg12[%dma_start3A_545] : memref<6x!tpu.dma_semaphore, #tpu.memory_space<semaphore_mem>> -> memref<1x!tpu.dma_semaphore, #tpu.memory_space<semaphore_mem>>
        %dma_start3A_551 = tpu.memref_squeeze %dma_start3A_550 : memref<1x!tpu.dma_semaphore, #tpu.memory_space<semaphore_mem>> -> memref<!tpu.dma_semaphore, #tpu.memory_space<semaphore_mem>>
        %dma_start3A_552 = arith.constant 0 : i32
        %dma_start3A_553 = tpu.memref_slice %arg6[%dma_start3A_544, %dma_start3A_552] : memref<6x80xi32, #tpu.memory_space<vmem>> -> memref<1x80xi32, #tpu.memory_space<vmem>>
        %dma_start3A_554 = tpu.memref_squeeze %dma_start3A_553 : memref<1x80xi32, #tpu.memory_space<vmem>> -> memref<80xi32, #tpu.memory_space<vmem>>
        %dma_start3A_555 = tpu.memref_slice %arg3[%add3A_543] : memref<322560xi32, #tpu.memory_space<hbm>> -> memref<80xi32, #tpu.memory_space<hbm>>
        tpu.enqueue_dma source(%dma_start3A_555 : memref<80xi32, #tpu.memory_space<hbm>>) target(%dma_start3A_554 : memref<80xi32, #tpu.memory_space<vmem>>) target_semaphore(%dma_start3A_551 : memref<!tpu.dma_semaphore, #tpu.memory_space<semaphore_mem>>)
        %dma_start3A_556 = arith.constant 4 : i32
        %dma_start3A_557 = arith.constant 4 : i32
        %dma_start3A_558 = arith.constant 0 : i32
        %dma_start3A_559 = tpu.memref_slice %arg7[%dma_start3A_556, %dma_start3A_558] : memref<6x80xi32, #tpu.memory_space<vmem>> -> memref<1x80xi32, #tpu.memory_space<vmem>>
        %dma_start3A_560 = tpu.memref_squeeze %dma_start3A_559 : memref<1x80xi32, #tpu.memory_space<vmem>> -> memref<80xi32, #tpu.memory_space<vmem>>
        %dma_start3A_561 = tpu.memref_slice %arg4[%add3A_543] : memref<322560xi32, #tpu.memory_space<hbm>> -> memref<80xi32, #tpu.memory_space<hbm>>
        %dma_start3A_562 = tpu.memref_slice %arg12[%dma_start3A_557] : memref<6x!tpu.dma_semaphore, #tpu.memory_space<semaphore_mem>> -> memref<1x!tpu.dma_semaphore, #tpu.memory_space<semaphore_mem>>
        %dma_start3A_563 = tpu.memref_squeeze %dma_start3A_562 : memref<1x!tpu.dma_semaphore, #tpu.memory_space<semaphore_mem>> -> memref<!tpu.dma_semaphore, #tpu.memory_space<semaphore_mem>>
        %dma_start3A_564 = arith.constant 0 : i32
        %dma_start3A_565 = tpu.memref_slice %arg7[%dma_start3A_556, %dma_start3A_564] : memref<6x80xi32, #tpu.memory_space<vmem>> -> memref<1x80xi32, #tpu.memory_space<vmem>>
        %dma_start3A_566 = tpu.memref_squeeze %dma_start3A_565 : memref<1x80xi32, #tpu.memory_space<vmem>> -> memref<80xi32, #tpu.memory_space<vmem>>
        %dma_start3A_567 = tpu.memref_slice %arg4[%add3A_543] : memref<322560xi32, #tpu.memory_space<hbm>> -> memref<80xi32, #tpu.memory_space<hbm>>
        tpu.enqueue_dma source(%dma_start3A_567 : memref<80xi32, #tpu.memory_space<hbm>>) target(%dma_start3A_566 : memref<80xi32, #tpu.memory_space<vmem>>) target_semaphore(%dma_start3A_563 : memref<!tpu.dma_semaphore, #tpu.memory_space<semaphore_mem>>)
      } else {
      }
      %mul3A_295 = arith.constant 6 : i32
      %mul3A_296 = arith.muli %scan3A_176, %mul3A_295 : i32
      %add3A_297 = arith.constant 2 : i32
      %add3A_298 = arith.addi %mul3A_296, %add3A_297 : i32
      %mul3A_299 = arith.constant 80 : i32
      %mul3A_300 = arith.muli %add3A_298, %mul3A_299 : i32
      %add3A_301 = arith.addi %mul3A_39, %mul3A_300 : i32
      %dma_wait3A_302 = arith.constant 2 : i32
      %dma_wait3A_303 = arith.constant 2 : i32
      %dma_wait3A_304 = arith.constant 0 : i32
      %dma_wait3A_305 = tpu.memref_slice %arg6[%dma_wait3A_302, %dma_wait3A_304] : memref<6x80xi32, #tpu.memory_space<vmem>> -> memref<1x80xi32, #tpu.memory_space<vmem>>
      %dma_wait3A_306 = tpu.memref_squeeze %dma_wait3A_305 : memref<1x80xi32, #tpu.memory_space<vmem>> -> memref<80xi32, #tpu.memory_space<vmem>>
      %dma_wait3A_307 = tpu.memref_slice %arg3[%add3A_301] : memref<322560xi32, #tpu.memory_space<hbm>> -> memref<80xi32, #tpu.memory_space<hbm>>
      %dma_wait3A_308 = tpu.memref_slice %arg12[%dma_wait3A_303] : memref<6x!tpu.dma_semaphore, #tpu.memory_space<semaphore_mem>> -> memref<1x!tpu.dma_semaphore, #tpu.memory_space<semaphore_mem>>
      %dma_wait3A_309 = tpu.memref_squeeze %dma_wait3A_308 : memref<1x!tpu.dma_semaphore, #tpu.memory_space<semaphore_mem>> -> memref<!tpu.dma_semaphore, #tpu.memory_space<semaphore_mem>>
      %dma_wait3A_310 = arith.constant 0 : i32
      %dma_wait3A_311 = tpu.memref_slice %arg6[%dma_wait3A_302, %dma_wait3A_310] : memref<6x80xi32, #tpu.memory_space<vmem>> -> memref<1x80xi32, #tpu.memory_space<vmem>>
      %dma_wait3A_312 = tpu.memref_squeeze %dma_wait3A_311 : memref<1x80xi32, #tpu.memory_space<vmem>> -> memref<80xi32, #tpu.memory_space<vmem>>
      %dma_wait3A_313 = tpu.memref_slice %arg3[%add3A_301] : memref<322560xi32, #tpu.memory_space<hbm>> -> memref<80xi32, #tpu.memory_space<hbm>>
      tpu.wait_dma2 semaphore(%dma_wait3A_309 : memref<!tpu.dma_semaphore, #tpu.memory_space<semaphore_mem>>) src(%dma_wait3A_313 : memref<80xi32, #tpu.memory_space<hbm>>) dst(%dma_wait3A_312 : memref<80xi32, #tpu.memory_space<vmem>>)
      %mul3A_314 = arith.constant 80 : i32
      %mul3A_315 = arith.muli %add3A_298, %mul3A_314 : i32
      %add3A_316 = arith.addi %mul3A_39, %mul3A_315 : i32
      %dma_wait3A_317 = arith.constant 2 : i32
      %dma_wait3A_318 = arith.constant 2 : i32
      %dma_wait3A_319 = arith.constant 0 : i32
      %dma_wait3A_320 = tpu.memref_slice %arg7[%dma_wait3A_317, %dma_wait3A_319] : memref<6x80xi32, #tpu.memory_space<vmem>> -> memref<1x80xi32, #tpu.memory_space<vmem>>
      %dma_wait3A_321 = tpu.memref_squeeze %dma_wait3A_320 : memref<1x80xi32, #tpu.memory_space<vmem>> -> memref<80xi32, #tpu.memory_space<vmem>>
      %dma_wait3A_322 = tpu.memref_slice %arg4[%add3A_316] : memref<322560xi32, #tpu.memory_space<hbm>> -> memref<80xi32, #tpu.memory_space<hbm>>
      %dma_wait3A_323 = tpu.memref_slice %arg12[%dma_wait3A_318] : memref<6x!tpu.dma_semaphore, #tpu.memory_space<semaphore_mem>> -> memref<1x!tpu.dma_semaphore, #tpu.memory_space<semaphore_mem>>
      %dma_wait3A_324 = tpu.memref_squeeze %dma_wait3A_323 : memref<1x!tpu.dma_semaphore, #tpu.memory_space<semaphore_mem>> -> memref<!tpu.dma_semaphore, #tpu.memory_space<semaphore_mem>>
      %dma_wait3A_325 = arith.constant 0 : i32
      %dma_wait3A_326 = tpu.memref_slice %arg7[%dma_wait3A_317, %dma_wait3A_325] : memref<6x80xi32, #tpu.memory_space<vmem>> -> memref<1x80xi32, #tpu.memory_space<vmem>>
      %dma_wait3A_327 = tpu.memref_squeeze %dma_wait3A_326 : memref<1x80xi32, #tpu.memory_space<vmem>> -> memref<80xi32, #tpu.memory_space<vmem>>
      %dma_wait3A_328 = tpu.memref_slice %arg4[%add3A_316] : memref<322560xi32, #tpu.memory_space<hbm>> -> memref<80xi32, #tpu.memory_space<hbm>>
      tpu.wait_dma2 semaphore(%dma_wait3A_324 : memref<!tpu.dma_semaphore, #tpu.memory_space<semaphore_mem>>) src(%dma_wait3A_328 : memref<80xi32, #tpu.memory_space<hbm>>) dst(%dma_wait3A_327 : memref<80xi32, #tpu.memory_space<vmem>>)
      %ge3A_329 = arith.constant 3 : i32
      %ge3A_330 = arith.cmpi sge, %add3A_298, %ge3A_329 : i32
      %convert_element_type3A_331 = arith.extui %ge3A_330 : i1 to i32
      %cond3A_332 = arith.constant 0 : i32
      %cond3A_333 = arith.cmpi ne, %convert_element_type3A_331, %cond3A_332 : i32
      scf.if %cond3A_333 {
        %dma_wait3A_539 = arith.constant 2 : i32
        %dma_wait3A_540 = arith.constant 0 : i32
        %dma_wait3A_541 = arith.constant 0 : i32
        %dma_wait3A_542 = tpu.memref_slice %arg2[%dma_wait3A_540, %dma_wait3A_541] : memref<10000x128xf32, #tpu.memory_space<hbm>> -> memref<80x128xf32, #tpu.memory_space<hbm>>
        %dma_wait3A_543 = tpu.memref_slice %arg14[%dma_wait3A_539] : memref<3x!tpu.dma_semaphore, #tpu.memory_space<semaphore_mem>> -> memref<1x!tpu.dma_semaphore, #tpu.memory_space<semaphore_mem>>
        %dma_wait3A_544 = tpu.memref_squeeze %dma_wait3A_543 : memref<1x!tpu.dma_semaphore, #tpu.memory_space<semaphore_mem>> -> memref<!tpu.dma_semaphore, #tpu.memory_space<semaphore_mem>>
        %dma_wait3A_545 = arith.constant 0 : i32
        %dma_wait3A_546 = arith.constant 0 : i32
        %dma_wait3A_547 = tpu.memref_slice %arg2[%dma_wait3A_545, %dma_wait3A_546] : memref<10000x128xf32, #tpu.memory_space<hbm>> -> memref<80x128xf32, #tpu.memory_space<hbm>>
        tpu.wait_dma2 semaphore(%dma_wait3A_544 : memref<!tpu.dma_semaphore, #tpu.memory_space<semaphore_mem>>) src(%dma_wait3A_547 : memref<80x128xf32, #tpu.memory_space<hbm>>) dst(%arg10 : memref<80x128xf32, #tpu.memory_space<vmem>>)
      } else {
      }
      %dma_start3A_334 = arith.constant 2 : i32
      %dma_start3A_335 = arith.constant 0 : i32
      %dma_start3A_336 = arith.constant 0 : i32
      %dma_start3A_337 = tpu.memref_slice %arg6[%dma_start3A_334, %dma_start3A_336] : memref<6x80xi32, #tpu.memory_space<vmem>> -> memref<1x80xi32, #tpu.memory_space<vmem>>
      %dma_start3A_338 = tpu.memref_squeeze %dma_start3A_337 : memref<1x80xi32, #tpu.memory_space<vmem>> -> memref<80xi32, #tpu.memory_space<vmem>>
      %dma_start3A_339 = arith.constant 0 : i32
      %dma_start3A_340 = arith.constant 0 : i32
      %dma_start3A_341 = tpu.memref_slice %arg2[%dma_start3A_339, %dma_start3A_340] : memref<10000x128xf32, #tpu.memory_space<hbm>> -> memref<10000x128xf32, #tpu.memory_space<hbm>>
      %dma_start3A_342 = tpu.memref_slice %arg13[%dma_start3A_335] : memref<2x!tpu.dma_semaphore, #tpu.memory_space<semaphore_mem>> -> memref<1x!tpu.dma_semaphore, #tpu.memory_space<semaphore_mem>>
      %dma_start3A_343 = tpu.memref_squeeze %dma_start3A_342 : memref<1x!tpu.dma_semaphore, #tpu.memory_space<semaphore_mem>> -> memref<!tpu.dma_semaphore, #tpu.memory_space<semaphore_mem>>
      tpu.enqueue_indirect_dma source(%dma_start3A_341 : memref<10000x128xf32, #tpu.memory_space<hbm>>) target(%arg10 : memref<80x128xf32, #tpu.memory_space<vmem>>) offsets(%dma_start3A_338 : memref<80xi32, #tpu.memory_space<vmem>>) semaphore(%dma_start3A_343 : memref<!tpu.dma_semaphore, #tpu.memory_space<semaphore_mem>>)
      %ge3A_344 = arith.constant 1 : i32
      %ge3A_345 = arith.cmpi sge, %add3A_298, %ge3A_344 : i32
      %convert_element_type3A_346 = arith.extui %ge3A_345 : i1 to i32
      %cond3A_347 = arith.constant 0 : i32
      %cond3A_348 = arith.cmpi ne, %convert_element_type3A_346, %cond3A_347 : i32
      scf.if %cond3A_348 {
        %dma_wait3A_539 = arith.constant 1 : i32
        %dma_wait3A_540 = arith.constant 0 : i32
        %dma_wait3A_541 = arith.constant 0 : i32
        %dma_wait3A_542 = tpu.memref_slice %arg2[%dma_wait3A_540, %dma_wait3A_541] : memref<10000x128xf32, #tpu.memory_space<hbm>> -> memref<80x128xf32, #tpu.memory_space<hbm>>
        %dma_wait3A_543 = tpu.memref_slice %arg13[%dma_wait3A_539] : memref<2x!tpu.dma_semaphore, #tpu.memory_space<semaphore_mem>> -> memref<1x!tpu.dma_semaphore, #tpu.memory_space<semaphore_mem>>
        %dma_wait3A_544 = tpu.memref_squeeze %dma_wait3A_543 : memref<1x!tpu.dma_semaphore, #tpu.memory_space<semaphore_mem>> -> memref<!tpu.dma_semaphore, #tpu.memory_space<semaphore_mem>>
        %dma_wait3A_545 = arith.constant 0 : i32
        %dma_wait3A_546 = arith.constant 0 : i32
        %dma_wait3A_547 = tpu.memref_slice %arg2[%dma_wait3A_545, %dma_wait3A_546] : memref<10000x128xf32, #tpu.memory_space<hbm>> -> memref<80x128xf32, #tpu.memory_space<hbm>>
        tpu.wait_dma2 semaphore(%dma_wait3A_544 : memref<!tpu.dma_semaphore, #tpu.memory_space<semaphore_mem>>) src(%dma_wait3A_547 : memref<80x128xf32, #tpu.memory_space<hbm>>) dst(%arg9 : memref<80x128xf32, #tpu.memory_space<vmem>>)
        %dma_start3A_548 = arith.constant 1 : i32
        %dma_start3A_549 = arith.constant 1 : i32
        %dma_start3A_550 = arith.constant 0 : i32
        %dma_start3A_551 = tpu.memref_slice %arg7[%dma_start3A_548, %dma_start3A_550] : memref<6x80xi32, #tpu.memory_space<vmem>> -> memref<1x80xi32, #tpu.memory_space<vmem>>
        %dma_start3A_552 = tpu.memref_squeeze %dma_start3A_551 : memref<1x80xi32, #tpu.memory_space<vmem>> -> memref<80xi32, #tpu.memory_space<vmem>>
        %dma_start3A_553 = arith.constant 0 : i32
        %dma_start3A_554 = arith.constant 0 : i32
        %dma_start3A_555 = tpu.memref_slice %arg11[%dma_start3A_553, %dma_start3A_554] : memref<10240x128xf32, #tpu.memory_space<vmem_shared>> -> memref<10240x128xf32, #tpu.memory_space<vmem_shared>>
        %dma_start3A_556 = tpu.memref_slice %arg14[%dma_start3A_549] : memref<3x!tpu.dma_semaphore, #tpu.memory_space<semaphore_mem>> -> memref<1x!tpu.dma_semaphore, #tpu.memory_space<semaphore_mem>>
        %dma_start3A_557 = tpu.memref_squeeze %dma_start3A_556 : memref<1x!tpu.dma_semaphore, #tpu.memory_space<semaphore_mem>> -> memref<!tpu.dma_semaphore, #tpu.memory_space<semaphore_mem>>
        tpu.enqueue_indirect_dma source(%arg9 : memref<80x128xf32, #tpu.memory_space<vmem>>) target(%dma_start3A_555 : memref<10240x128xf32, #tpu.memory_space<vmem_shared>>) offsets(%dma_start3A_552 : memref<80xi32, #tpu.memory_space<vmem>>) semaphore(%dma_start3A_557 : memref<!tpu.dma_semaphore, #tpu.memory_space<semaphore_mem>>) {add = true}
      } else {
      }
      %add3A_349 = arith.constant 3 : i32
      %add3A_350 = arith.addi %add3A_298, %add3A_349 : i32
      %lt3A_351 = arith.constant 126 : i32
      %lt3A_352 = arith.cmpi slt, %add3A_350, %lt3A_351 : i32
      %convert_element_type3A_353 = arith.extui %lt3A_352 : i1 to i32
      %cond3A_354 = arith.constant 0 : i32
      %cond3A_355 = arith.cmpi ne, %convert_element_type3A_353, %cond3A_354 : i32
      scf.if %cond3A_355 {
        %add3A_539 = arith.constant 3 : i32
        %add3A_540 = arith.addi %add3A_298, %add3A_539 : i32
        %mul3A_541 = arith.constant 80 : i32
        %mul3A_542 = arith.muli %add3A_540, %mul3A_541 : i32
        %add3A_543 = arith.addi %mul3A_39, %mul3A_542 : i32
        %dma_start3A_544 = arith.constant 5 : i32
        %dma_start3A_545 = arith.constant 5 : i32
        %dma_start3A_546 = arith.constant 0 : i32
        %dma_start3A_547 = tpu.memref_slice %arg6[%dma_start3A_544, %dma_start3A_546] : memref<6x80xi32, #tpu.memory_space<vmem>> -> memref<1x80xi32, #tpu.memory_space<vmem>>
        %dma_start3A_548 = tpu.memref_squeeze %dma_start3A_547 : memref<1x80xi32, #tpu.memory_space<vmem>> -> memref<80xi32, #tpu.memory_space<vmem>>
        %dma_start3A_549 = tpu.memref_slice %arg3[%add3A_543] : memref<322560xi32, #tpu.memory_space<hbm>> -> memref<80xi32, #tpu.memory_space<hbm>>
        %dma_start3A_550 = tpu.memref_slice %arg12[%dma_start3A_545] : memref<6x!tpu.dma_semaphore, #tpu.memory_space<semaphore_mem>> -> memref<1x!tpu.dma_semaphore, #tpu.memory_space<semaphore_mem>>
        %dma_start3A_551 = tpu.memref_squeeze %dma_start3A_550 : memref<1x!tpu.dma_semaphore, #tpu.memory_space<semaphore_mem>> -> memref<!tpu.dma_semaphore, #tpu.memory_space<semaphore_mem>>
        %dma_start3A_552 = arith.constant 0 : i32
        %dma_start3A_553 = tpu.memref_slice %arg6[%dma_start3A_544, %dma_start3A_552] : memref<6x80xi32, #tpu.memory_space<vmem>> -> memref<1x80xi32, #tpu.memory_space<vmem>>
        %dma_start3A_554 = tpu.memref_squeeze %dma_start3A_553 : memref<1x80xi32, #tpu.memory_space<vmem>> -> memref<80xi32, #tpu.memory_space<vmem>>
        %dma_start3A_555 = tpu.memref_slice %arg3[%add3A_543] : memref<322560xi32, #tpu.memory_space<hbm>> -> memref<80xi32, #tpu.memory_space<hbm>>
        tpu.enqueue_dma source(%dma_start3A_555 : memref<80xi32, #tpu.memory_space<hbm>>) target(%dma_start3A_554 : memref<80xi32, #tpu.memory_space<vmem>>) target_semaphore(%dma_start3A_551 : memref<!tpu.dma_semaphore, #tpu.memory_space<semaphore_mem>>)
        %dma_start3A_556 = arith.constant 5 : i32
        %dma_start3A_557 = arith.constant 5 : i32
        %dma_start3A_558 = arith.constant 0 : i32
        %dma_start3A_559 = tpu.memref_slice %arg7[%dma_start3A_556, %dma_start3A_558] : memref<6x80xi32, #tpu.memory_space<vmem>> -> memref<1x80xi32, #tpu.memory_space<vmem>>
        %dma_start3A_560 = tpu.memref_squeeze %dma_start3A_559 : memref<1x80xi32, #tpu.memory_space<vmem>> -> memref<80xi32, #tpu.memory_space<vmem>>
        %dma_start3A_561 = tpu.memref_slice %arg4[%add3A_543] : memref<322560xi32, #tpu.memory_space<hbm>> -> memref<80xi32, #tpu.memory_space<hbm>>
        %dma_start3A_562 = tpu.memref_slice %arg12[%dma_start3A_557] : memref<6x!tpu.dma_semaphore, #tpu.memory_space<semaphore_mem>> -> memref<1x!tpu.dma_semaphore, #tpu.memory_space<semaphore_mem>>
        %dma_start3A_563 = tpu.memref_squeeze %dma_start3A_562 : memref<1x!tpu.dma_semaphore, #tpu.memory_space<semaphore_mem>> -> memref<!tpu.dma_semaphore, #tpu.memory_space<semaphore_mem>>
        %dma_start3A_564 = arith.constant 0 : i32
        %dma_start3A_565 = tpu.memref_slice %arg7[%dma_start3A_556, %dma_start3A_564] : memref<6x80xi32, #tpu.memory_space<vmem>> -> memref<1x80xi32, #tpu.memory_space<vmem>>
        %dma_start3A_566 = tpu.memref_squeeze %dma_start3A_565 : memref<1x80xi32, #tpu.memory_space<vmem>> -> memref<80xi32, #tpu.memory_space<vmem>>
        %dma_start3A_567 = tpu.memref_slice %arg4[%add3A_543] : memref<322560xi32, #tpu.memory_space<hbm>> -> memref<80xi32, #tpu.memory_space<hbm>>
        tpu.enqueue_dma source(%dma_start3A_567 : memref<80xi32, #tpu.memory_space<hbm>>) target(%dma_start3A_566 : memref<80xi32, #tpu.memory_space<vmem>>) target_semaphore(%dma_start3A_563 : memref<!tpu.dma_semaphore, #tpu.memory_space<semaphore_mem>>)
      } else {
      }
      %mul3A_356 = arith.constant 6 : i32
      %mul3A_357 = arith.muli %scan3A_176, %mul3A_356 : i32
      %add3A_358 = arith.constant 3 : i32
      %add3A_359 = arith.addi %mul3A_357, %add3A_358 : i32
      %mul3A_360 = arith.constant 80 : i32
      %mul3A_361 = arith.muli %add3A_359, %mul3A_360 : i32
      %add3A_362 = arith.addi %mul3A_39, %mul3A_361 : i32
      %dma_wait3A_363 = arith.constant 3 : i32
      %dma_wait3A_364 = arith.constant 3 : i32
      %dma_wait3A_365 = arith.constant 0 : i32
      %dma_wait3A_366 = tpu.memref_slice %arg6[%dma_wait3A_363, %dma_wait3A_365] : memref<6x80xi32, #tpu.memory_space<vmem>> -> memref<1x80xi32, #tpu.memory_space<vmem>>
      %dma_wait3A_367 = tpu.memref_squeeze %dma_wait3A_366 : memref<1x80xi32, #tpu.memory_space<vmem>> -> memref<80xi32, #tpu.memory_space<vmem>>
      %dma_wait3A_368 = tpu.memref_slice %arg3[%add3A_362] : memref<322560xi32, #tpu.memory_space<hbm>> -> memref<80xi32, #tpu.memory_space<hbm>>
      %dma_wait3A_369 = tpu.memref_slice %arg12[%dma_wait3A_364] : memref<6x!tpu.dma_semaphore, #tpu.memory_space<semaphore_mem>> -> memref<1x!tpu.dma_semaphore, #tpu.memory_space<semaphore_mem>>
      %dma_wait3A_370 = tpu.memref_squeeze %dma_wait3A_369 : memref<1x!tpu.dma_semaphore, #tpu.memory_space<semaphore_mem>> -> memref<!tpu.dma_semaphore, #tpu.memory_space<semaphore_mem>>
      %dma_wait3A_371 = arith.constant 0 : i32
      %dma_wait3A_372 = tpu.memref_slice %arg6[%dma_wait3A_363, %dma_wait3A_371] : memref<6x80xi32, #tpu.memory_space<vmem>> -> memref<1x80xi32, #tpu.memory_space<vmem>>
      %dma_wait3A_373 = tpu.memref_squeeze %dma_wait3A_372 : memref<1x80xi32, #tpu.memory_space<vmem>> -> memref<80xi32, #tpu.memory_space<vmem>>
      %dma_wait3A_374 = tpu.memref_slice %arg3[%add3A_362] : memref<322560xi32, #tpu.memory_space<hbm>> -> memref<80xi32, #tpu.memory_space<hbm>>
      tpu.wait_dma2 semaphore(%dma_wait3A_370 : memref<!tpu.dma_semaphore, #tpu.memory_space<semaphore_mem>>) src(%dma_wait3A_374 : memref<80xi32, #tpu.memory_space<hbm>>) dst(%dma_wait3A_373 : memref<80xi32, #tpu.memory_space<vmem>>)
      %mul3A_375 = arith.constant 80 : i32
      %mul3A_376 = arith.muli %add3A_359, %mul3A_375 : i32
      %add3A_377 = arith.addi %mul3A_39, %mul3A_376 : i32
      %dma_wait3A_378 = arith.constant 3 : i32
      %dma_wait3A_379 = arith.constant 3 : i32
      %dma_wait3A_380 = arith.constant 0 : i32
      %dma_wait3A_381 = tpu.memref_slice %arg7[%dma_wait3A_378, %dma_wait3A_380] : memref<6x80xi32, #tpu.memory_space<vmem>> -> memref<1x80xi32, #tpu.memory_space<vmem>>
      %dma_wait3A_382 = tpu.memref_squeeze %dma_wait3A_381 : memref<1x80xi32, #tpu.memory_space<vmem>> -> memref<80xi32, #tpu.memory_space<vmem>>
      %dma_wait3A_383 = tpu.memref_slice %arg4[%add3A_377] : memref<322560xi32, #tpu.memory_space<hbm>> -> memref<80xi32, #tpu.memory_space<hbm>>
      %dma_wait3A_384 = tpu.memref_slice %arg12[%dma_wait3A_379] : memref<6x!tpu.dma_semaphore, #tpu.memory_space<semaphore_mem>> -> memref<1x!tpu.dma_semaphore, #tpu.memory_space<semaphore_mem>>
      %dma_wait3A_385 = tpu.memref_squeeze %dma_wait3A_384 : memref<1x!tpu.dma_semaphore, #tpu.memory_space<semaphore_mem>> -> memref<!tpu.dma_semaphore, #tpu.memory_space<semaphore_mem>>
      %dma_wait3A_386 = arith.constant 0 : i32
      %dma_wait3A_387 = tpu.memref_slice %arg7[%dma_wait3A_378, %dma_wait3A_386] : memref<6x80xi32, #tpu.memory_space<vmem>> -> memref<1x80xi32, #tpu.memory_space<vmem>>
      %dma_wait3A_388 = tpu.memref_squeeze %dma_wait3A_387 : memref<1x80xi32, #tpu.memory_space<vmem>> -> memref<80xi32, #tpu.memory_space<vmem>>
      %dma_wait3A_389 = tpu.memref_slice %arg4[%add3A_377] : memref<322560xi32, #tpu.memory_space<hbm>> -> memref<80xi32, #tpu.memory_space<hbm>>
      tpu.wait_dma2 semaphore(%dma_wait3A_385 : memref<!tpu.dma_semaphore, #tpu.memory_space<semaphore_mem>>) src(%dma_wait3A_389 : memref<80xi32, #tpu.memory_space<hbm>>) dst(%dma_wait3A_388 : memref<80xi32, #tpu.memory_space<vmem>>)
      %ge3A_390 = arith.constant 3 : i32
      %ge3A_391 = arith.cmpi sge, %add3A_359, %ge3A_390 : i32
      %convert_element_type3A_392 = arith.extui %ge3A_391 : i1 to i32
      %cond3A_393 = arith.constant 0 : i32
      %cond3A_394 = arith.cmpi ne, %convert_element_type3A_392, %cond3A_393 : i32
      scf.if %cond3A_394 {
        %dma_wait3A_539 = arith.constant 0 : i32
        %dma_wait3A_540 = arith.constant 0 : i32
        %dma_wait3A_541 = arith.constant 0 : i32
        %dma_wait3A_542 = tpu.memref_slice %arg2[%dma_wait3A_540, %dma_wait3A_541] : memref<10000x128xf32, #tpu.memory_space<hbm>> -> memref<80x128xf32, #tpu.memory_space<hbm>>
        %dma_wait3A_543 = tpu.memref_slice %arg14[%dma_wait3A_539] : memref<3x!tpu.dma_semaphore, #tpu.memory_space<semaphore_mem>> -> memref<1x!tpu.dma_semaphore, #tpu.memory_space<semaphore_mem>>
        %dma_wait3A_544 = tpu.memref_squeeze %dma_wait3A_543 : memref<1x!tpu.dma_semaphore, #tpu.memory_space<semaphore_mem>> -> memref<!tpu.dma_semaphore, #tpu.memory_space<semaphore_mem>>
        %dma_wait3A_545 = arith.constant 0 : i32
        %dma_wait3A_546 = arith.constant 0 : i32
        %dma_wait3A_547 = tpu.memref_slice %arg2[%dma_wait3A_545, %dma_wait3A_546] : memref<10000x128xf32, #tpu.memory_space<hbm>> -> memref<80x128xf32, #tpu.memory_space<hbm>>
        tpu.wait_dma2 semaphore(%dma_wait3A_544 : memref<!tpu.dma_semaphore, #tpu.memory_space<semaphore_mem>>) src(%dma_wait3A_547 : memref<80x128xf32, #tpu.memory_space<hbm>>) dst(%arg8 : memref<80x128xf32, #tpu.memory_space<vmem>>)
      } else {
      }
      %dma_start3A_395 = arith.constant 3 : i32
      %dma_start3A_396 = arith.constant 1 : i32
      %dma_start3A_397 = arith.constant 0 : i32
      %dma_start3A_398 = tpu.memref_slice %arg6[%dma_start3A_395, %dma_start3A_397] : memref<6x80xi32, #tpu.memory_space<vmem>> -> memref<1x80xi32, #tpu.memory_space<vmem>>
      %dma_start3A_399 = tpu.memref_squeeze %dma_start3A_398 : memref<1x80xi32, #tpu.memory_space<vmem>> -> memref<80xi32, #tpu.memory_space<vmem>>
      %dma_start3A_400 = arith.constant 0 : i32
      %dma_start3A_401 = arith.constant 0 : i32
      %dma_start3A_402 = tpu.memref_slice %arg2[%dma_start3A_400, %dma_start3A_401] : memref<10000x128xf32, #tpu.memory_space<hbm>> -> memref<10000x128xf32, #tpu.memory_space<hbm>>
      %dma_start3A_403 = tpu.memref_slice %arg13[%dma_start3A_396] : memref<2x!tpu.dma_semaphore, #tpu.memory_space<semaphore_mem>> -> memref<1x!tpu.dma_semaphore, #tpu.memory_space<semaphore_mem>>
      %dma_start3A_404 = tpu.memref_squeeze %dma_start3A_403 : memref<1x!tpu.dma_semaphore, #tpu.memory_space<semaphore_mem>> -> memref<!tpu.dma_semaphore, #tpu.memory_space<semaphore_mem>>
      tpu.enqueue_indirect_dma source(%dma_start3A_402 : memref<10000x128xf32, #tpu.memory_space<hbm>>) target(%arg8 : memref<80x128xf32, #tpu.memory_space<vmem>>) offsets(%dma_start3A_399 : memref<80xi32, #tpu.memory_space<vmem>>) semaphore(%dma_start3A_404 : memref<!tpu.dma_semaphore, #tpu.memory_space<semaphore_mem>>)
      %ge3A_405 = arith.constant 1 : i32
      %ge3A_406 = arith.cmpi sge, %add3A_359, %ge3A_405 : i32
      %convert_element_type3A_407 = arith.extui %ge3A_406 : i1 to i32
      %cond3A_408 = arith.constant 0 : i32
      %cond3A_409 = arith.cmpi ne, %convert_element_type3A_407, %cond3A_408 : i32
      scf.if %cond3A_409 {
        %dma_wait3A_539 = arith.constant 0 : i32
        %dma_wait3A_540 = arith.constant 0 : i32
        %dma_wait3A_541 = arith.constant 0 : i32
        %dma_wait3A_542 = tpu.memref_slice %arg2[%dma_wait3A_540, %dma_wait3A_541] : memref<10000x128xf32, #tpu.memory_space<hbm>> -> memref<80x128xf32, #tpu.memory_space<hbm>>
        %dma_wait3A_543 = tpu.memref_slice %arg13[%dma_wait3A_539] : memref<2x!tpu.dma_semaphore, #tpu.memory_space<semaphore_mem>> -> memref<1x!tpu.dma_semaphore, #tpu.memory_space<semaphore_mem>>
        %dma_wait3A_544 = tpu.memref_squeeze %dma_wait3A_543 : memref<1x!tpu.dma_semaphore, #tpu.memory_space<semaphore_mem>> -> memref<!tpu.dma_semaphore, #tpu.memory_space<semaphore_mem>>
        %dma_wait3A_545 = arith.constant 0 : i32
        %dma_wait3A_546 = arith.constant 0 : i32
        %dma_wait3A_547 = tpu.memref_slice %arg2[%dma_wait3A_545, %dma_wait3A_546] : memref<10000x128xf32, #tpu.memory_space<hbm>> -> memref<80x128xf32, #tpu.memory_space<hbm>>
        tpu.wait_dma2 semaphore(%dma_wait3A_544 : memref<!tpu.dma_semaphore, #tpu.memory_space<semaphore_mem>>) src(%dma_wait3A_547 : memref<80x128xf32, #tpu.memory_space<hbm>>) dst(%arg10 : memref<80x128xf32, #tpu.memory_space<vmem>>)
        %dma_start3A_548 = arith.constant 2 : i32
        %dma_start3A_549 = arith.constant 2 : i32
        %dma_start3A_550 = arith.constant 0 : i32
        %dma_start3A_551 = tpu.memref_slice %arg7[%dma_start3A_548, %dma_start3A_550] : memref<6x80xi32, #tpu.memory_space<vmem>> -> memref<1x80xi32, #tpu.memory_space<vmem>>
        %dma_start3A_552 = tpu.memref_squeeze %dma_start3A_551 : memref<1x80xi32, #tpu.memory_space<vmem>> -> memref<80xi32, #tpu.memory_space<vmem>>
        %dma_start3A_553 = arith.constant 0 : i32
        %dma_start3A_554 = arith.constant 0 : i32
        %dma_start3A_555 = tpu.memref_slice %arg11[%dma_start3A_553, %dma_start3A_554] : memref<10240x128xf32, #tpu.memory_space<vmem_shared>> -> memref<10240x128xf32, #tpu.memory_space<vmem_shared>>
        %dma_start3A_556 = tpu.memref_slice %arg14[%dma_start3A_549] : memref<3x!tpu.dma_semaphore, #tpu.memory_space<semaphore_mem>> -> memref<1x!tpu.dma_semaphore, #tpu.memory_space<semaphore_mem>>
        %dma_start3A_557 = tpu.memref_squeeze %dma_start3A_556 : memref<1x!tpu.dma_semaphore, #tpu.memory_space<semaphore_mem>> -> memref<!tpu.dma_semaphore, #tpu.memory_space<semaphore_mem>>
        tpu.enqueue_indirect_dma source(%arg10 : memref<80x128xf32, #tpu.memory_space<vmem>>) target(%dma_start3A_555 : memref<10240x128xf32, #tpu.memory_space<vmem_shared>>) offsets(%dma_start3A_552 : memref<80xi32, #tpu.memory_space<vmem>>) semaphore(%dma_start3A_557 : memref<!tpu.dma_semaphore, #tpu.memory_space<semaphore_mem>>) {add = true}
      } else {
      }
      %add3A_410 = arith.constant 3 : i32
      %add3A_411 = arith.addi %add3A_359, %add3A_410 : i32
      %lt3A_412 = arith.constant 126 : i32
      %lt3A_413 = arith.cmpi slt, %add3A_411, %lt3A_412 : i32
      %convert_element_type3A_414 = arith.extui %lt3A_413 : i1 to i32
      %cond3A_415 = arith.constant 0 : i32
      %cond3A_416 = arith.cmpi ne, %convert_element_type3A_414, %cond3A_415 : i32
      scf.if %cond3A_416 {
        %add3A_539 = arith.constant 3 : i32
        %add3A_540 = arith.addi %add3A_359, %add3A_539 : i32
        %mul3A_541 = arith.constant 80 : i32
        %mul3A_542 = arith.muli %add3A_540, %mul3A_541 : i32
        %add3A_543 = arith.addi %mul3A_39, %mul3A_542 : i32
        %dma_start3A_544 = arith.constant 0 : i32
        %dma_start3A_545 = arith.constant 0 : i32
        %dma_start3A_546 = arith.constant 0 : i32
        %dma_start3A_547 = tpu.memref_slice %arg6[%dma_start3A_544, %dma_start3A_546] : memref<6x80xi32, #tpu.memory_space<vmem>> -> memref<1x80xi32, #tpu.memory_space<vmem>>
        %dma_start3A_548 = tpu.memref_squeeze %dma_start3A_547 : memref<1x80xi32, #tpu.memory_space<vmem>> -> memref<80xi32, #tpu.memory_space<vmem>>
        %dma_start3A_549 = tpu.memref_slice %arg3[%add3A_543] : memref<322560xi32, #tpu.memory_space<hbm>> -> memref<80xi32, #tpu.memory_space<hbm>>
        %dma_start3A_550 = tpu.memref_slice %arg12[%dma_start3A_545] : memref<6x!tpu.dma_semaphore, #tpu.memory_space<semaphore_mem>> -> memref<1x!tpu.dma_semaphore, #tpu.memory_space<semaphore_mem>>
        %dma_start3A_551 = tpu.memref_squeeze %dma_start3A_550 : memref<1x!tpu.dma_semaphore, #tpu.memory_space<semaphore_mem>> -> memref<!tpu.dma_semaphore, #tpu.memory_space<semaphore_mem>>
        %dma_start3A_552 = arith.constant 0 : i32
        %dma_start3A_553 = tpu.memref_slice %arg6[%dma_start3A_544, %dma_start3A_552] : memref<6x80xi32, #tpu.memory_space<vmem>> -> memref<1x80xi32, #tpu.memory_space<vmem>>
        %dma_start3A_554 = tpu.memref_squeeze %dma_start3A_553 : memref<1x80xi32, #tpu.memory_space<vmem>> -> memref<80xi32, #tpu.memory_space<vmem>>
        %dma_start3A_555 = tpu.memref_slice %arg3[%add3A_543] : memref<322560xi32, #tpu.memory_space<hbm>> -> memref<80xi32, #tpu.memory_space<hbm>>
        tpu.enqueue_dma source(%dma_start3A_555 : memref<80xi32, #tpu.memory_space<hbm>>) target(%dma_start3A_554 : memref<80xi32, #tpu.memory_space<vmem>>) target_semaphore(%dma_start3A_551 : memref<!tpu.dma_semaphore, #tpu.memory_space<semaphore_mem>>)
        %dma_start3A_556 = arith.constant 0 : i32
        %dma_start3A_557 = arith.constant 0 : i32
        %dma_start3A_558 = arith.constant 0 : i32
        %dma_start3A_559 = tpu.memref_slice %arg7[%dma_start3A_556, %dma_start3A_558] : memref<6x80xi32, #tpu.memory_space<vmem>> -> memref<1x80xi32, #tpu.memory_space<vmem>>
        %dma_start3A_560 = tpu.memref_squeeze %dma_start3A_559 : memref<1x80xi32, #tpu.memory_space<vmem>> -> memref<80xi32, #tpu.memory_space<vmem>>
        %dma_start3A_561 = tpu.memref_slice %arg4[%add3A_543] : memref<322560xi32, #tpu.memory_space<hbm>> -> memref<80xi32, #tpu.memory_space<hbm>>
        %dma_start3A_562 = tpu.memref_slice %arg12[%dma_start3A_557] : memref<6x!tpu.dma_semaphore, #tpu.memory_space<semaphore_mem>> -> memref<1x!tpu.dma_semaphore, #tpu.memory_space<semaphore_mem>>
        %dma_start3A_563 = tpu.memref_squeeze %dma_start3A_562 : memref<1x!tpu.dma_semaphore, #tpu.memory_space<semaphore_mem>> -> memref<!tpu.dma_semaphore, #tpu.memory_space<semaphore_mem>>
        %dma_start3A_564 = arith.constant 0 : i32
        %dma_start3A_565 = tpu.memref_slice %arg7[%dma_start3A_556, %dma_start3A_564] : memref<6x80xi32, #tpu.memory_space<vmem>> -> memref<1x80xi32, #tpu.memory_space<vmem>>
        %dma_start3A_566 = tpu.memref_squeeze %dma_start3A_565 : memref<1x80xi32, #tpu.memory_space<vmem>> -> memref<80xi32, #tpu.memory_space<vmem>>
        %dma_start3A_567 = tpu.memref_slice %arg4[%add3A_543] : memref<322560xi32, #tpu.memory_space<hbm>> -> memref<80xi32, #tpu.memory_space<hbm>>
        tpu.enqueue_dma source(%dma_start3A_567 : memref<80xi32, #tpu.memory_space<hbm>>) target(%dma_start3A_566 : memref<80xi32, #tpu.memory_space<vmem>>) target_semaphore(%dma_start3A_563 : memref<!tpu.dma_semaphore, #tpu.memory_space<semaphore_mem>>)
      } else {
      }
      %mul3A_417 = arith.constant 6 : i32
      %mul3A_418 = arith.muli %scan3A_176, %mul3A_417 : i32
      %add3A_419 = arith.constant 4 : i32
      %add3A_420 = arith.addi %mul3A_418, %add3A_419 : i32
      %mul3A_421 = arith.constant 80 : i32
      %mul3A_422 = arith.muli %add3A_420, %mul3A_421 : i32
      %add3A_423 = arith.addi %mul3A_39, %mul3A_422 : i32
      %dma_wait3A_424 = arith.constant 4 : i32
      %dma_wait3A_425 = arith.constant 4 : i32
      %dma_wait3A_426 = arith.constant 0 : i32
      %dma_wait3A_427 = tpu.memref_slice %arg6[%dma_wait3A_424, %dma_wait3A_426] : memref<6x80xi32, #tpu.memory_space<vmem>> -> memref<1x80xi32, #tpu.memory_space<vmem>>
      %dma_wait3A_428 = tpu.memref_squeeze %dma_wait3A_427 : memref<1x80xi32, #tpu.memory_space<vmem>> -> memref<80xi32, #tpu.memory_space<vmem>>
      %dma_wait3A_429 = tpu.memref_slice %arg3[%add3A_423] : memref<322560xi32, #tpu.memory_space<hbm>> -> memref<80xi32, #tpu.memory_space<hbm>>
      %dma_wait3A_430 = tpu.memref_slice %arg12[%dma_wait3A_425] : memref<6x!tpu.dma_semaphore, #tpu.memory_space<semaphore_mem>> -> memref<1x!tpu.dma_semaphore, #tpu.memory_space<semaphore_mem>>
      %dma_wait3A_431 = tpu.memref_squeeze %dma_wait3A_430 : memref<1x!tpu.dma_semaphore, #tpu.memory_space<semaphore_mem>> -> memref<!tpu.dma_semaphore, #tpu.memory_space<semaphore_mem>>
      %dma_wait3A_432 = arith.constant 0 : i32
      %dma_wait3A_433 = tpu.memref_slice %arg6[%dma_wait3A_424, %dma_wait3A_432] : memref<6x80xi32, #tpu.memory_space<vmem>> -> memref<1x80xi32, #tpu.memory_space<vmem>>
      %dma_wait3A_434 = tpu.memref_squeeze %dma_wait3A_433 : memref<1x80xi32, #tpu.memory_space<vmem>> -> memref<80xi32, #tpu.memory_space<vmem>>
      %dma_wait3A_435 = tpu.memref_slice %arg3[%add3A_423] : memref<322560xi32, #tpu.memory_space<hbm>> -> memref<80xi32, #tpu.memory_space<hbm>>
      tpu.wait_dma2 semaphore(%dma_wait3A_431 : memref<!tpu.dma_semaphore, #tpu.memory_space<semaphore_mem>>) src(%dma_wait3A_435 : memref<80xi32, #tpu.memory_space<hbm>>) dst(%dma_wait3A_434 : memref<80xi32, #tpu.memory_space<vmem>>)
      %mul3A_436 = arith.constant 80 : i32
      %mul3A_437 = arith.muli %add3A_420, %mul3A_436 : i32
      %add3A_438 = arith.addi %mul3A_39, %mul3A_437 : i32
      %dma_wait3A_439 = arith.constant 4 : i32
      %dma_wait3A_440 = arith.constant 4 : i32
      %dma_wait3A_441 = arith.constant 0 : i32
      %dma_wait3A_442 = tpu.memref_slice %arg7[%dma_wait3A_439, %dma_wait3A_441] : memref<6x80xi32, #tpu.memory_space<vmem>> -> memref<1x80xi32, #tpu.memory_space<vmem>>
      %dma_wait3A_443 = tpu.memref_squeeze %dma_wait3A_442 : memref<1x80xi32, #tpu.memory_space<vmem>> -> memref<80xi32, #tpu.memory_space<vmem>>
      %dma_wait3A_444 = tpu.memref_slice %arg4[%add3A_438] : memref<322560xi32, #tpu.memory_space<hbm>> -> memref<80xi32, #tpu.memory_space<hbm>>
      %dma_wait3A_445 = tpu.memref_slice %arg12[%dma_wait3A_440] : memref<6x!tpu.dma_semaphore, #tpu.memory_space<semaphore_mem>> -> memref<1x!tpu.dma_semaphore, #tpu.memory_space<semaphore_mem>>
      %dma_wait3A_446 = tpu.memref_squeeze %dma_wait3A_445 : memref<1x!tpu.dma_semaphore, #tpu.memory_space<semaphore_mem>> -> memref<!tpu.dma_semaphore, #tpu.memory_space<semaphore_mem>>
      %dma_wait3A_447 = arith.constant 0 : i32
      %dma_wait3A_448 = tpu.memref_slice %arg7[%dma_wait3A_439, %dma_wait3A_447] : memref<6x80xi32, #tpu.memory_space<vmem>> -> memref<1x80xi32, #tpu.memory_space<vmem>>
      %dma_wait3A_449 = tpu.memref_squeeze %dma_wait3A_448 : memref<1x80xi32, #tpu.memory_space<vmem>> -> memref<80xi32, #tpu.memory_space<vmem>>
      %dma_wait3A_450 = tpu.memref_slice %arg4[%add3A_438] : memref<322560xi32, #tpu.memory_space<hbm>> -> memref<80xi32, #tpu.memory_space<hbm>>
      tpu.wait_dma2 semaphore(%dma_wait3A_446 : memref<!tpu.dma_semaphore, #tpu.memory_space<semaphore_mem>>) src(%dma_wait3A_450 : memref<80xi32, #tpu.memory_space<hbm>>) dst(%dma_wait3A_449 : memref<80xi32, #tpu.memory_space<vmem>>)
      %ge3A_451 = arith.constant 3 : i32
      %ge3A_452 = arith.cmpi sge, %add3A_420, %ge3A_451 : i32
      %convert_element_type3A_453 = arith.extui %ge3A_452 : i1 to i32
      %cond3A_454 = arith.constant 0 : i32
      %cond3A_455 = arith.cmpi ne, %convert_element_type3A_453, %cond3A_454 : i32
      scf.if %cond3A_455 {
        %dma_wait3A_539 = arith.constant 1 : i32
        %dma_wait3A_540 = arith.constant 0 : i32
        %dma_wait3A_541 = arith.constant 0 : i32
        %dma_wait3A_542 = tpu.memref_slice %arg2[%dma_wait3A_540, %dma_wait3A_541] : memref<10000x128xf32, #tpu.memory_space<hbm>> -> memref<80x128xf32, #tpu.memory_space<hbm>>
        %dma_wait3A_543 = tpu.memref_slice %arg14[%dma_wait3A_539] : memref<3x!tpu.dma_semaphore, #tpu.memory_space<semaphore_mem>> -> memref<1x!tpu.dma_semaphore, #tpu.memory_space<semaphore_mem>>
        %dma_wait3A_544 = tpu.memref_squeeze %dma_wait3A_543 : memref<1x!tpu.dma_semaphore, #tpu.memory_space<semaphore_mem>> -> memref<!tpu.dma_semaphore, #tpu.memory_space<semaphore_mem>>
        %dma_wait3A_545 = arith.constant 0 : i32
        %dma_wait3A_546 = arith.constant 0 : i32
        %dma_wait3A_547 = tpu.memref_slice %arg2[%dma_wait3A_545, %dma_wait3A_546] : memref<10000x128xf32, #tpu.memory_space<hbm>> -> memref<80x128xf32, #tpu.memory_space<hbm>>
        tpu.wait_dma2 semaphore(%dma_wait3A_544 : memref<!tpu.dma_semaphore, #tpu.memory_space<semaphore_mem>>) src(%dma_wait3A_547 : memref<80x128xf32, #tpu.memory_space<hbm>>) dst(%arg9 : memref<80x128xf32, #tpu.memory_space<vmem>>)
      } else {
      }
      %dma_start3A_456 = arith.constant 4 : i32
      %dma_start3A_457 = arith.constant 0 : i32
      %dma_start3A_458 = arith.constant 0 : i32
      %dma_start3A_459 = tpu.memref_slice %arg6[%dma_start3A_456, %dma_start3A_458] : memref<6x80xi32, #tpu.memory_space<vmem>> -> memref<1x80xi32, #tpu.memory_space<vmem>>
      %dma_start3A_460 = tpu.memref_squeeze %dma_start3A_459 : memref<1x80xi32, #tpu.memory_space<vmem>> -> memref<80xi32, #tpu.memory_space<vmem>>
      %dma_start3A_461 = arith.constant 0 : i32
      %dma_start3A_462 = arith.constant 0 : i32
      %dma_start3A_463 = tpu.memref_slice %arg2[%dma_start3A_461, %dma_start3A_462] : memref<10000x128xf32, #tpu.memory_space<hbm>> -> memref<10000x128xf32, #tpu.memory_space<hbm>>
      %dma_start3A_464 = tpu.memref_slice %arg13[%dma_start3A_457] : memref<2x!tpu.dma_semaphore, #tpu.memory_space<semaphore_mem>> -> memref<1x!tpu.dma_semaphore, #tpu.memory_space<semaphore_mem>>
      %dma_start3A_465 = tpu.memref_squeeze %dma_start3A_464 : memref<1x!tpu.dma_semaphore, #tpu.memory_space<semaphore_mem>> -> memref<!tpu.dma_semaphore, #tpu.memory_space<semaphore_mem>>
      tpu.enqueue_indirect_dma source(%dma_start3A_463 : memref<10000x128xf32, #tpu.memory_space<hbm>>) target(%arg9 : memref<80x128xf32, #tpu.memory_space<vmem>>) offsets(%dma_start3A_460 : memref<80xi32, #tpu.memory_space<vmem>>) semaphore(%dma_start3A_465 : memref<!tpu.dma_semaphore, #tpu.memory_space<semaphore_mem>>)
      %ge3A_466 = arith.constant 1 : i32
      %ge3A_467 = arith.cmpi sge, %add3A_420, %ge3A_466 : i32
      %convert_element_type3A_468 = arith.extui %ge3A_467 : i1 to i32
      %cond3A_469 = arith.constant 0 : i32
      %cond3A_470 = arith.cmpi ne, %convert_element_type3A_468, %cond3A_469 : i32
      scf.if %cond3A_470 {
        %dma_wait3A_539 = arith.constant 1 : i32
        %dma_wait3A_540 = arith.constant 0 : i32
        %dma_wait3A_541 = arith.constant 0 : i32
        %dma_wait3A_542 = tpu.memref_slice %arg2[%dma_wait3A_540, %dma_wait3A_541] : memref<10000x128xf32, #tpu.memory_space<hbm>> -> memref<80x128xf32, #tpu.memory_space<hbm>>
        %dma_wait3A_543 = tpu.memref_slice %arg13[%dma_wait3A_539] : memref<2x!tpu.dma_semaphore, #tpu.memory_space<semaphore_mem>> -> memref<1x!tpu.dma_semaphore, #tpu.memory_space<semaphore_mem>>
        %dma_wait3A_544 = tpu.memref_squeeze %dma_wait3A_543 : memref<1x!tpu.dma_semaphore, #tpu.memory_space<semaphore_mem>> -> memref<!tpu.dma_semaphore, #tpu.memory_space<semaphore_mem>>
        %dma_wait3A_545 = arith.constant 0 : i32
        %dma_wait3A_546 = arith.constant 0 : i32
        %dma_wait3A_547 = tpu.memref_slice %arg2[%dma_wait3A_545, %dma_wait3A_546] : memref<10000x128xf32, #tpu.memory_space<hbm>> -> memref<80x128xf32, #tpu.memory_space<hbm>>
        tpu.wait_dma2 semaphore(%dma_wait3A_544 : memref<!tpu.dma_semaphore, #tpu.memory_space<semaphore_mem>>) src(%dma_wait3A_547 : memref<80x128xf32, #tpu.memory_space<hbm>>) dst(%arg8 : memref<80x128xf32, #tpu.memory_space<vmem>>)
        %dma_start3A_548 = arith.constant 3 : i32
        %dma_start3A_549 = arith.constant 0 : i32
        %dma_start3A_550 = arith.constant 0 : i32
        %dma_start3A_551 = tpu.memref_slice %arg7[%dma_start3A_548, %dma_start3A_550] : memref<6x80xi32, #tpu.memory_space<vmem>> -> memref<1x80xi32, #tpu.memory_space<vmem>>
        %dma_start3A_552 = tpu.memref_squeeze %dma_start3A_551 : memref<1x80xi32, #tpu.memory_space<vmem>> -> memref<80xi32, #tpu.memory_space<vmem>>
        %dma_start3A_553 = arith.constant 0 : i32
        %dma_start3A_554 = arith.constant 0 : i32
        %dma_start3A_555 = tpu.memref_slice %arg11[%dma_start3A_553, %dma_start3A_554] : memref<10240x128xf32, #tpu.memory_space<vmem_shared>> -> memref<10240x128xf32, #tpu.memory_space<vmem_shared>>
        %dma_start3A_556 = tpu.memref_slice %arg14[%dma_start3A_549] : memref<3x!tpu.dma_semaphore, #tpu.memory_space<semaphore_mem>> -> memref<1x!tpu.dma_semaphore, #tpu.memory_space<semaphore_mem>>
        %dma_start3A_557 = tpu.memref_squeeze %dma_start3A_556 : memref<1x!tpu.dma_semaphore, #tpu.memory_space<semaphore_mem>> -> memref<!tpu.dma_semaphore, #tpu.memory_space<semaphore_mem>>
        tpu.enqueue_indirect_dma source(%arg8 : memref<80x128xf32, #tpu.memory_space<vmem>>) target(%dma_start3A_555 : memref<10240x128xf32, #tpu.memory_space<vmem_shared>>) offsets(%dma_start3A_552 : memref<80xi32, #tpu.memory_space<vmem>>) semaphore(%dma_start3A_557 : memref<!tpu.dma_semaphore, #tpu.memory_space<semaphore_mem>>) {add = true}
      } else {
      }
      %add3A_471 = arith.constant 3 : i32
      %add3A_472 = arith.addi %add3A_420, %add3A_471 : i32
      %lt3A_473 = arith.constant 126 : i32
      %lt3A_474 = arith.cmpi slt, %add3A_472, %lt3A_473 : i32
      %convert_element_type3A_475 = arith.extui %lt3A_474 : i1 to i32
      %cond3A_476 = arith.constant 0 : i32
      %cond3A_477 = arith.cmpi ne, %convert_element_type3A_475, %cond3A_476 : i32
      scf.if %cond3A_477 {
        %add3A_539 = arith.constant 3 : i32
        %add3A_540 = arith.addi %add3A_420, %add3A_539 : i32
        %mul3A_541 = arith.constant 80 : i32
        %mul3A_542 = arith.muli %add3A_540, %mul3A_541 : i32
        %add3A_543 = arith.addi %mul3A_39, %mul3A_542 : i32
        %dma_start3A_544 = arith.constant 1 : i32
        %dma_start3A_545 = arith.constant 1 : i32
        %dma_start3A_546 = arith.constant 0 : i32
        %dma_start3A_547 = tpu.memref_slice %arg6[%dma_start3A_544, %dma_start3A_546] : memref<6x80xi32, #tpu.memory_space<vmem>> -> memref<1x80xi32, #tpu.memory_space<vmem>>
        %dma_start3A_548 = tpu.memref_squeeze %dma_start3A_547 : memref<1x80xi32, #tpu.memory_space<vmem>> -> memref<80xi32, #tpu.memory_space<vmem>>
        %dma_start3A_549 = tpu.memref_slice %arg3[%add3A_543] : memref<322560xi32, #tpu.memory_space<hbm>> -> memref<80xi32, #tpu.memory_space<hbm>>
        %dma_start3A_550 = tpu.memref_slice %arg12[%dma_start3A_545] : memref<6x!tpu.dma_semaphore, #tpu.memory_space<semaphore_mem>> -> memref<1x!tpu.dma_semaphore, #tpu.memory_space<semaphore_mem>>
        %dma_start3A_551 = tpu.memref_squeeze %dma_start3A_550 : memref<1x!tpu.dma_semaphore, #tpu.memory_space<semaphore_mem>> -> memref<!tpu.dma_semaphore, #tpu.memory_space<semaphore_mem>>
        %dma_start3A_552 = arith.constant 0 : i32
        %dma_start3A_553 = tpu.memref_slice %arg6[%dma_start3A_544, %dma_start3A_552] : memref<6x80xi32, #tpu.memory_space<vmem>> -> memref<1x80xi32, #tpu.memory_space<vmem>>
        %dma_start3A_554 = tpu.memref_squeeze %dma_start3A_553 : memref<1x80xi32, #tpu.memory_space<vmem>> -> memref<80xi32, #tpu.memory_space<vmem>>
        %dma_start3A_555 = tpu.memref_slice %arg3[%add3A_543] : memref<322560xi32, #tpu.memory_space<hbm>> -> memref<80xi32, #tpu.memory_space<hbm>>
        tpu.enqueue_dma source(%dma_start3A_555 : memref<80xi32, #tpu.memory_space<hbm>>) target(%dma_start3A_554 : memref<80xi32, #tpu.memory_space<vmem>>) target_semaphore(%dma_start3A_551 : memref<!tpu.dma_semaphore, #tpu.memory_space<semaphore_mem>>)
        %dma_start3A_556 = arith.constant 1 : i32
        %dma_start3A_557 = arith.constant 1 : i32
        %dma_start3A_558 = arith.constant 0 : i32
        %dma_start3A_559 = tpu.memref_slice %arg7[%dma_start3A_556, %dma_start3A_558] : memref<6x80xi32, #tpu.memory_space<vmem>> -> memref<1x80xi32, #tpu.memory_space<vmem>>
        %dma_start3A_560 = tpu.memref_squeeze %dma_start3A_559 : memref<1x80xi32, #tpu.memory_space<vmem>> -> memref<80xi32, #tpu.memory_space<vmem>>
        %dma_start3A_561 = tpu.memref_slice %arg4[%add3A_543] : memref<322560xi32, #tpu.memory_space<hbm>> -> memref<80xi32, #tpu.memory_space<hbm>>
        %dma_start3A_562 = tpu.memref_slice %arg12[%dma_start3A_557] : memref<6x!tpu.dma_semaphore, #tpu.memory_space<semaphore_mem>> -> memref<1x!tpu.dma_semaphore, #tpu.memory_space<semaphore_mem>>
        %dma_start3A_563 = tpu.memref_squeeze %dma_start3A_562 : memref<1x!tpu.dma_semaphore, #tpu.memory_space<semaphore_mem>> -> memref<!tpu.dma_semaphore, #tpu.memory_space<semaphore_mem>>
        %dma_start3A_564 = arith.constant 0 : i32
        %dma_start3A_565 = tpu.memref_slice %arg7[%dma_start3A_556, %dma_start3A_564] : memref<6x80xi32, #tpu.memory_space<vmem>> -> memref<1x80xi32, #tpu.memory_space<vmem>>
        %dma_start3A_566 = tpu.memref_squeeze %dma_start3A_565 : memref<1x80xi32, #tpu.memory_space<vmem>> -> memref<80xi32, #tpu.memory_space<vmem>>
        %dma_start3A_567 = tpu.memref_slice %arg4[%add3A_543] : memref<322560xi32, #tpu.memory_space<hbm>> -> memref<80xi32, #tpu.memory_space<hbm>>
        tpu.enqueue_dma source(%dma_start3A_567 : memref<80xi32, #tpu.memory_space<hbm>>) target(%dma_start3A_566 : memref<80xi32, #tpu.memory_space<vmem>>) target_semaphore(%dma_start3A_563 : memref<!tpu.dma_semaphore, #tpu.memory_space<semaphore_mem>>)
      } else {
      }
      %mul3A_478 = arith.constant 6 : i32
      %mul3A_479 = arith.muli %scan3A_176, %mul3A_478 : i32
      %add3A_480 = arith.constant 5 : i32
      %add3A_481 = arith.addi %mul3A_479, %add3A_480 : i32
      %mul3A_482 = arith.constant 80 : i32
      %mul3A_483 = arith.muli %add3A_481, %mul3A_482 : i32
      %add3A_484 = arith.addi %mul3A_39, %mul3A_483 : i32
      %dma_wait3A_485 = arith.constant 5 : i32
      %dma_wait3A_486 = arith.constant 5 : i32
      %dma_wait3A_487 = arith.constant 0 : i32
      %dma_wait3A_488 = tpu.memref_slice %arg6[%dma_wait3A_485, %dma_wait3A_487] : memref<6x80xi32, #tpu.memory_space<vmem>> -> memref<1x80xi32, #tpu.memory_space<vmem>>
      %dma_wait3A_489 = tpu.memref_squeeze %dma_wait3A_488 : memref<1x80xi32, #tpu.memory_space<vmem>> -> memref<80xi32, #tpu.memory_space<vmem>>
      %dma_wait3A_490 = tpu.memref_slice %arg3[%add3A_484] : memref<322560xi32, #tpu.memory_space<hbm>> -> memref<80xi32, #tpu.memory_space<hbm>>
      %dma_wait3A_491 = tpu.memref_slice %arg12[%dma_wait3A_486] : memref<6x!tpu.dma_semaphore, #tpu.memory_space<semaphore_mem>> -> memref<1x!tpu.dma_semaphore, #tpu.memory_space<semaphore_mem>>
      %dma_wait3A_492 = tpu.memref_squeeze %dma_wait3A_491 : memref<1x!tpu.dma_semaphore, #tpu.memory_space<semaphore_mem>> -> memref<!tpu.dma_semaphore, #tpu.memory_space<semaphore_mem>>
      %dma_wait3A_493 = arith.constant 0 : i32
      %dma_wait3A_494 = tpu.memref_slice %arg6[%dma_wait3A_485, %dma_wait3A_493] : memref<6x80xi32, #tpu.memory_space<vmem>> -> memref<1x80xi32, #tpu.memory_space<vmem>>
      %dma_wait3A_495 = tpu.memref_squeeze %dma_wait3A_494 : memref<1x80xi32, #tpu.memory_space<vmem>> -> memref<80xi32, #tpu.memory_space<vmem>>
      %dma_wait3A_496 = tpu.memref_slice %arg3[%add3A_484] : memref<322560xi32, #tpu.memory_space<hbm>> -> memref<80xi32, #tpu.memory_space<hbm>>
      tpu.wait_dma2 semaphore(%dma_wait3A_492 : memref<!tpu.dma_semaphore, #tpu.memory_space<semaphore_mem>>) src(%dma_wait3A_496 : memref<80xi32, #tpu.memory_space<hbm>>) dst(%dma_wait3A_495 : memref<80xi32, #tpu.memory_space<vmem>>)
      %mul3A_497 = arith.constant 80 : i32
      %mul3A_498 = arith.muli %add3A_481, %mul3A_497 : i32
      %add3A_499 = arith.addi %mul3A_39, %mul3A_498 : i32
      %dma_wait3A_500 = arith.constant 5 : i32
      %dma_wait3A_501 = arith.constant 5 : i32
      %dma_wait3A_502 = arith.constant 0 : i32
      %dma_wait3A_503 = tpu.memref_slice %arg7[%dma_wait3A_500, %dma_wait3A_502] : memref<6x80xi32, #tpu.memory_space<vmem>> -> memref<1x80xi32, #tpu.memory_space<vmem>>
      %dma_wait3A_504 = tpu.memref_squeeze %dma_wait3A_503 : memref<1x80xi32, #tpu.memory_space<vmem>> -> memref<80xi32, #tpu.memory_space<vmem>>
      %dma_wait3A_505 = tpu.memref_slice %arg4[%add3A_499] : memref<322560xi32, #tpu.memory_space<hbm>> -> memref<80xi32, #tpu.memory_space<hbm>>
      %dma_wait3A_506 = tpu.memref_slice %arg12[%dma_wait3A_501] : memref<6x!tpu.dma_semaphore, #tpu.memory_space<semaphore_mem>> -> memref<1x!tpu.dma_semaphore, #tpu.memory_space<semaphore_mem>>
      %dma_wait3A_507 = tpu.memref_squeeze %dma_wait3A_506 : memref<1x!tpu.dma_semaphore, #tpu.memory_space<semaphore_mem>> -> memref<!tpu.dma_semaphore, #tpu.memory_space<semaphore_mem>>
      %dma_wait3A_508 = arith.constant 0 : i32
      %dma_wait3A_509 = tpu.memref_slice %arg7[%dma_wait3A_500, %dma_wait3A_508] : memref<6x80xi32, #tpu.memory_space<vmem>> -> memref<1x80xi32, #tpu.memory_space<vmem>>
      %dma_wait3A_510 = tpu.memref_squeeze %dma_wait3A_509 : memref<1x80xi32, #tpu.memory_space<vmem>> -> memref<80xi32, #tpu.memory_space<vmem>>
      %dma_wait3A_511 = tpu.memref_slice %arg4[%add3A_499] : memref<322560xi32, #tpu.memory_space<hbm>> -> memref<80xi32, #tpu.memory_space<hbm>>
      tpu.wait_dma2 semaphore(%dma_wait3A_507 : memref<!tpu.dma_semaphore, #tpu.memory_space<semaphore_mem>>) src(%dma_wait3A_511 : memref<80xi32, #tpu.memory_space<hbm>>) dst(%dma_wait3A_510 : memref<80xi32, #tpu.memory_space<vmem>>)
      %ge3A_512 = arith.constant 3 : i32
      %ge3A_513 = arith.cmpi sge, %add3A_481, %ge3A_512 : i32
      %convert_element_type3A_514 = arith.extui %ge3A_513 : i1 to i32
      %cond3A_515 = arith.constant 0 : i32
      %cond3A_516 = arith.cmpi ne, %convert_element_type3A_514, %cond3A_515 : i32
      scf.if %cond3A_516 {
        %dma_wait3A_539 = arith.constant 2 : i32
        %dma_wait3A_540 = arith.constant 0 : i32
        %dma_wait3A_541 = arith.constant 0 : i32
        %dma_wait3A_542 = tpu.memref_slice %arg2[%dma_wait3A_540, %dma_wait3A_541] : memref<10000x128xf32, #tpu.memory_space<hbm>> -> memref<80x128xf32, #tpu.memory_space<hbm>>
        %dma_wait3A_543 = tpu.memref_slice %arg14[%dma_wait3A_539] : memref<3x!tpu.dma_semaphore, #tpu.memory_space<semaphore_mem>> -> memref<1x!tpu.dma_semaphore, #tpu.memory_space<semaphore_mem>>
        %dma_wait3A_544 = tpu.memref_squeeze %dma_wait3A_543 : memref<1x!tpu.dma_semaphore, #tpu.memory_space<semaphore_mem>> -> memref<!tpu.dma_semaphore, #tpu.memory_space<semaphore_mem>>
        %dma_wait3A_545 = arith.constant 0 : i32
        %dma_wait3A_546 = arith.constant 0 : i32
        %dma_wait3A_547 = tpu.memref_slice %arg2[%dma_wait3A_545, %dma_wait3A_546] : memref<10000x128xf32, #tpu.memory_space<hbm>> -> memref<80x128xf32, #tpu.memory_space<hbm>>
        tpu.wait_dma2 semaphore(%dma_wait3A_544 : memref<!tpu.dma_semaphore, #tpu.memory_space<semaphore_mem>>) src(%dma_wait3A_547 : memref<80x128xf32, #tpu.memory_space<hbm>>) dst(%arg10 : memref<80x128xf32, #tpu.memory_space<vmem>>)
      } else {
      }
      %dma_start3A_517 = arith.constant 5 : i32
      %dma_start3A_518 = arith.constant 1 : i32
      %dma_start3A_519 = arith.constant 0 : i32
      %dma_start3A_520 = tpu.memref_slice %arg6[%dma_start3A_517, %dma_start3A_519] : memref<6x80xi32, #tpu.memory_space<vmem>> -> memref<1x80xi32, #tpu.memory_space<vmem>>
      %dma_start3A_521 = tpu.memref_squeeze %dma_start3A_520 : memref<1x80xi32, #tpu.memory_space<vmem>> -> memref<80xi32, #tpu.memory_space<vmem>>
      %dma_start3A_522 = arith.constant 0 : i32
      %dma_start3A_523 = arith.constant 0 : i32
      %dma_start3A_524 = tpu.memref_slice %arg2[%dma_start3A_522, %dma_start3A_523] : memref<10000x128xf32, #tpu.memory_space<hbm>> -> memref<10000x128xf32, #tpu.memory_space<hbm>>
      %dma_start3A_525 = tpu.memref_slice %arg13[%dma_start3A_518] : memref<2x!tpu.dma_semaphore, #tpu.memory_space<semaphore_mem>> -> memref<1x!tpu.dma_semaphore, #tpu.memory_space<semaphore_mem>>
      %dma_start3A_526 = tpu.memref_squeeze %dma_start3A_525 : memref<1x!tpu.dma_semaphore, #tpu.memory_space<semaphore_mem>> -> memref<!tpu.dma_semaphore, #tpu.memory_space<semaphore_mem>>
      tpu.enqueue_indirect_dma source(%dma_start3A_524 : memref<10000x128xf32, #tpu.memory_space<hbm>>) target(%arg10 : memref<80x128xf32, #tpu.memory_space<vmem>>) offsets(%dma_start3A_521 : memref<80xi32, #tpu.memory_space<vmem>>) semaphore(%dma_start3A_526 : memref<!tpu.dma_semaphore, #tpu.memory_space<semaphore_mem>>)
      %ge3A_527 = arith.constant 1 : i32
      %ge3A_528 = arith.cmpi sge, %add3A_481, %ge3A_527 : i32
      %convert_element_type3A_529 = arith.extui %ge3A_528 : i1 to i32
      %cond3A_530 = arith.constant 0 : i32
      %cond3A_531 = arith.cmpi ne, %convert_element_type3A_529, %cond3A_530 : i32
      scf.if %cond3A_531 {
        %dma_wait3A_539 = arith.constant 0 : i32
        %dma_wait3A_540 = arith.constant 0 : i32
        %dma_wait3A_541 = arith.constant 0 : i32
        %dma_wait3A_542 = tpu.memref_slice %arg2[%dma_wait3A_540, %dma_wait3A_541] : memref<10000x128xf32, #tpu.memory_space<hbm>> -> memref<80x128xf32, #tpu.memory_space<hbm>>
        %dma_wait3A_543 = tpu.memref_slice %arg13[%dma_wait3A_539] : memref<2x!tpu.dma_semaphore, #tpu.memory_space<semaphore_mem>> -> memref<1x!tpu.dma_semaphore, #tpu.memory_space<semaphore_mem>>
        %dma_wait3A_544 = tpu.memref_squeeze %dma_wait3A_543 : memref<1x!tpu.dma_semaphore, #tpu.memory_space<semaphore_mem>> -> memref<!tpu.dma_semaphore, #tpu.memory_space<semaphore_mem>>
        %dma_wait3A_545 = arith.constant 0 : i32
        %dma_wait3A_546 = arith.constant 0 : i32
        %dma_wait3A_547 = tpu.memref_slice %arg2[%dma_wait3A_545, %dma_wait3A_546] : memref<10000x128xf32, #tpu.memory_space<hbm>> -> memref<80x128xf32, #tpu.memory_space<hbm>>
        tpu.wait_dma2 semaphore(%dma_wait3A_544 : memref<!tpu.dma_semaphore, #tpu.memory_space<semaphore_mem>>) src(%dma_wait3A_547 : memref<80x128xf32, #tpu.memory_space<hbm>>) dst(%arg9 : memref<80x128xf32, #tpu.memory_space<vmem>>)
        %dma_start3A_548 = arith.constant 4 : i32
        %dma_start3A_549 = arith.constant 1 : i32
        %dma_start3A_550 = arith.constant 0 : i32
        %dma_start3A_551 = tpu.memref_slice %arg7[%dma_start3A_548, %dma_start3A_550] : memref<6x80xi32, #tpu.memory_space<vmem>> -> memref<1x80xi32, #tpu.memory_space<vmem>>
        %dma_start3A_552 = tpu.memref_squeeze %dma_start3A_551 : memref<1x80xi32, #tpu.memory_space<vmem>> -> memref<80xi32, #tpu.memory_space<vmem>>
        %dma_start3A_553 = arith.constant 0 : i32
        %dma_start3A_554 = arith.constant 0 : i32
        %dma_start3A_555 = tpu.memref_slice %arg11[%dma_start3A_553, %dma_start3A_554] : memref<10240x128xf32, #tpu.memory_space<vmem_shared>> -> memref<10240x128xf32, #tpu.memory_space<vmem_shared>>
        %dma_start3A_556 = tpu.memref_slice %arg14[%dma_start3A_549] : memref<3x!tpu.dma_semaphore, #tpu.memory_space<semaphore_mem>> -> memref<1x!tpu.dma_semaphore, #tpu.memory_space<semaphore_mem>>
        %dma_start3A_557 = tpu.memref_squeeze %dma_start3A_556 : memref<1x!tpu.dma_semaphore, #tpu.memory_space<semaphore_mem>> -> memref<!tpu.dma_semaphore, #tpu.memory_space<semaphore_mem>>
        tpu.enqueue_indirect_dma source(%arg9 : memref<80x128xf32, #tpu.memory_space<vmem>>) target(%dma_start3A_555 : memref<10240x128xf32, #tpu.memory_space<vmem_shared>>) offsets(%dma_start3A_552 : memref<80xi32, #tpu.memory_space<vmem>>) semaphore(%dma_start3A_557 : memref<!tpu.dma_semaphore, #tpu.memory_space<semaphore_mem>>) {add = true}
      } else {
      }
      %add3A_532 = arith.constant 3 : i32
      %add3A_533 = arith.addi %add3A_481, %add3A_532 : i32
      %lt3A_534 = arith.constant 126 : i32
      %lt3A_535 = arith.cmpi slt, %add3A_533, %lt3A_534 : i32
      %convert_element_type3A_536 = arith.extui %lt3A_535 : i1 to i32
      %cond3A_537 = arith.constant 0 : i32
      %cond3A_538 = arith.cmpi ne, %convert_element_type3A_536, %cond3A_537 : i32
      scf.if %cond3A_538 {
        %add3A_539 = arith.constant 3 : i32
        %add3A_540 = arith.addi %add3A_481, %add3A_539 : i32
        %mul3A_541 = arith.constant 80 : i32
        %mul3A_542 = arith.muli %add3A_540, %mul3A_541 : i32
        %add3A_543 = arith.addi %mul3A_39, %mul3A_542 : i32
        %dma_start3A_544 = arith.constant 2 : i32
        %dma_start3A_545 = arith.constant 2 : i32
        %dma_start3A_546 = arith.constant 0 : i32
        %dma_start3A_547 = tpu.memref_slice %arg6[%dma_start3A_544, %dma_start3A_546] : memref<6x80xi32, #tpu.memory_space<vmem>> -> memref<1x80xi32, #tpu.memory_space<vmem>>
        %dma_start3A_548 = tpu.memref_squeeze %dma_start3A_547 : memref<1x80xi32, #tpu.memory_space<vmem>> -> memref<80xi32, #tpu.memory_space<vmem>>
        %dma_start3A_549 = tpu.memref_slice %arg3[%add3A_543] : memref<322560xi32, #tpu.memory_space<hbm>> -> memref<80xi32, #tpu.memory_space<hbm>>
        %dma_start3A_550 = tpu.memref_slice %arg12[%dma_start3A_545] : memref<6x!tpu.dma_semaphore, #tpu.memory_space<semaphore_mem>> -> memref<1x!tpu.dma_semaphore, #tpu.memory_space<semaphore_mem>>
        %dma_start3A_551 = tpu.memref_squeeze %dma_start3A_550 : memref<1x!tpu.dma_semaphore, #tpu.memory_space<semaphore_mem>> -> memref<!tpu.dma_semaphore, #tpu.memory_space<semaphore_mem>>
        %dma_start3A_552 = arith.constant 0 : i32
        %dma_start3A_553 = tpu.memref_slice %arg6[%dma_start3A_544, %dma_start3A_552] : memref<6x80xi32, #tpu.memory_space<vmem>> -> memref<1x80xi32, #tpu.memory_space<vmem>>
        %dma_start3A_554 = tpu.memref_squeeze %dma_start3A_553 : memref<1x80xi32, #tpu.memory_space<vmem>> -> memref<80xi32, #tpu.memory_space<vmem>>
        %dma_start3A_555 = tpu.memref_slice %arg3[%add3A_543] : memref<322560xi32, #tpu.memory_space<hbm>> -> memref<80xi32, #tpu.memory_space<hbm>>
        tpu.enqueue_dma source(%dma_start3A_555 : memref<80xi32, #tpu.memory_space<hbm>>) target(%dma_start3A_554 : memref<80xi32, #tpu.memory_space<vmem>>) target_semaphore(%dma_start3A_551 : memref<!tpu.dma_semaphore, #tpu.memory_space<semaphore_mem>>)
        %dma_start3A_556 = arith.constant 2 : i32
        %dma_start3A_557 = arith.constant 2 : i32
        %dma_start3A_558 = arith.constant 0 : i32
        %dma_start3A_559 = tpu.memref_slice %arg7[%dma_start3A_556, %dma_start3A_558] : memref<6x80xi32, #tpu.memory_space<vmem>> -> memref<1x80xi32, #tpu.memory_space<vmem>>
        %dma_start3A_560 = tpu.memref_squeeze %dma_start3A_559 : memref<1x80xi32, #tpu.memory_space<vmem>> -> memref<80xi32, #tpu.memory_space<vmem>>
        %dma_start3A_561 = tpu.memref_slice %arg4[%add3A_543] : memref<322560xi32, #tpu.memory_space<hbm>> -> memref<80xi32, #tpu.memory_space<hbm>>
        %dma_start3A_562 = tpu.memref_slice %arg12[%dma_start3A_557] : memref<6x!tpu.dma_semaphore, #tpu.memory_space<semaphore_mem>> -> memref<1x!tpu.dma_semaphore, #tpu.memory_space<semaphore_mem>>
        %dma_start3A_563 = tpu.memref_squeeze %dma_start3A_562 : memref<1x!tpu.dma_semaphore, #tpu.memory_space<semaphore_mem>> -> memref<!tpu.dma_semaphore, #tpu.memory_space<semaphore_mem>>
        %dma_start3A_564 = arith.constant 0 : i32
        %dma_start3A_565 = tpu.memref_slice %arg7[%dma_start3A_556, %dma_start3A_564] : memref<6x80xi32, #tpu.memory_space<vmem>> -> memref<1x80xi32, #tpu.memory_space<vmem>>
        %dma_start3A_566 = tpu.memref_squeeze %dma_start3A_565 : memref<1x80xi32, #tpu.memory_space<vmem>> -> memref<80xi32, #tpu.memory_space<vmem>>
        %dma_start3A_567 = tpu.memref_slice %arg4[%add3A_543] : memref<322560xi32, #tpu.memory_space<hbm>> -> memref<80xi32, #tpu.memory_space<hbm>>
        tpu.enqueue_dma source(%dma_start3A_567 : memref<80xi32, #tpu.memory_space<hbm>>) target(%dma_start3A_566 : memref<80xi32, #tpu.memory_space<vmem>>) target_semaphore(%dma_start3A_563 : memref<!tpu.dma_semaphore, #tpu.memory_space<semaphore_mem>>)
      } else {
      }
    }
    %scan3A_127 = arith.constant 21 : i32
    %dma_wait3A = arith.constant 1 : i32
    %dma_wait3A_128 = arith.constant 0 : i32
    %dma_wait3A_129 = arith.constant 0 : i32
    %dma_wait3A_130 = tpu.memref_slice %arg2[%dma_wait3A_128, %dma_wait3A_129] : memref<10000x128xf32, #tpu.memory_space<hbm>> -> memref<80x128xf32, #tpu.memory_space<hbm>>
    %dma_wait3A_131 = tpu.memref_slice %arg13[%dma_wait3A] : memref<2x!tpu.dma_semaphore, #tpu.memory_space<semaphore_mem>> -> memref<1x!tpu.dma_semaphore, #tpu.memory_space<semaphore_mem>>
    %dma_wait3A_132 = tpu.memref_squeeze %dma_wait3A_131 : memref<1x!tpu.dma_semaphore, #tpu.memory_space<semaphore_mem>> -> memref<!tpu.dma_semaphore, #tpu.memory_space<semaphore_mem>>
    %dma_wait3A_133 = arith.constant 0 : i32
    %dma_wait3A_134 = arith.constant 0 : i32
    %dma_wait3A_135 = tpu.memref_slice %arg2[%dma_wait3A_133, %dma_wait3A_134] : memref<10000x128xf32, #tpu.memory_space<hbm>> -> memref<80x128xf32, #tpu.memory_space<hbm>>
    tpu.wait_dma2 semaphore(%dma_wait3A_132 : memref<!tpu.dma_semaphore, #tpu.memory_space<semaphore_mem>>) src(%dma_wait3A_135 : memref<80x128xf32, #tpu.memory_space<hbm>>) dst(%arg10 : memref<80x128xf32, #tpu.memory_space<vmem>>)
    %dma_start3A_136 = arith.constant 5 : i32
    %dma_start3A_137 = arith.constant 2 : i32
    %dma_start3A_138 = arith.constant 0 : i32
    %dma_start3A_139 = tpu.memref_slice %arg7[%dma_start3A_136, %dma_start3A_138] : memref<6x80xi32, #tpu.memory_space<vmem>> -> memref<1x80xi32, #tpu.memory_space<vmem>>
    %dma_start3A_140 = tpu.memref_squeeze %dma_start3A_139 : memref<1x80xi32, #tpu.memory_space<vmem>> -> memref<80xi32, #tpu.memory_space<vmem>>
    %dma_start3A_141 = arith.constant 0 : i32
    %dma_start3A_142 = arith.constant 0 : i32
    %dma_start3A_143 = tpu.memref_slice %arg11[%dma_start3A_141, %dma_start3A_142] : memref<10240x128xf32, #tpu.memory_space<vmem_shared>> -> memref<10240x128xf32, #tpu.memory_space<vmem_shared>>
    %dma_start3A_144 = tpu.memref_slice %arg14[%dma_start3A_137] : memref<3x!tpu.dma_semaphore, #tpu.memory_space<semaphore_mem>> -> memref<1x!tpu.dma_semaphore, #tpu.memory_space<semaphore_mem>>
    %dma_start3A_145 = tpu.memref_squeeze %dma_start3A_144 : memref<1x!tpu.dma_semaphore, #tpu.memory_space<semaphore_mem>> -> memref<!tpu.dma_semaphore, #tpu.memory_space<semaphore_mem>>
    tpu.enqueue_indirect_dma source(%arg10 : memref<80x128xf32, #tpu.memory_space<vmem>>) target(%dma_start3A_143 : memref<10240x128xf32, #tpu.memory_space<vmem_shared>>) offsets(%dma_start3A_140 : memref<80xi32, #tpu.memory_space<vmem>>) semaphore(%dma_start3A_145 : memref<!tpu.dma_semaphore, #tpu.memory_space<semaphore_mem>>) {add = true}
    %dma_wait3A_146 = arith.constant 0 : i32
    %dma_wait3A_147 = arith.constant 0 : i32
    %dma_wait3A_148 = arith.constant 0 : i32
    %dma_wait3A_149 = tpu.memref_slice %arg2[%dma_wait3A_147, %dma_wait3A_148] : memref<10000x128xf32, #tpu.memory_space<hbm>> -> memref<80x128xf32, #tpu.memory_space<hbm>>
    %dma_wait3A_150 = tpu.memref_slice %arg14[%dma_wait3A_146] : memref<3x!tpu.dma_semaphore, #tpu.memory_space<semaphore_mem>> -> memref<1x!tpu.dma_semaphore, #tpu.memory_space<semaphore_mem>>
    %dma_wait3A_151 = tpu.memref_squeeze %dma_wait3A_150 : memref<1x!tpu.dma_semaphore, #tpu.memory_space<semaphore_mem>> -> memref<!tpu.dma_semaphore, #tpu.memory_space<semaphore_mem>>
    %dma_wait3A_152 = arith.constant 0 : i32
    %dma_wait3A_153 = arith.constant 0 : i32
    %dma_wait3A_154 = tpu.memref_slice %arg2[%dma_wait3A_152, %dma_wait3A_153] : memref<10000x128xf32, #tpu.memory_space<hbm>> -> memref<80x128xf32, #tpu.memory_space<hbm>>
    tpu.wait_dma2 semaphore(%dma_wait3A_151 : memref<!tpu.dma_semaphore, #tpu.memory_space<semaphore_mem>>) src(%dma_wait3A_154 : memref<80x128xf32, #tpu.memory_space<hbm>>) dst(%arg8 : memref<80x128xf32, #tpu.memory_space<vmem>>)
    %dma_wait3A_155 = arith.constant 1 : i32
    %dma_wait3A_156 = arith.constant 0 : i32
    %dma_wait3A_157 = arith.constant 0 : i32
    %dma_wait3A_158 = tpu.memref_slice %arg2[%dma_wait3A_156, %dma_wait3A_157] : memref<10000x128xf32, #tpu.memory_space<hbm>> -> memref<80x128xf32, #tpu.memory_space<hbm>>
    %dma_wait3A_159 = tpu.memref_slice %arg14[%dma_wait3A_155] : memref<3x!tpu.dma_semaphore, #tpu.memory_space<semaphore_mem>> -> memref<1x!tpu.dma_semaphore, #tpu.memory_space<semaphore_mem>>
    %dma_wait3A_160 = tpu.memref_squeeze %dma_wait3A_159 : memref<1x!tpu.dma_semaphore, #tpu.memory_space<semaphore_mem>> -> memref<!tpu.dma_semaphore, #tpu.memory_space<semaphore_mem>>
    %dma_wait3A_161 = arith.constant 0 : i32
    %dma_wait3A_162 = arith.constant 0 : i32
    %dma_wait3A_163 = tpu.memref_slice %arg2[%dma_wait3A_161, %dma_wait3A_162] : memref<10000x128xf32, #tpu.memory_space<hbm>> -> memref<80x128xf32, #tpu.memory_space<hbm>>
    tpu.wait_dma2 semaphore(%dma_wait3A_160 : memref<!tpu.dma_semaphore, #tpu.memory_space<semaphore_mem>>) src(%dma_wait3A_163 : memref<80x128xf32, #tpu.memory_space<hbm>>) dst(%arg9 : memref<80x128xf32, #tpu.memory_space<vmem>>)
    %dma_wait3A_164 = arith.constant 2 : i32
    %dma_wait3A_165 = arith.constant 0 : i32
    %dma_wait3A_166 = arith.constant 0 : i32
    %dma_wait3A_167 = tpu.memref_slice %arg2[%dma_wait3A_165, %dma_wait3A_166] : memref<10000x128xf32, #tpu.memory_space<hbm>> -> memref<80x128xf32, #tpu.memory_space<hbm>>
    %dma_wait3A_168 = tpu.memref_slice %arg14[%dma_wait3A_164] : memref<3x!tpu.dma_semaphore, #tpu.memory_space<semaphore_mem>> -> memref<1x!tpu.dma_semaphore, #tpu.memory_space<semaphore_mem>>
    %dma_wait3A_169 = tpu.memref_squeeze %dma_wait3A_168 : memref<1x!tpu.dma_semaphore, #tpu.memory_space<semaphore_mem>> -> memref<!tpu.dma_semaphore, #tpu.memory_space<semaphore_mem>>
    %dma_wait3A_170 = arith.constant 0 : i32
    %dma_wait3A_171 = arith.constant 0 : i32
    %dma_wait3A_172 = tpu.memref_slice %arg2[%dma_wait3A_170, %dma_wait3A_171] : memref<10000x128xf32, #tpu.memory_space<hbm>> -> memref<80x128xf32, #tpu.memory_space<hbm>>
    tpu.wait_dma2 semaphore(%dma_wait3A_169 : memref<!tpu.dma_semaphore, #tpu.memory_space<semaphore_mem>>) src(%dma_wait3A_172 : memref<80x128xf32, #tpu.memory_space<hbm>>) dst(%arg10 : memref<80x128xf32, #tpu.memory_space<vmem>>)
    %barrier3A_173 = arith.constant 0 : index
    tpu.barrier barrier_id(%barrier3A_173)
    %mul3A_174 = arith.constant 640 : i32
    %mul3A_175 = arith.muli %arg1, %mul3A_174 : i32
    "tpu.region"() ({
      %run_scoped3A = tpu.sem_alloc : memref<!tpu.dma_semaphore, #tpu.memory_space<semaphore_mem>>
      %dma_start3A_176 = arith.constant 0 : i32
      %dma_start3A_177 = tpu.memref_slice %arg5[%arg0, %mul3A_175, %dma_start3A_176] : memref<2x10240x128xf32, #tpu.memory_space<hbm>> -> memref<1x640x128xf32, #tpu.memory_space<hbm>>
      %dma_start3A_178 = tpu.memref_squeeze %dma_start3A_177 : memref<1x640x128xf32, #tpu.memory_space<hbm>> -> memref<640x128xf32, #tpu.memory_space<hbm>>
      %dma_start3A_179 = arith.constant 0 : i32
      %dma_start3A_180 = tpu.memref_slice %arg11[%mul3A_175, %dma_start3A_179] : memref<10240x128xf32, #tpu.memory_space<vmem_shared>> -> memref<640x128xf32, #tpu.memory_space<vmem_shared>>
      tpu.enqueue_dma source(%dma_start3A_180 : memref<640x128xf32, #tpu.memory_space<vmem_shared>>) target(%dma_start3A_178 : memref<640x128xf32, #tpu.memory_space<hbm>>) target_semaphore(%run_scoped3A : memref<!tpu.dma_semaphore, #tpu.memory_space<semaphore_mem>>)
      %dma_wait3A_181 = arith.constant 0 : i32
      %dma_wait3A_182 = tpu.memref_slice %arg5[%arg0, %mul3A_175, %dma_wait3A_181] : memref<2x10240x128xf32, #tpu.memory_space<hbm>> -> memref<1x640x128xf32, #tpu.memory_space<hbm>>
      %dma_wait3A_183 = tpu.memref_squeeze %dma_wait3A_182 : memref<1x640x128xf32, #tpu.memory_space<hbm>> -> memref<640x128xf32, #tpu.memory_space<hbm>>
      %dma_wait3A_184 = arith.constant 0 : i32
      %dma_wait3A_185 = tpu.memref_slice %arg11[%mul3A_175, %dma_wait3A_184] : memref<10240x128xf32, #tpu.memory_space<vmem_shared>> -> memref<640x128xf32, #tpu.memory_space<vmem_shared>>
      tpu.wait_dma2 semaphore(%run_scoped3A : memref<!tpu.dma_semaphore, #tpu.memory_space<semaphore_mem>>) src(%dma_wait3A_185 : memref<640x128xf32, #tpu.memory_space<vmem_shared>>) dst(%dma_wait3A_183 : memref<640x128xf32, #tpu.memory_space<hbm>>)
      tpu.yield
    }) : () -> ()
    return
  }
}

module attributes {stable_mosaic.version = 14 : i64} {
  func.func @_dense1_body(%arg0: i32, %arg1: memref<2x1280x128xf32, #tpu.memory_space<vmem>>, %arg2: memref<2x1280x1xf32, #tpu.memory_space<vmem>>, %arg3: memref<1280x128xf32, #tpu.memory_space<vmem>>, %arg4: memref<128x128xf32, #tpu.memory_space<vmem>>, %arg5: memref<128x128xf32, #tpu.memory_space<vmem>>, %arg6: memref<1x128xf32, #tpu.memory_space<vmem>>, %arg7: memref<128x128xf32, #tpu.memory_space<vmem>>, %arg8: memref<128x128xf32, #tpu.memory_space<vmem>>, %arg9: memref<1x128xf32, #tpu.memory_space<vmem>>, %arg10: memref<1280x128xf32, #tpu.memory_space<vmem>>, %arg11: memref<1280x128xf32, #tpu.memory_space<vmem>>) attributes {dimension_semantics = [#tpu.dimension_semantics<arbitrary>], iteration_bounds = array<i64: 8>, scalar_prefetch = 0 : i64, scratch_operands = 0 : i64, tpu.core_type = #tpu.core_type<tc>, window_params = [{transform_indices = @transform_0, window_bounds = array<i64: 2, 1280, 128>}, {transform_indices = @transform_1, window_bounds = array<i64: 2, 1280, 1>}, {transform_indices = @transform_2, window_bounds = array<i64: 1280, 128>}, {pipeline_mode = #tpu.pipeline_mode<synchronous>, transform_indices = @transform_3, window_bounds = array<i64: 128, 128>}, {pipeline_mode = #tpu.pipeline_mode<synchronous>, transform_indices = @transform_4, window_bounds = array<i64: 128, 128>}, {pipeline_mode = #tpu.pipeline_mode<synchronous>, transform_indices = @transform_5, window_bounds = array<i64: 1, 128>}, {pipeline_mode = #tpu.pipeline_mode<synchronous>, transform_indices = @transform_6, window_bounds = array<i64: 128, 128>}, {pipeline_mode = #tpu.pipeline_mode<synchronous>, transform_indices = @transform_7, window_bounds = array<i64: 128, 128>}, {pipeline_mode = #tpu.pipeline_mode<synchronous>, transform_indices = @transform_8, window_bounds = array<i64: 1, 128>}, {transform_indices = @transform_9, window_bounds = array<i64: 1280, 128>}, {transform_indices = @transform_10, window_bounds = array<i64: 1280, 128>}]} {
    %get3A = arith.constant 0 : index
    %get3A_0 = arith.constant 0 : index
    %get3A_1 = arith.constant 0 : index
    %get3A_2 = vector.load %arg2[%get3A, %get3A_0, %get3A_1] : memref<2x1280x1xf32, #tpu.memory_space<vmem>>, vector<1x1280x1xf32>
    %get3A_3 = vector.shape_cast %get3A_2 : vector<1x1280x1xf32> to vector<1280x1xf32>
    %get3A_4 = arith.constant 1 : index
    %get3A_5 = arith.constant 0 : index
    %get3A_6 = arith.constant 0 : index
    %get3A_7 = vector.load %arg2[%get3A_4, %get3A_5, %get3A_6] : memref<2x1280x1xf32, #tpu.memory_space<vmem>>, vector<1x1280x1xf32>
    %get3A_8 = vector.shape_cast %get3A_7 : vector<1x1280x1xf32> to vector<1280x1xf32>
    %add3A = arith.addf %get3A_3, %get3A_8 : vector<1280x1xf32>
    %max3A = arith.constant 1.000000e+00 : f32
    %max3A_9 = vector.broadcast %max3A : f32 to vector<1280x1xf32>
    %max3A_10 = arith.maximumf %add3A, %max3A_9 : vector<1280x1xf32>
    %div3A = arith.constant 1.000000e+00 : f32
    %div3A_11 = vector.broadcast %div3A : f32 to vector<1280x1xf32>
    %div3A_12 = arith.divf %div3A_11, %max3A_10 : vector<1280x1xf32>
    %get3A_13 = arith.constant 0 : index
    %get3A_14 = arith.constant 0 : index
    %get3A_15 = arith.constant 0 : index
    %get3A_16 = vector.load %arg1[%get3A_13, %get3A_14, %get3A_15] : memref<2x1280x128xf32, #tpu.memory_space<vmem>>, vector<1x1280x128xf32>
    %get3A_17 = vector.shape_cast %get3A_16 : vector<1x1280x128xf32> to vector<1280x128xf32>
    %get3A_18 = arith.constant 1 : index
    %get3A_19 = arith.constant 0 : index
    %get3A_20 = arith.constant 0 : index
    %get3A_21 = vector.load %arg1[%get3A_18, %get3A_19, %get3A_20] : memref<2x1280x128xf32, #tpu.memory_space<vmem>>, vector<1x1280x128xf32>
    %get3A_22 = vector.shape_cast %get3A_21 : vector<1x1280x128xf32> to vector<1280x128xf32>
    %add3A_23 = arith.addf %get3A_17, %get3A_22 : vector<1280x128xf32>
    %mul3A = vector.broadcast %div3A_12 : vector<1280x1xf32> to vector<1280x128xf32>
    %mul3A_24 = arith.mulf %add3A_23, %mul3A : vector<1280x128xf32>
    %get3A_25 = arith.constant 0 : index
    %get3A_26 = arith.constant 0 : index
    %get3A_27 = vector.load %arg4[%get3A_25, %get3A_26] : memref<128x128xf32, #tpu.memory_space<vmem>>, vector<128x128xf32>
    %dot_general3A = arith.constant dense<0.000000e+00> : vector<1280x128xf32>
    %dot_general3A_28 = tpu.matmul %mul3A_24, %get3A_27, %dot_general3A {dimension_numbers = #tpu.dot_dimension_numbers<[1], [0], [0], [1], [0, 0, 1, 1], [], []>, transpose_lhs_hint = false} : vector<1280x128xf32>, vector<128x128xf32>, vector<1280x128xf32> -> vector<1280x128xf32>
    %get3A_29 = arith.constant 0 : index
    %get3A_30 = arith.constant 0 : index
    %get3A_31 = vector.load %arg3[%get3A_29, %get3A_30] : memref<1280x128xf32, #tpu.memory_space<vmem>>, vector<1280x128xf32>
    %get3A_32 = arith.constant 0 : index
    %get3A_33 = arith.constant 0 : index
    %get3A_34 = vector.load %arg5[%get3A_32, %get3A_33] : memref<128x128xf32, #tpu.memory_space<vmem>>, vector<128x128xf32>
    %dot_general3A_35 = arith.constant dense<0.000000e+00> : vector<1280x128xf32>
    %dot_general3A_36 = tpu.matmul %get3A_31, %get3A_34, %dot_general3A_35 {dimension_numbers = #tpu.dot_dimension_numbers<[1], [0], [0], [1], [0, 0, 1, 1], [], []>, transpose_lhs_hint = false} : vector<1280x128xf32>, vector<128x128xf32>, vector<1280x128xf32> -> vector<1280x128xf32>
    %add3A_37 = arith.addf %dot_general3A_28, %dot_general3A_36 : vector<1280x128xf32>
    %get3A_38 = arith.constant 0 : index
    %get3A_39 = arith.constant 0 : index
    %get3A_40 = vector.load %arg6[%get3A_38, %get3A_39] : memref<1x128xf32, #tpu.memory_space<vmem>>, vector<1x128xf32>
    %add3A_41 = vector.broadcast %get3A_40 : vector<1x128xf32> to vector<1280x128xf32>
    %add3A_42 = arith.addf %add3A_37, %add3A_41 : vector<1280x128xf32>
    %max3A_43 = arith.constant 0.000000e+00 : f32
    %max3A_44 = vector.broadcast %max3A_43 : f32 to vector<1280x128xf32>
    %max3A_45 = arith.maximumf %add3A_42, %max3A_44 : vector<1280x128xf32>
    %get3A_46 = arith.constant 0 : index
    %get3A_47 = arith.constant 0 : index
    %get3A_48 = vector.load %arg7[%get3A_46, %get3A_47] : memref<128x128xf32, #tpu.memory_space<vmem>>, vector<128x128xf32>
    %dot_general3A_49 = arith.constant dense<0.000000e+00> : vector<1280x128xf32>
    %dot_general3A_50 = tpu.matmul %max3A_45, %get3A_48, %dot_general3A_49 {dimension_numbers = #tpu.dot_dimension_numbers<[1], [0], [0], [1], [0, 0, 1, 1], [], []>, transpose_lhs_hint = false} : vector<1280x128xf32>, vector<128x128xf32>, vector<1280x128xf32> -> vector<1280x128xf32>
    %swap3A = arith.constant 0 : index
    %swap3A_51 = arith.constant 0 : index
    %swap3A_52 = vector.load %arg10[%swap3A, %swap3A_51] : memref<1280x128xf32, #tpu.memory_space<vmem>>, vector<1280x128xf32>
    tpu.vector_store %arg10[%swap3A, %swap3A_51], %dot_general3A_50 {strides = array<i32>} : memref<1280x128xf32, #tpu.memory_space<vmem>>, vector<1280x128xf32>,
    %get3A_53 = arith.constant 0 : index
    %get3A_54 = arith.constant 0 : index
    %get3A_55 = vector.load %arg8[%get3A_53, %get3A_54] : memref<128x128xf32, #tpu.memory_space<vmem>>, vector<128x128xf32>
    %dot_general3A_56 = arith.constant dense<0.000000e+00> : vector<1280x128xf32>
    %dot_general3A_57 = tpu.matmul %max3A_45, %get3A_55, %dot_general3A_56 {dimension_numbers = #tpu.dot_dimension_numbers<[1], [0], [0], [1], [0, 0, 1, 1], [], []>, transpose_lhs_hint = false} : vector<1280x128xf32>, vector<128x128xf32>, vector<1280x128xf32> -> vector<1280x128xf32>
    %get3A_58 = arith.constant 0 : index
    %get3A_59 = arith.constant 0 : index
    %get3A_60 = vector.load %arg9[%get3A_58, %get3A_59] : memref<1x128xf32, #tpu.memory_space<vmem>>, vector<1x128xf32>
    %add3A_61 = vector.broadcast %get3A_60 : vector<1x128xf32> to vector<1280x128xf32>
    %add3A_62 = arith.addf %dot_general3A_57, %add3A_61 : vector<1280x128xf32>
    %swap3A_63 = arith.constant 0 : index
    %swap3A_64 = arith.constant 0 : index
    %swap3A_65 = vector.load %arg11[%swap3A_63, %swap3A_64] : memref<1280x128xf32, #tpu.memory_space<vmem>>, vector<1280x128xf32>
    tpu.vector_store %arg11[%swap3A_63, %swap3A_64], %add3A_62 {strides = array<i32>} : memref<1280x128xf32, #tpu.memory_space<vmem>>, vector<1280x128xf32>,
    return
  }
  func.func @transform_0(%arg0: i32) -> (i32, i32, i32) {
    %c0_i32 = arith.constant 0 : i32
    %c0_i32_0 = arith.constant 0 : i32
    %c0_i32_1 = arith.constant 0 : i32
    return %c0_i32, %arg0, %c0_i32_0 : i32, i32, i32
  }
  func.func @transform_1(%arg0: i32) -> (i32, i32, i32) {
    %c0_i32 = arith.constant 0 : i32
    %c0_i32_0 = arith.constant 0 : i32
    %c0_i32_1 = arith.constant 0 : i32
    return %c0_i32, %arg0, %c0_i32_0 : i32, i32, i32
  }
  func.func @transform_2(%arg0: i32) -> (i32, i32) {
    %c0_i32 = arith.constant 0 : i32
    %c0_i32_0 = arith.constant 0 : i32
    return %arg0, %c0_i32 : i32, i32
  }
  func.func @transform_3(%arg0: i32) -> (i32, i32) {
    %c0_i32 = arith.constant 0 : i32
    %c0_i32_0 = arith.constant 0 : i32
    %c0_i32_1 = arith.constant 0 : i32
    return %c0_i32, %c0_i32_0 : i32, i32
  }
  func.func @transform_4(%arg0: i32) -> (i32, i32) {
    %c0_i32 = arith.constant 0 : i32
    %c0_i32_0 = arith.constant 0 : i32
    %c0_i32_1 = arith.constant 0 : i32
    return %c0_i32, %c0_i32_0 : i32, i32
  }
  func.func @transform_5(%arg0: i32) -> (i32, i32) {
    %c0_i32 = arith.constant 0 : i32
    %c0_i32_0 = arith.constant 0 : i32
    %c0_i32_1 = arith.constant 0 : i32
    return %c0_i32, %c0_i32_0 : i32, i32
  }
  func.func @transform_6(%arg0: i32) -> (i32, i32) {
    %c0_i32 = arith.constant 0 : i32
    %c0_i32_0 = arith.constant 0 : i32
    %c0_i32_1 = arith.constant 0 : i32
    return %c0_i32, %c0_i32_0 : i32, i32
  }
  func.func @transform_7(%arg0: i32) -> (i32, i32) {
    %c0_i32 = arith.constant 0 : i32
    %c0_i32_0 = arith.constant 0 : i32
    %c0_i32_1 = arith.constant 0 : i32
    return %c0_i32, %c0_i32_0 : i32, i32
  }
  func.func @transform_8(%arg0: i32) -> (i32, i32) {
    %c0_i32 = arith.constant 0 : i32
    %c0_i32_0 = arith.constant 0 : i32
    %c0_i32_1 = arith.constant 0 : i32
    return %c0_i32, %c0_i32_0 : i32, i32
  }
  func.func @transform_9(%arg0: i32) -> (i32, i32) {
    %c0_i32 = arith.constant 0 : i32
    %c0_i32_0 = arith.constant 0 : i32
    return %arg0, %c0_i32 : i32, i32
  }
  func.func @transform_10(%arg0: i32) -> (i32, i32) {
    %c0_i32 = arith.constant 0 : i32
    %c0_i32_0 = arith.constant 0 : i32
    return %arg0, %c0_i32 : i32, i32
  }
}

module attributes {stable_mosaic.version = 14 : i64} {
  func.func @_pad_edges_body(%arg0: memref<2x320000xi32, #tpu.memory_space<vmem>>, %arg1: memref<322560xi32, #tpu.memory_space<vmem>>, %arg2: memref<322560xi32, #tpu.memory_space<vmem>>) attributes {dimension_semantics = [], scalar_prefetch = 0 : i64, scratch_operands = 0 : i64, tpu.core_type = #tpu.core_type<tc>} {
    %get3A = arith.constant 0 : index
    %get3A_0 = arith.constant 0 : index
    %get3A_1 = vector.load %arg0[%get3A, %get3A_0] : memref<2x320000xi32, #tpu.memory_space<vmem>>, vector<1x320000xi32>
    %get3A_2 = vector.shape_cast %get3A_1 : vector<1x320000xi32> to vector<320000xi32>
    %swap3A = arith.constant 0 : index
    %swap3A_3 = vector.load %arg1[%swap3A] : memref<322560xi32, #tpu.memory_space<vmem>>, vector<320000xi32>
    tpu.vector_store %arg1[%swap3A], %get3A_2 {strides = array<i32>} : memref<322560xi32, #tpu.memory_space<vmem>>, vector<320000xi32>,
    %get3A_4 = arith.constant 1 : index
    %get3A_5 = arith.constant 0 : index
    %get3A_6 = vector.load %arg0[%get3A_4, %get3A_5] : memref<2x320000xi32, #tpu.memory_space<vmem>>, vector<1x320000xi32>
    %get3A_7 = vector.shape_cast %get3A_6 : vector<1x320000xi32> to vector<320000xi32>
    %swap3A_8 = arith.constant 0 : index
    %swap3A_9 = vector.load %arg2[%swap3A_8] : memref<322560xi32, #tpu.memory_space<vmem>>, vector<320000xi32>
    tpu.vector_store %arg2[%swap3A_8], %get3A_7 {strides = array<i32>} : memref<322560xi32, #tpu.memory_space<vmem>>, vector<320000xi32>,
    %iota3A = tpu.iota {dimensions = array<i32: 1>} : vector<1x2560xi32>
    %iota3A_10 = vector.shape_cast %iota3A : vector<1x2560xi32> to vector<2560xi32>
    %swap3A_11 = arith.constant 320000 : index
    %swap3A_12 = vector.load %arg1[%swap3A_11] : memref<322560xi32, #tpu.memory_space<vmem>>, vector<2560xi32>
    tpu.vector_store %arg1[%swap3A_11], %iota3A_10 {strides = array<i32>} : memref<322560xi32, #tpu.memory_space<vmem>>, vector<2560xi32>,
    %jit3A = arith.constant 240 : i32
    %eq3A = arith.constant 0 : i32
    %eq3A_13 = arith.cmpi eq, %jit3A, %eq3A : i32
    %jit3A_14 = arith.constant 1 : i32
    %select_n3A = arith.select %eq3A_13, %jit3A_14, %jit3A : i32
    %rem3A = vector.broadcast %select_n3A : i32 to vector<2560xi32>
    %rem3A_15 = arith.remsi %iota3A_10, %rem3A : vector<2560xi32>
    %ne3A = arith.constant 0 : i32
    %ne3A_16 = vector.broadcast %ne3A : i32 to vector<2560xi32>
    %ne3A_17 = arith.cmpi ne, %rem3A_15, %ne3A_16 : vector<2560xi32>
    %lt3A = arith.constant 0 : i32
    %lt3A_18 = vector.broadcast %lt3A : i32 to vector<2560xi32>
    %lt3A_19 = arith.cmpi slt, %rem3A_15, %lt3A_18 : vector<2560xi32>
    %lt3A_20 = arith.constant 0 : i32
    %lt3A_21 = arith.cmpi slt, %select_n3A, %lt3A_20 : i32
    %ne3A_22 = vector.broadcast %lt3A_21 : i1 to vector<2560xi1>
    %ne3A_23 = vector.broadcast %ne3A_22 : vector<2560xi1> to vector<2560xi1>
    %ne3A_24 = arith.xori %lt3A_19, %ne3A_23 : vector<2560xi1>
    %and3A = arith.andi %ne3A_24, %ne3A_17 : vector<2560xi1>
    %add3A = vector.broadcast %select_n3A : i32 to vector<2560xi32>
    %add3A_25 = arith.addi %rem3A_15, %add3A : vector<2560xi32>
    %select_n3A_26 = arith.select %and3A, %add3A_25, %rem3A_15 : vector<2560xi1>, vector<2560xi32>
    %add3A_27 = arith.constant 10000 : i32
    %add3A_28 = vector.broadcast %add3A_27 : i32 to vector<2560xi32>
    %add3A_29 = arith.addi %add3A_28, %select_n3A_26 : vector<2560xi32>
    %swap3A_30 = arith.constant 320000 : index
    %swap3A_31 = vector.load %arg2[%swap3A_30] : memref<322560xi32, #tpu.memory_space<vmem>>, vector<2560xi32>
    tpu.vector_store %arg2[%swap3A_30], %add3A_29 {strides = array<i32>} : memref<322560xi32, #tpu.memory_space<vmem>>, vector<2560xi32>,
    return
  }
}

module attributes {stable_mosaic.version = 14 : i64} {
  func.func @_head_body(%arg0: i32, %arg1: memref<2x1280x128xf32, #tpu.memory_space<vmem>>, %arg2: memref<2x1280x1xf32, #tpu.memory_space<vmem>>, %arg3: memref<1280x128xf32, #tpu.memory_space<vmem>>, %arg4: memref<128x512xf32, #tpu.memory_space<vmem>>, %arg5: memref<1x512xf32, #tpu.memory_space<vmem>>, %arg6: memref<512x128xf32, #tpu.memory_space<vmem>>, %arg7: memref<1x128xf32, #tpu.memory_space<vmem>>, %arg8: memref<128x1xf32, #tpu.memory_space<vmem>>, %arg9: memref<1x1xf32, #tpu.memory_space<vmem>>, %arg10: memref<1280x1xf32, #tpu.memory_space<vmem>>) attributes {dimension_semantics = [#tpu.dimension_semantics<arbitrary>], iteration_bounds = array<i64: 8>, scalar_prefetch = 0 : i64, scratch_operands = 0 : i64, tpu.core_type = #tpu.core_type<tc>, window_params = [{transform_indices = @transform_0, window_bounds = array<i64: 2, 1280, 128>}, {transform_indices = @transform_1, window_bounds = array<i64: 2, 1280, 1>}, {transform_indices = @transform_2, window_bounds = array<i64: 1280, 128>}, {pipeline_mode = #tpu.pipeline_mode<synchronous>, transform_indices = @transform_3, window_bounds = array<i64: 128, 512>}, {pipeline_mode = #tpu.pipeline_mode<synchronous>, transform_indices = @transform_4, window_bounds = array<i64: 1, 512>}, {pipeline_mode = #tpu.pipeline_mode<synchronous>, transform_indices = @transform_5, window_bounds = array<i64: 512, 128>}, {pipeline_mode = #tpu.pipeline_mode<synchronous>, transform_indices = @transform_6, window_bounds = array<i64: 1, 128>}, {pipeline_mode = #tpu.pipeline_mode<synchronous>, transform_indices = @transform_7, window_bounds = array<i64: 128, 1>}, {pipeline_mode = #tpu.pipeline_mode<synchronous>, transform_indices = @transform_8, window_bounds = array<i64: 1, 1>}, {transform_indices = @transform_9, window_bounds = array<i64: 1280, 1>}]} {
    %get3A = arith.constant 0 : index
    %get3A_0 = arith.constant 0 : index
    %get3A_1 = arith.constant 0 : index
    %get3A_2 = vector.load %arg2[%get3A, %get3A_0, %get3A_1] : memref<2x1280x1xf32, #tpu.memory_space<vmem>>, vector<1x1280x1xf32>
    %get3A_3 = vector.shape_cast %get3A_2 : vector<1x1280x1xf32> to vector<1280x1xf32>
    %get3A_4 = arith.constant 1 : index
    %get3A_5 = arith.constant 0 : index
    %get3A_6 = arith.constant 0 : index
    %get3A_7 = vector.load %arg2[%get3A_4, %get3A_5, %get3A_6] : memref<2x1280x1xf32, #tpu.memory_space<vmem>>, vector<1x1280x1xf32>
    %get3A_8 = vector.shape_cast %get3A_7 : vector<1x1280x1xf32> to vector<1280x1xf32>
    %add3A = arith.addf %get3A_3, %get3A_8 : vector<1280x1xf32>
    %max3A = arith.constant 1.000000e+00 : f32
    %max3A_9 = vector.broadcast %max3A : f32 to vector<1280x1xf32>
    %max3A_10 = arith.maximumf %add3A, %max3A_9 : vector<1280x1xf32>
    %div3A = arith.constant 1.000000e+00 : f32
    %div3A_11 = vector.broadcast %div3A : f32 to vector<1280x1xf32>
    %div3A_12 = arith.divf %div3A_11, %max3A_10 : vector<1280x1xf32>
    %get3A_13 = arith.constant 0 : index
    %get3A_14 = arith.constant 0 : index
    %get3A_15 = arith.constant 0 : index
    %get3A_16 = vector.load %arg1[%get3A_13, %get3A_14, %get3A_15] : memref<2x1280x128xf32, #tpu.memory_space<vmem>>, vector<1x1280x128xf32>
    %get3A_17 = vector.shape_cast %get3A_16 : vector<1x1280x128xf32> to vector<1280x128xf32>
    %get3A_18 = arith.constant 1 : index
    %get3A_19 = arith.constant 0 : index
    %get3A_20 = arith.constant 0 : index
    %get3A_21 = vector.load %arg1[%get3A_18, %get3A_19, %get3A_20] : memref<2x1280x128xf32, #tpu.memory_space<vmem>>, vector<1x1280x128xf32>
    %get3A_22 = vector.shape_cast %get3A_21 : vector<1x1280x128xf32> to vector<1280x128xf32>
    %add3A_23 = arith.addf %get3A_17, %get3A_22 : vector<1280x128xf32>
    %mul3A = vector.broadcast %div3A_12 : vector<1280x1xf32> to vector<1280x128xf32>
    %mul3A_24 = arith.mulf %add3A_23, %mul3A : vector<1280x128xf32>
    %get3A_25 = arith.constant 0 : index
    %get3A_26 = arith.constant 0 : index
    %get3A_27 = vector.load %arg3[%get3A_25, %get3A_26] : memref<1280x128xf32, #tpu.memory_space<vmem>>, vector<1280x128xf32>
    %add3A_28 = arith.addf %mul3A_24, %get3A_27 : vector<1280x128xf32>
    %max3A_29 = arith.constant 0.000000e+00 : f32
    %max3A_30 = vector.broadcast %max3A_29 : f32 to vector<1280x128xf32>
    %max3A_31 = arith.maximumf %add3A_28, %max3A_30 : vector<1280x128xf32>
    %get3A_32 = arith.constant 0 : index
    %get3A_33 = arith.constant 0 : index
    %get3A_34 = vector.load %arg4[%get3A_32, %get3A_33] : memref<128x512xf32, #tpu.memory_space<vmem>>, vector<128x512xf32>
    %dot_general3A = arith.constant dense<0.000000e+00> : vector<1280x512xf32>
    %dot_general3A_35 = tpu.matmul %max3A_31, %get3A_34, %dot_general3A {dimension_numbers = #tpu.dot_dimension_numbers<[1], [0], [0], [1], [0, 0, 1, 1], [], []>, transpose_lhs_hint = false} : vector<1280x128xf32>, vector<128x512xf32>, vector<1280x512xf32> -> vector<1280x512xf32>
    %get3A_36 = arith.constant 0 : index
    %get3A_37 = arith.constant 0 : index
    %get3A_38 = vector.load %arg5[%get3A_36, %get3A_37] : memref<1x512xf32, #tpu.memory_space<vmem>>, vector<1x512xf32>
    %add3A_39 = vector.broadcast %get3A_38 : vector<1x512xf32> to vector<1280x512xf32>
    %add3A_40 = arith.addf %dot_general3A_35, %add3A_39 : vector<1280x512xf32>
    %integer_pow3A = arith.mulf %add3A_40, %add3A_40 : vector<1280x512xf32>
    %integer_pow3A_41 = arith.mulf %add3A_40, %integer_pow3A : vector<1280x512xf32>
    %mul3A_42 = arith.constant 4.471500e-02 : f32
    %mul3A_43 = vector.broadcast %mul3A_42 : f32 to vector<1280x512xf32>
    %mul3A_44 = arith.mulf %mul3A_43, %integer_pow3A_41 : vector<1280x512xf32>
    %add3A_45 = arith.addf %add3A_40, %mul3A_44 : vector<1280x512xf32>
    %mul3A_46 = arith.constant 0.797884583 : f32
    %mul3A_47 = vector.broadcast %mul3A_46 : f32 to vector<1280x512xf32>
    %mul3A_48 = arith.mulf %mul3A_47, %add3A_45 : vector<1280x512xf32>
    %tanh3A = math.tanh %mul3A_48 : vector<1280x512xf32>
    %add3A_49 = arith.constant 1.000000e+00 : f32
    %add3A_50 = vector.broadcast %add3A_49 : f32 to vector<1280x512xf32>
    %add3A_51 = arith.addf %add3A_50, %tanh3A : vector<1280x512xf32>
    %mul3A_52 = arith.constant 5.000000e-01 : f32
    %mul3A_53 = vector.broadcast %mul3A_52 : f32 to vector<1280x512xf32>
    %mul3A_54 = arith.mulf %mul3A_53, %add3A_51 : vector<1280x512xf32>
    %mul3A_55 = arith.mulf %add3A_40, %mul3A_54 : vector<1280x512xf32>
    %get3A_56 = arith.constant 0 : index
    %get3A_57 = arith.constant 0 : index
    %get3A_58 = vector.load %arg6[%get3A_56, %get3A_57] : memref<512x128xf32, #tpu.memory_space<vmem>>, vector<512x128xf32>
    %dot_general3A_59 = arith.constant dense<0.000000e+00> : vector<1280x128xf32>
    %dot_general3A_60 = tpu.matmul %mul3A_55, %get3A_58, %dot_general3A_59 {dimension_numbers = #tpu.dot_dimension_numbers<[1], [0], [0], [1], [0, 0, 1, 1], [], []>, transpose_lhs_hint = false} : vector<1280x512xf32>, vector<512x128xf32>, vector<1280x128xf32> -> vector<1280x128xf32>
    %get3A_61 = arith.constant 0 : index
    %get3A_62 = arith.constant 0 : index
    %get3A_63 = vector.load %arg7[%get3A_61, %get3A_62] : memref<1x128xf32, #tpu.memory_space<vmem>>, vector<1x128xf32>
    %add3A_64 = vector.broadcast %get3A_63 : vector<1x128xf32> to vector<1280x128xf32>
    %add3A_65 = arith.addf %dot_general3A_60, %add3A_64 : vector<1280x128xf32>
    %integer_pow3A_66 = arith.mulf %add3A_65, %add3A_65 : vector<1280x128xf32>
    %integer_pow3A_67 = arith.mulf %add3A_65, %integer_pow3A_66 : vector<1280x128xf32>
    %mul3A_68 = arith.constant 4.471500e-02 : f32
    %mul3A_69 = vector.broadcast %mul3A_68 : f32 to vector<1280x128xf32>
    %mul3A_70 = arith.mulf %mul3A_69, %integer_pow3A_67 : vector<1280x128xf32>
    %add3A_71 = arith.addf %add3A_65, %mul3A_70 : vector<1280x128xf32>
    %mul3A_72 = arith.constant 0.797884583 : f32
    %mul3A_73 = vector.broadcast %mul3A_72 : f32 to vector<1280x128xf32>
    %mul3A_74 = arith.mulf %mul3A_73, %add3A_71 : vector<1280x128xf32>
    %tanh3A_75 = math.tanh %mul3A_74 : vector<1280x128xf32>
    %add3A_76 = arith.constant 1.000000e+00 : f32
    %add3A_77 = vector.broadcast %add3A_76 : f32 to vector<1280x128xf32>
    %add3A_78 = arith.addf %add3A_77, %tanh3A_75 : vector<1280x128xf32>
    %mul3A_79 = arith.constant 5.000000e-01 : f32
    %mul3A_80 = vector.broadcast %mul3A_79 : f32 to vector<1280x128xf32>
    %mul3A_81 = arith.mulf %mul3A_80, %add3A_78 : vector<1280x128xf32>
    %mul3A_82 = arith.mulf %add3A_65, %mul3A_81 : vector<1280x128xf32>
    %get3A_83 = arith.constant 0 : index
    %get3A_84 = arith.constant 0 : index
    %get3A_85 = vector.load %arg8[%get3A_83, %get3A_84] : memref<128x1xf32, #tpu.memory_space<vmem>>, vector<128x1xf32>
    %dot_general3A_86 = arith.constant dense<0.000000e+00> : vector<1280x1xf32>
    %dot_general3A_87 = tpu.matmul %mul3A_82, %get3A_85, %dot_general3A_86 {dimension_numbers = #tpu.dot_dimension_numbers<[1], [0], [0], [1], [0, 0, 1, 1], [], []>, transpose_lhs_hint = false} : vector<1280x128xf32>, vector<128x1xf32>, vector<1280x1xf32> -> vector<1280x1xf32>
    %get3A_88 = arith.constant 0 : index
    %get3A_89 = arith.constant 0 : index
    %get3A_90 = vector.load %arg9[%get3A_88, %get3A_89] : memref<1x1xf32, #tpu.memory_space<vmem>>, vector<1x1xf32>
    %add3A_91 = vector.broadcast %get3A_90 : vector<1x1xf32> to vector<1280x1xf32>
    %add3A_92 = arith.addf %dot_general3A_87, %add3A_91 : vector<1280x1xf32>
    %swap3A = arith.constant 0 : index
    %swap3A_93 = arith.constant 0 : index
    %swap3A_94 = vector.load %arg10[%swap3A, %swap3A_93] : memref<1280x1xf32, #tpu.memory_space<vmem>>, vector<1280x1xf32>
    tpu.vector_store %arg10[%swap3A, %swap3A_93], %add3A_92 {strides = array<i32>} : memref<1280x1xf32, #tpu.memory_space<vmem>>, vector<1280x1xf32>,
    return
  }
  func.func @transform_0(%arg0: i32) -> (i32, i32, i32) {
    %c0_i32 = arith.constant 0 : i32
    %c0_i32_0 = arith.constant 0 : i32
    %c0_i32_1 = arith.constant 0 : i32
    return %c0_i32, %arg0, %c0_i32_0 : i32, i32, i32
  }
  func.func @transform_1(%arg0: i32) -> (i32, i32, i32) {
    %c0_i32 = arith.constant 0 : i32
    %c0_i32_0 = arith.constant 0 : i32
    %c0_i32_1 = arith.constant 0 : i32
    return %c0_i32, %arg0, %c0_i32_0 : i32, i32, i32
  }
  func.func @transform_2(%arg0: i32) -> (i32, i32) {
    %c0_i32 = arith.constant 0 : i32
    %c0_i32_0 = arith.constant 0 : i32
    return %arg0, %c0_i32 : i32, i32
  }
  func.func @transform_3(%arg0: i32) -> (i32, i32) {
    %c0_i32 = arith.constant 0 : i32
    %c0_i32_0 = arith.constant 0 : i32
    %c0_i32_1 = arith.constant 0 : i32
    return %c0_i32, %c0_i32_0 : i32, i32
  }
  func.func @transform_4(%arg0: i32) -> (i32, i32) {
    %c0_i32 = arith.constant 0 : i32
    %c0_i32_0 = arith.constant 0 : i32
    %c0_i32_1 = arith.constant 0 : i32
    return %c0_i32, %c0_i32_0 : i32, i32
  }
  func.func @transform_5(%arg0: i32) -> (i32, i32) {
    %c0_i32 = arith.constant 0 : i32
    %c0_i32_0 = arith.constant 0 : i32
    %c0_i32_1 = arith.constant 0 : i32
    return %c0_i32, %c0_i32_0 : i32, i32
  }
  func.func @transform_6(%arg0: i32) -> (i32, i32) {
    %c0_i32 = arith.constant 0 : i32
    %c0_i32_0 = arith.constant 0 : i32
    %c0_i32_1 = arith.constant 0 : i32
    return %c0_i32, %c0_i32_0 : i32, i32
  }
  func.func @transform_7(%arg0: i32) -> (i32, i32) {
    %c0_i32 = arith.constant 0 : i32
    %c0_i32_0 = arith.constant 0 : i32
    %c0_i32_1 = arith.constant 0 : i32
    return %c0_i32, %c0_i32_0 : i32, i32
  }
  func.func @transform_8(%arg0: i32) -> (i32, i32) {
    %c0_i32 = arith.constant 0 : i32
    %c0_i32_0 = arith.constant 0 : i32
    %c0_i32_1 = arith.constant 0 : i32
    return %c0_i32, %c0_i32_0 : i32, i32
  }
  func.func @transform_9(%arg0: i32) -> (i32, i32) {
    %c0_i32 = arith.constant 0 : i32
    %c0_i32_0 = arith.constant 0 : i32
    return %arg0, %c0_i32 : i32, i32
  }
}

</mosaic_0001>

<sc_bundles>
// kernel: kernel.10.cloned.1.call-start
scs
__scs_entry_jumppad:
0x0: {  	(pc) =	sbr.rel $0x88, $3  }
0x1: {  	(tag) =	ssettag $0x0;
	lr =	simm.s32 $0x1  }
0x2: {  	[smem:$0x3F93] =	sst lr;
	_ =	strace $0xD0000000  }
0x3: {  	_ = 	snop  }
0x4: {  	_ = 	snop  }
0x5: {  	_ = 	snop  }
0x6: {  	_ = 	snop  }
0x7: {  	_ = 	snop  }
__scs_overlays_trampoline_lowered:
0x8: {  	[smem:$0x3FA2] =	sst s0  }
0x9: {  	[smem:$0x3FA3] =	sst s1  }
0xa: {  	[smem:$0x3FA4] =	sst s2  }
0xb: {  	[smem:$0x3FA5] =	sst s3  }
0xc: {  	[smem:$0x3FA6] =	sst s4  }
0xd: {  	[smem:$0x3FA7] =	sst s5  }
0xe: {  	[smem:$0x3FA8] =	sst s6  }
0xf: {  	[smem:$0x3FA9] =	sst s7  }
0x10: {  	[smem:$0x3FAA] =	sst s8  }
0x11: {  	[smem:$0x3FAB] =	sst s9;
	s0 =	simm.s32 @!p0 $0x0  }
0x12: {  	s1 =	sld [smem:$0x3F91];
	s0 =	simm.s32 @p0 $0x1  }
0x13: {  	[smem:$0x3FAC] =	sst s0;
	s0 =	simm.s32 @!p1 $0x0  }
0x14: {  	s2 =	sld [smem:$0x3F90];
	s0 =	simm.s32 @p1 $0x1  }
0x15: {  	[smem:$0x3FAD] =	sst s0;
	s0 =	simm.s32 @!p2 $0x0  }
0x16: {  	s3 =	sld [smem:$0x3FDB];
	s0 =	simm.s32 @p2 $0x1  }
0x17: {  	s4 =	simm.s32 $0x1BF5;
	[smem:$0x3FAF] =	sst s0  }
0x18: {  	s0 =	sld [smem:$0x3F92];
	_ =	swait.ge [sflag:s4], $0x0  }
0x19: {  	s7 =	sld [smem:$0x3F93]  }
0x1a: {  	s8 =	sadd.s32 $0xFFFFE003, lr  }
0x1b: {  	s9 =	sadd.s32 $0xFFFFFEF7, lr;
	s5 =	simm.s32 $0xFFFFFFFF;
	p2 =	slt.u32 s8, $0xFFFFF086  }
0x1c: {  	p1 =	slt.u32 s9, $0xF7A;
	s5 =	simm.s32 @!p2 $0x0  }
0x1d: {  	s5 =	simm.s32 @p1 $0x1;
	p0 =	seq.s32 s7, s2  }
0x1e: {  	s7 =	smul.u32 @!p0 $0xF7A, s2;
	p2 =	seq.s32 @!p0 s5, $0x0  }
0x1f: {  	s9 =	smul.u32 $0xF7A, s1;
	s8 =	simm.s32 @!p0 $0x1BF5;
	p2 =	por !p2, p0  }
0x20: {  	[sflag:s8] =	ssyncset.s32 @!p0 $0xFFFFF086;
	s6 =	sadd.s32 @!p0 s3, s7;
	s7 =	simm.s32 @!p0 $0x108  }
0x21: {  	s3 =	sadd.s32 s3, s9;
	s6 =	sadd.s32 @!p0 $0x88, s6;
	s7 =	simm.s32 @p2 $0x1082  }
0x22: {  	[simem:s7], [sflag:s8] =	dma.local @!p0 [hbm:s6], $0xF7A  }
0x23: {  	s9 =	sor.u32 $0xD0000000, s2;
	s6 =	simm.s32 $0x108;
	_ =	swait.ge @!p0 [sflag:s8], $0x0  }
0x24: {  	s3 =	sadd.s32 $0x88, s3;
	s6 =	simm.s32 @!p1 $0x1082;
	[sflag:s4] =	ssyncset.s32 $0xFFFFF086  }
0x25: {  	[simem:s6], [sflag:s4] =	dma.local [hbm:s3], $0xF7A  }
0x26: {  	[smem:$0x3F93] =	sst s1;
	(tag) =	ssettag s2;
	_ =	strace s9  }
0x27: {  	s1 =	sld [smem:$0x3FA3]  }
0x28: {  	s2 =	sld [smem:$0x3FA4]  }
0x29: {  	s4 =	sld [smem:$0x3FA6]  }
0x2a: {  	p0 =	seq.s32 s5, $0x0;
	s5 =	sld [smem:$0x3FA7]  }
0x2b: {  	s6 =	sld [smem:$0x3FA8]  }
0x2c: {  	s7 =	sld [smem:$0x3FA9]  }
0x2d: {  	s3 =	simm.s32 $0x108;
	s8 =	sld [smem:$0x3FAA]  }
0x2e: {  	s3 =	simm.s32 @!p0 $0x1082;
	s9 =	sld [smem:$0x3FAB]  }
0x2f: {  	lr =	sadd.s32 s0, s3;
	s0 =	sld [smem:$0x3FA2]  }
0x30: {  	s3 =	sld [smem:$0x3FA5]  }
0x31: {  	[smem:$0x3FAE] =	sst s10  }
0x32: {  	s10 =	sld [smem:$0x3FAC];
	_ =	sdelay $0x3  }
0x33: {  	p0 =	seq.s32 s10, $0x1;
	s10 =	sld [smem:$0x3FAE];
	_ =	sdelay $0x3  }
0x34: {  	[smem:$0x3FAE] =	sst s10  }
0x35: {  	s10 =	sld [smem:$0x3FAD];
	_ =	sdelay $0x3  }
0x36: {  	p1 =	seq.s32 s10, $0x1;
	s10 =	sld [smem:$0x3FAE];
	_ =	sdelay $0x3  }
0x37: {  	[smem:$0x3FAE] =	sst s10  }
0x38: {  	s10 =	sld [smem:$0x3FAF]  }
0x39: {  	_ = 	snop;
	(pc) =	sbr.ind lr, $3  }
0x3a: {  	_ = 	snop  }
0x3b: {  	_ = 	snop  }
0x3c: {  	p2 =	seq.s32 s10, $0x1;
	s10 =	sld [smem:$0x3FAE]  }
0x3d: {  	_ =	shalt  }
0x3e: {  	_ =	shalt  }
0x3f: {  	_ =	shalt  }
0x40: {  	_ =	shalt  }
0x41: {  	_ =	shalt  }
0x42: {  	_ =	shalt  }
0x43: {  	_ =	shalt  }
0x44: {  	_ =	shalt  }
0x45: {  	_ =	shalt  }
0x46: {  	_ =	shalt  }
0x47: {  	_ =	shalt  }
0x48: {  	_ =	shalt  }
0x49: {  	_ =	shalt  }
0x4a: {  	_ =	shalt  }
0x4b: {  	_ =	shalt  }
0x4c: {  	_ =	shalt  }
0x4d: {  	_ =	shalt  }
0x4e: {  	_ =	shalt  }
0x4f: {  	_ =	shalt  }
0x50: {  	_ =	shalt  }
0x51: {  	_ =	shalt  }
0x52: {  	_ =	shalt  }
0x53: {  	_ =	shalt  }
0x54: {  	_ =	shalt  }
0x55: {  	_ =	shalt  }
0x56: {  	_ =	shalt  }
0x57: {  	_ =	shalt  }
0x58: {  	_ =	shalt  }
0x59: {  	_ =	shalt  }
0x5a: {  	_ =	shalt  }
0x5b: {  	_ =	shalt  }
0x5c: {  	_ =	shalt  }
0x5d: {  	_ =	shalt  }
0x5e: {  	_ =	shalt  }
0x5f: {  	_ =	shalt  }
0x60: {  	_ =	shalt  }
0x61: {  	_ =	shalt  }
0x62: {  	_ =	shalt  }
0x63: {  	_ =	shalt  }
0x64: {  	_ =	shalt  }
0x65: {  	_ =	shalt  }
0x66: {  	_ =	shalt  }
0x67: {  	_ =	shalt  }
0x68: {  	_ =	shalt  }
0x69: {  	_ =	shalt  }
0x6a: {  	_ =	shalt  }
0x6b: {  	_ =	shalt  }
0x6c: {  	_ =	shalt  }
0x6d: {  	_ =	shalt  }
0x6e: {  	_ =	shalt  }
0x6f: {  	_ =	shalt  }
0x70: {  	_ =	shalt  }
0x71: {  	_ =	shalt  }
0x72: {  	_ =	shalt  }
0x73: {  	_ =	shalt  }
0x74: {  	_ =	shalt  }
0x75: {  	_ =	shalt  }
0x76: {  	_ =	shalt  }
0x77: {  	_ =	shalt  }
0x78: {  	_ =	shalt  }
0x79: {  	_ =	shalt  }
0x7a: {  	_ =	shalt  }
0x7b: {  	_ =	shalt  }
0x7c: {  	_ =	shalt  }
0x7d: {  	_ =	shalt  }
0x7e: {  	_ =	shalt  }
0x7f: {  	_ =	shalt  }
0x80: {  	_ =	shalt  }
0x81: {  	_ =	shalt  }
0x82: {  	_ =	shalt  }
0x83: {  	_ =	shalt  }
0x84: {  	_ =	shalt  }
0x85: {  	_ =	shalt  }
0x86: {  	_ =	shalt  }
0x87: {  	_ =	shalt  }
.Lfunc_end0:
.L_simem_size_0:
called_computation.1_lowered:
.L_overlay_start_0:
0x88: {  	s2 =	sld [smem:$0x3FD9]  }
0x89: {  	s3 =	sld [smem:$0x3FFE];
	_ =	sdelay $0x1  }
0x8a: {  	s1 =	srdreg.scid  }
0x8b: {  	s0 =	sand.u32 $0x1, s1  }
0x8c: {  	s16 =	sshll.u32 s0, $0xA;
	s2 =	sadd.s32 s3, s2  }
0x8d: {  	s2 =	sadd.s32 s2, s16  }
0x8e: {  	[smem:$0x3FBA] =	sst s2  }
0x8f: {  	_ = 	snop  }
0x90: {  	(tm) =	ssettm $0x1  }
0x91: {  	s17 =	sld [smem:$0x3FFB];
	_ =	sdelay $0x3  }
0x92: {  	_ =	strace s17  }
0x93: {  	s2 =	sld [smem:$0x3FFC];
	_ =	sdelay $0x3  }
0x94: {  	_ =	strace s2  }
0x95: {  	s2 =	sld [smem:$0x3FFD];
	_ =	sdelay $0x3  }
0x96: {  	_ =	strace s2  }
0x97: {  	_ =	strace $0x8FFFFFFF  }
0x98: {  	s18 =	sld [smem:$0x3FDB];
	_ =	sdelay $0x1  }
0x99: {  	s19 =	simm.s32 $_scs_section_size  }
0x9a: {  	s4 =	simm.s32 $_size__tile_overlayer_lowered;
	s5 =	simm.s32 $_tile_overlayer_lowered  }
0x9b: {  	s22 =	simm.s32 $0x1BFF;
	s21 =	sshll.u32 s5, $0x1;
	s2 =	sadd.s32 s19, s18  }
0x9c: {  	s6 =	simm.s32 $0x0;
	s20 =	sshll.u32 s4, $0x1;
	s4 =	sadd.s32 s21, s2  }
0x9d: {  	[timem:s6], [sflag:s22] =	dma.local [hbm:s4], s20  }
0x9e: {  	_ =	swait.ge [sflag:s22], s20  }
0x9f: {  	s3 =	ssub.s32 $0x0, s20;
	[sflag:s22] =	ssyncset.done $0x0  }
0xa0: {  	[sflag:s22] =	ssyncadd.s32 s3;
	_ =	sdelay $0x1  }
0xa1: {  	s23 =	simm.s32 $0x1B8B  }
0xa2: {  	_ =	swait.ge [sflag:s23], $0x1  }
0xa3: {  	[sflag:s23] =	ssyncset.done $0x0  }
0xa4: {  	s25 =	simm.s32 $0x1B8E;
	s24 =	sld [smem:$0x3FFE];
	[sflag:s23] =	ssyncadd.s32 $0xFFFFFFFF  }
0xa5: {  	s26 =	simm.s32 $execute0_lowered;
	[smem:$0x3FD2] =	sst s25  }
0xa6: {  	s4 =	sshll.u32 s26, $0x1;
	_ =	strace $0x80000049;
	[dreg:$0x1] =	wrdreg $0xFFFFFFFF  }
0xa7: {  	s28 =	simm.s32 $_size_execute0_lowered;
	s2 =	sadd.s32 s2, s4;
	[dreg:$0x0] =	wrdreg $0x0  }
0xa8: {  	s4 =	sshll.u32 s28, $0x1;
	[dreg:$0x2] =	wrdreg s2  }
0xa9: {  	[dreg:$0x3] =	wrdreg s4  }
0xaa: {  	[dreg:$0x4] =	wrdreg $0xC0  }
0xab: {  	_ =	task [dreg:s6], $0x5FFFF  }
0xac: {  	[dreg:$0x1] =	wrdreg $0xFFFFFFFF  }
0xad: {  	[dreg:$0x0] =	wrdreg $0x60  }
0xae: {  	[dreg:$0x2] =	wrdreg s24  }
0xaf: {  	[dreg:$0x3] =	wrdreg $0x80000  }
0xb0: {  	[dreg:$0x4] =	wrdreg $0x9  }
0xb1: {  	_ =	task.clear_ibuf [dreg:s6], $0x5FFFF;
	_ =	strace $0x90000049  }
0xb2: {  	s29 =	simm.s32 $0x9;
	_ =	strace $0x8000004B  }
0xb3: {  	_ =	swait.ge [sflag:s29], $0x1  }
0xb4: {  	[sflag:s29] =	ssyncadd.s32 $0xFFFFFFFF  }
0xb5: {  	_ =	strace $0x9000004B  }
0xb6: {  	_ =	sfence  }
0xb7: {  	s30 =	sld [smem:$0x0];
	_ =	sdelay $0x2  }
0xb8: {  	s31 =	sshll.u32 s1, $0xD;
	s1 =	sshrl.u32 s1, $0x2  }
0xb9: {  	s3 =	sand.u32 $0x4000, s31;
	s1 =	sadd.s32 s1, s30  }
0xba: {  	s0 =	sor.u32 s3, s0;
	s1 =	sshll.u32 s1, $0x11  }
0xbb: {  	s0 =	sor.u32 s1, s0  }
0xbc: {  	s0 =	sadd.s32 $0x8F2B, s0  }
0xbd: {  	[sflag:s0] =	ssyncadd.remote.s32 $0x1  }
0xbe: {  	_ =	sfence.sel $0xFFFF  }
0xbf: {  	[dreg:$0x0] =	wrdreg $0xFFFFFFFF;
	(pc) =	sbr.abs _section_cstart, $3  }
0xc0: {  	[dreg:$0x1] =	wrdreg $0xFFFFFFFF  }
0xc1: {  	_ =	task.clear_ibuf [dreg:s6], $0x2FFFF;
	_ =	strace $0x9FFFFFFF  }
0xc2: {  	(tm) =	ssettm $0x7FFFFFFF  }
0xc3: {  	_ =	shalt  }
tec
execute0_lowered:
.L_overlay_start_1:
0x0: {  	(tag) =	ssettag $0x1  }
0x1: {  	s0 =	rddreg [dreg:$0x0]  }
0x2: {  	s1 =	rddreg [dreg:$0x1];
	s2 =	srdreg.scid;
	s3 =	simm.s32 $0x0  }
0x3: {  	s10 =	stileid.u32;
	s28 =	simm.s32 $0x180;
	s29 =	simm.s32 $0x580  }
0x4: {  	s30 =	simm.s32 $0x2;
	s31 =	simm.s32 $0x50;
	s6 =	smul.u32 $0x14000, s10  }
0x5: {  	s2 =	sand.u32 $0x1, s2;
	[smem:$0x7FF] =	sst s3;
	s8 =	smul.u32 $0x50000, s10  }
0x6: {  	s4 =	sadd.s32 $0x17000, s0;
	s11 =	sadd.s32 $0x3400, s0;
	s17 =	smul.u32 $0x2760, s10  }
0x7: {  	s12 =	sadd.s32 $0xD200, s0;
	s5 =	smul.u32 $0x140000, s2;
	_ =	strace $0x8000004A  }
0x8: {  	s13 =	sshll.u32 s2, $0x4;
	s7 =	ssub.s32 $0x2, s2;
	s2 =	smul.u32 $0x27600, s2  }
0x9: {  	[dreg:$0x3] =	wrdreg s12;
	s9 =	sshrl.u32 s7, $0x1;
	s15 =	sshrl.u32 s8, $0x2  }
0xa: {  	s5 =	sadd.s32 s6, s5;
	s6 =	sor.u32 s10, s13;
	s14 =	ssub.s32 s7, s9  }
0xb: {  	s23 =	sadd.s32 s15, s1;
	s2 =	sadd.s32 s17, s2;
	s5 =	sshrl.u32 s5, $0x3  }
0xc: {  	s6 =	smul.u32 $0x2760, s6;
	s22 =	sadd.s32 $0x280, s2;
	s25 =	sadd.s32 $0x230, s2  }
0xd: {  	s9 =	sadd.s32 $0x190, s2;
	s10 =	sadd.s32 $0x1E0, s2;
	[dreg:$0x4] =	wrdreg s23  }
0xe: {  	s0 =	sadd.s32 s5, s0;
	s24 =	sshrl.u32 s22, $0x3;
	s5 =	smax.u32 s14, $0x1  }
0xf: {  	[dreg:$0x11] =	wrdreg s10;
	s14 =	sadd.s32 $0x140, s2;
	s2 =	sadd.s32 $0xF0, s2  }
0x10: {  	s22 =	sadd.s32 $0xC800, s23;
	s10 =	simm.s32 $0x3;
	[dreg:$0xc] =	wrdreg s5  }
0x11: {  	s6 =	sshrl.u32 s6, $0x3;
	s0 =	sadd.s32 $0xB7A00, s0;
	[dreg:$0x1c] =	wrdreg s22  }
0x12: {  	s26 =	sadd.s32 s24, s12;
	s15 =	sshrl.u32 s14, $0x3;
	[dreg:$0xb] =	wrdreg s0  }
0x13: {  	s2 =	sshrl.u32 s2, $0x3;
	s18 =	sadd.s32 s11, s6;
	[dreg:$0xd] =	wrdreg s26  }
0x14: {  	s14 =	simm.s32 $0x100;
	s19 =	sadd.s32 s12, s6;
	[dreg:$0x5] =	wrdreg s18  }
0x15: {  	s22 =	simm.s32 $0x0;
	s0 =	sadd.s32 s24, s11;
	[dreg:$0x6] =	wrdreg s19  }
0x16: {  	s16 =	sadd.s32 $0xA, s6;
	s17 =	sadd.s32 s2, s11;
	[dreg:$0xe] =	wrdreg s0  }
0x17: {  	s6 =	sadd.s32 $0x14, s6;
	s24 =	sadd.s32 $0xF000, s23;
	[dreg:$0x17] =	wrdreg s17  }
0x18: {  	s26 =	smov.u32 s11;
	s20 =	sadd.s32 s11, s16;
	[dreg:$0x1d] =	wrdreg s24  }
0x19: {  	s7 =	sadd.s32 s12, s16;
	s21 =	sadd.s32 s11, s6;
	[dreg:$0x7] =	wrdreg s20  }
0x1a: {  	s6 =	sadd.s32 s12, s6;
	s0 =	sshrl.u32 s9, $0x3;
	[dreg:$0x8] =	wrdreg s7  }
0x1b: {  	s16 =	sadd.s32 s2, s12;
	s18 =	sadd.s32 $0x2800, s23;
	[dreg:$0x9] =	wrdreg s21  }
0x1c: {  	s19 =	sadd.s32 $0x5000, s23;
	s9 =	simm.s32 $0x800;
	[dreg:$0xa] =	wrdreg s6  }
0x1d: {  	s24 =	simm.s32 $0xC;
	s2 =	simm.s32 $0x7;
	[dreg:$0x16] =	wrdreg s16  }
0x1e: {  	s17 =	simm.s32 $0xA;
	s7 =	sshrl.u32 s25, $0x3;
	[dreg:$0x18] =	wrdreg s18  }
0x1f: {  	s13 =	sadd.s32 s0, s12;
	s0 =	sadd.s32 s0, s11;
	[dreg:$0x19] =	wrdreg s19  }
0x20: {  	s20 =	sadd.s32 $0x7800, s23;
	s21 =	sadd.s32 $0xA000, s23;
	[dreg:$0x12] =	wrdreg s13  }
0x21: {  	s25 =	sadd.s32 $0x11800, s23;
	s6 =	simm.s32 $0x9;
	[dreg:$0x13] =	wrdreg s0  }
0x22: {  	s16 =	simm.s32 $0x5;
	s18 =	simm.s32 $0x6;
	[dreg:$0x1a] =	wrdreg s20  }
0x23: {  	s19 =	simm.s32 $0xB;
	s8 =	sadd.s32 s7, s12;
	[dreg:$0x1b] =	wrdreg s21  }
0x24: {  	s5 =	sadd.s32 s7, s11;
	s0 =	sadd.s32 s15, s11;
	[dreg:$0x1e] =	wrdreg s25  }
.Ltmp0:
0x25: {  	s20 =	simm.s32 $0x1;
	[dreg:$0xf] =	wrdreg s8;
	(pc) =	sbr.rel .LBB2_1-.Ltmp0, $4  }
0x26: {  	s7 =	simm.s32 $0x600;
	s11 =	simm.s32 $0x5800;
	[dreg:$0x10] =	wrdreg s5  }
0x27: {  	s13 =	simm.s32 $0x280;
	s5 =	sadd.s32 s15, s12;
	[dreg:$0x15] =	wrdreg s0  }
0x28: {  	s15 =	simm.s32 $0x500;
	s0 =	simm.s32 $0x3000;
	s8 =	simm.s32 $0x200  }
0x29: {  	v0 =	vimm.f32 $0.0e+00;
	s12 =	simm.s32 $0x8;
	[dreg:$0x14] =	wrdreg s5;
	s5 =	simm.s32 $0x4  }
.LBB2_6:
0x2a: {  	_ =	swait.ge [sflag:s12], $0x2800  }
0x2b: {  	[sflag:s12] =	ssyncset.done $0x0  }
0x2c: {  	s21 =	simm.s32 $0x680;
	[sflag:s12] =	ssyncadd.s32 $0xFFFFD800  }
0x2d: {  	[spmem:s1] =	stream.indirect.scatter.add.f32 [tilespmem:s11], [sflag:$0xB], $0x80, s21, s31, $0xb8;
	[tilespmem:$0x1C000] =	vst v63  }
0x2e: {  	_ =	swait.ge [sflag:s6], $0x2800  }
0x2f: {  	[sflag:s6] =	ssyncset.done $0x0  }
0x30: {  	[sflag:s6] =	ssyncadd.s32 $0xFFFFD800  }
0x31: {  	_ =	swait.ge [sflag:s17], $0x2800  }
0x32: {  	[sflag:s17] =	ssyncset.done $0x0  }
0x33: {  	[sflag:s17] =	ssyncadd.s32 $0xFFFFD800  }
0x34: {  	_ =	swait.ge [sflag:s19], $0x2800  }
0x35: {  	[sflag:s19] =	ssyncset.done $0x0  }
0x36: {  	[sflag:s19] =	ssyncadd.s32 $0xFFFFD800  }
0x37: {  	s25 =	stileid.u32;
	[bflag:$0x0] =	sbarrier.arrive $0xFFFF  }
0x38: {  	s21 =	sshll.u32 s25, $0x6;
	s23 =	rddreg [dreg:$0x4]  }
0x39: {  	s21 =	sor.u32 $0x1C0C, s21;
	s24 =	rddreg [dreg:$0xb];
	s22 =	sshrl.u32 s23, $0x3  }
0x3a: {  	[hbm:s24], [sflag:s21] =	dma.local [spmem:s22], $0x2800  }
0x3b: {  	s24 =	simm.s32 $0xC  }
0x3c: {  	_ =	swait.ge [sflag:s24], $0x2800  }
0x3d: {  	s21 =	rddreg [dreg:$0x1f]  }
0x3e: {  	s25 =	rddreg [dreg:$0xc];
	s22 =	sadd.s32 $0x1, s21  }
0x3f: {  	p0 =	sne.s32 s22, s25  }
.Ltmp1:
0x40: {  	_ = 	snop;
	(pc) =	sbr.rel @!p0 .LBB2_7-.Ltmp1, $3  }
0x41: {  	_ =	sdelay $0x1  }
0x42: {  	[sflag:s24] =	ssyncset.done $0x0  }
0x43: {  	[sflag:s24] =	ssyncadd.s32 $0xFFFFD800  }
.LBB2_1:
0x44: {  	[dreg:$0x1f] =	wrdreg s22;
	s21 =	simm.s32 $0x0;
	s22 =	simm.s32 $0x200  }
.LBB2_2:
0x45: {  	p0 =	sne.s32 s22, $0x9E00;
	[tilespmem:s21+$0x870] =	vst v0  }
0x46: {  	[tilespmem:s21+$0x800] =	vst v0  }
0x47: {  	[tilespmem:s21+$0x810] =	vst v0  }
.Ltmp2:
0x48: {  	[tilespmem:s21+$0x820] =	vst v0;
	(pc) =	sbr.rel @p0 .LBB2_2-.Ltmp2, $4  }
0x49: {  	[tilespmem:s21+$0x830] =	vst v0  }
0x4a: {  	[tilespmem:s21+$0x840] =	vst v0  }
0x4b: {  	[tilespmem:s21+$0x850] =	vst v0  }
0x4c: {  	[tilespmem:s21+$0x860] =	vst v0;
	s21 =	sshra.s32 s22, $0x2;
	s22 =	sadd.s32 $0x200, s22  }
0x4d: {  	[tilespmem:s21+$0x870] =	vst v0  }
0x4e: {  	[tilespmem:s21+$0x800] =	vst v0  }
0x4f: {  	[tilespmem:s21+$0x810] =	vst v0  }
0x50: {  	[tilespmem:s21+$0x820] =	vst v0  }
0x51: {  	[tilespmem:s21+$0x830] =	vst v0  }
0x52: {  	[tilespmem:s21+$0x840] =	vst v0  }
0x53: {  	[tilespmem:s21+$0x850] =	vst v0  }
0x54: {  	[tilespmem:s21+$0x860] =	vst v0  }
0x55: {  	[spmem:s23] =	stream.linear.scatter [tilespmem:s9], [sflag:$0xC], $0x2800, $0x38;
	[tilespmem:$0x1C000] =	vst v63  }
0x56: {  	_ =	swait.ge [sflag:s24], $0x2800  }
0x57: {  	[sflag:s24] =	ssyncset.done $0x0  }
0x58: {  	s23 =	rddreg [dreg:$0x18];
	[sflag:s24] =	ssyncadd.s32 $0xFFFFD800  }
0x59: {  	[spmem:s23] =	stream.linear.scatter [tilespmem:s9], [sflag:$0xC], $0x2800, $0x38;
	[tilespmem:$0x1C000] =	vst v63  }
0x5a: {  	_ =	swait.ge [sflag:s24], $0x2800  }
0x5b: {  	[sflag:s24] =	ssyncset.done $0x0  }
0x5c: {  	s25 =	rddreg [dreg:$0x19];
	[sflag:s24] =	ssyncadd.s32 $0xFFFFD800  }
0x5d: {  	[spmem:s25] =	stream.linear.scatter [tilespmem:s9], [sflag:$0xC], $0x2800, $0x38;
	[tilespmem:$0x1C000] =	vst v63  }
0x5e: {  	_ =	swait.ge [sflag:s24], $0x2800  }
0x5f: {  	[sflag:s24] =	ssyncset.done $0x0  }
0x60: {  	s22 =	rddreg [dreg:$0x1a];
	[sflag:s24] =	ssyncadd.s32 $0xFFFFD800  }
0x61: {  	[spmem:s22] =	stream.linear.scatter [tilespmem:s9], [sflag:$0xC], $0x2800, $0x38;
	[tilespmem:$0x1C000] =	vst v63  }
0x62: {  	_ =	swait.ge [sflag:s24], $0x2800  }
0x63: {  	[sflag:s24] =	ssyncset.done $0x0  }
0x64: {  	s23 =	rddreg [dreg:$0x1b];
	[sflag:s24] =	ssyncadd.s32 $0xFFFFD800  }
0x65: {  	[spmem:s23] =	stream.linear.scatter [tilespmem:s9], [sflag:$0xC], $0x2800, $0x38;
	[tilespmem:$0x1C000] =	vst v63  }
0x66: {  	_ =	swait.ge [sflag:s24], $0x2800  }
0x67: {  	[sflag:s24] =	ssyncset.done $0x0  }
0x68: {  	s25 =	rddreg [dreg:$0x1c];
	[sflag:s24] =	ssyncadd.s32 $0xFFFFD800  }
0x69: {  	[spmem:s25] =	stream.linear.scatter [tilespmem:s9], [sflag:$0xC], $0x2800, $0x38;
	[tilespmem:$0x1C000] =	vst v63  }
0x6a: {  	_ =	swait.ge [sflag:s24], $0x2800  }
0x6b: {  	[sflag:s24] =	ssyncset.done $0x0  }
0x6c: {  	s22 =	rddreg [dreg:$0x1d];
	[sflag:s24] =	ssyncadd.s32 $0xFFFFD800  }
0x6d: {  	[spmem:s22] =	stream.linear.scatter [tilespmem:s9], [sflag:$0xC], $0x2800, $0x38;
	[tilespmem:$0x1C000] =	vst v63  }
0x6e: {  	_ =	swait.ge [sflag:s24], $0x2800  }
0x6f: {  	[sflag:s24] =	ssyncset.done $0x0  }
0x70: {  	s23 =	rddreg [dreg:$0x1e];
	[sflag:s24] =	ssyncadd.s32 $0xFFFFD800  }
0x71: {  	[spmem:s23] =	stream.linear.scatter [tilespmem:s9], [sflag:$0xC], $0x2800, $0x38;
	[tilespmem:$0x1C000] =	vst v63  }
0x72: {  	_ =	swait.ge [sflag:s24], $0x2800  }
0x73: {  	[sflag:s24] =	ssyncset.done $0x0  }
0x74: {  	[sflag:s24] =	ssyncadd.s32 $0xFFFFD800  }
0x75: {  	[bflag:$0x0] =	sbarrier.arrive $0xFFFF  }
0x76: {  	s22 =	rddreg [dreg:$0x5]  }
0x77: {  	s21 =	simm.s32 $0x0;
	s24 =	rddreg [dreg:$0x6]  }
0x78: {  	[tilespmem:s21], [sflag:$0x1] =	stream.linear.gather [hbm4b:s22+s21], $0x50, $0x38;
	[tilespmem:$0x1C000] =	vst v63  }
0x79: {  	s25 =	simm.s32 $0x400;
	s22 =	rddreg [dreg:$0x11]  }
0x7a: {  	[tilespmem:s25], [sflag:$0x1] =	stream.linear.gather [hbm4b:s24+s21], $0x50, $0x38;
	[tilespmem:$0x1C000] =	vst v63  }
0x7b: {  	s24 =	rddreg [dreg:$0x7];
	s25 =	simm.s32 $0x80  }
0x7c: {  	[tilespmem:s25], [sflag:$0x2] =	stream.linear.gather [hbm4b:s24+s21], $0x50, $0x38;
	[tilespmem:$0x1C000] =	vst v63  }
0x7d: {  	s24 =	rddreg [dreg:$0x8];
	s25 =	simm.s32 $0x480  }
0x7e: {  	[tilespmem:s25], [sflag:$0x2] =	stream.linear.gather [hbm4b:s24+s21], $0x50, $0x38;
	[tilespmem:$0x1C000] =	vst v63  }
0x7f: {  	s24 =	rddreg [dreg:$0x9]  }
0x80: {  	[tilespmem:s14], [sflag:$0x3] =	stream.linear.gather [hbm4b:s24+s21], $0x50, $0x38;
	[tilespmem:$0x1C000] =	vst v63  }
0x81: {  	s25 =	rddreg [dreg:$0xa]  }
0x82: {  	[tilespmem:s15], [sflag:$0x3] =	stream.linear.gather [hbm4b:s25+s21], $0x50, $0x38;
	[tilespmem:$0x1C000] =	vst v63  }
.LBB2_4:
0x83: {  	_ =	swait.ge [sflag:s20], $0x50  }
0x84: {  	[sflag:s20] =	ssyncset.done $0x0  }
0x85: {  	[sflag:s20] =	ssyncadd.s32 $0xFFFFFFB0  }
0x86: {  	_ =	swait.ge [sflag:s20], $0x50  }
0x87: {  	p0 =	sne.s32 s21, $0x0;
	[sflag:s20] =	ssyncset.done $0x0  }
0x88: {  	s23 =	simm.s32 @p0 $0x9;
	[sflag:s20] =	ssyncadd.s32 $0xFFFFFFB0  }
0x89: {  	_ =	swait.ge @p0 [sflag:s23], $0x2800  }
0x8a: {  	s24 =	simm.s32 @p0 $0x0;
	[sflag:s23] =	ssyncset.done @p0 $0x0  }
0x8b: {  	s25 =	simm.s32 @p0 $0x800;
	[sflag:s23] =	ssyncadd.s32 @p0 $0xFFFFD800;
	s23 =	simm.s32 @p0 $0x50  }
0x8c: {  	[tilespmem:s25], [sflag:$0x7] =	stream.indirect.gather @p0 [hbm4b:s4+s23], $0x80, s24, s23, $0xb8;
	[tilespmem:$0x1C000] =	vst v63  }
0x8d: {  	s24 =	simm.s32 @p0 $0x8  }
0x8e: {  	_ =	swait.ge @p0 [sflag:s24], $0x2800  }
0x8f: {  	[sflag:s24] =	ssyncset.done @p0 $0x0  }
0x90: {  	s25 =	simm.s32 @p0 $0x5800;
	[sflag:s24] =	ssyncadd.s32 @p0 $0xFFFFD800;
	s24 =	simm.s32 @p0 $0x680  }
0x91: {  	[spmem:s1] =	stream.indirect.scatter.add.f32 @p0 [tilespmem:s25], [sflag:$0xB], $0x80, s24, s23, $0xb8;
	[tilespmem:$0x1C000] =	vst v63  }
0x92: {  	s23 =	simm.s32 @!p0 $0x50;
	s24 =	simm.s32 @!p0 $0x0;
	s25 =	simm.s32 @!p0 $0x800  }
0x93: {  	[tilespmem:s25], [sflag:$0x7] =	stream.indirect.gather @!p0 [hbm4b:s4+s23], $0x80, s24, s23, $0xb8;
	[tilespmem:$0x1C000] =	vst v63  }
0x94: {  	s24 =	rddreg [dreg:$0x17]  }
0x95: {  	s25 =	rddreg [dreg:$0x16];
	s23 =	sadd.s32 s21, s24  }
0x96: {  	[tilespmem:s28], [sflag:$0x4] =	stream.linear.gather [hbm4b:s23+s3], $0x50, $0x38;
	[tilespmem:$0x1C000] =	vst v63  }
0x97: {  	s23 =	sadd.s32 s21, s25  }
0x98: {  	[tilespmem:s29], [sflag:$0x4] =	stream.linear.gather [hbm4b:s23+s3], $0x50, $0x38;
	[tilespmem:$0x1C000] =	vst v63  }
0x99: {  	_ =	swait.ge [sflag:s30], $0x50  }
0x9a: {  	[sflag:s30] =	ssyncset.done $0x0  }
0x9b: {  	[sflag:s30] =	ssyncadd.s32 $0xFFFFFFB0  }
0x9c: {  	_ =	swait.ge [sflag:s30], $0x50  }
0x9d: {  	p0 =	seq.s32 s21, $0x0;
	[sflag:s30] =	ssyncset.done $0x0  }
0x9e: {  	s23 =	simm.s32 @!p0 $0xA;
	[sflag:s30] =	ssyncadd.s32 $0xFFFFFFB0  }
0x9f: {  	_ =	swait.ge @!p0 [sflag:s23], $0x2800  }
0xa0: {  	[sflag:s23] =	ssyncset.done @!p0 $0x0  }
0xa1: {  	s24 =	simm.s32 $0x80;
	[sflag:s23] =	ssyncadd.s32 @!p0 $0xFFFFD800  }
0xa2: {  	[tilespmem:s0], [sflag:$0x8] =	stream.indirect.gather [hbm4b:s4+s31], $0x80, s24, s31, $0xb8;
	[tilespmem:$0x1C000] =	vst v63  }
0xa3: {  	_ =	swait.ge [sflag:s2], $0x2800  }
0xa4: {  	[sflag:s2] =	ssyncset.done $0x0  }
0xa5: {  	s25 =	simm.s32 $0x400;
	s24 =	rddreg [dreg:$0x15];
	[sflag:s2] =	ssyncadd.s32 $0xFFFFD800  }
0xa6: {  	[spmem:s1] =	stream.indirect.scatter.add.f32 [tilespmem:s9], [sflag:$0x9], $0x80, s25, s31, $0xb8;
	[tilespmem:$0x1C000] =	vst v63  }
0xa7: {  	s23 =	sadd.s32 s21, s24;
	s25 =	rddreg [dreg:$0x14]  }
0xa8: {  	[tilespmem:s8], [sflag:$0x5] =	stream.linear.gather [hbm4b:s23+s3], $0x50, $0x38;
	[tilespmem:$0x1C000] =	vst v63  }
0xa9: {  	s23 =	sadd.s32 s21, s25  }
0xaa: {  	[tilespmem:s7], [sflag:$0x5] =	stream.linear.gather [hbm4b:s23+s3], $0x50, $0x38;
	[tilespmem:$0x1C000] =	vst v63  }
0xab: {  	_ =	swait.ge [sflag:s10], $0x50  }
0xac: {  	[sflag:s10] =	ssyncset.done $0x0  }
0xad: {  	[sflag:s10] =	ssyncadd.s32 $0xFFFFFFB0  }
0xae: {  	_ =	swait.ge [sflag:s10], $0x50  }
0xaf: {  	[sflag:s10] =	ssyncset.done $0x0  }
0xb0: {  	s23 =	simm.s32 @!p0 $0xB;
	[sflag:s10] =	ssyncadd.s32 $0xFFFFFFB0  }
0xb1: {  	_ =	swait.ge @!p0 [sflag:s23], $0x2800  }
0xb2: {  	[sflag:s23] =	ssyncset.done @!p0 $0x0  }
0xb3: {  	[sflag:s23] =	ssyncadd.s32 @!p0 $0xFFFFD800  }
0xb4: {  	[tilespmem:s11], [sflag:$0x7] =	stream.indirect.gather [hbm4b:s4+s31], $0x80, s14, s31, $0xb8;
	[tilespmem:$0x1C000] =	vst v63  }
0xb5: {  	_ =	swait.ge [sflag:s12], $0x2800  }
0xb6: {  	[sflag:s12] =	ssyncset.done $0x0  }
0xb7: {  	s24 =	simm.s32 $0x480;
	s25 =	rddreg [dreg:$0x13];
	[sflag:s12] =	ssyncadd.s32 $0xFFFFD800  }
0xb8: {  	[spmem:s1] =	stream.indirect.scatter.add.f32 [tilespmem:s0], [sflag:$0xA], $0x80, s24, s31, $0xb8;
	[tilespmem:$0x1C000] =	vst v63  }
0xb9: {  	s23 =	sadd.s32 s21, s25;
	s24 =	rddreg [dreg:$0x12]  }
0xba: {  	[tilespmem:s13], [sflag:$0x6] =	stream.linear.gather [hbm4b:s23+s3], $0x50, $0x38;
	[tilespmem:$0x1C000] =	vst v63  }
0xbb: {  	s25 =	simm.s32 $0x680;
	s23 =	sadd.s32 s21, s24  }
0xbc: {  	[tilespmem:s25], [sflag:$0x6] =	stream.linear.gather [hbm4b:s23+s3], $0x50, $0x38;
	[tilespmem:$0x1C000] =	vst v63  }
0xbd: {  	_ =	swait.ge [sflag:s5], $0x50  }
0xbe: {  	[sflag:s5] =	ssyncset.done $0x0  }
0xbf: {  	[sflag:s5] =	ssyncadd.s32 $0xFFFFFFB0  }
0xc0: {  	_ =	swait.ge [sflag:s5], $0x50  }
0xc1: {  	[sflag:s5] =	ssyncset.done $0x0  }
0xc2: {  	[sflag:s5] =	ssyncadd.s32 $0xFFFFFFB0  }
0xc3: {  	_ =	swait.ge [sflag:s6], $0x2800  }
0xc4: {  	[sflag:s6] =	ssyncset.done $0x0  }
0xc5: {  	[sflag:s6] =	ssyncadd.s32 $0xFFFFD800  }
0xc6: {  	[tilespmem:s9], [sflag:$0x8] =	stream.indirect.gather [hbm4b:s4+s31], $0x80, s28, s31, $0xb8;
	[tilespmem:$0x1C000] =	vst v63  }
0xc7: {  	_ =	swait.ge [sflag:s2], $0x2800  }
0xc8: {  	p0 =	seq.s32 s21, $0x4B0;
	[sflag:s2] =	ssyncset.done $0x0  }
0xc9: {  	s23 =	sshrl.u32 @!p0 s22, $0x3;
	[sflag:s2] =	ssyncadd.s32 $0xFFFFD800  }
0xca: {  	[spmem:s1] =	stream.indirect.scatter.add.f32 [tilespmem:s11], [sflag:$0xB], $0x80, s15, s31, $0xb8;
	[tilespmem:$0x1C000] =	vst v63  }
0xcb: {  	s25 =	simm.s32 @!p0 $0x0;
	s24 =	sadd.s32 @!p0 s26, s23  }
0xcc: {  	[tilespmem:s25], [sflag:$0x1] =	stream.linear.gather @!p0 [hbm4b:s24+s25], $0x50, $0x38;
	[tilespmem:$0x1C000] =	vst v63  }
0xcd: {  	s24 =	rddreg [dreg:$0x3]  }
0xce: {  	s23 =	sadd.s32 @!p0 s24, s23;
	s24 =	simm.s32 @!p0 $0x400  }
0xcf: {  	[tilespmem:s24], [sflag:$0x1] =	stream.linear.gather @!p0 [hbm4b:s23+s25], $0x50, $0x38;
	[tilespmem:$0x1C000] =	vst v63  }
0xd0: {  	_ =	swait.ge [sflag:s16], $0x50  }
0xd1: {  	[sflag:s16] =	ssyncset.done $0x0  }
0xd2: {  	[sflag:s16] =	ssyncadd.s32 $0xFFFFFFB0  }
0xd3: {  	_ =	swait.ge [sflag:s16], $0x50  }
0xd4: {  	[sflag:s16] =	ssyncset.done $0x0  }
0xd5: {  	[sflag:s16] =	ssyncadd.s32 $0xFFFFFFB0  }
0xd6: {  	_ =	swait.ge [sflag:s17], $0x2800  }
0xd7: {  	[sflag:s17] =	ssyncset.done $0x0  }
0xd8: {  	[sflag:s17] =	ssyncadd.s32 $0xFFFFD800  }
0xd9: {  	[tilespmem:s0], [sflag:$0x7] =	stream.indirect.gather [hbm4b:s4+s31], $0x80, s8, s31, $0xb8;
	[tilespmem:$0x1C000] =	vst v63  }
0xda: {  	_ =	swait.ge [sflag:s12], $0x2800  }
0xdb: {  	[sflag:s12] =	ssyncset.done $0x0  }
0xdc: {  	s23 =	rddreg [dreg:$0x10];
	[sflag:s12] =	ssyncadd.s32 $0xFFFFD800  }
0xdd: {  	[spmem:s1] =	stream.indirect.scatter.add.f32 [tilespmem:s9], [sflag:$0x9], $0x80, s29, s31, $0xb8;
	[tilespmem:$0x1C000] =	vst v63  }
0xde: {  	s24 =	simm.s32 @!p0 $0x80;
	s23 =	sadd.s32 @!p0 s21, s23  }
0xdf: {  	[tilespmem:s24], [sflag:$0x2] =	stream.linear.gather @!p0 [hbm4b:s23+s25], $0x50, $0x38;
	[tilespmem:$0x1C000] =	vst v63  }
0xe0: {  	s23 =	rddreg [dreg:$0xf]  }
0xe1: {  	s24 =	simm.s32 @!p0 $0x480;
	s23 =	sadd.s32 @!p0 s21, s23  }
0xe2: {  	[tilespmem:s24], [sflag:$0x2] =	stream.linear.gather @!p0 [hbm4b:s23+s25], $0x50, $0x38;
	[tilespmem:$0x1C000] =	vst v63  }
0xe3: {  	_ =	swait.ge [sflag:s18], $0x50  }
0xe4: {  	[sflag:s18] =	ssyncset.done $0x0  }
0xe5: {  	[sflag:s18] =	ssyncadd.s32 $0xFFFFFFB0  }
0xe6: {  	_ =	swait.ge [sflag:s18], $0x50  }
0xe7: {  	[sflag:s18] =	ssyncset.done $0x0  }
0xe8: {  	[sflag:s18] =	ssyncadd.s32 $0xFFFFFFB0  }
0xe9: {  	_ =	swait.ge [sflag:s19], $0x2800  }
0xea: {  	[sflag:s19] =	ssyncset.done $0x0  }
0xeb: {  	[sflag:s19] =	ssyncadd.s32 $0xFFFFD800  }
0xec: {  	[tilespmem:s11], [sflag:$0x8] =	stream.indirect.gather [hbm4b:s4+s31], $0x80, s13, s31, $0xb8;
	[tilespmem:$0x1C000] =	vst v63  }
.Ltmp3:
0xed: {  	_ = 	snop;
	(pc) =	sbr.rel @p0 .LBB2_6-.Ltmp3, $4  }
0xee: {  	_ =	swait.ge [sflag:s2], $0x2800  }
0xef: {  	[sflag:s2] =	ssyncset.done $0x0  }
0xf0: {  	[sflag:s2] =	ssyncadd.s32 $0xFFFFD800  }
0xf1: {  	[spmem:s1] =	stream.indirect.scatter.add.f32 [tilespmem:s0], [sflag:$0xA], $0x80, s7, s31, $0xb8;
	[tilespmem:$0x1C000] =	vst v63  }
.Ltmp4:
0xf2: {  	s23 =	rddreg [dreg:$0xe];
	(pc) =	sbr.rel .LBB2_4-.Ltmp4, $4  }
0xf3: {  	s25 =	rddreg [dreg:$0xd];
	s23 =	sadd.s32 s21, s23  }
0xf4: {  	[tilespmem:s14], [sflag:$0x3] =	stream.linear.gather [hbm4b:s23+s3], $0x50, $0x38;
	[tilespmem:$0x1C000] =	vst v63  }
0xf5: {  	s22 =	sadd.s32 $0x1E0, s22;
	s23 =	sadd.s32 s21, s25;
	s21 =	sadd.s32 $0x3C, s21  }
0xf6: {  	[tilespmem:s15], [sflag:$0x3] =	stream.linear.gather [hbm4b:s23+s3], $0x50, $0x38;
	[tilespmem:$0x1C000] =	vst v63  }
.LBB2_7:
0xf7: {  	_ =	sfence.sel $0x180000  }
0xf8: {  	[bflag:$0x0] =	sbarrier.arrive $0xFFFF  }
0xf9: {  	_ =	strace $0x9000004A  }
0xfa: {  	s0 =	stileid.u32;
	[bflag:$0x2] =	sbarrier.arrive $0xFFFF  }
0xfb: {  	p0 =	sne.s32 s0, $0x0;
	s0 =	rddreg [dreg:$0x2]  }
0xfc: {  	s0 =	sadd.s32 @!p0 $0x100000, s0  }
0xfd: {  	[sflag:s0] =	ssyncadd.tile.s32 @!p0 $0x1;
	_ =	shalt  }
.Lfunc_end2:
_tile_overlayer_lowered:
.L_overlay_start_2:
0xfe: {  	(tag) =	ssettag $0x2  }
0xff: {  	s0 =	rddreg [dreg:$0x0];
	s2 =	stileid.u32  }
0x100: {  	s1 =	rddreg [dreg:$0x1];
	p0 =	sne.s32 s2, $0x0  }
0x101: {  	s3 =	rddreg [dreg:$0x2];
	[bflag:$0x3] =	sbarrier.arrive $0xFFFF;
	s2 =	simm.s32 @!p0 $0x1C0C  }
0x102: {  	[timem:s3], [sflag:s2] =	dma.local @!p0 [hbm:s0], s1  }
0x103: {  	s0 =	simm.s32 @!p0 $0xC  }
0x104: {  	_ =	swait.ge @!p0 [sflag:s0], s1  }
0x105: {  	s1 =	ssub.s32 @!p0 $0x0, s1;
	[sflag:s0] =	ssyncset.done @!p0 $0x0  }
0x106: {  	[sflag:s0] =	ssyncadd.s32 @!p0 s1  }
0x107: {  	[bflag:$0x3] =	sbarrier.arrive $0xFFFF  }
0x108: {  	_ =	shalt  }

// kernel: kernel.7.cloned.1.call-start
scs
__scs_entry_jumppad:
0x0: {  	(pc) =	sbr.rel $0x88, $3  }
0x1: {  	(tag) =	ssettag $0x0;
	lr =	simm.s32 $0x1  }
0x2: {  	[smem:$0x3F93] =	sst lr;
	_ =	strace $0xD0000000  }
0x3: {  	_ = 	snop  }
0x4: {  	_ = 	snop  }
0x5: {  	_ = 	snop  }
0x6: {  	_ = 	snop  }
0x7: {  	_ = 	snop  }
__scs_overlays_trampoline_lowered:
0x8: {  	[smem:$0x3FA2] =	sst s0  }
0x9: {  	[smem:$0x3FA3] =	sst s1  }
0xa: {  	[smem:$0x3FA4] =	sst s2  }
0xb: {  	[smem:$0x3FA5] =	sst s3  }
0xc: {  	[smem:$0x3FA6] =	sst s4  }
0xd: {  	[smem:$0x3FA7] =	sst s5  }
0xe: {  	[smem:$0x3FA8] =	sst s6  }
0xf: {  	[smem:$0x3FA9] =	sst s7  }
0x10: {  	[smem:$0x3FAA] =	sst s8  }
0x11: {  	[smem:$0x3FAB] =	sst s9;
	s0 =	simm.s32 @!p0 $0x0  }
0x12: {  	s1 =	sld [smem:$0x3F91];
	s0 =	simm.s32 @p0 $0x1  }
0x13: {  	[smem:$0x3FAC] =	sst s0;
	s0 =	simm.s32 @!p1 $0x0  }
0x14: {  	s2 =	sld [smem:$0x3F90];
	s0 =	simm.s32 @p1 $0x1  }
0x15: {  	[smem:$0x3FAD] =	sst s0;
	s0 =	simm.s32 @!p2 $0x0  }
0x16: {  	s3 =	sld [smem:$0x3FDB];
	s0 =	simm.s32 @p2 $0x1  }
0x17: {  	s4 =	simm.s32 $0x1BF5;
	[smem:$0x3FAF] =	sst s0  }
0x18: {  	s0 =	sld [smem:$0x3F92];
	_ =	swait.ge [sflag:s4], $0x0  }
0x19: {  	s7 =	sld [smem:$0x3F93]  }
0x1a: {  	s8 =	sadd.s32 $0xFFFFE003, lr  }
0x1b: {  	s9 =	sadd.s32 $0xFFFFFEF7, lr;
	s5 =	simm.s32 $0xFFFFFFFF;
	p2 =	slt.u32 s8, $0xFFFFF086  }
0x1c: {  	p1 =	slt.u32 s9, $0xF7A;
	s5 =	simm.s32 @!p2 $0x0  }
0x1d: {  	s5 =	simm.s32 @p1 $0x1;
	p0 =	seq.s32 s7, s2  }
0x1e: {  	s7 =	smul.u32 @!p0 $0xF7A, s2;
	p2 =	seq.s32 @!p0 s5, $0x0  }
0x1f: {  	s9 =	smul.u32 $0xF7A, s1;
	s8 =	simm.s32 @!p0 $0x1BF5;
	p2 =	por !p2, p0  }
0x20: {  	[sflag:s8] =	ssyncset.s32 @!p0 $0xFFFFF086;
	s6 =	sadd.s32 @!p0 s3, s7;
	s7 =	simm.s32 @!p0 $0x108  }
0x21: {  	s3 =	sadd.s32 s3, s9;
	s6 =	sadd.s32 @!p0 $0x88, s6;
	s7 =	simm.s32 @p2 $0x1082  }
0x22: {  	[simem:s7], [sflag:s8] =	dma.local @!p0 [hbm:s6], $0xF7A  }
0x23: {  	s9 =	sor.u32 $0xD0000000, s2;
	s6 =	simm.s32 $0x108;
	_ =	swait.ge @!p0 [sflag:s8], $0x0  }
0x24: {  	s3 =	sadd.s32 $0x88, s3;
	s6 =	simm.s32 @!p1 $0x1082;
	[sflag:s4] =	ssyncset.s32 $0xFFFFF086  }
0x25: {  	[simem:s6], [sflag:s4] =	dma.local [hbm:s3], $0xF7A  }
0x26: {  	[smem:$0x3F93] =	sst s1;
	(tag) =	ssettag s2;
	_ =	strace s9  }
0x27: {  	s1 =	sld [smem:$0x3FA3]  }
0x28: {  	s2 =	sld [smem:$0x3FA4]  }
0x29: {  	s4 =	sld [smem:$0x3FA6]  }
0x2a: {  	p0 =	seq.s32 s5, $0x0;
	s5 =	sld [smem:$0x3FA7]  }
0x2b: {  	s6 =	sld [smem:$0x3FA8]  }
0x2c: {  	s7 =	sld [smem:$0x3FA9]  }
0x2d: {  	s3 =	simm.s32 $0x108;
	s8 =	sld [smem:$0x3FAA]  }
0x2e: {  	s3 =	simm.s32 @!p0 $0x1082;
	s9 =	sld [smem:$0x3FAB]  }
0x2f: {  	lr =	sadd.s32 s0, s3;
	s0 =	sld [smem:$0x3FA2]  }
0x30: {  	s3 =	sld [smem:$0x3FA5]  }
0x31: {  	[smem:$0x3FAE] =	sst s10  }
0x32: {  	s10 =	sld [smem:$0x3FAC];
	_ =	sdelay $0x3  }
0x33: {  	p0 =	seq.s32 s10, $0x1;
	s10 =	sld [smem:$0x3FAE];
	_ =	sdelay $0x3  }
0x34: {  	[smem:$0x3FAE] =	sst s10  }
0x35: {  	s10 =	sld [smem:$0x3FAD];
	_ =	sdelay $0x3  }
0x36: {  	p1 =	seq.s32 s10, $0x1;
	s10 =	sld [smem:$0x3FAE];
	_ =	sdelay $0x3  }
0x37: {  	[smem:$0x3FAE] =	sst s10  }
0x38: {  	s10 =	sld [smem:$0x3FAF]  }
0x39: {  	_ = 	snop;
	(pc) =	sbr.ind lr, $3  }
0x3a: {  	_ = 	snop  }
0x3b: {  	_ = 	snop  }
0x3c: {  	p2 =	seq.s32 s10, $0x1;
	s10 =	sld [smem:$0x3FAE]  }
0x3d: {  	_ =	shalt  }
0x3e: {  	_ =	shalt  }
0x3f: {  	_ =	shalt  }
0x40: {  	_ =	shalt  }
0x41: {  	_ =	shalt  }
0x42: {  	_ =	shalt  }
0x43: {  	_ =	shalt  }
0x44: {  	_ =	shalt  }
0x45: {  	_ =	shalt  }
0x46: {  	_ =	shalt  }
0x47: {  	_ =	shalt  }
0x48: {  	_ =	shalt  }
0x49: {  	_ =	shalt  }
0x4a: {  	_ =	shalt  }
0x4b: {  	_ =	shalt  }
0x4c: {  	_ =	shalt  }
0x4d: {  	_ =	shalt  }
0x4e: {  	_ =	shalt  }
0x4f: {  	_ =	shalt  }
0x50: {  	_ =	shalt  }
0x51: {  	_ =	shalt  }
0x52: {  	_ =	shalt  }
0x53: {  	_ =	shalt  }
0x54: {  	_ =	shalt  }
0x55: {  	_ =	shalt  }
0x56: {  	_ =	shalt  }
0x57: {  	_ =	shalt  }
0x58: {  	_ =	shalt  }
0x59: {  	_ =	shalt  }
0x5a: {  	_ =	shalt  }
0x5b: {  	_ =	shalt  }
0x5c: {  	_ =	shalt  }
0x5d: {  	_ =	shalt  }
0x5e: {  	_ =	shalt  }
0x5f: {  	_ =	shalt  }
0x60: {  	_ =	shalt  }
0x61: {  	_ =	shalt  }
0x62: {  	_ =	shalt  }
0x63: {  	_ =	shalt  }
0x64: {  	_ =	shalt  }
0x65: {  	_ =	shalt  }
0x66: {  	_ =	shalt  }
0x67: {  	_ =	shalt  }
0x68: {  	_ =	shalt  }
0x69: {  	_ =	shalt  }
0x6a: {  	_ =	shalt  }
0x6b: {  	_ =	shalt  }
0x6c: {  	_ =	shalt  }
0x6d: {  	_ =	shalt  }
0x6e: {  	_ =	shalt  }
0x6f: {  	_ =	shalt  }
0x70: {  	_ =	shalt  }
0x71: {  	_ =	shalt  }
0x72: {  	_ =	shalt  }
0x73: {  	_ =	shalt  }
0x74: {  	_ =	shalt  }
0x75: {  	_ =	shalt  }
0x76: {  	_ =	shalt  }
0x77: {  	_ =	shalt  }
0x78: {  	_ =	shalt  }
0x79: {  	_ =	shalt  }
0x7a: {  	_ =	shalt  }
0x7b: {  	_ =	shalt  }
0x7c: {  	_ =	shalt  }
0x7d: {  	_ =	shalt  }
0x7e: {  	_ =	shalt  }
0x7f: {  	_ =	shalt  }
0x80: {  	_ =	shalt  }
0x81: {  	_ =	shalt  }
0x82: {  	_ =	shalt  }
0x83: {  	_ =	shalt  }
0x84: {  	_ =	shalt  }
0x85: {  	_ =	shalt  }
0x86: {  	_ =	shalt  }
0x87: {  	_ =	shalt  }
.Lfunc_end0:
.L_simem_size_0:
called_computation_lowered:
.L_overlay_start_0:
0x88: {  	s2 =	sld [smem:$0x3FD9]  }
0x89: {  	s3 =	sld [smem:$0x3FFE];
	_ =	sdelay $0x1  }
0x8a: {  	s1 =	srdreg.scid  }
0x8b: {  	s0 =	sand.u32 $0x1, s1  }
0x8c: {  	s17 =	sshll.u32 s0, $0xA;
	s2 =	sadd.s32 s3, s2  }
0x8d: {  	s2 =	sadd.s32 s2, s17  }
0x8e: {  	[smem:$0x3FBA] =	sst s2  }
0x8f: {  	_ = 	snop  }
0x90: {  	s2 =	sld [smem:$0x3FC9];
	(tm) =	ssettm $0x1  }
0x91: {  	s18 =	sld [smem:$0x3FFB];
	_ =	sdelay $0x3  }
0x92: {  	_ =	strace s18  }
0x93: {  	s3 =	sld [smem:$0x3FFC];
	_ =	sdelay $0x3  }
0x94: {  	_ =	strace s3  }
0x95: {  	s3 =	sld [smem:$0x3FFD];
	_ =	sdelay $0x3  }
0x96: {  	_ =	strace s3  }
0x97: {  	_ =	strace $0x8FFFFFFF  }
0x98: {  	s19 =	sld [smem:$0x3FDB];
	_ =	sdelay $0x1  }
0x99: {  	s4 =	simm.s32 $_scs_section_size  }
0x9a: {  	s5 =	simm.s32 $_size__tile_overlayer_lowered;
	s6 =	simm.s32 $_tile_overlayer_lowered  }
0x9b: {  	s22 =	simm.s32 $0x1BFF;
	s21 =	sshll.u32 s6, $0x1;
	s3 =	sadd.s32 s4, s19  }
0x9c: {  	s7 =	simm.s32 $0x0;
	s20 =	sshll.u32 s5, $0x1;
	s5 =	sadd.s32 s21, s3  }
0x9d: {  	[timem:s7], [sflag:s22] =	dma.local [hbm:s5], s20  }
0x9e: {  	_ =	swait.ge [sflag:s22], s20  }
0x9f: {  	s4 =	ssub.s32 $0x0, s20;
	[sflag:s22] =	ssyncset.done $0x0  }
0xa0: {  	[sflag:s22] =	ssyncadd.s32 s4;
	_ =	sdelay $0x1  }
0xa1: {  	s23 =	simm.s32 $0x1B8B  }
0xa2: {  	_ =	swait.ge [sflag:s23], $0x1  }
0xa3: {  	[sflag:s23] =	ssyncset.done $0x0  }
0xa4: {  	s25 =	simm.s32 $0x1B8E;
	s24 =	sld [smem:$0x3FFE];
	[sflag:s23] =	ssyncadd.s32 $0xFFFFFFFF  }
0xa5: {  	s26 =	simm.s32 $execute0_lowered;
	[smem:$0x3FD2] =	sst s25  }
0xa6: {  	s5 =	sshll.u32 s26, $0x1;
	_ =	strace $0x80000046;
	[dreg:$0x1] =	wrdreg $0xFFFFFFFF  }
0xa7: {  	s28 =	simm.s32 $_size_execute0_lowered;
	s3 =	sadd.s32 s3, s5;
	[dreg:$0x0] =	wrdreg $0x0  }
0xa8: {  	s5 =	sshll.u32 s28, $0x1;
	[dreg:$0x2] =	wrdreg s3  }
0xa9: {  	[dreg:$0x3] =	wrdreg s5  }
0xaa: {  	[dreg:$0x4] =	wrdreg $0xC0  }
0xab: {  	_ =	task [dreg:s7], $0x5FFFF  }
0xac: {  	[dreg:$0x1] =	wrdreg $0xFFFFFFFF  }
0xad: {  	[dreg:$0x0] =	wrdreg $0x60  }
0xae: {  	[dreg:$0x2] =	wrdreg s2  }
0xaf: {  	[dreg:$0x3] =	wrdreg s24  }
0xb0: {  	[dreg:$0x4] =	wrdreg $0x80000  }
0xb1: {  	[dreg:$0x5] =	wrdreg $0x1E8800  }
0xb2: {  	[dreg:$0x6] =	wrdreg $0x9  }
0xb3: {  	_ =	task.clear_ibuf [dreg:s7], $0x7FFFF;
	_ =	strace $0x90000046  }
0xb4: {  	s29 =	simm.s32 $0x9;
	_ =	strace $0x80000048  }
0xb5: {  	_ =	swait.ge [sflag:s29], $0x1  }
0xb6: {  	[sflag:s29] =	ssyncadd.s32 $0xFFFFFFFF  }
0xb7: {  	_ =	strace $0x90000048  }
0xb8: {  	_ =	sfence  }
0xb9: {  	s30 =	sld [smem:$0x0];
	_ =	sdelay $0x2  }
0xba: {  	s31 =	sshll.u32 s1, $0xD;
	s1 =	sshrl.u32 s1, $0x2  }
0xbb: {  	s3 =	sand.u32 $0x4000, s31;
	s1 =	sadd.s32 s1, s30  }
0xbc: {  	s0 =	sor.u32 s3, s0;
	s1 =	sshll.u32 s1, $0x11  }
0xbd: {  	s0 =	sor.u32 s1, s0  }
0xbe: {  	s0 =	sadd.s32 $0x8F2B, s0  }
0xbf: {  	[sflag:s0] =	ssyncadd.remote.s32 $0x1  }
0xc0: {  	_ =	sfence.sel $0xFFFF  }
0xc1: {  	[dreg:$0x0] =	wrdreg $0xFFFFFFFF;
	(pc) =	sbr.abs _section_cstart, $3  }
0xc2: {  	[dreg:$0x1] =	wrdreg $0xFFFFFFFF  }
0xc3: {  	_ =	task.clear_ibuf [dreg:s7], $0x2FFFF;
	_ =	strace $0x9FFFFFFF  }
0xc4: {  	(tm) =	ssettm $0x7FFFFFFF  }
0xc5: {  	_ =	shalt  }
tec
execute0_lowered:
.L_overlay_start_1:
0x0: {  	(tag) =	ssettag $0x1  }
0x1: {  	s1 =	rddreg [dreg:$0x0]  }
0x2: {  	s0 =	rddreg [dreg:$0x1]  }
0x3: {  	s2 =	rddreg [dreg:$0x2]  }
0x4: {  	s26 =	rddreg [dreg:$0x3];
	s3 =	srdreg.scid  }
0x5: {  	s4 =	simm.s32 $0x0;
	s11 =	stileid.u32;
	s30 =	simm.s32 $0x1  }
0x6: {  	s31 =	simm.s32 $0x50;
	s29 =	simm.s32 $0x0;
	s6 =	smul.u32 $0x14000, s11  }
0x7: {  	s3 =	sand.u32 $0x1, s3;
	[smem:$0x7FF] =	sst s4;
	s9 =	smul.u32 $0x50000, s11  }
0x8: {  	s12 =	sadd.s32 $0x3400, s0;
	s13 =	sadd.s32 $0xD200, s0;
	s21 =	smul.u32 $0x2760, s11  }
0x9: {  	s7 =	sshll.u32 s11, $0xA;
	p0 =	sne.s32 s11, $0x0;
	s5 =	smul.u32 $0x140000, s3  }
0xa: {  	p1 =	sgt.u32 s11, $0x9;
	_ =	strace $0x80000047;
	s16 =	smul.u32 $0x2800, s3  }
0xb: {  	s8 =	sshll.u32 s3, $0x4;
	s10 =	ssub.s32 $0x2, s3;
	[dreg:$0x6] =	wrdreg s13  }
0xc: {  	s3 =	smul.u32 $0x27600, s3;
	[dreg:$0x5] =	wrdreg s12;
	s8 =	sor.u32 s11, s8  }
0xd: {  	s17 =	sshrl.u32 s10, $0x1;
	s9 =	sshrl.u32 s9, $0x2;
	s11 =	simm.s32 $0x7  }
0xe: {  	s5 =	sadd.s32 s6, s5;
	s6 =	sadd.s32 s7, s16;
	s8 =	smul.u32 $0x2760, s8  }
0xf: {  	s28 =	sadd.s32 s9, s2;
	s3 =	sadd.s32 s21, s3;
	s5 =	sshrl.u32 s5, $0x3  }
0x10: {  	s6 =	sshrl.u32 s6, $0x3;
	s21 =	sadd.s32 $0x7800, s28;
	[dreg:$0x7] =	wrdreg s28  }
0x11: {  	s5 =	sadd.s32 s5, s0;
	s0 =	sadd.s32 s6, s0;
	s6 =	ssub.s32 s10, s17  }
0x12: {  	s8 =	sshrl.u32 s8, $0x3;
	s10 =	sadd.s32 $0x1E0, s3;
	[dreg:$0x1f] =	wrdreg s21  }
0x13: {  	s23 =	sadd.s32 $0x280, s3;
	s18 =	sadd.s32 s12, s8;
	[dreg:$0x15] =	wrdreg s10  }
0x14: {  	s24 =	sadd.s32 $0x230, s3;
	s19 =	sadd.s32 s13, s8;
	[dreg:$0x8] =	wrdreg s18  }
0x15: {  	s21 =	simm.s32 $0x6;
	s5 =	sadd.s32 $0x17A00, s5;
	[dreg:$0x9] =	wrdreg s19  }
0x16: {  	s20 =	sadd.s32 $0xA, s8;
	s0 =	sadd.s32 $0x17000, s0;
	[dreg:$0xe] =	wrdreg s5  }
0x17: {  	s8 =	sadd.s32 $0x14, s8;
	s6 =	smax.u32 s6, $0x1;
	[dreg:$0xf] =	wrdreg s0  }
0x18: {  	s10 =	simm.s32 $0x3000;
	s14 =	sadd.s32 s12, s20;
	[dreg:$0x10] =	wrdreg s6  }
0x19: {  	s9 =	sadd.s32 s13, s20;
	s22 =	sadd.s32 s12, s8;
	[dreg:$0xa] =	wrdreg s14  }
0x1a: {  	s8 =	sadd.s32 s13, s8;
	s5 =	sadd.s32 s7, s26;
	[dreg:$0xb] =	wrdreg s9  }
0x1b: {  	s0 =	sshrl.u32 s23, $0x3;
	s7 =	sshrl.u32 s24, $0x3;
	[dreg:$0xc] =	wrdreg s22  }
0x1c: {  	s19 =	sadd.s32 $0x2800, s28;
	s20 =	sadd.s32 $0x5000, s28;
	[dreg:$0xd] =	wrdreg s8  }
0x1d: {  	s23 =	sadd.s32 $0xC800, s28;
	s24 =	sadd.s32 $0xF000, s28;
	[dreg:$0x1d] =	wrdreg s19  }
0x1e: {  	s25 =	sadd.s32 s0, s13;
	s0 =	sadd.s32 s0, s12;
	[dreg:$0x1e] =	wrdreg s20  }
0x1f: {  	s8 =	sadd.s32 s7, s13;
	s9 =	sadd.s32 $0x190, s3;
	[smem:$0x7FB] =	sst s23  }
0x20: {  	s6 =	sadd.s32 s7, s12;
	s14 =	sadd.s32 $0x140, s3;
	[smem:$0x7FC] =	sst s24  }
0x21: {  	s3 =	sadd.s32 $0xF0, s3;
	s22 =	sadd.s32 $0xA000, s28;
	[dreg:$0x11] =	wrdreg s25  }
0x22: {  	s7 =	simm.s32 $0x4;
	s19 =	simm.s32 $0x5;
	[dreg:$0x12] =	wrdreg s0  }
0x23: {  	s20 =	simm.s32 $0xA;
	s23 =	simm.s32 $0xB;
	[dreg:$0x13] =	wrdreg s8  }
0x24: {  	[dreg:$0x14] =	wrdreg s6;
	s0 =	sshrl.u32 s9, $0x3;
	s16 =	sshrl.u32 s14, $0x3  }
0x25: {  	s3 =	sshrl.u32 s3, $0x3;
	[smem:$0x7FA] =	sst s22;
	s25 =	sadd.s32 $0x11800, s28  }
0x26: {  	s22 =	simm.s32 $0x500;
	s9 =	simm.s32 $0x2;
	s8 =	simm.s32 $0x200  }
0x27: {  	s14 =	simm.s32 $0x3;
	s15 =	sadd.s32 s0, s13;
	[smem:$0x7FD] =	sst s25  }
0x28: {  	s0 =	sadd.s32 s0, s12;
	s6 =	sadd.s32 s16, s13;
	[dreg:$0x16] =	wrdreg s15  }
0x29: {  	s17 =	sadd.s32 s3, s13;
	s18 =	sadd.s32 s3, s12;
	[dreg:$0x17] =	wrdreg s0  }
0x2a: {  	s3 =	simm.s32 $0x580;
	s13 =	simm.s32 $0x600;
	[dreg:$0x18] =	wrdreg s6  }
.Ltmp0:
0x2b: {  	s0 =	sadd.s32 s16, s12;
	[dreg:$0x1a] =	wrdreg s17;
	(pc) =	sbr.rel .LBB2_1-.Ltmp0, $4  }
0x2c: {  	[dreg:$0x1b] =	wrdreg s18;
	s12 =	simm.s32 $0x800;
	s17 =	simm.s32 $0x100  }
0x2d: {  	v0 =	vlaneseq.u32;
	s15 =	simm.s32 $0x5800;
	s16 =	simm.s32 $0x8;
	s6 =	simm.s32 $0x280  }
0x2e: {  	v1 =	vimm.f32 $0.0e+00;
	v2 =	vor.u32 $0x10, v0;
	s18 =	simm.s32 $0x9;
	[dreg:$0x19] =	wrdreg s0;
	s0 =	sshrl.u32 @!p1 s5, $0x3  }
0x2f: {  	v3 =	vor.u32 $0x20, v0;
	v4 =	vor.u32 $0x30, v0;
	v5 =	vor.u32 $0x40, v0;
	s5 =	simm.s32 $0x180;
	[dreg:$0x1c] =	wrdreg s0;
	s0 =	simm.s32 $0x1C000  }
.LBB2_8:
0x30: {  	_ =	swait.ge [sflag:s16], $0x2800  }
0x31: {  	[sflag:s16] =	ssyncset.done $0x0  }
0x32: {  	s24 =	simm.s32 $0x680;
	[sflag:s16] =	ssyncadd.s32 $0xFFFFD800  }
0x33: {  	[spmem:s2] =	stream.indirect.scatter.add.f32 [tilespmem:s15], [sflag:$0xB], $0x80, s24, s31, $0xb8;
	[tilespmem:$0x1EB00] =	vst v63  }
0x34: {  	_ =	swait.ge [sflag:s18], $0x2800  }
0x35: {  	[sflag:s18] =	ssyncset.done $0x0  }
0x36: {  	[sflag:s18] =	ssyncadd.s32 $0xFFFFD800  }
0x37: {  	_ =	swait.ge [sflag:s20], $0x2800  }
0x38: {  	[sflag:s20] =	ssyncset.done $0x0  }
0x39: {  	[sflag:s20] =	ssyncadd.s32 $0xFFFFD800  }
0x3a: {  	_ =	swait.ge [sflag:s23], $0x2800  }
0x3b: {  	[sflag:s23] =	ssyncset.done $0x0  }
0x3c: {  	[sflag:s23] =	ssyncadd.s32 $0xFFFFD800  }
0x3d: {  	s25 =	simm.s32 $0x1E800;
	s26 =	rddreg [dreg:$0x3]  }
0x3e: {  	[spmem:s26] =	stream.indirect.scatter.add.f32 [tilespmem:s0], [sflag:$0xC], $0x80, s25, s31, $0xb8;
	[tilespmem:$0x1EB00] =	vst v63  }
0x3f: {  	s25 =	simm.s32 $0xC  }
0x40: {  	_ =	swait.ge [sflag:s25], $0x2800  }
0x41: {  	[sflag:s25] =	ssyncset.done $0x0  }
0x42: {  	[sflag:s25] =	ssyncadd.s32 $0xFFFFD800  }
0x43: {  	s25 =	stileid.u32;
	[bflag:$0x0] =	sbarrier.arrive $0xFFFF  }
0x44: {  	s24 =	sshll.u32 s25, $0x6;
	s28 =	rddreg [dreg:$0x7]  }
0x45: {  	s24 =	sor.u32 $0x1C0D, s24;
	s29 =	rddreg [dreg:$0xe];
	s25 =	sshrl.u32 s28, $0x3  }
0x46: {  	[hbm:s29], [sflag:s24] =	dma.local [spmem:s25], $0x2800  }
0x47: {  	s25 =	simm.s32 $0xD  }
0x48: {  	_ =	swait.ge [sflag:s25], $0x2800  }
0x49: {  	[sflag:s25] =	ssyncset.done $0x0;
	s29 =	rddreg [dreg:$0x1c]  }
0x4a: {  	[sflag:s25] =	ssyncadd.s32 $0xFFFFD800;
	s25 =	rddreg [dreg:$0xf]  }
0x4b: {  	[hbm:s25], [sflag:s24] =	dma.local @!p1 [spmem:s29], $0x80  }
0x4c: {  	s24 =	simm.s32 @!p1 $0xD  }
0x4d: {  	_ =	swait.ge @!p1 [sflag:s24], $0x80  }
0x4e: {  	s29 =	sld [smem:$0x7F9];
	_ =	sdelay $0x2  }
0x4f: {  	s25 =	rddreg [dreg:$0x10];
	s29 =	sadd.s32 $0x1, s29  }
0x50: {  	p2 =	sne.s32 s29, s25  }
.Ltmp1:
0x51: {  	_ = 	snop;
	(pc) =	sbr.rel @!p2 .LBB2_9-.Ltmp1, $3  }
0x52: {  	_ =	sdelay $0x1  }
0x53: {  	[sflag:s24] =	ssyncset.done @!p1 $0x0  }
0x54: {  	[sflag:s24] =	ssyncadd.s32 @!p1 $0xFFFFFF80  }
.LBB2_1:
0x55: {  	s24 =	simm.s32 $0x0;
	s25 =	simm.s32 $0x200  }
.LBB2_2:
0x56: {  	p2 =	sne.s32 s25, $0x9E00;
	[tilespmem:s24+$0x870] =	vst v1  }
0x57: {  	[tilespmem:s24+$0x800] =	vst v1  }
0x58: {  	[tilespmem:s24+$0x810] =	vst v1  }
.Ltmp2:
0x59: {  	[tilespmem:s24+$0x820] =	vst v1;
	(pc) =	sbr.rel @p2 .LBB2_2-.Ltmp2, $4  }
0x5a: {  	[tilespmem:s24+$0x830] =	vst v1  }
0x5b: {  	[tilespmem:s24+$0x840] =	vst v1  }
0x5c: {  	[tilespmem:s24+$0x850] =	vst v1  }
0x5d: {  	[tilespmem:s24+$0x860] =	vst v1;
	s24 =	sshra.s32 s25, $0x2;
	s25 =	sadd.s32 $0x200, s25  }
0x5e: {  	[tilespmem:s24+$0x870] =	vst v1  }
0x5f: {  	[tilespmem:s24+$0x800] =	vst v1  }
0x60: {  	[tilespmem:s24+$0x810] =	vst v1  }
0x61: {  	[tilespmem:s24+$0x820] =	vst v1  }
0x62: {  	[tilespmem:s24+$0x830] =	vst v1  }
0x63: {  	[tilespmem:s24+$0x840] =	vst v1  }
0x64: {  	[tilespmem:s24+$0x850] =	vst v1  }
0x65: {  	[smem:$0x7F9] =	sst s29;
	[tilespmem:s24+$0x860] =	vst v1;
	s25 =	simm.s32 $0xD  }
0x66: {  	[spmem:s28] =	stream.linear.scatter [tilespmem:s12], [sflag:$0xD], $0x2800, $0x38;
	[tilespmem:$0x1EB00] =	vst v63  }
0x67: {  	_ =	swait.ge [sflag:s25], $0x2800  }
0x68: {  	[sflag:s25] =	ssyncset.done $0x0  }
0x69: {  	s29 =	rddreg [dreg:$0x1d];
	[sflag:s25] =	ssyncadd.s32 $0xFFFFD800  }
0x6a: {  	[spmem:s29] =	stream.linear.scatter [tilespmem:s12], [sflag:$0xD], $0x2800, $0x38;
	[tilespmem:$0x1EB00] =	vst v63  }
0x6b: {  	_ =	swait.ge [sflag:s25], $0x2800  }
0x6c: {  	[sflag:s25] =	ssyncset.done $0x0  }
0x6d: {  	s28 =	rddreg [dreg:$0x1e];
	[sflag:s25] =	ssyncadd.s32 $0xFFFFD800  }
0x6e: {  	[spmem:s28] =	stream.linear.scatter [tilespmem:s12], [sflag:$0xD], $0x2800, $0x38;
	[tilespmem:$0x1EB00] =	vst v63  }
0x6f: {  	_ =	swait.ge [sflag:s25], $0x2800  }
0x70: {  	[sflag:s25] =	ssyncset.done $0x0  }
0x71: {  	s29 =	rddreg [dreg:$0x1f];
	[sflag:s25] =	ssyncadd.s32 $0xFFFFD800  }
0x72: {  	[spmem:s29] =	stream.linear.scatter [tilespmem:s12], [sflag:$0xD], $0x2800, $0x38;
	[tilespmem:$0x1EB00] =	vst v63  }
0x73: {  	_ =	swait.ge [sflag:s25], $0x2800  }
0x74: {  	s28 =	sld [smem:$0x7FA]  }
0x75: {  	[sflag:s25] =	ssyncset.done $0x0  }
0x76: {  	[sflag:s25] =	ssyncadd.s32 $0xFFFFD800  }
0x77: {  	[spmem:s28] =	stream.linear.scatter [tilespmem:s12], [sflag:$0xD], $0x2800, $0x38;
	[tilespmem:$0x1EB00] =	vst v63  }
0x78: {  	_ =	swait.ge [sflag:s25], $0x2800  }
0x79: {  	s29 =	sld [smem:$0x7FB]  }
0x7a: {  	[sflag:s25] =	ssyncset.done $0x0  }
0x7b: {  	[sflag:s25] =	ssyncadd.s32 $0xFFFFD800  }
0x7c: {  	[spmem:s29] =	stream.linear.scatter [tilespmem:s12], [sflag:$0xD], $0x2800, $0x38;
	[tilespmem:$0x1EB00] =	vst v63  }
0x7d: {  	_ =	swait.ge [sflag:s25], $0x2800  }
0x7e: {  	s28 =	sld [smem:$0x7FC]  }
0x7f: {  	[sflag:s25] =	ssyncset.done $0x0  }
0x80: {  	[sflag:s25] =	ssyncadd.s32 $0xFFFFD800  }
0x81: {  	[spmem:s28] =	stream.linear.scatter [tilespmem:s12], [sflag:$0xD], $0x2800, $0x38;
	[tilespmem:$0x1EB00] =	vst v63  }
0x82: {  	_ =	swait.ge [sflag:s25], $0x2800  }
0x83: {  	s29 =	sld [smem:$0x7FD]  }
0x84: {  	[sflag:s25] =	ssyncset.done $0x0  }
0x85: {  	[sflag:s25] =	ssyncadd.s32 $0xFFFFD800  }
0x86: {  	[spmem:s29] =	stream.linear.scatter [tilespmem:s12], [sflag:$0xD], $0x2800, $0x38;
	[tilespmem:$0x1EB00] =	vst v63  }
0x87: {  	_ =	swait.ge [sflag:s25], $0x2800  }
0x88: {  	[sflag:s25] =	ssyncset.done $0x0  }
0x89: {  	s24 =	simm.s32 $0x0;
	[sflag:s25] =	ssyncadd.s32 $0xFFFFD800;
	s25 =	simm.s32 $0x200  }
.LBB2_4:
0x8a: {  	p2 =	sne.s32 s25, $0x9E00;
	[tilespmem:s24+$0x1C070] =	vst v1  }
0x8b: {  	[tilespmem:s24+$0x1C000] =	vst v1  }
0x8c: {  	[tilespmem:s24+$0x1C010] =	vst v1  }
.Ltmp3:
0x8d: {  	[tilespmem:s24+$0x1C020] =	vst v1;
	(pc) =	sbr.rel @p2 .LBB2_4-.Ltmp3, $4  }
0x8e: {  	[tilespmem:s24+$0x1C030] =	vst v1  }
0x8f: {  	[tilespmem:s24+$0x1C040] =	vst v1  }
0x90: {  	[tilespmem:s24+$0x1C050] =	vst v1  }
0x91: {  	[tilespmem:s24+$0x1C060] =	vst v1;
	s24 =	sshra.s32 s25, $0x2;
	s25 =	sadd.s32 $0x200, s25  }
0x92: {  	[tilespmem:s24+$0x1C070] =	vst v1  }
0x93: {  	[tilespmem:s24+$0x1C000] =	vst v1  }
0x94: {  	[tilespmem:s24+$0x1C010] =	vst v1  }
0x95: {  	[tilespmem:s24+$0x1C020] =	vst v1  }
0x96: {  	[tilespmem:s24+$0x1C030] =	vst v1  }
0x97: {  	[tilespmem:s24+$0x1C040] =	vst v1  }
0x98: {  	[tilespmem:s24+$0x1C050] =	vst v1  }
0x99: {  	[tilespmem:s24+$0x1C060] =	vst v1  }
0x9a: {  	[tilespmem:$0x1E800] =	vst v0  }
0x9b: {  	[tilespmem:$0x1E810] =	vst v2  }
0x9c: {  	[tilespmem:$0x1E820] =	vst v3  }
0x9d: {  	[tilespmem:$0x1E830] =	vst v4  }
0x9e: {  	s24 =	simm.s32 @!p0 $0x1C000;
	[tilespmem:$0x1E840] =	vst v5  }
0x9f: {  	[spmem:s26] =	stream.linear.scatter @!p0 [tilespmem:s24], [sflag:$0xD], $0x2800, $0x38;
	[tilespmem:$0x1EB00] =	vst v63  }
0xa0: {  	s24 =	simm.s32 @!p0 $0xD  }
0xa1: {  	_ =	swait.ge @!p0 [sflag:s24], $0x2800  }
0xa2: {  	[sflag:s24] =	ssyncset.done @!p0 $0x0  }
0xa3: {  	[sflag:s24] =	ssyncadd.s32 @!p0 $0xFFFFD800  }
0xa4: {  	[bflag:$0x0] =	sbarrier.arrive $0xFFFF  }
0xa5: {  	s25 =	rddreg [dreg:$0x8]  }
0xa6: {  	s24 =	simm.s32 $0x0;
	s28 =	rddreg [dreg:$0x9]  }
0xa7: {  	[tilespmem:s24], [sflag:$0x1] =	stream.linear.gather [hbm4b:s25+s24], $0x50, $0x38;
	[tilespmem:$0x1EB00] =	vst v63  }
0xa8: {  	s29 =	simm.s32 $0x400;
	s25 =	rddreg [dreg:$0x15]  }
0xa9: {  	[tilespmem:s29], [sflag:$0x1] =	stream.linear.gather [hbm4b:s28+s24], $0x50, $0x38;
	[tilespmem:$0x1EB00] =	vst v63  }
0xaa: {  	s28 =	rddreg [dreg:$0xa];
	s29 =	simm.s32 $0x80  }
0xab: {  	[tilespmem:s29], [sflag:$0x2] =	stream.linear.gather [hbm4b:s28+s24], $0x50, $0x38;
	[tilespmem:$0x1EB00] =	vst v63  }
0xac: {  	s28 =	rddreg [dreg:$0xb];
	s29 =	simm.s32 $0x480  }
0xad: {  	[tilespmem:s29], [sflag:$0x2] =	stream.linear.gather [hbm4b:s28+s24], $0x50, $0x38;
	[tilespmem:$0x1EB00] =	vst v63  }
0xae: {  	s28 =	rddreg [dreg:$0xc]  }
0xaf: {  	[tilespmem:s17], [sflag:$0x3] =	stream.linear.gather [hbm4b:s28+s24], $0x50, $0x38;
	[tilespmem:$0x1EB00] =	vst v63  }
0xb0: {  	s29 =	rddreg [dreg:$0xd]  }
0xb1: {  	[tilespmem:s22], [sflag:$0x3] =	stream.linear.gather [hbm4b:s29+s24], $0x50, $0x38;
	[tilespmem:$0x1EB00] =	vst v63  }
.LBB2_6:
0xb2: {  	_ =	swait.ge [sflag:s30], $0x50  }
0xb3: {  	[sflag:s30] =	ssyncset.done $0x0  }
0xb4: {  	[sflag:s30] =	ssyncadd.s32 $0xFFFFFFB0  }
0xb5: {  	_ =	swait.ge [sflag:s30], $0x50  }
0xb6: {  	p2 =	seq.s32 s24, $0x0;
	[sflag:s30] =	ssyncset.done $0x0  }
0xb7: {  	s26 =	simm.s32 @!p2 $0x9;
	[sflag:s30] =	ssyncadd.s32 $0xFFFFFFB0  }
0xb8: {  	_ =	swait.ge @!p2 [sflag:s26], $0x2800  }
0xb9: {  	[sflag:s26] =	ssyncset.done @!p2 $0x0  }
0xba: {  	[sflag:s26] =	ssyncadd.s32 @!p2 $0xFFFFD800  }
0xbb: {  	[tilespmem:s12], [sflag:$0x7] =	stream.indirect.gather [hbm4b:s1+s31], $0x80, s4, s31, $0xb8;
	[tilespmem:$0x1EB00] =	vst v63  }
0xbc: {  	v6 =	vld [tilespmem:$0x400];
	_ =	sdelay $0x4  }
0xbd: {  	(xrf1) =	vunique.msk.u32 $0xffff, v6;
	_ =	sdelay $0xd  }
0xbe: {  	_, v7, vm0 =	vpop (xrf1);
	_ =	sdelay $0x3  }
0xbf: {  	v7 =	vcvt.s32.f32 v7;
	_ =	sdelay $0x1  }
0xc0: {  	[tilespmem:v6+s0+$0x0] =	vst.idx.add.f32.msk vm0, v7  }
0xc1: {  	v6 =	vld [tilespmem:$0x410];
	_ =	sdelay $0x4  }
0xc2: {  	(xrf1) =	vunique.msk.u32 $0xffff, v6;
	_ =	sdelay $0xd  }
0xc3: {  	_, v7, vm0 =	vpop (xrf1);
	_ =	sdelay $0x3  }
0xc4: {  	v7 =	vcvt.s32.f32 v7;
	_ =	sdelay $0x1  }
0xc5: {  	[tilespmem:v6+s0+$0x0] =	vst.idx.add.f32.msk vm0, v7  }
0xc6: {  	v6 =	vld [tilespmem:$0x420];
	_ =	sdelay $0x4  }
0xc7: {  	(xrf1) =	vunique.msk.u32 $0xffff, v6;
	_ =	sdelay $0xd  }
0xc8: {  	_, v7, vm0 =	vpop (xrf1);
	_ =	sdelay $0x3  }
0xc9: {  	v7 =	vcvt.s32.f32 v7;
	_ =	sdelay $0x1  }
0xca: {  	[tilespmem:v6+s0+$0x0] =	vst.idx.add.f32.msk vm0, v7  }
0xcb: {  	v6 =	vld [tilespmem:$0x430];
	_ =	sdelay $0x4  }
0xcc: {  	(xrf1) =	vunique.msk.u32 $0xffff, v6;
	_ =	sdelay $0xd  }
0xcd: {  	_, v7, vm0 =	vpop (xrf1);
	_ =	sdelay $0x3  }
0xce: {  	v7 =	vcvt.s32.f32 v7;
	_ =	sdelay $0x1  }
0xcf: {  	[tilespmem:v6+s0+$0x0] =	vst.idx.add.f32.msk vm0, v7  }
0xd0: {  	v6 =	vld [tilespmem:$0x440];
	_ =	sdelay $0x4  }
0xd1: {  	(xrf1) =	vunique.msk.u32 $0xffff, v6;
	_ =	sdelay $0xd  }
0xd2: {  	_, v7, vm0 =	vpop (xrf1);
	_ =	sdelay $0x3  }
0xd3: {  	v7 =	vcvt.s32.f32 v7;
	_ =	sdelay $0x1  }
0xd4: {  	s26 =	simm.s32 @!p2 $0x8;
	[tilespmem:v6+s0+$0x0] =	vst.idx.add.f32.msk vm0, v7  }
0xd5: {  	_ =	swait.ge @!p2 [sflag:s26], $0x2800  }
0xd6: {  	s28 =	simm.s32 @!p2 $0x680;
	[sflag:s26] =	ssyncset.done @!p2 $0x0  }
0xd7: {  	s29 =	simm.s32 @!p2 $0x5800;
	[sflag:s26] =	ssyncadd.s32 @!p2 $0xFFFFD800;
	s26 =	simm.s32 @!p2 $0x50  }
0xd8: {  	[spmem:s2] =	stream.indirect.scatter.add.f32 @!p2 [tilespmem:s29], [sflag:$0xB], $0x80, s28, s26, $0xb8;
	[tilespmem:$0x1EB00] =	vst v63  }
0xd9: {  	s28 =	rddreg [dreg:$0x1b]  }
0xda: {  	s29 =	rddreg [dreg:$0x1a];
	s26 =	sadd.s32 s24, s28  }
0xdb: {  	[tilespmem:s5], [sflag:$0x4] =	stream.linear.gather [hbm4b:s26+s4], $0x50, $0x38;
	[tilespmem:$0x1EB00] =	vst v63  }
0xdc: {  	s26 =	sadd.s32 s24, s29  }
0xdd: {  	[tilespmem:s3], [sflag:$0x4] =	stream.linear.gather [hbm4b:s26+s4], $0x50, $0x38;
	[tilespmem:$0x1EB00] =	vst v63  }
0xde: {  	_ =	swait.ge [sflag:s9], $0x50  }
0xdf: {  	[sflag:s9] =	ssyncset.done $0x0  }
0xe0: {  	[sflag:s9] =	ssyncadd.s32 $0xFFFFFFB0  }
0xe1: {  	_ =	swait.ge [sflag:s9], $0x50  }
0xe2: {  	[sflag:s9] =	ssyncset.done $0x0  }
0xe3: {  	s26 =	simm.s32 @!p2 $0xA;
	[sflag:s9] =	ssyncadd.s32 $0xFFFFFFB0  }
0xe4: {  	_ =	swait.ge @!p2 [sflag:s26], $0x2800  }
0xe5: {  	[sflag:s26] =	ssyncset.done @!p2 $0x0  }
0xe6: {  	s28 =	simm.s32 $0x80;
	[sflag:s26] =	ssyncadd.s32 @!p2 $0xFFFFD800  }
0xe7: {  	[tilespmem:s10], [sflag:$0x8] =	stream.indirect.gather [hbm4b:s1+s31], $0x80, s28, s31, $0xb8;
	[tilespmem:$0x1EB00] =	vst v63  }
0xe8: {  	v6 =	vld [tilespmem:$0x480];
	_ =	sdelay $0x4  }
0xe9: {  	(xrf1) =	vunique.msk.u32 $0xffff, v6;
	_ =	sdelay $0xd  }
0xea: {  	_, v7, vm0 =	vpop (xrf1);
	_ =	sdelay $0x3  }
0xeb: {  	v7 =	vcvt.s32.f32 v7;
	_ =	sdelay $0x1  }
0xec: {  	[tilespmem:v6+s0+$0x0] =	vst.idx.add.f32.msk vm0, v7  }
0xed: {  	v6 =	vld [tilespmem:$0x490];
	_ =	sdelay $0x4  }
0xee: {  	(xrf1) =	vunique.msk.u32 $0xffff, v6;
	_ =	sdelay $0xd  }
0xef: {  	_, v7, vm0 =	vpop (xrf1);
	_ =	sdelay $0x3  }
0xf0: {  	v7 =	vcvt.s32.f32 v7;
	_ =	sdelay $0x1  }
0xf1: {  	[tilespmem:v6+s0+$0x0] =	vst.idx.add.f32.msk vm0, v7  }
0xf2: {  	v6 =	vld [tilespmem:$0x4A0];
	_ =	sdelay $0x4  }
0xf3: {  	(xrf1) =	vunique.msk.u32 $0xffff, v6;
	_ =	sdelay $0xd  }
0xf4: {  	_, v7, vm0 =	vpop (xrf1);
	_ =	sdelay $0x3  }
0xf5: {  	v7 =	vcvt.s32.f32 v7;
	_ =	sdelay $0x1  }
0xf6: {  	[tilespmem:v6+s0+$0x0] =	vst.idx.add.f32.msk vm0, v7  }
0xf7: {  	v6 =	vld [tilespmem:$0x4B0];
	_ =	sdelay $0x4  }
0xf8: {  	(xrf1) =	vunique.msk.u32 $0xffff, v6;
	_ =	sdelay $0xd  }
0xf9: {  	_, v7, vm0 =	vpop (xrf1);
	_ =	sdelay $0x3  }
0xfa: {  	v7 =	vcvt.s32.f32 v7;
	_ =	sdelay $0x1  }
0xfb: {  	[tilespmem:v6+s0+$0x0] =	vst.idx.add.f32.msk vm0, v7  }
0xfc: {  	v6 =	vld [tilespmem:$0x4C0];
	_ =	sdelay $0x4  }
0xfd: {  	(xrf1) =	vunique.msk.u32 $0xffff, v6;
	_ =	sdelay $0xd  }
0xfe: {  	_, v7, vm0 =	vpop (xrf1);
	_ =	sdelay $0x3  }
0xff: {  	v7 =	vcvt.s32.f32 v7;
	_ =	sdelay $0x1  }
0x100: {  	[tilespmem:v6+s0+$0x0] =	vst.idx.add.f32.msk vm0, v7  }
0x101: {  	_ =	swait.ge [sflag:s11], $0x2800  }
0x102: {  	[sflag:s11] =	ssyncset.done $0x0  }
0x103: {  	s29 =	simm.s32 $0x400;
	s28 =	rddreg [dreg:$0x19];
	[sflag:s11] =	ssyncadd.s32 $0xFFFFD800  }
0x104: {  	[spmem:s2] =	stream.indirect.scatter.add.f32 [tilespmem:s12], [sflag:$0x9], $0x80, s29, s31, $0xb8;
	[tilespmem:$0x1EB00] =	vst v63  }
0x105: {  	s26 =	sadd.s32 s24, s28;
	s29 =	rddreg [dreg:$0x18]  }
0x106: {  	[tilespmem:s8], [sflag:$0x5] =	stream.linear.gather [hbm4b:s26+s4], $0x50, $0x38;
	[tilespmem:$0x1EB00] =	vst v63  }
0x107: {  	s26 =	sadd.s32 s24, s29  }
0x108: {  	[tilespmem:s13], [sflag:$0x5] =	stream.linear.gather [hbm4b:s26+s4], $0x50, $0x38;
	[tilespmem:$0x1EB00] =	vst v63  }
0x109: {  	_ =	swait.ge [sflag:s14], $0x50  }
0x10a: {  	[sflag:s14] =	ssyncset.done $0x0  }
0x10b: {  	[sflag:s14] =	ssyncadd.s32 $0xFFFFFFB0  }
0x10c: {  	_ =	swait.ge [sflag:s14], $0x50  }
0x10d: {  	[sflag:s14] =	ssyncset.done $0x0  }
0x10e: {  	s26 =	simm.s32 @!p2 $0xB;
	[sflag:s14] =	ssyncadd.s32 $0xFFFFFFB0  }
0x10f: {  	_ =	swait.ge @!p2 [sflag:s26], $0x2800  }
0x110: {  	[sflag:s26] =	ssyncset.done @!p2 $0x0  }
0x111: {  	[sflag:s26] =	ssyncadd.s32 @!p2 $0xFFFFD800  }
0x112: {  	[tilespmem:s15], [sflag:$0x7] =	stream.indirect.gather [hbm4b:s1+s31], $0x80, s17, s31, $0xb8;
	[tilespmem:$0x1EB00] =	vst v63  }
0x113: {  	v6 =	vld [tilespmem:$0x500];
	_ =	sdelay $0x4  }
0x114: {  	(xrf1) =	vunique.msk.u32 $0xffff, v6;
	_ =	sdelay $0xd  }
0x115: {  	_, v7, vm0 =	vpop (xrf1);
	_ =	sdelay $0x3  }
0x116: {  	v7 =	vcvt.s32.f32 v7;
	_ =	sdelay $0x1  }
0x117: {  	[tilespmem:v6+s0+$0x0] =	vst.idx.add.f32.msk vm0, v7  }
0x118: {  	v6 =	vld [tilespmem:$0x510];
	_ =	sdelay $0x4  }
0x119: {  	(xrf1) =	vunique.msk.u32 $0xffff, v6;
	_ =	sdelay $0xd  }
0x11a: {  	_, v7, vm0 =	vpop (xrf1);
	_ =	sdelay $0x3  }
0x11b: {  	v7 =	vcvt.s32.f32 v7;
	_ =	sdelay $0x1  }
0x11c: {  	[tilespmem:v6+s0+$0x0] =	vst.idx.add.f32.msk vm0, v7  }
0x11d: {  	v6 =	vld [tilespmem:$0x520];
	_ =	sdelay $0x4  }
0x11e: {  	(xrf1) =	vunique.msk.u32 $0xffff, v6;
	_ =	sdelay $0xd  }
0x11f: {  	_, v7, vm0 =	vpop (xrf1);
	_ =	sdelay $0x3  }
0x120: {  	v7 =	vcvt.s32.f32 v7;
	_ =	sdelay $0x1  }
0x121: {  	[tilespmem:v6+s0+$0x0] =	vst.idx.add.f32.msk vm0, v7  }
0x122: {  	v6 =	vld [tilespmem:$0x530];
	_ =	sdelay $0x4  }
0x123: {  	(xrf1) =	vunique.msk.u32 $0xffff, v6;
	_ =	sdelay $0xd  }
0x124: {  	_, v7, vm0 =	vpop (xrf1);
	_ =	sdelay $0x3  }
0x125: {  	v7 =	vcvt.s32.f32 v7;
	_ =	sdelay $0x1  }
0x126: {  	[tilespmem:v6+s0+$0x0] =	vst.idx.add.f32.msk vm0, v7  }
0x127: {  	v6 =	vld [tilespmem:$0x540];
	_ =	sdelay $0x4  }
0x128: {  	(xrf1) =	vunique.msk.u32 $0xffff, v6;
	_ =	sdelay $0xd  }
0x129: {  	_, v7, vm0 =	vpop (xrf1);
	_ =	sdelay $0x3  }
0x12a: {  	v7 =	vcvt.s32.f32 v7;
	_ =	sdelay $0x1  }
0x12b: {  	[tilespmem:v6+s0+$0x0] =	vst.idx.add.f32.msk vm0, v7  }
0x12c: {  	_ =	swait.ge [sflag:s16], $0x2800  }
0x12d: {  	[sflag:s16] =	ssyncset.done $0x0  }
0x12e: {  	s28 =	simm.s32 $0x480;
	s29 =	rddreg [dreg:$0x17];
	[sflag:s16] =	ssyncadd.s32 $0xFFFFD800  }
0x12f: {  	[spmem:s2] =	stream.indirect.scatter.add.f32 [tilespmem:s10], [sflag:$0xA], $0x80, s28, s31, $0xb8;
	[tilespmem:$0x1EB00] =	vst v63  }
0x130: {  	s26 =	sadd.s32 s24, s29;
	s28 =	rddreg [dreg:$0x16]  }
0x131: {  	[tilespmem:s6], [sflag:$0x6] =	stream.linear.gather [hbm4b:s26+s4], $0x50, $0x38;
	[tilespmem:$0x1EB00] =	vst v63  }
0x132: {  	s29 =	simm.s32 $0x680;
	s26 =	sadd.s32 s24, s28  }
0x133: {  	[tilespmem:s29], [sflag:$0x6] =	stream.linear.gather [hbm4b:s26+s4], $0x50, $0x38;
	[tilespmem:$0x1EB00] =	vst v63  }
0x134: {  	_ =	swait.ge [sflag:s7], $0x50  }
0x135: {  	[sflag:s7] =	ssyncset.done $0x0  }
0x136: {  	[sflag:s7] =	ssyncadd.s32 $0xFFFFFFB0  }
0x137: {  	_ =	swait.ge [sflag:s7], $0x50  }
0x138: {  	[sflag:s7] =	ssyncset.done $0x0  }
0x139: {  	[sflag:s7] =	ssyncadd.s32 $0xFFFFFFB0  }
0x13a: {  	_ =	swait.ge [sflag:s18], $0x2800  }
0x13b: {  	[sflag:s18] =	ssyncset.done $0x0  }
0x13c: {  	[sflag:s18] =	ssyncadd.s32 $0xFFFFD800  }
0x13d: {  	[tilespmem:s12], [sflag:$0x8] =	stream.indirect.gather [hbm4b:s1+s31], $0x80, s5, s31, $0xb8;
	[tilespmem:$0x1EB00] =	vst v63  }
0x13e: {  	v6 =	vld [tilespmem:$0x580];
	_ =	sdelay $0x4  }
0x13f: {  	(xrf1) =	vunique.msk.u32 $0xffff, v6;
	_ =	sdelay $0xd  }
0x140: {  	_, v7, vm0 =	vpop (xrf1);
	_ =	sdelay $0x3  }
0x141: {  	v7 =	vcvt.s32.f32 v7;
	_ =	sdelay $0x1  }
0x142: {  	[tilespmem:v6+s0+$0x0] =	vst.idx.add.f32.msk vm0, v7  }
0x143: {  	v6 =	vld [tilespmem:$0x590];
	_ =	sdelay $0x4  }
0x144: {  	(xrf1) =	vunique.msk.u32 $0xffff, v6;
	_ =	sdelay $0xd  }
0x145: {  	_, v7, vm0 =	vpop (xrf1);
	_ =	sdelay $0x3  }
0x146: {  	v7 =	vcvt.s32.f32 v7;
	_ =	sdelay $0x1  }
0x147: {  	[tilespmem:v6+s0+$0x0] =	vst.idx.add.f32.msk vm0, v7  }
0x148: {  	v6 =	vld [tilespmem:$0x5A0];
	_ =	sdelay $0x4  }
0x149: {  	(xrf1) =	vunique.msk.u32 $0xffff, v6;
	_ =	sdelay $0xd  }
0x14a: {  	_, v7, vm0 =	vpop (xrf1);
	_ =	sdelay $0x3  }
0x14b: {  	v7 =	vcvt.s32.f32 v7;
	_ =	sdelay $0x1  }
0x14c: {  	[tilespmem:v6+s0+$0x0] =	vst.idx.add.f32.msk vm0, v7  }
0x14d: {  	v6 =	vld [tilespmem:$0x5B0];
	_ =	sdelay $0x4  }
0x14e: {  	(xrf1) =	vunique.msk.u32 $0xffff, v6;
	_ =	sdelay $0xd  }
0x14f: {  	_, v7, vm0 =	vpop (xrf1);
	_ =	sdelay $0x3  }
0x150: {  	v7 =	vcvt.s32.f32 v7;
	_ =	sdelay $0x1  }
0x151: {  	[tilespmem:v6+s0+$0x0] =	vst.idx.add.f32.msk vm0, v7  }
0x152: {  	v6 =	vld [tilespmem:$0x5C0];
	_ =	sdelay $0x4  }
0x153: {  	(xrf1) =	vunique.msk.u32 $0xffff, v6;
	_ =	sdelay $0xd  }
0x154: {  	_, v7, vm0 =	vpop (xrf1);
	_ =	sdelay $0x3  }
0x155: {  	v7 =	vcvt.s32.f32 v7;
	_ =	sdelay $0x1  }
0x156: {  	[tilespmem:v6+s0+$0x0] =	vst.idx.add.f32.msk vm0, v7  }
0x157: {  	_ =	swait.ge [sflag:s11], $0x2800  }
0x158: {  	p2 =	seq.s32 s24, $0x4B0;
	[sflag:s11] =	ssyncset.done $0x0  }
0x159: {  	s26 =	sshrl.u32 @!p2 s25, $0x3;
	s28 =	rddreg [dreg:$0x5];
	[sflag:s11] =	ssyncadd.s32 $0xFFFFD800  }
0x15a: {  	[spmem:s2] =	stream.indirect.scatter.add.f32 [tilespmem:s15], [sflag:$0xB], $0x80, s22, s31, $0xb8;
	[tilespmem:$0x1EB00] =	vst v63  }
0x15b: {  	s29 =	simm.s32 @!p2 $0x0;
	s28 =	sadd.s32 @!p2 s28, s26  }
0x15c: {  	[tilespmem:s29], [sflag:$0x1] =	stream.linear.gather @!p2 [hbm4b:s28+s29], $0x50, $0x38;
	[tilespmem:$0x1EB00] =	vst v63  }
0x15d: {  	s28 =	rddreg [dreg:$0x6]  }
0x15e: {  	s26 =	sadd.s32 @!p2 s28, s26;
	s28 =	simm.s32 @!p2 $0x400  }
0x15f: {  	[tilespmem:s28], [sflag:$0x1] =	stream.linear.gather @!p2 [hbm4b:s26+s29], $0x50, $0x38;
	[tilespmem:$0x1EB00] =	vst v63  }
0x160: {  	_ =	swait.ge [sflag:s19], $0x50  }
0x161: {  	[sflag:s19] =	ssyncset.done $0x0  }
0x162: {  	[sflag:s19] =	ssyncadd.s32 $0xFFFFFFB0  }
0x163: {  	_ =	swait.ge [sflag:s19], $0x50  }
0x164: {  	[sflag:s19] =	ssyncset.done $0x0  }
0x165: {  	[sflag:s19] =	ssyncadd.s32 $0xFFFFFFB0  }
0x166: {  	_ =	swait.ge [sflag:s20], $0x2800  }
0x167: {  	[sflag:s20] =	ssyncset.done $0x0  }
0x168: {  	[sflag:s20] =	ssyncadd.s32 $0xFFFFD800  }
0x169: {  	[tilespmem:s10], [sflag:$0x7] =	stream.indirect.gather [hbm4b:s1+s31], $0x80, s8, s31, $0xb8;
	[tilespmem:$0x1EB00] =	vst v63  }
0x16a: {  	v6 =	vld [tilespmem:$0x600];
	_ =	sdelay $0x4  }
0x16b: {  	(xrf1) =	vunique.msk.u32 $0xffff, v6;
	_ =	sdelay $0xd  }
0x16c: {  	_, v7, vm0 =	vpop (xrf1);
	_ =	sdelay $0x3  }
0x16d: {  	v7 =	vcvt.s32.f32 v7;
	_ =	sdelay $0x1  }
0x16e: {  	[tilespmem:v6+s0+$0x0] =	vst.idx.add.f32.msk vm0, v7  }
0x16f: {  	v6 =	vld [tilespmem:$0x610];
	_ =	sdelay $0x4  }
0x170: {  	(xrf1) =	vunique.msk.u32 $0xffff, v6;
	_ =	sdelay $0xd  }
0x171: {  	_, v7, vm0 =	vpop (xrf1);
	_ =	sdelay $0x3  }
0x172: {  	v7 =	vcvt.s32.f32 v7;
	_ =	sdelay $0x1  }
0x173: {  	[tilespmem:v6+s0+$0x0] =	vst.idx.add.f32.msk vm0, v7  }
0x174: {  	v6 =	vld [tilespmem:$0x620];
	_ =	sdelay $0x4  }
0x175: {  	(xrf1) =	vunique.msk.u32 $0xffff, v6;
	_ =	sdelay $0xd  }
0x176: {  	_, v7, vm0 =	vpop (xrf1);
	_ =	sdelay $0x3  }
0x177: {  	v7 =	vcvt.s32.f32 v7;
	_ =	sdelay $0x1  }
0x178: {  	[tilespmem:v6+s0+$0x0] =	vst.idx.add.f32.msk vm0, v7  }
0x179: {  	v6 =	vld [tilespmem:$0x630];
	_ =	sdelay $0x4  }
0x17a: {  	(xrf1) =	vunique.msk.u32 $0xffff, v6;
	_ =	sdelay $0xd  }
0x17b: {  	_, v7, vm0 =	vpop (xrf1);
	_ =	sdelay $0x3  }
0x17c: {  	v7 =	vcvt.s32.f32 v7;
	_ =	sdelay $0x1  }
0x17d: {  	[tilespmem:v6+s0+$0x0] =	vst.idx.add.f32.msk vm0, v7  }
0x17e: {  	v6 =	vld [tilespmem:$0x640];
	_ =	sdelay $0x4  }
0x17f: {  	(xrf1) =	vunique.msk.u32 $0xffff, v6;
	_ =	sdelay $0xd  }
0x180: {  	_, v7, vm0 =	vpop (xrf1);
	_ =	sdelay $0x3  }
0x181: {  	v7 =	vcvt.s32.f32 v7;
	_ =	sdelay $0x1  }
0x182: {  	[tilespmem:v6+s0+$0x0] =	vst.idx.add.f32.msk vm0, v7  }
0x183: {  	_ =	swait.ge [sflag:s16], $0x2800  }
0x184: {  	[sflag:s16] =	ssyncset.done $0x0  }
0x185: {  	s26 =	rddreg [dreg:$0x14];
	[sflag:s16] =	ssyncadd.s32 $0xFFFFD800  }
0x186: {  	[spmem:s2] =	stream.indirect.scatter.add.f32 [tilespmem:s12], [sflag:$0x9], $0x80, s3, s31, $0xb8;
	[tilespmem:$0x1EB00] =	vst v63  }
0x187: {  	s28 =	simm.s32 @!p2 $0x80;
	s26 =	sadd.s32 @!p2 s24, s26  }
0x188: {  	[tilespmem:s28], [sflag:$0x2] =	stream.linear.gather @!p2 [hbm4b:s26+s29], $0x50, $0x38;
	[tilespmem:$0x1EB00] =	vst v63  }
0x189: {  	s26 =	rddreg [dreg:$0x13]  }
0x18a: {  	s28 =	simm.s32 @!p2 $0x480;
	s26 =	sadd.s32 @!p2 s24, s26  }
0x18b: {  	[tilespmem:s28], [sflag:$0x2] =	stream.linear.gather @!p2 [hbm4b:s26+s29], $0x50, $0x38;
	[tilespmem:$0x1EB00] =	vst v63  }
0x18c: {  	_ =	swait.ge [sflag:s21], $0x50  }
0x18d: {  	[sflag:s21] =	ssyncset.done $0x0  }
0x18e: {  	[sflag:s21] =	ssyncadd.s32 $0xFFFFFFB0  }
0x18f: {  	_ =	swait.ge [sflag:s21], $0x50  }
0x190: {  	[sflag:s21] =	ssyncset.done $0x0  }
0x191: {  	[sflag:s21] =	ssyncadd.s32 $0xFFFFFFB0  }
0x192: {  	_ =	swait.ge [sflag:s23], $0x2800  }
0x193: {  	[sflag:s23] =	ssyncset.done $0x0  }
0x194: {  	[sflag:s23] =	ssyncadd.s32 $0xFFFFD800  }
0x195: {  	[tilespmem:s15], [sflag:$0x8] =	stream.indirect.gather [hbm4b:s1+s31], $0x80, s6, s31, $0xb8;
	[tilespmem:$0x1EB00] =	vst v63  }
0x196: {  	v6 =	vld [tilespmem:$0x680];
	_ =	sdelay $0x4  }
0x197: {  	(xrf1) =	vunique.msk.u32 $0xffff, v6;
	_ =	sdelay $0xd  }
0x198: {  	_, v7, vm0 =	vpop (xrf1);
	_ =	sdelay $0x3  }
0x199: {  	v7 =	vcvt.s32.f32 v7;
	_ =	sdelay $0x1  }
0x19a: {  	[tilespmem:v6+s0+$0x0] =	vst.idx.add.f32.msk vm0, v7  }
0x19b: {  	v6 =	vld [tilespmem:$0x690];
	_ =	sdelay $0x4  }
0x19c: {  	(xrf1) =	vunique.msk.u32 $0xffff, v6;
	_ =	sdelay $0xd  }
0x19d: {  	_, v7, vm0 =	vpop (xrf1);
	_ =	sdelay $0x3  }
0x19e: {  	v7 =	vcvt.s32.f32 v7;
	_ =	sdelay $0x1  }
0x19f: {  	[tilespmem:v6+s0+$0x0] =	vst.idx.add.f32.msk vm0, v7  }
0x1a0: {  	v6 =	vld [tilespmem:$0x6A0];
	_ =	sdelay $0x4  }
0x1a1: {  	(xrf1) =	vunique.msk.u32 $0xffff, v6;
	_ =	sdelay $0xd  }
0x1a2: {  	_, v7, vm0 =	vpop (xrf1);
	_ =	sdelay $0x3  }
0x1a3: {  	v7 =	vcvt.s32.f32 v7;
	_ =	sdelay $0x1  }
0x1a4: {  	[tilespmem:v6+s0+$0x0] =	vst.idx.add.f32.msk vm0, v7  }
0x1a5: {  	v6 =	vld [tilespmem:$0x6B0];
	_ =	sdelay $0x4  }
0x1a6: {  	(xrf1) =	vunique.msk.u32 $0xffff, v6;
	_ =	sdelay $0xd  }
0x1a7: {  	_, v7, vm0 =	vpop (xrf1);
	_ =	sdelay $0x3  }
0x1a8: {  	v7 =	vcvt.s32.f32 v7;
	_ =	sdelay $0x1  }
0x1a9: {  	[tilespmem:v6+s0+$0x0] =	vst.idx.add.f32.msk vm0, v7  }
0x1aa: {  	v6 =	vld [tilespmem:$0x6C0];
	_ =	sdelay $0x4  }
0x1ab: {  	(xrf1) =	vunique.msk.u32 $0xffff, v6;
	_ =	sdelay $0xd  }
0x1ac: {  	_, v7, vm0 =	vpop (xrf1);
	_ =	sdelay $0x3  }
0x1ad: {  	v7 =	vcvt.s32.f32 v7;
	_ =	sdelay $0x1  }
.Ltmp4:
0x1ae: {  	[tilespmem:v6+s0+$0x0] =	vst.idx.add.f32.msk vm0, v7;
	(pc) =	sbr.rel @p2 .LBB2_8-.Ltmp4, $4  }
0x1af: {  	_ =	swait.ge [sflag:s11], $0x2800  }
0x1b0: {  	[sflag:s11] =	ssyncset.done $0x0  }
0x1b1: {  	[sflag:s11] =	ssyncadd.s32 $0xFFFFD800  }
0x1b2: {  	[spmem:s2] =	stream.indirect.scatter.add.f32 [tilespmem:s10], [sflag:$0xA], $0x80, s13, s31, $0xb8;
	[tilespmem:$0x1EB00] =	vst v63  }
.Ltmp5:
0x1b3: {  	s26 =	rddreg [dreg:$0x12];
	(pc) =	sbr.rel .LBB2_6-.Ltmp5, $4  }
0x1b4: {  	s29 =	rddreg [dreg:$0x11];
	s26 =	sadd.s32 s24, s26  }
0x1b5: {  	[tilespmem:s17], [sflag:$0x3] =	stream.linear.gather [hbm4b:s26+s4], $0x50, $0x38;
	[tilespmem:$0x1EB00] =	vst v63  }
0x1b6: {  	s25 =	sadd.s32 $0x1E0, s25;
	s26 =	sadd.s32 s24, s29;
	s24 =	sadd.s32 $0x3C, s24  }
0x1b7: {  	[tilespmem:s22], [sflag:$0x3] =	stream.linear.gather [hbm4b:s26+s4], $0x50, $0x38;
	[tilespmem:$0x1EB00] =	vst v63  }
.LBB2_9:
0x1b8: {  	_ =	sfence.sel $0x180000  }
0x1b9: {  	[bflag:$0x0] =	sbarrier.arrive $0xFFFF  }
0x1ba: {  	_ =	strace $0x90000047  }
0x1bb: {  	[bflag:$0x2] =	sbarrier.arrive $0xFFFF  }
0x1bc: {  	s0 =	rddreg [dreg:$0x4]  }
0x1bd: {  	s0 =	sadd.s32 @!p0 $0x100000, s0  }
0x1be: {  	[sflag:s0] =	ssyncadd.tile.s32 @!p0 $0x1;
	_ =	shalt  }
.Lfunc_end2:
_tile_overlayer_lowered:
.L_overlay_start_2:
0x1bf: {  	(tag) =	ssettag $0x2  }
0x1c0: {  	s0 =	rddreg [dreg:$0x0];
	s2 =	stileid.u32  }
0x1c1: {  	s1 =	rddreg [dreg:$0x1];
	p0 =	sne.s32 s2, $0x0  }
0x1c2: {  	s3 =	rddreg [dreg:$0x2];
	[bflag:$0x3] =	sbarrier.arrive $0xFFFF;
	s2 =	simm.s32 @!p0 $0x1C0D  }
0x1c3: {  	[timem:s3], [sflag:s2] =	dma.local @!p0 [hbm:s0], s1  }
0x1c4: {  	s0 =	simm.s32 @!p0 $0xD  }
0x1c5: {  	_ =	swait.ge @!p0 [sflag:s0], s1  }
0x1c6: {  	s1 =	ssub.s32 @!p0 $0x0, s1;
	[sflag:s0] =	ssyncset.done @!p0 $0x0  }
0x1c7: {  	[sflag:s0] =	ssyncadd.s32 @!p0 s1  }
0x1c8: {  	[bflag:$0x3] =	sbarrier.arrive $0xFFFF  }
0x1c9: {  	_ =	shalt  }

</sc_bundles>
